<compile_context>
chip_gen: v7x
topology: tpu7x:2x2x1
jax: 0.10.2.dev20260603
libtpu: 0.0.44.dev20260713+nightly
codegen_flags: <defaults>
</compile_context>

<pallas_src>
import functools

import jax
import jax.numpy as jnp
from jax import lax
from jax.experimental import pallas as pl
from jax.experimental.pallas import tpu as pltpu
from jax.experimental.pallas import tpu_sc as plsc

_NC = 2
_NS = 16
_NW = _NC * _NS
_L = 16

_D = 96
_ROWS = 64
_REP = 4
_SEC = _ROWS * _REP + _L
_CHK = 512


def _build_table_t(W_aromatic, W_conjugated, W_stereo):
    r = jnp.arange(_ROWS - 1)
    tab = jnp.concatenate(
        [W_aromatic[r // 21], W_conjugated[(r // 7) % 3], W_stereo[r % 7]],
        axis=1,
    )
    tab = jnp.concatenate([tab, jnp.zeros((1, _D), jnp.float32)], axis=0)
    rep = jnp.repeat(tab.T, _REP, axis=1)
    rep = jnp.concatenate(
        [rep, jnp.zeros((_D, _L), jnp.float32)], axis=1)
    return rep.reshape(-1)


@functools.partial(jax.jit, static_argnames=("E",))
def _sc_lookup(idx_a, idx_c, idx_s, mask_i32, table_t, *, E):
    n_total = -(-E // _CHK)
    last = n_total - 1
    n_per_w = -(-n_total // _NW)
    n_per_w += n_per_w % 2
    mesh = plsc.VectorSubcoreMesh(core_axis_name="c", subcore_axis_name="s")

    @functools.partial(
        pl.kernel,
        out_type=jax.ShapeDtypeStruct((_D, E), jnp.float32),
        mesh=mesh,
        scratch_types=[
            pltpu.VMEM((_D * _SEC,), jnp.float32),
            [pltpu.VMEM((4 * _CHK,), jnp.int32)] * 2,
            [pltpu.VMEM((_D, _CHK), jnp.float32)] * 2,
            [pltpu.SemaphoreType.DMA] * 2,
            [pltpu.SemaphoreType.DMA] * 2,
            pltpu.SemaphoreType.DMA,
        ],
        compiler_params=pltpu.CompilerParams(
            needs_layout_passes=False, disable_bounds_checks=True),
    )
    def body(a_hbm, c_hbm, s_hbm, m_hbm, tab_hbm, out_hbm,
             tab_v, idx_v, out_v, isem, osem, tsem):
        wid = lax.axis_index("s") * _NC + lax.axis_index("c")

        tab_cp = pltpu.async_copy(tab_hbm, tab_v, tsem)

        def chunk_base(i):
            cid = jnp.minimum(wid + i * _NW, last)
            return jnp.minimum(cid * _CHK, E - _CHK)

        def issue_idx(i, b):
            base = chunk_base(i)
            for q, src in enumerate((a_hbm, c_hbm, s_hbm, m_hbm)):
                pltpu.async_copy(
                    src.at[pl.ds(base, _CHK)],
                    idx_v[b].at[pl.ds(q * _CHK, _CHK)],
                    isem[b],
                )

        issue_idx(0, 0)
        tab_cp.wait()

        @pl.loop(0, n_per_w, step=2)
        def chunk_pair(i):
            for b in (0, 1):
                j = i + b
                issue_idx(j + 1, 1 - b)
                for _ in range(4):
                    pltpu.make_async_copy(
                        a_hbm.at[pl.ds(0, _CHK)],
                        idx_v[b].at[pl.ds(0, _CHK)],
                        isem[b],
                    ).wait()

                @pl.when(j >= 2)
                def _():
                    pltpu.make_async_copy(
                        out_v[b],
                        out_hbm.at[:, pl.ds(0, _CHK)],
                        osem[b],
                    ).wait()

                lanes = lax.iota(jnp.int32, _L)

                @plsc.parallel_loop(0, _CHK // _L)
                def group_loop(g):
                    sl = lambda q: pl.ds(q * _CHK + g * _L, _L)
                    comb = (idx_v[b][sl(0)] * 21 + idx_v[b][sl(1)] * 7
                            + idx_v[b][sl(2)]) * _REP + (lanes & (_REP - 1))
                    comb = jnp.where(idx_v[b][sl(3)] != 0, comb,
                                     _ROWS * _REP + lanes)
                    for c in range(_D):
                        out_v[b][c, pl.ds(g * _L, _L)] = plsc.load_gather(
                            tab_v.at[pl.ds(c * _SEC, _SEC)], [comb])

                base = chunk_base(j)
                pltpu.async_copy(
                    out_v[b],
                    out_hbm.at[:, pl.ds(base, _CHK)],
                    osem[b],
                )

        for b in (0, 1):
            pltpu.make_async_copy(
                out_v[b], out_hbm.at[:, pl.ds(0, _CHK)], osem[b],
            ).wait()
        for _ in range(4):
            pltpu.make_async_copy(
                a_hbm.at[pl.ds(0, _CHK)],
                idx_v[0].at[pl.ds(0, _CHK)],
                isem[0],
            ).wait()

    return body(idx_a, idx_c, idx_s, mask_i32, table_t)


def kernel(bond_mask, prop_bond_aromatic, prop_bond_conjugated,
           prop_bond_stereo, W_aromatic, W_conjugated, W_stereo):
    E = bond_mask.shape[0]
    table_t = _build_table_t(W_aromatic, W_conjugated, W_stereo)
    out_t = _sc_lookup(
        prop_bond_aromatic.astype(jnp.int32),
        prop_bond_conjugated.astype(jnp.int32),
        prop_bond_stereo.astype(jnp.int32),
        bond_mask.astype(jnp.int32),
        table_t,
        E=E,
    )
    return out_t.T

# --- scband reference (transcript-rebuilt; emitter-appended) ---
"""Pipeline reference for scband-bond-property-embedder-21131239096413 (READ-ONLY COPY).

The authoritative reference and input builder live on the scoring server;
editing this copy changes nothing except your own understanding.
"""

import jax, jax.numpy as jnp
import numpy as np

E = 800000
D = 32  # per-property embedding size (embedding_size=96 // 3)
N_STEREO = 7  # len(StereoType.values)+1 with 6 stereo types


def setup_inputs(seed: int = 0) -> dict:
    key = jax.random.key(seed)
    k1, k2, k3, k4, k5, k6, k7 = jax.random.split(key, 7)
    bond_mask = jax.random.randint(k1, (E,), 0, 2).astype(bool)
    prop_bond_aromatic = jax.random.randint(k2, (E,), 0, 3)
    prop_bond_conjugated = jax.random.randint(k3, (E,), 0, 3)
    prop_bond_stereo = jax.random.randint(k4, (E,), 0, N_STEREO)
    # padding_idx=0 -> row 0 zeroed, matching nn.Embedding(padding_idx=0)
    W_aromatic = jax.random.normal(k5, (3, D), dtype=jnp.float32).at[0].set(0.0)
    W_conjugated = jax.random.normal(k6, (3, D), dtype=jnp.float32).at[0].set(0.0)
    W_stereo = jax.random.normal(k7, (N_STEREO, D), dtype=jnp.float32).at[0].set(0.0)
    return {
        "bond_mask": bond_mask,
        "prop_bond_aromatic": prop_bond_aromatic,
        "prop_bond_conjugated": prop_bond_conjugated,
        "prop_bond_stereo": prop_bond_stereo,
        "W_aromatic": W_aromatic,
        "W_conjugated": W_conjugated,
        "W_stereo": W_stereo,
    }


def reference(bond_mask, prop_bond_aromatic, prop_bond_conjugated, prop_bond_stereo,
              W_aromatic, W_conjugated, W_stereo):
    aromatic_embeds = jnp.take(W_aromatic, prop_bond_aromatic, axis=0)
    conjugated_embeds = jnp.take(W_conjugated, prop_bond_conjugated, axis=0)
    stereo_embeds = jnp.take(W_stereo, prop_bond_stereo, axis=0)
    prop_embedding = jnp.concatenate([aromatic_embeds, conjugated_embeds, stereo_embeds], axis=-1)
    # prop_embedding[~bond_mask] = 0.0
    prop_embedding = jnp.where(bond_mask[..., None], prop_embedding, 0.0)
    return prop_embedding

if __name__ == "__main__":
    import jax
    _d = setup_inputs()
    print(jax.jit(kernel)(*tuple(_d.values())))

</pallas_src>

<mosaic_0001>
#map = affine_map<(d0, d1) -> (0)>
#map1 = affine_map<(d0, d1) -> (0, 0)>
module attributes {stable_mosaic.version = 14 : i64} {
  func.func @body(%arg0: i32, %arg1: i32, %arg2: memref<800000xi32, #tpu.memory_space<hbm>>, %arg3: memref<800000xi32, #tpu.memory_space<hbm>>, %arg4: memref<800000xi32, #tpu.memory_space<hbm>>, %arg5: memref<800000xi32, #tpu.memory_space<hbm>>, %arg6: memref<26112xf32, #tpu.memory_space<hbm>>, %arg7: memref<96x800000xf32, #tpu.memory_space<hbm>>, %arg8: memref<26112xf32, #tpu.memory_space<vmem>>, %arg9: memref<2048xi32, #tpu.memory_space<vmem>>, %arg10: memref<2048xi32, #tpu.memory_space<vmem>>, %arg11: memref<96x512xf32, #tpu.memory_space<vmem>>, %arg12: memref<96x512xf32, #tpu.memory_space<vmem>>, %arg13: memref<!tpu.dma_semaphore, #tpu.memory_space<semaphore_mem>>, %arg14: memref<!tpu.dma_semaphore, #tpu.memory_space<semaphore_mem>>, %arg15: memref<!tpu.dma_semaphore, #tpu.memory_space<semaphore_mem>>, %arg16: memref<!tpu.dma_semaphore, #tpu.memory_space<semaphore_mem>>, %arg17: memref<!tpu.dma_semaphore, #tpu.memory_space<semaphore_mem>>) attributes {dimension_semantics = [#tpu.dimension_semantics<core_parallel>, #tpu.dimension_semantics<subcore_parallel>], iteration_bounds = array<i64: 2, 16>, scalar_prefetch = 0 : i64, scratch_operands = 10 : i64, tpu.core_type = #tpu.core_type<sc_vector_subcore>, window_params = [{transform_indices = #map}, {transform_indices = #map}, {transform_indices = #map}, {transform_indices = #map}, {transform_indices = #map}, {transform_indices = #map1}]} {
    %mul3A = arith.constant 2 : i32
    %mul3A_0 = arith.muli %arg1, %mul3A : i32
    %add3A = arith.addi %mul3A_0, %arg0 : i32
    tpu.enqueue_dma source(%arg6 : memref<26112xf32, #tpu.memory_space<hbm>>) target(%arg8 : memref<26112xf32, #tpu.memory_space<vmem>>) target_semaphore(%arg17 : memref<!tpu.dma_semaphore, #tpu.memory_space<semaphore_mem>>)
    %add3A_1 = arith.constant 0 : i32
    %add3A_2 = arith.addi %add3A, %add3A_1 : i32
    %min3A = arith.constant 1562 : i32
    %min3A_3 = arith.minsi %add3A_2, %min3A : i32
    %mul3A_4 = arith.constant 512 : i32
    %mul3A_5 = arith.muli %min3A_3, %mul3A_4 : i32
    %min3A_6 = arith.constant 799488 : i32
    %min3A_7 = arith.minsi %mul3A_5, %min3A_6 : i32
    %dma_start3A = arith.constant 0 : i32
    %dma_start3A_8 = tpu.memref_slice %arg9[%dma_start3A] : memref<2048xi32, #tpu.memory_space<vmem>> -> memref<512xi32, #tpu.memory_space<vmem>>
    %dma_start3A_9 = tpu.memref_slice %arg2[%min3A_7] : memref<800000xi32, #tpu.memory_space<hbm>> -> memref<512xi32, #tpu.memory_space<hbm>>
    %dma_start3A_10 = arith.constant 0 : i32
    %dma_start3A_11 = tpu.memref_slice %arg9[%dma_start3A_10] : memref<2048xi32, #tpu.memory_space<vmem>> -> memref<512xi32, #tpu.memory_space<vmem>>
    %dma_start3A_12 = tpu.memref_slice %arg2[%min3A_7] : memref<800000xi32, #tpu.memory_space<hbm>> -> memref<512xi32, #tpu.memory_space<hbm>>
    tpu.enqueue_dma source(%dma_start3A_12 : memref<512xi32, #tpu.memory_space<hbm>>) target(%dma_start3A_11 : memref<512xi32, #tpu.memory_space<vmem>>) target_semaphore(%arg13 : memref<!tpu.dma_semaphore, #tpu.memory_space<semaphore_mem>>)
    %dma_start3A_13 = arith.constant 512 : i32
    %dma_start3A_14 = tpu.memref_slice %arg9[%dma_start3A_13] : memref<2048xi32, #tpu.memory_space<vmem>> -> memref<512xi32, #tpu.memory_space<vmem>>
    %dma_start3A_15 = tpu.memref_slice %arg3[%min3A_7] : memref<800000xi32, #tpu.memory_space<hbm>> -> memref<512xi32, #tpu.memory_space<hbm>>
    %dma_start3A_16 = arith.constant 512 : i32
    %dma_start3A_17 = tpu.memref_slice %arg9[%dma_start3A_16] : memref<2048xi32, #tpu.memory_space<vmem>> -> memref<512xi32, #tpu.memory_space<vmem>>
    %dma_start3A_18 = tpu.memref_slice %arg3[%min3A_7] : memref<800000xi32, #tpu.memory_space<hbm>> -> memref<512xi32, #tpu.memory_space<hbm>>
    tpu.enqueue_dma source(%dma_start3A_18 : memref<512xi32, #tpu.memory_space<hbm>>) target(%dma_start3A_17 : memref<512xi32, #tpu.memory_space<vmem>>) target_semaphore(%arg13 : memref<!tpu.dma_semaphore, #tpu.memory_space<semaphore_mem>>)
    %dma_start3A_19 = arith.constant 1024 : i32
    %dma_start3A_20 = tpu.memref_slice %arg9[%dma_start3A_19] : memref<2048xi32, #tpu.memory_space<vmem>> -> memref<512xi32, #tpu.memory_space<vmem>>
    %dma_start3A_21 = tpu.memref_slice %arg4[%min3A_7] : memref<800000xi32, #tpu.memory_space<hbm>> -> memref<512xi32, #tpu.memory_space<hbm>>
    %dma_start3A_22 = arith.constant 1024 : i32
    %dma_start3A_23 = tpu.memref_slice %arg9[%dma_start3A_22] : memref<2048xi32, #tpu.memory_space<vmem>> -> memref<512xi32, #tpu.memory_space<vmem>>
    %dma_start3A_24 = tpu.memref_slice %arg4[%min3A_7] : memref<800000xi32, #tpu.memory_space<hbm>> -> memref<512xi32, #tpu.memory_space<hbm>>
    tpu.enqueue_dma source(%dma_start3A_24 : memref<512xi32, #tpu.memory_space<hbm>>) target(%dma_start3A_23 : memref<512xi32, #tpu.memory_space<vmem>>) target_semaphore(%arg13 : memref<!tpu.dma_semaphore, #tpu.memory_space<semaphore_mem>>)
    %dma_start3A_25 = arith.constant 1536 : i32
    %dma_start3A_26 = tpu.memref_slice %arg9[%dma_start3A_25] : memref<2048xi32, #tpu.memory_space<vmem>> -> memref<512xi32, #tpu.memory_space<vmem>>
    %dma_start3A_27 = tpu.memref_slice %arg5[%min3A_7] : memref<800000xi32, #tpu.memory_space<hbm>> -> memref<512xi32, #tpu.memory_space<hbm>>
    %dma_start3A_28 = arith.constant 1536 : i32
    %dma_start3A_29 = tpu.memref_slice %arg9[%dma_start3A_28] : memref<2048xi32, #tpu.memory_space<vmem>> -> memref<512xi32, #tpu.memory_space<vmem>>
    %dma_start3A_30 = tpu.memref_slice %arg5[%min3A_7] : memref<800000xi32, #tpu.memory_space<hbm>> -> memref<512xi32, #tpu.memory_space<hbm>>
    tpu.enqueue_dma source(%dma_start3A_30 : memref<512xi32, #tpu.memory_space<hbm>>) target(%dma_start3A_29 : memref<512xi32, #tpu.memory_space<vmem>>) target_semaphore(%arg13 : memref<!tpu.dma_semaphore, #tpu.memory_space<semaphore_mem>>)
    tpu.wait_dma2 semaphore(%arg17 : memref<!tpu.dma_semaphore, #tpu.memory_space<semaphore_mem>>) src(%arg6 : memref<26112xf32, #tpu.memory_space<hbm>>) dst(%arg8 : memref<26112xf32, #tpu.memory_space<vmem>>)
    %scan3A = arith.constant 0 : i32
    %scan3A_31 = arith.constant 25 : i32
    %scan3A_32 = arith.addi %scan3A, %scan3A_31 : i32
    %scan3A_33 = arith.constant 1 : i32
    scf.for %scan3A_78 = %scan3A to %scan3A_32 step %scan3A_33  : i32 {
      %mul3A_79 = arith.constant 2 : i32
      %mul3A_80 = arith.muli %scan3A_78, %mul3A_79 : i32
      %add3A_81 = arith.constant 0 : i32
      %add3A_82 = arith.addi %add3A_81, %mul3A_80 : i32
      %add3A_83 = arith.constant 0 : i32
      %add3A_84 = arith.addi %add3A_82, %add3A_83 : i32
      %add3A_85 = arith.constant 1 : i32
      %add3A_86 = arith.addi %add3A_84, %add3A_85 : i32
      %mul3A_87 = arith.constant 32 : i32
      %mul3A_88 = arith.muli %add3A_86, %mul3A_87 : i32
      %add3A_89 = arith.addi %add3A, %mul3A_88 : i32
      %min3A_90 = arith.constant 1562 : i32
      %min3A_91 = arith.minsi %add3A_89, %min3A_90 : i32
      %mul3A_92 = arith.constant 512 : i32
      %mul3A_93 = arith.muli %min3A_91, %mul3A_92 : i32
      %min3A_94 = arith.constant 799488 : i32
      %min3A_95 = arith.minsi %mul3A_93, %min3A_94 : i32
      %dma_start3A_96 = arith.constant 0 : i32
      %dma_start3A_97 = tpu.memref_slice %arg10[%dma_start3A_96] : memref<2048xi32, #tpu.memory_space<vmem>> -> memref<512xi32, #tpu.memory_space<vmem>>
      %dma_start3A_98 = tpu.memref_slice %arg2[%min3A_95] : memref<800000xi32, #tpu.memory_space<hbm>> -> memref<512xi32, #tpu.memory_space<hbm>>
      %dma_start3A_99 = arith.constant 0 : i32
      %dma_start3A_100 = tpu.memref_slice %arg10[%dma_start3A_99] : memref<2048xi32, #tpu.memory_space<vmem>> -> memref<512xi32, #tpu.memory_space<vmem>>
      %dma_start3A_101 = tpu.memref_slice %arg2[%min3A_95] : memref<800000xi32, #tpu.memory_space<hbm>> -> memref<512xi32, #tpu.memory_space<hbm>>
      tpu.enqueue_dma source(%dma_start3A_101 : memref<512xi32, #tpu.memory_space<hbm>>) target(%dma_start3A_100 : memref<512xi32, #tpu.memory_space<vmem>>) target_semaphore(%arg14 : memref<!tpu.dma_semaphore, #tpu.memory_space<semaphore_mem>>)
      %dma_start3A_102 = arith.constant 512 : i32
      %dma_start3A_103 = tpu.memref_slice %arg10[%dma_start3A_102] : memref<2048xi32, #tpu.memory_space<vmem>> -> memref<512xi32, #tpu.memory_space<vmem>>
      %dma_start3A_104 = tpu.memref_slice %arg3[%min3A_95] : memref<800000xi32, #tpu.memory_space<hbm>> -> memref<512xi32, #tpu.memory_space<hbm>>
      %dma_start3A_105 = arith.constant 512 : i32
      %dma_start3A_106 = tpu.memref_slice %arg10[%dma_start3A_105] : memref<2048xi32, #tpu.memory_space<vmem>> -> memref<512xi32, #tpu.memory_space<vmem>>
      %dma_start3A_107 = tpu.memref_slice %arg3[%min3A_95] : memref<800000xi32, #tpu.memory_space<hbm>> -> memref<512xi32, #tpu.memory_space<hbm>>
      tpu.enqueue_dma source(%dma_start3A_107 : memref<512xi32, #tpu.memory_space<hbm>>) target(%dma_start3A_106 : memref<512xi32, #tpu.memory_space<vmem>>) target_semaphore(%arg14 : memref<!tpu.dma_semaphore, #tpu.memory_space<semaphore_mem>>)
      %dma_start3A_108 = arith.constant 1024 : i32
      %dma_start3A_109 = tpu.memref_slice %arg10[%dma_start3A_108] : memref<2048xi32, #tpu.memory_space<vmem>> -> memref<512xi32, #tpu.memory_space<vmem>>
      %dma_start3A_110 = tpu.memref_slice %arg4[%min3A_95] : memref<800000xi32, #tpu.memory_space<hbm>> -> memref<512xi32, #tpu.memory_space<hbm>>
      %dma_start3A_111 = arith.constant 1024 : i32
      %dma_start3A_112 = tpu.memref_slice %arg10[%dma_start3A_111] : memref<2048xi32, #tpu.memory_space<vmem>> -> memref<512xi32, #tpu.memory_space<vmem>>
      %dma_start3A_113 = tpu.memref_slice %arg4[%min3A_95] : memref<800000xi32, #tpu.memory_space<hbm>> -> memref<512xi32, #tpu.memory_space<hbm>>
      tpu.enqueue_dma source(%dma_start3A_113 : memref<512xi32, #tpu.memory_space<hbm>>) target(%dma_start3A_112 : memref<512xi32, #tpu.memory_space<vmem>>) target_semaphore(%arg14 : memref<!tpu.dma_semaphore, #tpu.memory_space<semaphore_mem>>)
      %dma_start3A_114 = arith.constant 1536 : i32
      %dma_start3A_115 = tpu.memref_slice %arg10[%dma_start3A_114] : memref<2048xi32, #tpu.memory_space<vmem>> -> memref<512xi32, #tpu.memory_space<vmem>>
      %dma_start3A_116 = tpu.memref_slice %arg5[%min3A_95] : memref<800000xi32, #tpu.memory_space<hbm>> -> memref<512xi32, #tpu.memory_space<hbm>>
      %dma_start3A_117 = arith.constant 1536 : i32
      %dma_start3A_118 = tpu.memref_slice %arg10[%dma_start3A_117] : memref<2048xi32, #tpu.memory_space<vmem>> -> memref<512xi32, #tpu.memory_space<vmem>>
      %dma_start3A_119 = tpu.memref_slice %arg5[%min3A_95] : memref<800000xi32, #tpu.memory_space<hbm>> -> memref<512xi32, #tpu.memory_space<hbm>>
      tpu.enqueue_dma source(%dma_start3A_119 : memref<512xi32, #tpu.memory_space<hbm>>) target(%dma_start3A_118 : memref<512xi32, #tpu.memory_space<vmem>>) target_semaphore(%arg14 : memref<!tpu.dma_semaphore, #tpu.memory_space<semaphore_mem>>)
      %dma_wait3A_120 = arith.constant 0 : i32
      %dma_wait3A_121 = tpu.memref_slice %arg9[%dma_wait3A_120] : memref<2048xi32, #tpu.memory_space<vmem>> -> memref<512xi32, #tpu.memory_space<vmem>>
      %dma_wait3A_122 = arith.constant 0 : i32
      %dma_wait3A_123 = tpu.memref_slice %arg2[%dma_wait3A_122] : memref<800000xi32, #tpu.memory_space<hbm>> -> memref<512xi32, #tpu.memory_space<hbm>>
      %dma_wait3A_124 = arith.constant 0 : i32
      %dma_wait3A_125 = tpu.memref_slice %arg9[%dma_wait3A_124] : memref<2048xi32, #tpu.memory_space<vmem>> -> memref<512xi32, #tpu.memory_space<vmem>>
      %dma_wait3A_126 = arith.constant 0 : i32
      %dma_wait3A_127 = tpu.memref_slice %arg2[%dma_wait3A_126] : memref<800000xi32, #tpu.memory_space<hbm>> -> memref<512xi32, #tpu.memory_space<hbm>>
      tpu.wait_dma2 semaphore(%arg13 : memref<!tpu.dma_semaphore, #tpu.memory_space<semaphore_mem>>) src(%dma_wait3A_127 : memref<512xi32, #tpu.memory_space<hbm>>) dst(%dma_wait3A_125 : memref<512xi32, #tpu.memory_space<vmem>>)
      %dma_wait3A_128 = arith.constant 0 : i32
      %dma_wait3A_129 = tpu.memref_slice %arg9[%dma_wait3A_128] : memref<2048xi32, #tpu.memory_space<vmem>> -> memref<512xi32, #tpu.memory_space<vmem>>
      %dma_wait3A_130 = arith.constant 0 : i32
      %dma_wait3A_131 = tpu.memref_slice %arg2[%dma_wait3A_130] : memref<800000xi32, #tpu.memory_space<hbm>> -> memref<512xi32, #tpu.memory_space<hbm>>
      %dma_wait3A_132 = arith.constant 0 : i32
      %dma_wait3A_133 = tpu.memref_slice %arg9[%dma_wait3A_132] : memref<2048xi32, #tpu.memory_space<vmem>> -> memref<512xi32, #tpu.memory_space<vmem>>
      %dma_wait3A_134 = arith.constant 0 : i32
      %dma_wait3A_135 = tpu.memref_slice %arg2[%dma_wait3A_134] : memref<800000xi32, #tpu.memory_space<hbm>> -> memref<512xi32, #tpu.memory_space<hbm>>
      tpu.wait_dma2 semaphore(%arg13 : memref<!tpu.dma_semaphore, #tpu.memory_space<semaphore_mem>>) src(%dma_wait3A_135 : memref<512xi32, #tpu.memory_space<hbm>>) dst(%dma_wait3A_133 : memref<512xi32, #tpu.memory_space<vmem>>)
      %dma_wait3A_136 = arith.constant 0 : i32
      %dma_wait3A_137 = tpu.memref_slice %arg9[%dma_wait3A_136] : memref<2048xi32, #tpu.memory_space<vmem>> -> memref<512xi32, #tpu.memory_space<vmem>>
      %dma_wait3A_138 = arith.constant 0 : i32
      %dma_wait3A_139 = tpu.memref_slice %arg2[%dma_wait3A_138] : memref<800000xi32, #tpu.memory_space<hbm>> -> memref<512xi32, #tpu.memory_space<hbm>>
      %dma_wait3A_140 = arith.constant 0 : i32
      %dma_wait3A_141 = tpu.memref_slice %arg9[%dma_wait3A_140] : memref<2048xi32, #tpu.memory_space<vmem>> -> memref<512xi32, #tpu.memory_space<vmem>>
      %dma_wait3A_142 = arith.constant 0 : i32
      %dma_wait3A_143 = tpu.memref_slice %arg2[%dma_wait3A_142] : memref<800000xi32, #tpu.memory_space<hbm>> -> memref<512xi32, #tpu.memory_space<hbm>>
      tpu.wait_dma2 semaphore(%arg13 : memref<!tpu.dma_semaphore, #tpu.memory_space<semaphore_mem>>) src(%dma_wait3A_143 : memref<512xi32, #tpu.memory_space<hbm>>) dst(%dma_wait3A_141 : memref<512xi32, #tpu.memory_space<vmem>>)
      %dma_wait3A_144 = arith.constant 0 : i32
      %dma_wait3A_145 = tpu.memref_slice %arg9[%dma_wait3A_144] : memref<2048xi32, #tpu.memory_space<vmem>> -> memref<512xi32, #tpu.memory_space<vmem>>
      %dma_wait3A_146 = arith.constant 0 : i32
      %dma_wait3A_147 = tpu.memref_slice %arg2[%dma_wait3A_146] : memref<800000xi32, #tpu.memory_space<hbm>> -> memref<512xi32, #tpu.memory_space<hbm>>
      %dma_wait3A_148 = arith.constant 0 : i32
      %dma_wait3A_149 = tpu.memref_slice %arg9[%dma_wait3A_148] : memref<2048xi32, #tpu.memory_space<vmem>> -> memref<512xi32, #tpu.memory_space<vmem>>
      %dma_wait3A_150 = arith.constant 0 : i32
      %dma_wait3A_151 = tpu.memref_slice %arg2[%dma_wait3A_150] : memref<800000xi32, #tpu.memory_space<hbm>> -> memref<512xi32, #tpu.memory_space<hbm>>
      tpu.wait_dma2 semaphore(%arg13 : memref<!tpu.dma_semaphore, #tpu.memory_space<semaphore_mem>>) src(%dma_wait3A_151 : memref<512xi32, #tpu.memory_space<hbm>>) dst(%dma_wait3A_149 : memref<512xi32, #tpu.memory_space<vmem>>)
      %ge3A = arith.constant 2 : i32
      %ge3A_152 = arith.cmpi sge, %add3A_84, %ge3A : i32
      %convert_element_type3A = arith.extui %ge3A_152 : i1 to i32
      %cond3A = arith.constant 0 : i32
      %cond3A_153 = arith.cmpi ne, %convert_element_type3A, %cond3A : i32
      scf.if %cond3A_153 {
        %dma_wait3A_260 = arith.constant 0 : i32
        %dma_wait3A_261 = arith.constant 0 : i32
        %dma_wait3A_262 = tpu.memref_slice %arg7[%dma_wait3A_260, %dma_wait3A_261] : memref<96x800000xf32, #tpu.memory_space<hbm>> -> memref<96x512xf32, #tpu.memory_space<hbm>>
        %dma_wait3A_263 = arith.constant 0 : i32
        %dma_wait3A_264 = arith.constant 0 : i32
        %dma_wait3A_265 = tpu.memref_slice %arg7[%dma_wait3A_263, %dma_wait3A_264] : memref<96x800000xf32, #tpu.memory_space<hbm>> -> memref<96x512xf32, #tpu.memory_space<hbm>>
        tpu.wait_dma2 semaphore(%arg15 : memref<!tpu.dma_semaphore, #tpu.memory_space<semaphore_mem>>) src(%arg11 : memref<96x512xf32, #tpu.memory_space<vmem>>) dst(%dma_wait3A_265 : memref<96x512xf32, #tpu.memory_space<hbm>>)
      } else {
      }
      %iota3A = tpu.iota {dimensions = array<i32: 0>} : vector<16xi32>
      %parallel_loop3A = arith.constant 0 : i32
      %parallel_loop3A_154 = arith.constant 32 : i32
      %parallel_loop3A_155 = arith.constant 1 : i32
      scf.for %parallel_loop3A_260 = %parallel_loop3A to %parallel_loop3A_154 step %parallel_loop3A_155  : i32 {
        %parallel_loop3A_261 = arith.constant 16 : i32
        %parallel_loop3A_262 = arith.muli %parallel_loop3A_260, %parallel_loop3A_261 : i32
        %parallel_loop3A_263 = arith.constant 0 : i32
        %parallel_loop3A_264 = arith.addi %parallel_loop3A_263, %parallel_loop3A_262 : i32
        %parallel_loop3A_265 = arith.index_cast %parallel_loop3A_264 : i32 to index
        %parallel_loop3A_266 = tpu.vector_load %arg9[%parallel_loop3A_265] {strides = array<i32>} : memref<2048xi32, #tpu.memory_space<vmem>>, vector<16xi32>,
        %parallel_loop3A_267 = arith.constant 21 : i32
        %parallel_loop3A_268 = vector.broadcast %parallel_loop3A_267 : i32 to vector<16xi32>
        %parallel_loop3A_269 = arith.muli %parallel_loop3A_266, %parallel_loop3A_268 : vector<16xi32>
        %parallel_loop3A_270 = arith.constant 16 : i32
        %parallel_loop3A_271 = arith.muli %parallel_loop3A_260, %parallel_loop3A_270 : i32
        %parallel_loop3A_272 = arith.constant 512 : i32
        %parallel_loop3A_273 = arith.addi %parallel_loop3A_272, %parallel_loop3A_271 : i32
        %parallel_loop3A_274 = arith.index_cast %parallel_loop3A_273 : i32 to index
        %parallel_loop3A_275 = tpu.vector_load %arg9[%parallel_loop3A_274] {strides = array<i32>} : memref<2048xi32, #tpu.memory_space<vmem>>, vector<16xi32>,
        %parallel_loop3A_276 = arith.constant 7 : i32
        %parallel_loop3A_277 = vector.broadcast %parallel_loop3A_276 : i32 to vector<16xi32>
        %parallel_loop3A_278 = arith.muli %parallel_loop3A_275, %parallel_loop3A_277 : vector<16xi32>
        %parallel_loop3A_279 = arith.addi %parallel_loop3A_269, %parallel_loop3A_278 : vector<16xi32>
        %parallel_loop3A_280 = arith.constant 16 : i32
        %parallel_loop3A_281 = arith.muli %parallel_loop3A_260, %parallel_loop3A_280 : i32
        %parallel_loop3A_282 = arith.constant 1024 : i32
        %parallel_loop3A_283 = arith.addi %parallel_loop3A_282, %parallel_loop3A_281 : i32
        %parallel_loop3A_284 = arith.index_cast %parallel_loop3A_283 : i32 to index
        %parallel_loop3A_285 = tpu.vector_load %arg9[%parallel_loop3A_284] {strides = array<i32>} : memref<2048xi32, #tpu.memory_space<vmem>>, vector<16xi32>,
        %parallel_loop3A_286 = arith.addi %parallel_loop3A_279, %parallel_loop3A_285 : vector<16xi32>
        %parallel_loop3A_287 = arith.constant 4 : i32
        %parallel_loop3A_288 = vector.broadcast %parallel_loop3A_287 : i32 to vector<16xi32>
        %parallel_loop3A_289 = arith.muli %parallel_loop3A_286, %parallel_loop3A_288 : vector<16xi32>
        %parallel_loop3A_290 = arith.constant 3 : i32
        %parallel_loop3A_291 = vector.broadcast %parallel_loop3A_290 : i32 to vector<16xi32>
        %parallel_loop3A_292 = arith.andi %iota3A, %parallel_loop3A_291 : vector<16xi32>
        %parallel_loop3A_293 = arith.addi %parallel_loop3A_289, %parallel_loop3A_292 : vector<16xi32>
        %parallel_loop3A_294 = arith.constant 16 : i32
        %parallel_loop3A_295 = arith.muli %parallel_loop3A_260, %parallel_loop3A_294 : i32
        %parallel_loop3A_296 = arith.constant 1536 : i32
        %parallel_loop3A_297 = arith.addi %parallel_loop3A_296, %parallel_loop3A_295 : i32
        %parallel_loop3A_298 = arith.index_cast %parallel_loop3A_297 : i32 to index
        %parallel_loop3A_299 = tpu.vector_load %arg9[%parallel_loop3A_298] {strides = array<i32>} : memref<2048xi32, #tpu.memory_space<vmem>>, vector<16xi32>,
        %parallel_loop3A_300 = arith.constant 0 : i32
        %parallel_loop3A_301 = vector.broadcast %parallel_loop3A_300 : i32 to vector<16xi32>
        %parallel_loop3A_302 = arith.cmpi ne, %parallel_loop3A_299, %parallel_loop3A_301 : vector<16xi32>
        %parallel_loop3A_303 = arith.constant 256 : i32
        %parallel_loop3A_304 = vector.broadcast %parallel_loop3A_303 : i32 to vector<16xi32>
        %parallel_loop3A_305 = arith.addi %parallel_loop3A_304, %iota3A : vector<16xi32>
        %parallel_loop3A_306 = arith.select %parallel_loop3A_302, %parallel_loop3A_293, %parallel_loop3A_305 : vector<16xi1>, vector<16xi32>
        %parallel_loop3A_307 = arith.constant 0 : i32
        %parallel_loop3A_308 = tpu.memref_slice %arg8[%parallel_loop3A_307] : memref<26112xf32, #tpu.memory_space<vmem>> -> memref<272xf32, #tpu.memory_space<vmem>>
        %parallel_loop3A_309 = tpu.vector_load_idx %parallel_loop3A_308[%parallel_loop3A_306] : memref<272xf32, #tpu.memory_space<vmem>>[vector<16xi32>], vector<16xf32>,
        %parallel_loop3A_310 = arith.constant 16 : i32
        %parallel_loop3A_311 = arith.muli %parallel_loop3A_260, %parallel_loop3A_310 : i32
        %parallel_loop3A_312 = arith.constant 0 : i32
        %parallel_loop3A_313 = arith.index_cast %parallel_loop3A_312 : i32 to index
        %parallel_loop3A_314 = arith.index_cast %parallel_loop3A_311 : i32 to index
        %parallel_loop3A_315 = tpu.vector_load %arg11[%parallel_loop3A_313, %parallel_loop3A_314] {strides = array<i32>} : memref<96x512xf32, #tpu.memory_space<vmem>>, vector<16xf32>,
        tpu.vector_store %arg11[%parallel_loop3A_313, %parallel_loop3A_314], %parallel_loop3A_309 {strides = array<i32>} : memref<96x512xf32, #tpu.memory_space<vmem>>, vector<16xf32>,
        %parallel_loop3A_316 = arith.constant 272 : i32
        %parallel_loop3A_317 = tpu.memref_slice %arg8[%parallel_loop3A_316] : memref<26112xf32, #tpu.memory_space<vmem>> -> memref<272xf32, #tpu.memory_space<vmem>>
        %parallel_loop3A_318 = tpu.vector_load_idx %parallel_loop3A_317[%parallel_loop3A_306] : memref<272xf32, #tpu.memory_space<vmem>>[vector<16xi32>], vector<16xf32>,
        %parallel_loop3A_319 = arith.constant 16 : i32
        %parallel_loop3A_320 = arith.muli %parallel_loop3A_260, %parallel_loop3A_319 : i32
        %parallel_loop3A_321 = arith.constant 1 : i32
        %parallel_loop3A_322 = arith.index_cast %parallel_loop3A_321 : i32 to index
        %parallel_loop3A_323 = arith.index_cast %parallel_loop3A_320 : i32 to index
        %parallel_loop3A_324 = tpu.vector_load %arg11[%parallel_loop3A_322, %parallel_loop3A_323] {strides = array<i32>} : memref<96x512xf32, #tpu.memory_space<vmem>>, vector<16xf32>,
        tpu.vector_store %arg11[%parallel_loop3A_322, %parallel_loop3A_323], %parallel_loop3A_318 {strides = array<i32>} : memref<96x512xf32, #tpu.memory_space<vmem>>, vector<16xf32>,
        %parallel_loop3A_325 = arith.constant 544 : i32
        %parallel_loop3A_326 = tpu.memref_slice %arg8[%parallel_loop3A_325] : memref<26112xf32, #tpu.memory_space<vmem>> -> memref<272xf32, #tpu.memory_space<vmem>>
        %parallel_loop3A_327 = tpu.vector_load_idx %parallel_loop3A_326[%parallel_loop3A_306] : memref<272xf32, #tpu.memory_space<vmem>>[vector<16xi32>], vector<16xf32>,
        %parallel_loop3A_328 = arith.constant 16 : i32
        %parallel_loop3A_329 = arith.muli %parallel_loop3A_260, %parallel_loop3A_328 : i32
        %parallel_loop3A_330 = arith.constant 2 : i32
        %parallel_loop3A_331 = arith.index_cast %parallel_loop3A_330 : i32 to index
        %parallel_loop3A_332 = arith.index_cast %parallel_loop3A_329 : i32 to index
        %parallel_loop3A_333 = tpu.vector_load %arg11[%parallel_loop3A_331, %parallel_loop3A_332] {strides = array<i32>} : memref<96x512xf32, #tpu.memory_space<vmem>>, vector<16xf32>,
        tpu.vector_store %arg11[%parallel_loop3A_331, %parallel_loop3A_332], %parallel_loop3A_327 {strides = array<i32>} : memref<96x512xf32, #tpu.memory_space<vmem>>, vector<16xf32>,
        %parallel_loop3A_334 = arith.constant 816 : i32
        %parallel_loop3A_335 = tpu.memref_slice %arg8[%parallel_loop3A_334] : memref<26112xf32, #tpu.memory_space<vmem>> -> memref<272xf32, #tpu.memory_space<vmem>>
        %parallel_loop3A_336 = tpu.vector_load_idx %parallel_loop3A_335[%parallel_loop3A_306] : memref<272xf32, #tpu.memory_space<vmem>>[vector<16xi32>], vector<16xf32>,
        %parallel_loop3A_337 = arith.constant 16 : i32
        %parallel_loop3A_338 = arith.muli %parallel_loop3A_260, %parallel_loop3A_337 : i32
        %parallel_loop3A_339 = arith.constant 3 : i32
        %parallel_loop3A_340 = arith.index_cast %parallel_loop3A_339 : i32 to index
        %parallel_loop3A_341 = arith.index_cast %parallel_loop3A_338 : i32 to index
        %parallel_loop3A_342 = tpu.vector_load %arg11[%parallel_loop3A_340, %parallel_loop3A_341] {strides = array<i32>} : memref<96x512xf32, #tpu.memory_space<vmem>>, vector<16xf32>,
        tpu.vector_store %arg11[%parallel_loop3A_340, %parallel_loop3A_341], %parallel_loop3A_336 {strides = array<i32>} : memref<96x512xf32, #tpu.memory_space<vmem>>, vector<16xf32>,
        %parallel_loop3A_343 = arith.constant 1088 : i32
        %parallel_loop3A_344 = tpu.memref_slice %arg8[%parallel_loop3A_343] : memref<26112xf32, #tpu.memory_space<vmem>> -> memref<272xf32, #tpu.memory_space<vmem>>
        %parallel_loop3A_345 = tpu.vector_load_idx %parallel_loop3A_344[%parallel_loop3A_306] : memref<272xf32, #tpu.memory_space<vmem>>[vector<16xi32>], vector<16xf32>,
        %parallel_loop3A_346 = arith.constant 16 : i32
        %parallel_loop3A_347 = arith.muli %parallel_loop3A_260, %parallel_loop3A_346 : i32
        %parallel_loop3A_348 = arith.constant 4 : i32
        %parallel_loop3A_349 = arith.index_cast %parallel_loop3A_348 : i32 to index
        %parallel_loop3A_350 = arith.index_cast %parallel_loop3A_347 : i32 to index
        %parallel_loop3A_351 = tpu.vector_load %arg11[%parallel_loop3A_349, %parallel_loop3A_350] {strides = array<i32>} : memref<96x512xf32, #tpu.memory_space<vmem>>, vector<16xf32>,
        tpu.vector_store %arg11[%parallel_loop3A_349, %parallel_loop3A_350], %parallel_loop3A_345 {strides = array<i32>} : memref<96x512xf32, #tpu.memory_space<vmem>>, vector<16xf32>,
        %parallel_loop3A_352 = arith.constant 1360 : i32
        %parallel_loop3A_353 = tpu.memref_slice %arg8[%parallel_loop3A_352] : memref<26112xf32, #tpu.memory_space<vmem>> -> memref<272xf32, #tpu.memory_space<vmem>>
        %parallel_loop3A_354 = tpu.vector_load_idx %parallel_loop3A_353[%parallel_loop3A_306] : memref<272xf32, #tpu.memory_space<vmem>>[vector<16xi32>], vector<16xf32>,
        %parallel_loop3A_355 = arith.constant 16 : i32
        %parallel_loop3A_356 = arith.muli %parallel_loop3A_260, %parallel_loop3A_355 : i32
        %parallel_loop3A_357 = arith.constant 5 : i32
        %parallel_loop3A_358 = arith.index_cast %parallel_loop3A_357 : i32 to index
        %parallel_loop3A_359 = arith.index_cast %parallel_loop3A_356 : i32 to index
        %parallel_loop3A_360 = tpu.vector_load %arg11[%parallel_loop3A_358, %parallel_loop3A_359] {strides = array<i32>} : memref<96x512xf32, #tpu.memory_space<vmem>>, vector<16xf32>,
        tpu.vector_store %arg11[%parallel_loop3A_358, %parallel_loop3A_359], %parallel_loop3A_354 {strides = array<i32>} : memref<96x512xf32, #tpu.memory_space<vmem>>, vector<16xf32>,
        %parallel_loop3A_361 = arith.constant 1632 : i32
        %parallel_loop3A_362 = tpu.memref_slice %arg8[%parallel_loop3A_361] : memref<26112xf32, #tpu.memory_space<vmem>> -> memref<272xf32, #tpu.memory_space<vmem>>
        %parallel_loop3A_363 = tpu.vector_load_idx %parallel_loop3A_362[%parallel_loop3A_306] : memref<272xf32, #tpu.memory_space<vmem>>[vector<16xi32>], vector<16xf32>,
        %parallel_loop3A_364 = arith.constant 16 : i32
        %parallel_loop3A_365 = arith.muli %parallel_loop3A_260, %parallel_loop3A_364 : i32
        %parallel_loop3A_366 = arith.constant 6 : i32
        %parallel_loop3A_367 = arith.index_cast %parallel_loop3A_366 : i32 to index
        %parallel_loop3A_368 = arith.index_cast %parallel_loop3A_365 : i32 to index
        %parallel_loop3A_369 = tpu.vector_load %arg11[%parallel_loop3A_367, %parallel_loop3A_368] {strides = array<i32>} : memref<96x512xf32, #tpu.memory_space<vmem>>, vector<16xf32>,
        tpu.vector_store %arg11[%parallel_loop3A_367, %parallel_loop3A_368], %parallel_loop3A_363 {strides = array<i32>} : memref<96x512xf32, #tpu.memory_space<vmem>>, vector<16xf32>,
        %parallel_loop3A_370 = arith.constant 1904 : i32
        %parallel_loop3A_371 = tpu.memref_slice %arg8[%parallel_loop3A_370] : memref<26112xf32, #tpu.memory_space<vmem>> -> memref<272xf32, #tpu.memory_space<vmem>>
        %parallel_loop3A_372 = tpu.vector_load_idx %parallel_loop3A_371[%parallel_loop3A_306] : memref<272xf32, #tpu.memory_space<vmem>>[vector<16xi32>], vector<16xf32>,
        %parallel_loop3A_373 = arith.constant 16 : i32
        %parallel_loop3A_374 = arith.muli %parallel_loop3A_260, %parallel_loop3A_373 : i32
        %parallel_loop3A_375 = arith.constant 7 : i32
        %parallel_loop3A_376 = arith.index_cast %parallel_loop3A_375 : i32 to index
        %parallel_loop3A_377 = arith.index_cast %parallel_loop3A_374 : i32 to index
        %parallel_loop3A_378 = tpu.vector_load %arg11[%parallel_loop3A_376, %parallel_loop3A_377] {strides = array<i32>} : memref<96x512xf32, #tpu.memory_space<vmem>>, vector<16xf32>,
        tpu.vector_store %arg11[%parallel_loop3A_376, %parallel_loop3A_377], %parallel_loop3A_372 {strides = array<i32>} : memref<96x512xf32, #tpu.memory_space<vmem>>, vector<16xf32>,
        %parallel_loop3A_379 = arith.constant 2176 : i32
        %parallel_loop3A_380 = tpu.memref_slice %arg8[%parallel_loop3A_379] : memref<26112xf32, #tpu.memory_space<vmem>> -> memref<272xf32, #tpu.memory_space<vmem>>
        %parallel_loop3A_381 = tpu.vector_load_idx %parallel_loop3A_380[%parallel_loop3A_306] : memref<272xf32, #tpu.memory_space<vmem>>[vector<16xi32>], vector<16xf32>,
        %parallel_loop3A_382 = arith.constant 16 : i32
        %parallel_loop3A_383 = arith.muli %parallel_loop3A_260, %parallel_loop3A_382 : i32
        %parallel_loop3A_384 = arith.constant 8 : i32
        %parallel_loop3A_385 = arith.index_cast %parallel_loop3A_384 : i32 to index
        %parallel_loop3A_386 = arith.index_cast %parallel_loop3A_383 : i32 to index
        %parallel_loop3A_387 = tpu.vector_load %arg11[%parallel_loop3A_385, %parallel_loop3A_386] {strides = array<i32>} : memref<96x512xf32, #tpu.memory_space<vmem>>, vector<16xf32>,
        tpu.vector_store %arg11[%parallel_loop3A_385, %parallel_loop3A_386], %parallel_loop3A_381 {strides = array<i32>} : memref<96x512xf32, #tpu.memory_space<vmem>>, vector<16xf32>,
        %parallel_loop3A_388 = arith.constant 2448 : i32
        %parallel_loop3A_389 = tpu.memref_slice %arg8[%parallel_loop3A_388] : memref<26112xf32, #tpu.memory_space<vmem>> -> memref<272xf32, #tpu.memory_space<vmem>>
        %parallel_loop3A_390 = tpu.vector_load_idx %parallel_loop3A_389[%parallel_loop3A_306] : memref<272xf32, #tpu.memory_space<vmem>>[vector<16xi32>], vector<16xf32>,
        %parallel_loop3A_391 = arith.constant 16 : i32
        %parallel_loop3A_392 = arith.muli %parallel_loop3A_260, %parallel_loop3A_391 : i32
        %parallel_loop3A_393 = arith.constant 9 : i32
        %parallel_loop3A_394 = arith.index_cast %parallel_loop3A_393 : i32 to index
        %parallel_loop3A_395 = arith.index_cast %parallel_loop3A_392 : i32 to index
        %parallel_loop3A_396 = tpu.vector_load %arg11[%parallel_loop3A_394, %parallel_loop3A_395] {strides = array<i32>} : memref<96x512xf32, #tpu.memory_space<vmem>>, vector<16xf32>,
        tpu.vector_store %arg11[%parallel_loop3A_394, %parallel_loop3A_395], %parallel_loop3A_390 {strides = array<i32>} : memref<96x512xf32, #tpu.memory_space<vmem>>, vector<16xf32>,
        %parallel_loop3A_397 = arith.constant 2720 : i32
        %parallel_loop3A_398 = tpu.memref_slice %arg8[%parallel_loop3A_397] : memref<26112xf32, #tpu.memory_space<vmem>> -> memref<272xf32, #tpu.memory_space<vmem>>
        %parallel_loop3A_399 = tpu.vector_load_idx %parallel_loop3A_398[%parallel_loop3A_306] : memref<272xf32, #tpu.memory_space<vmem>>[vector<16xi32>], vector<16xf32>,
        %parallel_loop3A_400 = arith.constant 16 : i32
        %parallel_loop3A_401 = arith.muli %parallel_loop3A_260, %parallel_loop3A_400 : i32
        %parallel_loop3A_402 = arith.constant 10 : i32
        %parallel_loop3A_403 = arith.index_cast %parallel_loop3A_402 : i32 to index
        %parallel_loop3A_404 = arith.index_cast %parallel_loop3A_401 : i32 to index
        %parallel_loop3A_405 = tpu.vector_load %arg11[%parallel_loop3A_403, %parallel_loop3A_404] {strides = array<i32>} : memref<96x512xf32, #tpu.memory_space<vmem>>, vector<16xf32>,
        tpu.vector_store %arg11[%parallel_loop3A_403, %parallel_loop3A_404], %parallel_loop3A_399 {strides = array<i32>} : memref<96x512xf32, #tpu.memory_space<vmem>>, vector<16xf32>,
        %parallel_loop3A_406 = arith.constant 2992 : i32
        %parallel_loop3A_407 = tpu.memref_slice %arg8[%parallel_loop3A_406] : memref<26112xf32, #tpu.memory_space<vmem>> -> memref<272xf32, #tpu.memory_space<vmem>>
        %parallel_loop3A_408 = tpu.vector_load_idx %parallel_loop3A_407[%parallel_loop3A_306] : memref<272xf32, #tpu.memory_space<vmem>>[vector<16xi32>], vector<16xf32>,
        %parallel_loop3A_409 = arith.constant 16 : i32
        %parallel_loop3A_410 = arith.muli %parallel_loop3A_260, %parallel_loop3A_409 : i32
        %parallel_loop3A_411 = arith.constant 11 : i32
        %parallel_loop3A_412 = arith.index_cast %parallel_loop3A_411 : i32 to index
        %parallel_loop3A_413 = arith.index_cast %parallel_loop3A_410 : i32 to index
        %parallel_loop3A_414 = tpu.vector_load %arg11[%parallel_loop3A_412, %parallel_loop3A_413] {strides = array<i32>} : memref<96x512xf32, #tpu.memory_space<vmem>>, vector<16xf32>,
        tpu.vector_store %arg11[%parallel_loop3A_412, %parallel_loop3A_413], %parallel_loop3A_408 {strides = array<i32>} : memref<96x512xf32, #tpu.memory_space<vmem>>, vector<16xf32>,
        %parallel_loop3A_415 = arith.constant 3264 : i32
        %parallel_loop3A_416 = tpu.memref_slice %arg8[%parallel_loop3A_415] : memref<26112xf32, #tpu.memory_space<vmem>> -> memref<272xf32, #tpu.memory_space<vmem>>
        %parallel_loop3A_417 = tpu.vector_load_idx %parallel_loop3A_416[%parallel_loop3A_306] : memref<272xf32, #tpu.memory_space<vmem>>[vector<16xi32>], vector<16xf32>,
        %parallel_loop3A_418 = arith.constant 16 : i32
        %parallel_loop3A_419 = arith.muli %parallel_loop3A_260, %parallel_loop3A_418 : i32
        %parallel_loop3A_420 = arith.constant 12 : i32
        %parallel_loop3A_421 = arith.index_cast %parallel_loop3A_420 : i32 to index
        %parallel_loop3A_422 = arith.index_cast %parallel_loop3A_419 : i32 to index
        %parallel_loop3A_423 = tpu.vector_load %arg11[%parallel_loop3A_421, %parallel_loop3A_422] {strides = array<i32>} : memref<96x512xf32, #tpu.memory_space<vmem>>, vector<16xf32>,
        tpu.vector_store %arg11[%parallel_loop3A_421, %parallel_loop3A_422], %parallel_loop3A_417 {strides = array<i32>} : memref<96x512xf32, #tpu.memory_space<vmem>>, vector<16xf32>,
        %parallel_loop3A_424 = arith.constant 3536 : i32
        %parallel_loop3A_425 = tpu.memref_slice %arg8[%parallel_loop3A_424] : memref<26112xf32, #tpu.memory_space<vmem>> -> memref<272xf32, #tpu.memory_space<vmem>>
        %parallel_loop3A_426 = tpu.vector_load_idx %parallel_loop3A_425[%parallel_loop3A_306] : memref<272xf32, #tpu.memory_space<vmem>>[vector<16xi32>], vector<16xf32>,
        %parallel_loop3A_427 = arith.constant 16 : i32
        %parallel_loop3A_428 = arith.muli %parallel_loop3A_260, %parallel_loop3A_427 : i32
        %parallel_loop3A_429 = arith.constant 13 : i32
        %parallel_loop3A_430 = arith.index_cast %parallel_loop3A_429 : i32 to index
        %parallel_loop3A_431 = arith.index_cast %parallel_loop3A_428 : i32 to index
        %parallel_loop3A_432 = tpu.vector_load %arg11[%parallel_loop3A_430, %parallel_loop3A_431] {strides = array<i32>} : memref<96x512xf32, #tpu.memory_space<vmem>>, vector<16xf32>,
        tpu.vector_store %arg11[%parallel_loop3A_430, %parallel_loop3A_431], %parallel_loop3A_426 {strides = array<i32>} : memref<96x512xf32, #tpu.memory_space<vmem>>, vector<16xf32>,
        %parallel_loop3A_433 = arith.constant 3808 : i32
        %parallel_loop3A_434 = tpu.memref_slice %arg8[%parallel_loop3A_433] : memref<26112xf32, #tpu.memory_space<vmem>> -> memref<272xf32, #tpu.memory_space<vmem>>
        %parallel_loop3A_435 = tpu.vector_load_idx %parallel_loop3A_434[%parallel_loop3A_306] : memref<272xf32, #tpu.memory_space<vmem>>[vector<16xi32>], vector<16xf32>,
        %parallel_loop3A_436 = arith.constant 16 : i32
        %parallel_loop3A_437 = arith.muli %parallel_loop3A_260, %parallel_loop3A_436 : i32
        %parallel_loop3A_438 = arith.constant 14 : i32
        %parallel_loop3A_439 = arith.index_cast %parallel_loop3A_438 : i32 to index
        %parallel_loop3A_440 = arith.index_cast %parallel_loop3A_437 : i32 to index
        %parallel_loop3A_441 = tpu.vector_load %arg11[%parallel_loop3A_439, %parallel_loop3A_440] {strides = array<i32>} : memref<96x512xf32, #tpu.memory_space<vmem>>, vector<16xf32>,
        tpu.vector_store %arg11[%parallel_loop3A_439, %parallel_loop3A_440], %parallel_loop3A_435 {strides = array<i32>} : memref<96x512xf32, #tpu.memory_space<vmem>>, vector<16xf32>,
        %parallel_loop3A_442 = arith.constant 4080 : i32
        %parallel_loop3A_443 = tpu.memref_slice %arg8[%parallel_loop3A_442] : memref<26112xf32, #tpu.memory_space<vmem>> -> memref<272xf32, #tpu.memory_space<vmem>>
        %parallel_loop3A_444 = tpu.vector_load_idx %parallel_loop3A_443[%parallel_loop3A_306] : memref<272xf32, #tpu.memory_space<vmem>>[vector<16xi32>], vector<16xf32>,
        %parallel_loop3A_445 = arith.constant 16 : i32
        %parallel_loop3A_446 = arith.muli %parallel_loop3A_260, %parallel_loop3A_445 : i32
        %parallel_loop3A_447 = arith.constant 15 : i32
        %parallel_loop3A_448 = arith.index_cast %parallel_loop3A_447 : i32 to index
        %parallel_loop3A_449 = arith.index_cast %parallel_loop3A_446 : i32 to index
        %parallel_loop3A_450 = tpu.vector_load %arg11[%parallel_loop3A_448, %parallel_loop3A_449] {strides = array<i32>} : memref<96x512xf32, #tpu.memory_space<vmem>>, vector<16xf32>,
        tpu.vector_store %arg11[%parallel_loop3A_448, %parallel_loop3A_449], %parallel_loop3A_444 {strides = array<i32>} : memref<96x512xf32, #tpu.memory_space<vmem>>, vector<16xf32>,
        %parallel_loop3A_451 = arith.constant 4352 : i32
        %parallel_loop3A_452 = tpu.memref_slice %arg8[%parallel_loop3A_451] : memref<26112xf32, #tpu.memory_space<vmem>> -> memref<272xf32, #tpu.memory_space<vmem>>
        %parallel_loop3A_453 = tpu.vector_load_idx %parallel_loop3A_452[%parallel_loop3A_306] : memref<272xf32, #tpu.memory_space<vmem>>[vector<16xi32>], vector<16xf32>,
        %parallel_loop3A_454 = arith.constant 16 : i32
        %parallel_loop3A_455 = arith.muli %parallel_loop3A_260, %parallel_loop3A_454 : i32
        %parallel_loop3A_456 = arith.constant 16 : i32
        %parallel_loop3A_457 = arith.index_cast %parallel_loop3A_456 : i32 to index
        %parallel_loop3A_458 = arith.index_cast %parallel_loop3A_455 : i32 to index
        %parallel_loop3A_459 = tpu.vector_load %arg11[%parallel_loop3A_457, %parallel_loop3A_458] {strides = array<i32>} : memref<96x512xf32, #tpu.memory_space<vmem>>, vector<16xf32>,
        tpu.vector_store %arg11[%parallel_loop3A_457, %parallel_loop3A_458], %parallel_loop3A_453 {strides = array<i32>} : memref<96x512xf32, #tpu.memory_space<vmem>>, vector<16xf32>,
        %parallel_loop3A_460 = arith.constant 4624 : i32
        %parallel_loop3A_461 = tpu.memref_slice %arg8[%parallel_loop3A_460] : memref<26112xf32, #tpu.memory_space<vmem>> -> memref<272xf32, #tpu.memory_space<vmem>>
        %parallel_loop3A_462 = tpu.vector_load_idx %parallel_loop3A_461[%parallel_loop3A_306] : memref<272xf32, #tpu.memory_space<vmem>>[vector<16xi32>], vector<16xf32>,
        %parallel_loop3A_463 = arith.constant 16 : i32
        %parallel_loop3A_464 = arith.muli %parallel_loop3A_260, %parallel_loop3A_463 : i32
        %parallel_loop3A_465 = arith.constant 17 : i32
        %parallel_loop3A_466 = arith.index_cast %parallel_loop3A_465 : i32 to index
        %parallel_loop3A_467 = arith.index_cast %parallel_loop3A_464 : i32 to index
        %parallel_loop3A_468 = tpu.vector_load %arg11[%parallel_loop3A_466, %parallel_loop3A_467] {strides = array<i32>} : memref<96x512xf32, #tpu.memory_space<vmem>>, vector<16xf32>,
        tpu.vector_store %arg11[%parallel_loop3A_466, %parallel_loop3A_467], %parallel_loop3A_462 {strides = array<i32>} : memref<96x512xf32, #tpu.memory_space<vmem>>, vector<16xf32>,
        %parallel_loop3A_469 = arith.constant 4896 : i32
        %parallel_loop3A_470 = tpu.memref_slice %arg8[%parallel_loop3A_469] : memref<26112xf32, #tpu.memory_space<vmem>> -> memref<272xf32, #tpu.memory_space<vmem>>
        %parallel_loop3A_471 = tpu.vector_load_idx %parallel_loop3A_470[%parallel_loop3A_306] : memref<272xf32, #tpu.memory_space<vmem>>[vector<16xi32>], vector<16xf32>,
        %parallel_loop3A_472 = arith.constant 16 : i32
        %parallel_loop3A_473 = arith.muli %parallel_loop3A_260, %parallel_loop3A_472 : i32
        %parallel_loop3A_474 = arith.constant 18 : i32
        %parallel_loop3A_475 = arith.index_cast %parallel_loop3A_474 : i32 to index
        %parallel_loop3A_476 = arith.index_cast %parallel_loop3A_473 : i32 to index
        %parallel_loop3A_477 = tpu.vector_load %arg11[%parallel_loop3A_475, %parallel_loop3A_476] {strides = array<i32>} : memref<96x512xf32, #tpu.memory_space<vmem>>, vector<16xf32>,
        tpu.vector_store %arg11[%parallel_loop3A_475, %parallel_loop3A_476], %parallel_loop3A_471 {strides = array<i32>} : memref<96x512xf32, #tpu.memory_space<vmem>>, vector<16xf32>,
        %parallel_loop3A_478 = arith.constant 5168 : i32
        %parallel_loop3A_479 = tpu.memref_slice %arg8[%parallel_loop3A_478] : memref<26112xf32, #tpu.memory_space<vmem>> -> memref<272xf32, #tpu.memory_space<vmem>>
        %parallel_loop3A_480 = tpu.vector_load_idx %parallel_loop3A_479[%parallel_loop3A_306] : memref<272xf32, #tpu.memory_space<vmem>>[vector<16xi32>], vector<16xf32>,
        %parallel_loop3A_481 = arith.constant 16 : i32
        %parallel_loop3A_482 = arith.muli %parallel_loop3A_260, %parallel_loop3A_481 : i32
        %parallel_loop3A_483 = arith.constant 19 : i32
        %parallel_loop3A_484 = arith.index_cast %parallel_loop3A_483 : i32 to index
        %parallel_loop3A_485 = arith.index_cast %parallel_loop3A_482 : i32 to index
        %parallel_loop3A_486 = tpu.vector_load %arg11[%parallel_loop3A_484, %parallel_loop3A_485] {strides = array<i32>} : memref<96x512xf32, #tpu.memory_space<vmem>>, vector<16xf32>,
        tpu.vector_store %arg11[%parallel_loop3A_484, %parallel_loop3A_485], %parallel_loop3A_480 {strides = array<i32>} : memref<96x512xf32, #tpu.memory_space<vmem>>, vector<16xf32>,
        %parallel_loop3A_487 = arith.constant 5440 : i32
        %parallel_loop3A_488 = tpu.memref_slice %arg8[%parallel_loop3A_487] : memref<26112xf32, #tpu.memory_space<vmem>> -> memref<272xf32, #tpu.memory_space<vmem>>
        %parallel_loop3A_489 = tpu.vector_load_idx %parallel_loop3A_488[%parallel_loop3A_306] : memref<272xf32, #tpu.memory_space<vmem>>[vector<16xi32>], vector<16xf32>,
        %parallel_loop3A_490 = arith.constant 16 : i32
        %parallel_loop3A_491 = arith.muli %parallel_loop3A_260, %parallel_loop3A_490 : i32
        %parallel_loop3A_492 = arith.constant 20 : i32
        %parallel_loop3A_493 = arith.index_cast %parallel_loop3A_492 : i32 to index
        %parallel_loop3A_494 = arith.index_cast %parallel_loop3A_491 : i32 to index
        %parallel_loop3A_495 = tpu.vector_load %arg11[%parallel_loop3A_493, %parallel_loop3A_494] {strides = array<i32>} : memref<96x512xf32, #tpu.memory_space<vmem>>, vector<16xf32>,
        tpu.vector_store %arg11[%parallel_loop3A_493, %parallel_loop3A_494], %parallel_loop3A_489 {strides = array<i32>} : memref<96x512xf32, #tpu.memory_space<vmem>>, vector<16xf32>,
        %parallel_loop3A_496 = arith.constant 5712 : i32
        %parallel_loop3A_497 = tpu.memref_slice %arg8[%parallel_loop3A_496] : memref<26112xf32, #tpu.memory_space<vmem>> -> memref<272xf32, #tpu.memory_space<vmem>>
        %parallel_loop3A_498 = tpu.vector_load_idx %parallel_loop3A_497[%parallel_loop3A_306] : memref<272xf32, #tpu.memory_space<vmem>>[vector<16xi32>], vector<16xf32>,
        %parallel_loop3A_499 = arith.constant 16 : i32
        %parallel_loop3A_500 = arith.muli %parallel_loop3A_260, %parallel_loop3A_499 : i32
        %parallel_loop3A_501 = arith.constant 21 : i32
        %parallel_loop3A_502 = arith.index_cast %parallel_loop3A_501 : i32 to index
        %parallel_loop3A_503 = arith.index_cast %parallel_loop3A_500 : i32 to index
        %parallel_loop3A_504 = tpu.vector_load %arg11[%parallel_loop3A_502, %parallel_loop3A_503] {strides = array<i32>} : memref<96x512xf32, #tpu.memory_space<vmem>>, vector<16xf32>,
        tpu.vector_store %arg11[%parallel_loop3A_502, %parallel_loop3A_503], %parallel_loop3A_498 {strides = array<i32>} : memref<96x512xf32, #tpu.memory_space<vmem>>, vector<16xf32>,
        %parallel_loop3A_505 = arith.constant 5984 : i32
        %parallel_loop3A_506 = tpu.memref_slice %arg8[%parallel_loop3A_505] : memref<26112xf32, #tpu.memory_space<vmem>> -> memref<272xf32, #tpu.memory_space<vmem>>
        %parallel_loop3A_507 = tpu.vector_load_idx %parallel_loop3A_506[%parallel_loop3A_306] : memref<272xf32, #tpu.memory_space<vmem>>[vector<16xi32>], vector<16xf32>,
        %parallel_loop3A_508 = arith.constant 16 : i32
        %parallel_loop3A_509 = arith.muli %parallel_loop3A_260, %parallel_loop3A_508 : i32
        %parallel_loop3A_510 = arith.constant 22 : i32
        %parallel_loop3A_511 = arith.index_cast %parallel_loop3A_510 : i32 to index
        %parallel_loop3A_512 = arith.index_cast %parallel_loop3A_509 : i32 to index
        %parallel_loop3A_513 = tpu.vector_load %arg11[%parallel_loop3A_511, %parallel_loop3A_512] {strides = array<i32>} : memref<96x512xf32, #tpu.memory_space<vmem>>, vector<16xf32>,
        tpu.vector_store %arg11[%parallel_loop3A_511, %parallel_loop3A_512], %parallel_loop3A_507 {strides = array<i32>} : memref<96x512xf32, #tpu.memory_space<vmem>>, vector<16xf32>,
        %parallel_loop3A_514 = arith.constant 6256 : i32
        %parallel_loop3A_515 = tpu.memref_slice %arg8[%parallel_loop3A_514] : memref<26112xf32, #tpu.memory_space<vmem>> -> memref<272xf32, #tpu.memory_space<vmem>>
        %parallel_loop3A_516 = tpu.vector_load_idx %parallel_loop3A_515[%parallel_loop3A_306] : memref<272xf32, #tpu.memory_space<vmem>>[vector<16xi32>], vector<16xf32>,
        %parallel_loop3A_517 = arith.constant 16 : i32
        %parallel_loop3A_518 = arith.muli %parallel_loop3A_260, %parallel_loop3A_517 : i32
        %parallel_loop3A_519 = arith.constant 23 : i32
        %parallel_loop3A_520 = arith.index_cast %parallel_loop3A_519 : i32 to index
        %parallel_loop3A_521 = arith.index_cast %parallel_loop3A_518 : i32 to index
        %parallel_loop3A_522 = tpu.vector_load %arg11[%parallel_loop3A_520, %parallel_loop3A_521] {strides = array<i32>} : memref<96x512xf32, #tpu.memory_space<vmem>>, vector<16xf32>,
        tpu.vector_store %arg11[%parallel_loop3A_520, %parallel_loop3A_521], %parallel_loop3A_516 {strides = array<i32>} : memref<96x512xf32, #tpu.memory_space<vmem>>, vector<16xf32>,
        %parallel_loop3A_523 = arith.constant 6528 : i32
        %parallel_loop3A_524 = tpu.memref_slice %arg8[%parallel_loop3A_523] : memref<26112xf32, #tpu.memory_space<vmem>> -> memref<272xf32, #tpu.memory_space<vmem>>
        %parallel_loop3A_525 = tpu.vector_load_idx %parallel_loop3A_524[%parallel_loop3A_306] : memref<272xf32, #tpu.memory_space<vmem>>[vector<16xi32>], vector<16xf32>,
        %parallel_loop3A_526 = arith.constant 16 : i32
        %parallel_loop3A_527 = arith.muli %parallel_loop3A_260, %parallel_loop3A_526 : i32
        %parallel_loop3A_528 = arith.constant 24 : i32
        %parallel_loop3A_529 = arith.index_cast %parallel_loop3A_528 : i32 to index
        %parallel_loop3A_530 = arith.index_cast %parallel_loop3A_527 : i32 to index
        %parallel_loop3A_531 = tpu.vector_load %arg11[%parallel_loop3A_529, %parallel_loop3A_530] {strides = array<i32>} : memref<96x512xf32, #tpu.memory_space<vmem>>, vector<16xf32>,
        tpu.vector_store %arg11[%parallel_loop3A_529, %parallel_loop3A_530], %parallel_loop3A_525 {strides = array<i32>} : memref<96x512xf32, #tpu.memory_space<vmem>>, vector<16xf32>,
        %parallel_loop3A_532 = arith.constant 6800 : i32
        %parallel_loop3A_533 = tpu.memref_slice %arg8[%parallel_loop3A_532] : memref<26112xf32, #tpu.memory_space<vmem>> -> memref<272xf32, #tpu.memory_space<vmem>>
        %parallel_loop3A_534 = tpu.vector_load_idx %parallel_loop3A_533[%parallel_loop3A_306] : memref<272xf32, #tpu.memory_space<vmem>>[vector<16xi32>], vector<16xf32>,
        %parallel_loop3A_535 = arith.constant 16 : i32
        %parallel_loop3A_536 = arith.muli %parallel_loop3A_260, %parallel_loop3A_535 : i32
        %parallel_loop3A_537 = arith.constant 25 : i32
        %parallel_loop3A_538 = arith.index_cast %parallel_loop3A_537 : i32 to index
        %parallel_loop3A_539 = arith.index_cast %parallel_loop3A_536 : i32 to index
        %parallel_loop3A_540 = tpu.vector_load %arg11[%parallel_loop3A_538, %parallel_loop3A_539] {strides = array<i32>} : memref<96x512xf32, #tpu.memory_space<vmem>>, vector<16xf32>,
        tpu.vector_store %arg11[%parallel_loop3A_538, %parallel_loop3A_539], %parallel_loop3A_534 {strides = array<i32>} : memref<96x512xf32, #tpu.memory_space<vmem>>, vector<16xf32>,
        %parallel_loop3A_541 = arith.constant 7072 : i32
        %parallel_loop3A_542 = tpu.memref_slice %arg8[%parallel_loop3A_541] : memref<26112xf32, #tpu.memory_space<vmem>> -> memref<272xf32, #tpu.memory_space<vmem>>
        %parallel_loop3A_543 = tpu.vector_load_idx %parallel_loop3A_542[%parallel_loop3A_306] : memref<272xf32, #tpu.memory_space<vmem>>[vector<16xi32>], vector<16xf32>,
        %parallel_loop3A_544 = arith.constant 16 : i32
        %parallel_loop3A_545 = arith.muli %parallel_loop3A_260, %parallel_loop3A_544 : i32
        %parallel_loop3A_546 = arith.constant 26 : i32
        %parallel_loop3A_547 = arith.index_cast %parallel_loop3A_546 : i32 to index
        %parallel_loop3A_548 = arith.index_cast %parallel_loop3A_545 : i32 to index
        %parallel_loop3A_549 = tpu.vector_load %arg11[%parallel_loop3A_547, %parallel_loop3A_548] {strides = array<i32>} : memref<96x512xf32, #tpu.memory_space<vmem>>, vector<16xf32>,
        tpu.vector_store %arg11[%parallel_loop3A_547, %parallel_loop3A_548], %parallel_loop3A_543 {strides = array<i32>} : memref<96x512xf32, #tpu.memory_space<vmem>>, vector<16xf32>,
        %parallel_loop3A_550 = arith.constant 7344 : i32
        %parallel_loop3A_551 = tpu.memref_slice %arg8[%parallel_loop3A_550] : memref<26112xf32, #tpu.memory_space<vmem>> -> memref<272xf32, #tpu.memory_space<vmem>>
        %parallel_loop3A_552 = tpu.vector_load_idx %parallel_loop3A_551[%parallel_loop3A_306] : memref<272xf32, #tpu.memory_space<vmem>>[vector<16xi32>], vector<16xf32>,
        %parallel_loop3A_553 = arith.constant 16 : i32
        %parallel_loop3A_554 = arith.muli %parallel_loop3A_260, %parallel_loop3A_553 : i32
        %parallel_loop3A_555 = arith.constant 27 : i32
        %parallel_loop3A_556 = arith.index_cast %parallel_loop3A_555 : i32 to index
        %parallel_loop3A_557 = arith.index_cast %parallel_loop3A_554 : i32 to index
        %parallel_loop3A_558 = tpu.vector_load %arg11[%parallel_loop3A_556, %parallel_loop3A_557] {strides = array<i32>} : memref<96x512xf32, #tpu.memory_space<vmem>>, vector<16xf32>,
        tpu.vector_store %arg11[%parallel_loop3A_556, %parallel_loop3A_557], %parallel_loop3A_552 {strides = array<i32>} : memref<96x512xf32, #tpu.memory_space<vmem>>, vector<16xf32>,
        %parallel_loop3A_559 = arith.constant 7616 : i32
        %parallel_loop3A_560 = tpu.memref_slice %arg8[%parallel_loop3A_559] : memref<26112xf32, #tpu.memory_space<vmem>> -> memref<272xf32, #tpu.memory_space<vmem>>
        %parallel_loop3A_561 = tpu.vector_load_idx %parallel_loop3A_560[%parallel_loop3A_306] : memref<272xf32, #tpu.memory_space<vmem>>[vector<16xi32>], vector<16xf32>,
        %parallel_loop3A_562 = arith.constant 16 : i32
        %parallel_loop3A_563 = arith.muli %parallel_loop3A_260, %parallel_loop3A_562 : i32
        %parallel_loop3A_564 = arith.constant 28 : i32
        %parallel_loop3A_565 = arith.index_cast %parallel_loop3A_564 : i32 to index
        %parallel_loop3A_566 = arith.index_cast %parallel_loop3A_563 : i32 to index
        %parallel_loop3A_567 = tpu.vector_load %arg11[%parallel_loop3A_565, %parallel_loop3A_566] {strides = array<i32>} : memref<96x512xf32, #tpu.memory_space<vmem>>, vector<16xf32>,
        tpu.vector_store %arg11[%parallel_loop3A_565, %parallel_loop3A_566], %parallel_loop3A_561 {strides = array<i32>} : memref<96x512xf32, #tpu.memory_space<vmem>>, vector<16xf32>,
        %parallel_loop3A_568 = arith.constant 7888 : i32
        %parallel_loop3A_569 = tpu.memref_slice %arg8[%parallel_loop3A_568] : memref<26112xf32, #tpu.memory_space<vmem>> -> memref<272xf32, #tpu.memory_space<vmem>>
        %parallel_loop3A_570 = tpu.vector_load_idx %parallel_loop3A_569[%parallel_loop3A_306] : memref<272xf32, #tpu.memory_space<vmem>>[vector<16xi32>], vector<16xf32>,
        %parallel_loop3A_571 = arith.constant 16 : i32
        %parallel_loop3A_572 = arith.muli %parallel_loop3A_260, %parallel_loop3A_571 : i32
        %parallel_loop3A_573 = arith.constant 29 : i32
        %parallel_loop3A_574 = arith.index_cast %parallel_loop3A_573 : i32 to index
        %parallel_loop3A_575 = arith.index_cast %parallel_loop3A_572 : i32 to index
        %parallel_loop3A_576 = tpu.vector_load %arg11[%parallel_loop3A_574, %parallel_loop3A_575] {strides = array<i32>} : memref<96x512xf32, #tpu.memory_space<vmem>>, vector<16xf32>,
        tpu.vector_store %arg11[%parallel_loop3A_574, %parallel_loop3A_575], %parallel_loop3A_570 {strides = array<i32>} : memref<96x512xf32, #tpu.memory_space<vmem>>, vector<16xf32>,
        %parallel_loop3A_577 = arith.constant 8160 : i32
        %parallel_loop3A_578 = tpu.memref_slice %arg8[%parallel_loop3A_577] : memref<26112xf32, #tpu.memory_space<vmem>> -> memref<272xf32, #tpu.memory_space<vmem>>
        %parallel_loop3A_579 = tpu.vector_load_idx %parallel_loop3A_578[%parallel_loop3A_306] : memref<272xf32, #tpu.memory_space<vmem>>[vector<16xi32>], vector<16xf32>,
        %parallel_loop3A_580 = arith.constant 16 : i32
        %parallel_loop3A_581 = arith.muli %parallel_loop3A_260, %parallel_loop3A_580 : i32
        %parallel_loop3A_582 = arith.constant 30 : i32
        %parallel_loop3A_583 = arith.index_cast %parallel_loop3A_582 : i32 to index
        %parallel_loop3A_584 = arith.index_cast %parallel_loop3A_581 : i32 to index
        %parallel_loop3A_585 = tpu.vector_load %arg11[%parallel_loop3A_583, %parallel_loop3A_584] {strides = array<i32>} : memref<96x512xf32, #tpu.memory_space<vmem>>, vector<16xf32>,
        tpu.vector_store %arg11[%parallel_loop3A_583, %parallel_loop3A_584], %parallel_loop3A_579 {strides = array<i32>} : memref<96x512xf32, #tpu.memory_space<vmem>>, vector<16xf32>,
        %parallel_loop3A_586 = arith.constant 8432 : i32
        %parallel_loop3A_587 = tpu.memref_slice %arg8[%parallel_loop3A_586] : memref<26112xf32, #tpu.memory_space<vmem>> -> memref<272xf32, #tpu.memory_space<vmem>>
        %parallel_loop3A_588 = tpu.vector_load_idx %parallel_loop3A_587[%parallel_loop3A_306] : memref<272xf32, #tpu.memory_space<vmem>>[vector<16xi32>], vector<16xf32>,
        %parallel_loop3A_589 = arith.constant 16 : i32
        %parallel_loop3A_590 = arith.muli %parallel_loop3A_260, %parallel_loop3A_589 : i32
        %parallel_loop3A_591 = arith.constant 31 : i32
        %parallel_loop3A_592 = arith.index_cast %parallel_loop3A_591 : i32 to index
        %parallel_loop3A_593 = arith.index_cast %parallel_loop3A_590 : i32 to index
        %parallel_loop3A_594 = tpu.vector_load %arg11[%parallel_loop3A_592, %parallel_loop3A_593] {strides = array<i32>} : memref<96x512xf32, #tpu.memory_space<vmem>>, vector<16xf32>,
        tpu.vector_store %arg11[%parallel_loop3A_592, %parallel_loop3A_593], %parallel_loop3A_588 {strides = array<i32>} : memref<96x512xf32, #tpu.memory_space<vmem>>, vector<16xf32>,
        %parallel_loop3A_595 = arith.constant 8704 : i32
        %parallel_loop3A_596 = tpu.memref_slice %arg8[%parallel_loop3A_595] : memref<26112xf32, #tpu.memory_space<vmem>> -> memref<272xf32, #tpu.memory_space<vmem>>
        %parallel_loop3A_597 = tpu.vector_load_idx %parallel_loop3A_596[%parallel_loop3A_306] : memref<272xf32, #tpu.memory_space<vmem>>[vector<16xi32>], vector<16xf32>,
        %parallel_loop3A_598 = arith.constant 16 : i32
        %parallel_loop3A_599 = arith.muli %parallel_loop3A_260, %parallel_loop3A_598 : i32
        %parallel_loop3A_600 = arith.constant 32 : i32
        %parallel_loop3A_601 = arith.index_cast %parallel_loop3A_600 : i32 to index
        %parallel_loop3A_602 = arith.index_cast %parallel_loop3A_599 : i32 to index
        %parallel_loop3A_603 = tpu.vector_load %arg11[%parallel_loop3A_601, %parallel_loop3A_602] {strides = array<i32>} : memref<96x512xf32, #tpu.memory_space<vmem>>, vector<16xf32>,
        tpu.vector_store %arg11[%parallel_loop3A_601, %parallel_loop3A_602], %parallel_loop3A_597 {strides = array<i32>} : memref<96x512xf32, #tpu.memory_space<vmem>>, vector<16xf32>,
        %parallel_loop3A_604 = arith.constant 8976 : i32
        %parallel_loop3A_605 = tpu.memref_slice %arg8[%parallel_loop3A_604] : memref<26112xf32, #tpu.memory_space<vmem>> -> memref<272xf32, #tpu.memory_space<vmem>>
        %parallel_loop3A_606 = tpu.vector_load_idx %parallel_loop3A_605[%parallel_loop3A_306] : memref<272xf32, #tpu.memory_space<vmem>>[vector<16xi32>], vector<16xf32>,
        %parallel_loop3A_607 = arith.constant 16 : i32
        %parallel_loop3A_608 = arith.muli %parallel_loop3A_260, %parallel_loop3A_607 : i32
        %parallel_loop3A_609 = arith.constant 33 : i32
        %parallel_loop3A_610 = arith.index_cast %parallel_loop3A_609 : i32 to index
        %parallel_loop3A_611 = arith.index_cast %parallel_loop3A_608 : i32 to index
        %parallel_loop3A_612 = tpu.vector_load %arg11[%parallel_loop3A_610, %parallel_loop3A_611] {strides = array<i32>} : memref<96x512xf32, #tpu.memory_space<vmem>>, vector<16xf32>,
        tpu.vector_store %arg11[%parallel_loop3A_610, %parallel_loop3A_611], %parallel_loop3A_606 {strides = array<i32>} : memref<96x512xf32, #tpu.memory_space<vmem>>, vector<16xf32>,
        %parallel_loop3A_613 = arith.constant 9248 : i32
        %parallel_loop3A_614 = tpu.memref_slice %arg8[%parallel_loop3A_613] : memref<26112xf32, #tpu.memory_space<vmem>> -> memref<272xf32, #tpu.memory_space<vmem>>
        %parallel_loop3A_615 = tpu.vector_load_idx %parallel_loop3A_614[%parallel_loop3A_306] : memref<272xf32, #tpu.memory_space<vmem>>[vector<16xi32>], vector<16xf32>,
        %parallel_loop3A_616 = arith.constant 16 : i32
        %parallel_loop3A_617 = arith.muli %parallel_loop3A_260, %parallel_loop3A_616 : i32
        %parallel_loop3A_618 = arith.constant 34 : i32
        %parallel_loop3A_619 = arith.index_cast %parallel_loop3A_618 : i32 to index
        %parallel_loop3A_620 = arith.index_cast %parallel_loop3A_617 : i32 to index
        %parallel_loop3A_621 = tpu.vector_load %arg11[%parallel_loop3A_619, %parallel_loop3A_620] {strides = array<i32>} : memref<96x512xf32, #tpu.memory_space<vmem>>, vector<16xf32>,
        tpu.vector_store %arg11[%parallel_loop3A_619, %parallel_loop3A_620], %parallel_loop3A_615 {strides = array<i32>} : memref<96x512xf32, #tpu.memory_space<vmem>>, vector<16xf32>,
        %parallel_loop3A_622 = arith.constant 9520 : i32
        %parallel_loop3A_623 = tpu.memref_slice %arg8[%parallel_loop3A_622] : memref<26112xf32, #tpu.memory_space<vmem>> -> memref<272xf32, #tpu.memory_space<vmem>>
        %parallel_loop3A_624 = tpu.vector_load_idx %parallel_loop3A_623[%parallel_loop3A_306] : memref<272xf32, #tpu.memory_space<vmem>>[vector<16xi32>], vector<16xf32>,
        %parallel_loop3A_625 = arith.constant 16 : i32
        %parallel_loop3A_626 = arith.muli %parallel_loop3A_260, %parallel_loop3A_625 : i32
        %parallel_loop3A_627 = arith.constant 35 : i32
        %parallel_loop3A_628 = arith.index_cast %parallel_loop3A_627 : i32 to index
        %parallel_loop3A_629 = arith.index_cast %parallel_loop3A_626 : i32 to index
        %parallel_loop3A_630 = tpu.vector_load %arg11[%parallel_loop3A_628, %parallel_loop3A_629] {strides = array<i32>} : memref<96x512xf32, #tpu.memory_space<vmem>>, vector<16xf32>,
        tpu.vector_store %arg11[%parallel_loop3A_628, %parallel_loop3A_629], %parallel_loop3A_624 {strides = array<i32>} : memref<96x512xf32, #tpu.memory_space<vmem>>, vector<16xf32>,
        %parallel_loop3A_631 = arith.constant 9792 : i32
        %parallel_loop3A_632 = tpu.memref_slice %arg8[%parallel_loop3A_631] : memref<26112xf32, #tpu.memory_space<vmem>> -> memref<272xf32, #tpu.memory_space<vmem>>
        %parallel_loop3A_633 = tpu.vector_load_idx %parallel_loop3A_632[%parallel_loop3A_306] : memref<272xf32, #tpu.memory_space<vmem>>[vector<16xi32>], vector<16xf32>,
        %parallel_loop3A_634 = arith.constant 16 : i32
        %parallel_loop3A_635 = arith.muli %parallel_loop3A_260, %parallel_loop3A_634 : i32
        %parallel_loop3A_636 = arith.constant 36 : i32
        %parallel_loop3A_637 = arith.index_cast %parallel_loop3A_636 : i32 to index
        %parallel_loop3A_638 = arith.index_cast %parallel_loop3A_635 : i32 to index
        %parallel_loop3A_639 = tpu.vector_load %arg11[%parallel_loop3A_637, %parallel_loop3A_638] {strides = array<i32>} : memref<96x512xf32, #tpu.memory_space<vmem>>, vector<16xf32>,
        tpu.vector_store %arg11[%parallel_loop3A_637, %parallel_loop3A_638], %parallel_loop3A_633 {strides = array<i32>} : memref<96x512xf32, #tpu.memory_space<vmem>>, vector<16xf32>,
        %parallel_loop3A_640 = arith.constant 10064 : i32
        %parallel_loop3A_641 = tpu.memref_slice %arg8[%parallel_loop3A_640] : memref<26112xf32, #tpu.memory_space<vmem>> -> memref<272xf32, #tpu.memory_space<vmem>>
        %parallel_loop3A_642 = tpu.vector_load_idx %parallel_loop3A_641[%parallel_loop3A_306] : memref<272xf32, #tpu.memory_space<vmem>>[vector<16xi32>], vector<16xf32>,
        %parallel_loop3A_643 = arith.constant 16 : i32
        %parallel_loop3A_644 = arith.muli %parallel_loop3A_260, %parallel_loop3A_643 : i32
        %parallel_loop3A_645 = arith.constant 37 : i32
        %parallel_loop3A_646 = arith.index_cast %parallel_loop3A_645 : i32 to index
        %parallel_loop3A_647 = arith.index_cast %parallel_loop3A_644 : i32 to index
        %parallel_loop3A_648 = tpu.vector_load %arg11[%parallel_loop3A_646, %parallel_loop3A_647] {strides = array<i32>} : memref<96x512xf32, #tpu.memory_space<vmem>>, vector<16xf32>,
        tpu.vector_store %arg11[%parallel_loop3A_646, %parallel_loop3A_647], %parallel_loop3A_642 {strides = array<i32>} : memref<96x512xf32, #tpu.memory_space<vmem>>, vector<16xf32>,
        %parallel_loop3A_649 = arith.constant 10336 : i32
        %parallel_loop3A_650 = tpu.memref_slice %arg8[%parallel_loop3A_649] : memref<26112xf32, #tpu.memory_space<vmem>> -> memref<272xf32, #tpu.memory_space<vmem>>
        %parallel_loop3A_651 = tpu.vector_load_idx %parallel_loop3A_650[%parallel_loop3A_306] : memref<272xf32, #tpu.memory_space<vmem>>[vector<16xi32>], vector<16xf32>,
        %parallel_loop3A_652 = arith.constant 16 : i32
        %parallel_loop3A_653 = arith.muli %parallel_loop3A_260, %parallel_loop3A_652 : i32
        %parallel_loop3A_654 = arith.constant 38 : i32
        %parallel_loop3A_655 = arith.index_cast %parallel_loop3A_654 : i32 to index
        %parallel_loop3A_656 = arith.index_cast %parallel_loop3A_653 : i32 to index
        %parallel_loop3A_657 = tpu.vector_load %arg11[%parallel_loop3A_655, %parallel_loop3A_656] {strides = array<i32>} : memref<96x512xf32, #tpu.memory_space<vmem>>, vector<16xf32>,
        tpu.vector_store %arg11[%parallel_loop3A_655, %parallel_loop3A_656], %parallel_loop3A_651 {strides = array<i32>} : memref<96x512xf32, #tpu.memory_space<vmem>>, vector<16xf32>,
        %parallel_loop3A_658 = arith.constant 10608 : i32
        %parallel_loop3A_659 = tpu.memref_slice %arg8[%parallel_loop3A_658] : memref<26112xf32, #tpu.memory_space<vmem>> -> memref<272xf32, #tpu.memory_space<vmem>>
        %parallel_loop3A_660 = tpu.vector_load_idx %parallel_loop3A_659[%parallel_loop3A_306] : memref<272xf32, #tpu.memory_space<vmem>>[vector<16xi32>], vector<16xf32>,
        %parallel_loop3A_661 = arith.constant 16 : i32
        %parallel_loop3A_662 = arith.muli %parallel_loop3A_260, %parallel_loop3A_661 : i32
        %parallel_loop3A_663 = arith.constant 39 : i32
        %parallel_loop3A_664 = arith.index_cast %parallel_loop3A_663 : i32 to index
        %parallel_loop3A_665 = arith.index_cast %parallel_loop3A_662 : i32 to index
        %parallel_loop3A_666 = tpu.vector_load %arg11[%parallel_loop3A_664, %parallel_loop3A_665] {strides = array<i32>} : memref<96x512xf32, #tpu.memory_space<vmem>>, vector<16xf32>,
        tpu.vector_store %arg11[%parallel_loop3A_664, %parallel_loop3A_665], %parallel_loop3A_660 {strides = array<i32>} : memref<96x512xf32, #tpu.memory_space<vmem>>, vector<16xf32>,
        %parallel_loop3A_667 = arith.constant 10880 : i32
        %parallel_loop3A_668 = tpu.memref_slice %arg8[%parallel_loop3A_667] : memref<26112xf32, #tpu.memory_space<vmem>> -> memref<272xf32, #tpu.memory_space<vmem>>
        %parallel_loop3A_669 = tpu.vector_load_idx %parallel_loop3A_668[%parallel_loop3A_306] : memref<272xf32, #tpu.memory_space<vmem>>[vector<16xi32>], vector<16xf32>,
        %parallel_loop3A_670 = arith.constant 16 : i32
        %parallel_loop3A_671 = arith.muli %parallel_loop3A_260, %parallel_loop3A_670 : i32
        %parallel_loop3A_672 = arith.constant 40 : i32
        %parallel_loop3A_673 = arith.index_cast %parallel_loop3A_672 : i32 to index
        %parallel_loop3A_674 = arith.index_cast %parallel_loop3A_671 : i32 to index
        %parallel_loop3A_675 = tpu.vector_load %arg11[%parallel_loop3A_673, %parallel_loop3A_674] {strides = array<i32>} : memref<96x512xf32, #tpu.memory_space<vmem>>, vector<16xf32>,
        tpu.vector_store %arg11[%parallel_loop3A_673, %parallel_loop3A_674], %parallel_loop3A_669 {strides = array<i32>} : memref<96x512xf32, #tpu.memory_space<vmem>>, vector<16xf32>,
        %parallel_loop3A_676 = arith.constant 11152 : i32
        %parallel_loop3A_677 = tpu.memref_slice %arg8[%parallel_loop3A_676] : memref<26112xf32, #tpu.memory_space<vmem>> -> memref<272xf32, #tpu.memory_space<vmem>>
        %parallel_loop3A_678 = tpu.vector_load_idx %parallel_loop3A_677[%parallel_loop3A_306] : memref<272xf32, #tpu.memory_space<vmem>>[vector<16xi32>], vector<16xf32>,
        %parallel_loop3A_679 = arith.constant 16 : i32
        %parallel_loop3A_680 = arith.muli %parallel_loop3A_260, %parallel_loop3A_679 : i32
        %parallel_loop3A_681 = arith.constant 41 : i32
        %parallel_loop3A_682 = arith.index_cast %parallel_loop3A_681 : i32 to index
        %parallel_loop3A_683 = arith.index_cast %parallel_loop3A_680 : i32 to index
        %parallel_loop3A_684 = tpu.vector_load %arg11[%parallel_loop3A_682, %parallel_loop3A_683] {strides = array<i32>} : memref<96x512xf32, #tpu.memory_space<vmem>>, vector<16xf32>,
        tpu.vector_store %arg11[%parallel_loop3A_682, %parallel_loop3A_683], %parallel_loop3A_678 {strides = array<i32>} : memref<96x512xf32, #tpu.memory_space<vmem>>, vector<16xf32>,
        %parallel_loop3A_685 = arith.constant 11424 : i32
        %parallel_loop3A_686 = tpu.memref_slice %arg8[%parallel_loop3A_685] : memref<26112xf32, #tpu.memory_space<vmem>> -> memref<272xf32, #tpu.memory_space<vmem>>
        %parallel_loop3A_687 = tpu.vector_load_idx %parallel_loop3A_686[%parallel_loop3A_306] : memref<272xf32, #tpu.memory_space<vmem>>[vector<16xi32>], vector<16xf32>,
        %parallel_loop3A_688 = arith.constant 16 : i32
        %parallel_loop3A_689 = arith.muli %parallel_loop3A_260, %parallel_loop3A_688 : i32
        %parallel_loop3A_690 = arith.constant 42 : i32
        %parallel_loop3A_691 = arith.index_cast %parallel_loop3A_690 : i32 to index
        %parallel_loop3A_692 = arith.index_cast %parallel_loop3A_689 : i32 to index
        %parallel_loop3A_693 = tpu.vector_load %arg11[%parallel_loop3A_691, %parallel_loop3A_692] {strides = array<i32>} : memref<96x512xf32, #tpu.memory_space<vmem>>, vector<16xf32>,
        tpu.vector_store %arg11[%parallel_loop3A_691, %parallel_loop3A_692], %parallel_loop3A_687 {strides = array<i32>} : memref<96x512xf32, #tpu.memory_space<vmem>>, vector<16xf32>,
        %parallel_loop3A_694 = arith.constant 11696 : i32
        %parallel_loop3A_695 = tpu.memref_slice %arg8[%parallel_loop3A_694] : memref<26112xf32, #tpu.memory_space<vmem>> -> memref<272xf32, #tpu.memory_space<vmem>>
        %parallel_loop3A_696 = tpu.vector_load_idx %parallel_loop3A_695[%parallel_loop3A_306] : memref<272xf32, #tpu.memory_space<vmem>>[vector<16xi32>], vector<16xf32>,
        %parallel_loop3A_697 = arith.constant 16 : i32
        %parallel_loop3A_698 = arith.muli %parallel_loop3A_260, %parallel_loop3A_697 : i32
        %parallel_loop3A_699 = arith.constant 43 : i32
        %parallel_loop3A_700 = arith.index_cast %parallel_loop3A_699 : i32 to index
        %parallel_loop3A_701 = arith.index_cast %parallel_loop3A_698 : i32 to index
        %parallel_loop3A_702 = tpu.vector_load %arg11[%parallel_loop3A_700, %parallel_loop3A_701] {strides = array<i32>} : memref<96x512xf32, #tpu.memory_space<vmem>>, vector<16xf32>,
        tpu.vector_store %arg11[%parallel_loop3A_700, %parallel_loop3A_701], %parallel_loop3A_696 {strides = array<i32>} : memref<96x512xf32, #tpu.memory_space<vmem>>, vector<16xf32>,
        %parallel_loop3A_703 = arith.constant 11968 : i32
        %parallel_loop3A_704 = tpu.memref_slice %arg8[%parallel_loop3A_703] : memref<26112xf32, #tpu.memory_space<vmem>> -> memref<272xf32, #tpu.memory_space<vmem>>
        %parallel_loop3A_705 = tpu.vector_load_idx %parallel_loop3A_704[%parallel_loop3A_306] : memref<272xf32, #tpu.memory_space<vmem>>[vector<16xi32>], vector<16xf32>,
        %parallel_loop3A_706 = arith.constant 16 : i32
        %parallel_loop3A_707 = arith.muli %parallel_loop3A_260, %parallel_loop3A_706 : i32
        %parallel_loop3A_708 = arith.constant 44 : i32
        %parallel_loop3A_709 = arith.index_cast %parallel_loop3A_708 : i32 to index
        %parallel_loop3A_710 = arith.index_cast %parallel_loop3A_707 : i32 to index
        %parallel_loop3A_711 = tpu.vector_load %arg11[%parallel_loop3A_709, %parallel_loop3A_710] {strides = array<i32>} : memref<96x512xf32, #tpu.memory_space<vmem>>, vector<16xf32>,
        tpu.vector_store %arg11[%parallel_loop3A_709, %parallel_loop3A_710], %parallel_loop3A_705 {strides = array<i32>} : memref<96x512xf32, #tpu.memory_space<vmem>>, vector<16xf32>,
        %parallel_loop3A_712 = arith.constant 12240 : i32
        %parallel_loop3A_713 = tpu.memref_slice %arg8[%parallel_loop3A_712] : memref<26112xf32, #tpu.memory_space<vmem>> -> memref<272xf32, #tpu.memory_space<vmem>>
        %parallel_loop3A_714 = tpu.vector_load_idx %parallel_loop3A_713[%parallel_loop3A_306] : memref<272xf32, #tpu.memory_space<vmem>>[vector<16xi32>], vector<16xf32>,
        %parallel_loop3A_715 = arith.constant 16 : i32
        %parallel_loop3A_716 = arith.muli %parallel_loop3A_260, %parallel_loop3A_715 : i32
        %parallel_loop3A_717 = arith.constant 45 : i32
        %parallel_loop3A_718 = arith.index_cast %parallel_loop3A_717 : i32 to index
        %parallel_loop3A_719 = arith.index_cast %parallel_loop3A_716 : i32 to index
        %parallel_loop3A_720 = tpu.vector_load %arg11[%parallel_loop3A_718, %parallel_loop3A_719] {strides = array<i32>} : memref<96x512xf32, #tpu.memory_space<vmem>>, vector<16xf32>,
        tpu.vector_store %arg11[%parallel_loop3A_718, %parallel_loop3A_719], %parallel_loop3A_714 {strides = array<i32>} : memref<96x512xf32, #tpu.memory_space<vmem>>, vector<16xf32>,
        %parallel_loop3A_721 = arith.constant 12512 : i32
        %parallel_loop3A_722 = tpu.memref_slice %arg8[%parallel_loop3A_721] : memref<26112xf32, #tpu.memory_space<vmem>> -> memref<272xf32, #tpu.memory_space<vmem>>
        %parallel_loop3A_723 = tpu.vector_load_idx %parallel_loop3A_722[%parallel_loop3A_306] : memref<272xf32, #tpu.memory_space<vmem>>[vector<16xi32>], vector<16xf32>,
        %parallel_loop3A_724 = arith.constant 16 : i32
        %parallel_loop3A_725 = arith.muli %parallel_loop3A_260, %parallel_loop3A_724 : i32
        %parallel_loop3A_726 = arith.constant 46 : i32
        %parallel_loop3A_727 = arith.index_cast %parallel_loop3A_726 : i32 to index
        %parallel_loop3A_728 = arith.index_cast %parallel_loop3A_725 : i32 to index
        %parallel_loop3A_729 = tpu.vector_load %arg11[%parallel_loop3A_727, %parallel_loop3A_728] {strides = array<i32>} : memref<96x512xf32, #tpu.memory_space<vmem>>, vector<16xf32>,
        tpu.vector_store %arg11[%parallel_loop3A_727, %parallel_loop3A_728], %parallel_loop3A_723 {strides = array<i32>} : memref<96x512xf32, #tpu.memory_space<vmem>>, vector<16xf32>,
        %parallel_loop3A_730 = arith.constant 12784 : i32
        %parallel_loop3A_731 = tpu.memref_slice %arg8[%parallel_loop3A_730] : memref<26112xf32, #tpu.memory_space<vmem>> -> memref<272xf32, #tpu.memory_space<vmem>>
        %parallel_loop3A_732 = tpu.vector_load_idx %parallel_loop3A_731[%parallel_loop3A_306] : memref<272xf32, #tpu.memory_space<vmem>>[vector<16xi32>], vector<16xf32>,
        %parallel_loop3A_733 = arith.constant 16 : i32
        %parallel_loop3A_734 = arith.muli %parallel_loop3A_260, %parallel_loop3A_733 : i32
        %parallel_loop3A_735 = arith.constant 47 : i32
        %parallel_loop3A_736 = arith.index_cast %parallel_loop3A_735 : i32 to index
        %parallel_loop3A_737 = arith.index_cast %parallel_loop3A_734 : i32 to index
        %parallel_loop3A_738 = tpu.vector_load %arg11[%parallel_loop3A_736, %parallel_loop3A_737] {strides = array<i32>} : memref<96x512xf32, #tpu.memory_space<vmem>>, vector<16xf32>,
        tpu.vector_store %arg11[%parallel_loop3A_736, %parallel_loop3A_737], %parallel_loop3A_732 {strides = array<i32>} : memref<96x512xf32, #tpu.memory_space<vmem>>, vector<16xf32>,
        %parallel_loop3A_739 = arith.constant 13056 : i32
        %parallel_loop3A_740 = tpu.memref_slice %arg8[%parallel_loop3A_739] : memref<26112xf32, #tpu.memory_space<vmem>> -> memref<272xf32, #tpu.memory_space<vmem>>
        %parallel_loop3A_741 = tpu.vector_load_idx %parallel_loop3A_740[%parallel_loop3A_306] : memref<272xf32, #tpu.memory_space<vmem>>[vector<16xi32>], vector<16xf32>,
        %parallel_loop3A_742 = arith.constant 16 : i32
        %parallel_loop3A_743 = arith.muli %parallel_loop3A_260, %parallel_loop3A_742 : i32
        %parallel_loop3A_744 = arith.constant 48 : i32
        %parallel_loop3A_745 = arith.index_cast %parallel_loop3A_744 : i32 to index
        %parallel_loop3A_746 = arith.index_cast %parallel_loop3A_743 : i32 to index
        %parallel_loop3A_747 = tpu.vector_load %arg11[%parallel_loop3A_745, %parallel_loop3A_746] {strides = array<i32>} : memref<96x512xf32, #tpu.memory_space<vmem>>, vector<16xf32>,
        tpu.vector_store %arg11[%parallel_loop3A_745, %parallel_loop3A_746], %parallel_loop3A_741 {strides = array<i32>} : memref<96x512xf32, #tpu.memory_space<vmem>>, vector<16xf32>,
        %parallel_loop3A_748 = arith.constant 13328 : i32
        %parallel_loop3A_749 = tpu.memref_slice %arg8[%parallel_loop3A_748] : memref<26112xf32, #tpu.memory_space<vmem>> -> memref<272xf32, #tpu.memory_space<vmem>>
        %parallel_loop3A_750 = tpu.vector_load_idx %parallel_loop3A_749[%parallel_loop3A_306] : memref<272xf32, #tpu.memory_space<vmem>>[vector<16xi32>], vector<16xf32>,
        %parallel_loop3A_751 = arith.constant 16 : i32
        %parallel_loop3A_752 = arith.muli %parallel_loop3A_260, %parallel_loop3A_751 : i32
        %parallel_loop3A_753 = arith.constant 49 : i32
        %parallel_loop3A_754 = arith.index_cast %parallel_loop3A_753 : i32 to index
        %parallel_loop3A_755 = arith.index_cast %parallel_loop3A_752 : i32 to index
        %parallel_loop3A_756 = tpu.vector_load %arg11[%parallel_loop3A_754, %parallel_loop3A_755] {strides = array<i32>} : memref<96x512xf32, #tpu.memory_space<vmem>>, vector<16xf32>,
        tpu.vector_store %arg11[%parallel_loop3A_754, %parallel_loop3A_755], %parallel_loop3A_750 {strides = array<i32>} : memref<96x512xf32, #tpu.memory_space<vmem>>, vector<16xf32>,
        %parallel_loop3A_757 = arith.constant 13600 : i32
        %parallel_loop3A_758 = tpu.memref_slice %arg8[%parallel_loop3A_757] : memref<26112xf32, #tpu.memory_space<vmem>> -> memref<272xf32, #tpu.memory_space<vmem>>
        %parallel_loop3A_759 = tpu.vector_load_idx %parallel_loop3A_758[%parallel_loop3A_306] : memref<272xf32, #tpu.memory_space<vmem>>[vector<16xi32>], vector<16xf32>,
        %parallel_loop3A_760 = arith.constant 16 : i32
        %parallel_loop3A_761 = arith.muli %parallel_loop3A_260, %parallel_loop3A_760 : i32
        %parallel_loop3A_762 = arith.constant 50 : i32
        %parallel_loop3A_763 = arith.index_cast %parallel_loop3A_762 : i32 to index
        %parallel_loop3A_764 = arith.index_cast %parallel_loop3A_761 : i32 to index
        %parallel_loop3A_765 = tpu.vector_load %arg11[%parallel_loop3A_763, %parallel_loop3A_764] {strides = array<i32>} : memref<96x512xf32, #tpu.memory_space<vmem>>, vector<16xf32>,
        tpu.vector_store %arg11[%parallel_loop3A_763, %parallel_loop3A_764], %parallel_loop3A_759 {strides = array<i32>} : memref<96x512xf32, #tpu.memory_space<vmem>>, vector<16xf32>,
        %parallel_loop3A_766 = arith.constant 13872 : i32
        %parallel_loop3A_767 = tpu.memref_slice %arg8[%parallel_loop3A_766] : memref<26112xf32, #tpu.memory_space<vmem>> -> memref<272xf32, #tpu.memory_space<vmem>>
        %parallel_loop3A_768 = tpu.vector_load_idx %parallel_loop3A_767[%parallel_loop3A_306] : memref<272xf32, #tpu.memory_space<vmem>>[vector<16xi32>], vector<16xf32>,
        %parallel_loop3A_769 = arith.constant 16 : i32
        %parallel_loop3A_770 = arith.muli %parallel_loop3A_260, %parallel_loop3A_769 : i32
        %parallel_loop3A_771 = arith.constant 51 : i32
        %parallel_loop3A_772 = arith.index_cast %parallel_loop3A_771 : i32 to index
        %parallel_loop3A_773 = arith.index_cast %parallel_loop3A_770 : i32 to index
        %parallel_loop3A_774 = tpu.vector_load %arg11[%parallel_loop3A_772, %parallel_loop3A_773] {strides = array<i32>} : memref<96x512xf32, #tpu.memory_space<vmem>>, vector<16xf32>,
        tpu.vector_store %arg11[%parallel_loop3A_772, %parallel_loop3A_773], %parallel_loop3A_768 {strides = array<i32>} : memref<96x512xf32, #tpu.memory_space<vmem>>, vector<16xf32>,
        %parallel_loop3A_775 = arith.constant 14144 : i32
        %parallel_loop3A_776 = tpu.memref_slice %arg8[%parallel_loop3A_775] : memref<26112xf32, #tpu.memory_space<vmem>> -> memref<272xf32, #tpu.memory_space<vmem>>
        %parallel_loop3A_777 = tpu.vector_load_idx %parallel_loop3A_776[%parallel_loop3A_306] : memref<272xf32, #tpu.memory_space<vmem>>[vector<16xi32>], vector<16xf32>,
        %parallel_loop3A_778 = arith.constant 16 : i32
        %parallel_loop3A_779 = arith.muli %parallel_loop3A_260, %parallel_loop3A_778 : i32
        %parallel_loop3A_780 = arith.constant 52 : i32
        %parallel_loop3A_781 = arith.index_cast %parallel_loop3A_780 : i32 to index
        %parallel_loop3A_782 = arith.index_cast %parallel_loop3A_779 : i32 to index
        %parallel_loop3A_783 = tpu.vector_load %arg11[%parallel_loop3A_781, %parallel_loop3A_782] {strides = array<i32>} : memref<96x512xf32, #tpu.memory_space<vmem>>, vector<16xf32>,
        tpu.vector_store %arg11[%parallel_loop3A_781, %parallel_loop3A_782], %parallel_loop3A_777 {strides = array<i32>} : memref<96x512xf32, #tpu.memory_space<vmem>>, vector<16xf32>,
        %parallel_loop3A_784 = arith.constant 14416 : i32
        %parallel_loop3A_785 = tpu.memref_slice %arg8[%parallel_loop3A_784] : memref<26112xf32, #tpu.memory_space<vmem>> -> memref<272xf32, #tpu.memory_space<vmem>>
        %parallel_loop3A_786 = tpu.vector_load_idx %parallel_loop3A_785[%parallel_loop3A_306] : memref<272xf32, #tpu.memory_space<vmem>>[vector<16xi32>], vector<16xf32>,
        %parallel_loop3A_787 = arith.constant 16 : i32
        %parallel_loop3A_788 = arith.muli %parallel_loop3A_260, %parallel_loop3A_787 : i32
        %parallel_loop3A_789 = arith.constant 53 : i32
        %parallel_loop3A_790 = arith.index_cast %parallel_loop3A_789 : i32 to index
        %parallel_loop3A_791 = arith.index_cast %parallel_loop3A_788 : i32 to index
        %parallel_loop3A_792 = tpu.vector_load %arg11[%parallel_loop3A_790, %parallel_loop3A_791] {strides = array<i32>} : memref<96x512xf32, #tpu.memory_space<vmem>>, vector<16xf32>,
        tpu.vector_store %arg11[%parallel_loop3A_790, %parallel_loop3A_791], %parallel_loop3A_786 {strides = array<i32>} : memref<96x512xf32, #tpu.memory_space<vmem>>, vector<16xf32>,
        %parallel_loop3A_793 = arith.constant 14688 : i32
        %parallel_loop3A_794 = tpu.memref_slice %arg8[%parallel_loop3A_793] : memref<26112xf32, #tpu.memory_space<vmem>> -> memref<272xf32, #tpu.memory_space<vmem>>
        %parallel_loop3A_795 = tpu.vector_load_idx %parallel_loop3A_794[%parallel_loop3A_306] : memref<272xf32, #tpu.memory_space<vmem>>[vector<16xi32>], vector<16xf32>,
        %parallel_loop3A_796 = arith.constant 16 : i32
        %parallel_loop3A_797 = arith.muli %parallel_loop3A_260, %parallel_loop3A_796 : i32
        %parallel_loop3A_798 = arith.constant 54 : i32
        %parallel_loop3A_799 = arith.index_cast %parallel_loop3A_798 : i32 to index
        %parallel_loop3A_800 = arith.index_cast %parallel_loop3A_797 : i32 to index
        %parallel_loop3A_801 = tpu.vector_load %arg11[%parallel_loop3A_799, %parallel_loop3A_800] {strides = array<i32>} : memref<96x512xf32, #tpu.memory_space<vmem>>, vector<16xf32>,
        tpu.vector_store %arg11[%parallel_loop3A_799, %parallel_loop3A_800], %parallel_loop3A_795 {strides = array<i32>} : memref<96x512xf32, #tpu.memory_space<vmem>>, vector<16xf32>,
        %parallel_loop3A_802 = arith.constant 14960 : i32
        %parallel_loop3A_803 = tpu.memref_slice %arg8[%parallel_loop3A_802] : memref<26112xf32, #tpu.memory_space<vmem>> -> memref<272xf32, #tpu.memory_space<vmem>>
        %parallel_loop3A_804 = tpu.vector_load_idx %parallel_loop3A_803[%parallel_loop3A_306] : memref<272xf32, #tpu.memory_space<vmem>>[vector<16xi32>], vector<16xf32>,
        %parallel_loop3A_805 = arith.constant 16 : i32
        %parallel_loop3A_806 = arith.muli %parallel_loop3A_260, %parallel_loop3A_805 : i32
        %parallel_loop3A_807 = arith.constant 55 : i32
        %parallel_loop3A_808 = arith.index_cast %parallel_loop3A_807 : i32 to index
        %parallel_loop3A_809 = arith.index_cast %parallel_loop3A_806 : i32 to index
        %parallel_loop3A_810 = tpu.vector_load %arg11[%parallel_loop3A_808, %parallel_loop3A_809] {strides = array<i32>} : memref<96x512xf32, #tpu.memory_space<vmem>>, vector<16xf32>,
        tpu.vector_store %arg11[%parallel_loop3A_808, %parallel_loop3A_809], %parallel_loop3A_804 {strides = array<i32>} : memref<96x512xf32, #tpu.memory_space<vmem>>, vector<16xf32>,
        %parallel_loop3A_811 = arith.constant 15232 : i32
        %parallel_loop3A_812 = tpu.memref_slice %arg8[%parallel_loop3A_811] : memref<26112xf32, #tpu.memory_space<vmem>> -> memref<272xf32, #tpu.memory_space<vmem>>
        %parallel_loop3A_813 = tpu.vector_load_idx %parallel_loop3A_812[%parallel_loop3A_306] : memref<272xf32, #tpu.memory_space<vmem>>[vector<16xi32>], vector<16xf32>,
        %parallel_loop3A_814 = arith.constant 16 : i32
        %parallel_loop3A_815 = arith.muli %parallel_loop3A_260, %parallel_loop3A_814 : i32
        %parallel_loop3A_816 = arith.constant 56 : i32
        %parallel_loop3A_817 = arith.index_cast %parallel_loop3A_816 : i32 to index
        %parallel_loop3A_818 = arith.index_cast %parallel_loop3A_815 : i32 to index
        %parallel_loop3A_819 = tpu.vector_load %arg11[%parallel_loop3A_817, %parallel_loop3A_818] {strides = array<i32>} : memref<96x512xf32, #tpu.memory_space<vmem>>, vector<16xf32>,
        tpu.vector_store %arg11[%parallel_loop3A_817, %parallel_loop3A_818], %parallel_loop3A_813 {strides = array<i32>} : memref<96x512xf32, #tpu.memory_space<vmem>>, vector<16xf32>,
        %parallel_loop3A_820 = arith.constant 15504 : i32
        %parallel_loop3A_821 = tpu.memref_slice %arg8[%parallel_loop3A_820] : memref<26112xf32, #tpu.memory_space<vmem>> -> memref<272xf32, #tpu.memory_space<vmem>>
        %parallel_loop3A_822 = tpu.vector_load_idx %parallel_loop3A_821[%parallel_loop3A_306] : memref<272xf32, #tpu.memory_space<vmem>>[vector<16xi32>], vector<16xf32>,
        %parallel_loop3A_823 = arith.constant 16 : i32
        %parallel_loop3A_824 = arith.muli %parallel_loop3A_260, %parallel_loop3A_823 : i32
        %parallel_loop3A_825 = arith.constant 57 : i32
        %parallel_loop3A_826 = arith.index_cast %parallel_loop3A_825 : i32 to index
        %parallel_loop3A_827 = arith.index_cast %parallel_loop3A_824 : i32 to index
        %parallel_loop3A_828 = tpu.vector_load %arg11[%parallel_loop3A_826, %parallel_loop3A_827] {strides = array<i32>} : memref<96x512xf32, #tpu.memory_space<vmem>>, vector<16xf32>,
        tpu.vector_store %arg11[%parallel_loop3A_826, %parallel_loop3A_827], %parallel_loop3A_822 {strides = array<i32>} : memref<96x512xf32, #tpu.memory_space<vmem>>, vector<16xf32>,
        %parallel_loop3A_829 = arith.constant 15776 : i32
        %parallel_loop3A_830 = tpu.memref_slice %arg8[%parallel_loop3A_829] : memref<26112xf32, #tpu.memory_space<vmem>> -> memref<272xf32, #tpu.memory_space<vmem>>
        %parallel_loop3A_831 = tpu.vector_load_idx %parallel_loop3A_830[%parallel_loop3A_306] : memref<272xf32, #tpu.memory_space<vmem>>[vector<16xi32>], vector<16xf32>,
        %parallel_loop3A_832 = arith.constant 16 : i32
        %parallel_loop3A_833 = arith.muli %parallel_loop3A_260, %parallel_loop3A_832 : i32
        %parallel_loop3A_834 = arith.constant 58 : i32
        %parallel_loop3A_835 = arith.index_cast %parallel_loop3A_834 : i32 to index
        %parallel_loop3A_836 = arith.index_cast %parallel_loop3A_833 : i32 to index
        %parallel_loop3A_837 = tpu.vector_load %arg11[%parallel_loop3A_835, %parallel_loop3A_836] {strides = array<i32>} : memref<96x512xf32, #tpu.memory_space<vmem>>, vector<16xf32>,
        tpu.vector_store %arg11[%parallel_loop3A_835, %parallel_loop3A_836], %parallel_loop3A_831 {strides = array<i32>} : memref<96x512xf32, #tpu.memory_space<vmem>>, vector<16xf32>,
        %parallel_loop3A_838 = arith.constant 16048 : i32
        %parallel_loop3A_839 = tpu.memref_slice %arg8[%parallel_loop3A_838] : memref<26112xf32, #tpu.memory_space<vmem>> -> memref<272xf32, #tpu.memory_space<vmem>>
        %parallel_loop3A_840 = tpu.vector_load_idx %parallel_loop3A_839[%parallel_loop3A_306] : memref<272xf32, #tpu.memory_space<vmem>>[vector<16xi32>], vector<16xf32>,
        %parallel_loop3A_841 = arith.constant 16 : i32
        %parallel_loop3A_842 = arith.muli %parallel_loop3A_260, %parallel_loop3A_841 : i32
        %parallel_loop3A_843 = arith.constant 59 : i32
        %parallel_loop3A_844 = arith.index_cast %parallel_loop3A_843 : i32 to index
        %parallel_loop3A_845 = arith.index_cast %parallel_loop3A_842 : i32 to index
        %parallel_loop3A_846 = tpu.vector_load %arg11[%parallel_loop3A_844, %parallel_loop3A_845] {strides = array<i32>} : memref<96x512xf32, #tpu.memory_space<vmem>>, vector<16xf32>,
        tpu.vector_store %arg11[%parallel_loop3A_844, %parallel_loop3A_845], %parallel_loop3A_840 {strides = array<i32>} : memref<96x512xf32, #tpu.memory_space<vmem>>, vector<16xf32>,
        %parallel_loop3A_847 = arith.constant 16320 : i32
        %parallel_loop3A_848 = tpu.memref_slice %arg8[%parallel_loop3A_847] : memref<26112xf32, #tpu.memory_space<vmem>> -> memref<272xf32, #tpu.memory_space<vmem>>
        %parallel_loop3A_849 = tpu.vector_load_idx %parallel_loop3A_848[%parallel_loop3A_306] : memref<272xf32, #tpu.memory_space<vmem>>[vector<16xi32>], vector<16xf32>,
        %parallel_loop3A_850 = arith.constant 16 : i32
        %parallel_loop3A_851 = arith.muli %parallel_loop3A_260, %parallel_loop3A_850 : i32
        %parallel_loop3A_852 = arith.constant 60 : i32
        %parallel_loop3A_853 = arith.index_cast %parallel_loop3A_852 : i32 to index
        %parallel_loop3A_854 = arith.index_cast %parallel_loop3A_851 : i32 to index
        %parallel_loop3A_855 = tpu.vector_load %arg11[%parallel_loop3A_853, %parallel_loop3A_854] {strides = array<i32>} : memref<96x512xf32, #tpu.memory_space<vmem>>, vector<16xf32>,
        tpu.vector_store %arg11[%parallel_loop3A_853, %parallel_loop3A_854], %parallel_loop3A_849 {strides = array<i32>} : memref<96x512xf32, #tpu.memory_space<vmem>>, vector<16xf32>,
        %parallel_loop3A_856 = arith.constant 16592 : i32
        %parallel_loop3A_857 = tpu.memref_slice %arg8[%parallel_loop3A_856] : memref<26112xf32, #tpu.memory_space<vmem>> -> memref<272xf32, #tpu.memory_space<vmem>>
        %parallel_loop3A_858 = tpu.vector_load_idx %parallel_loop3A_857[%parallel_loop3A_306] : memref<272xf32, #tpu.memory_space<vmem>>[vector<16xi32>], vector<16xf32>,
        %parallel_loop3A_859 = arith.constant 16 : i32
        %parallel_loop3A_860 = arith.muli %parallel_loop3A_260, %parallel_loop3A_859 : i32
        %parallel_loop3A_861 = arith.constant 61 : i32
        %parallel_loop3A_862 = arith.index_cast %parallel_loop3A_861 : i32 to index
        %parallel_loop3A_863 = arith.index_cast %parallel_loop3A_860 : i32 to index
        %parallel_loop3A_864 = tpu.vector_load %arg11[%parallel_loop3A_862, %parallel_loop3A_863] {strides = array<i32>} : memref<96x512xf32, #tpu.memory_space<vmem>>, vector<16xf32>,
        tpu.vector_store %arg11[%parallel_loop3A_862, %parallel_loop3A_863], %parallel_loop3A_858 {strides = array<i32>} : memref<96x512xf32, #tpu.memory_space<vmem>>, vector<16xf32>,
        %parallel_loop3A_865 = arith.constant 16864 : i32
        %parallel_loop3A_866 = tpu.memref_slice %arg8[%parallel_loop3A_865] : memref<26112xf32, #tpu.memory_space<vmem>> -> memref<272xf32, #tpu.memory_space<vmem>>
        %parallel_loop3A_867 = tpu.vector_load_idx %parallel_loop3A_866[%parallel_loop3A_306] : memref<272xf32, #tpu.memory_space<vmem>>[vector<16xi32>], vector<16xf32>,
        %parallel_loop3A_868 = arith.constant 16 : i32
        %parallel_loop3A_869 = arith.muli %parallel_loop3A_260, %parallel_loop3A_868 : i32
        %parallel_loop3A_870 = arith.constant 62 : i32
        %parallel_loop3A_871 = arith.index_cast %parallel_loop3A_870 : i32 to index
        %parallel_loop3A_872 = arith.index_cast %parallel_loop3A_869 : i32 to index
        %parallel_loop3A_873 = tpu.vector_load %arg11[%parallel_loop3A_871, %parallel_loop3A_872] {strides = array<i32>} : memref<96x512xf32, #tpu.memory_space<vmem>>, vector<16xf32>,
        tpu.vector_store %arg11[%parallel_loop3A_871, %parallel_loop3A_872], %parallel_loop3A_867 {strides = array<i32>} : memref<96x512xf32, #tpu.memory_space<vmem>>, vector<16xf32>,
        %parallel_loop3A_874 = arith.constant 17136 : i32
        %parallel_loop3A_875 = tpu.memref_slice %arg8[%parallel_loop3A_874] : memref<26112xf32, #tpu.memory_space<vmem>> -> memref<272xf32, #tpu.memory_space<vmem>>
        %parallel_loop3A_876 = tpu.vector_load_idx %parallel_loop3A_875[%parallel_loop3A_306] : memref<272xf32, #tpu.memory_space<vmem>>[vector<16xi32>], vector<16xf32>,
        %parallel_loop3A_877 = arith.constant 16 : i32
        %parallel_loop3A_878 = arith.muli %parallel_loop3A_260, %parallel_loop3A_877 : i32
        %parallel_loop3A_879 = arith.constant 63 : i32
        %parallel_loop3A_880 = arith.index_cast %parallel_loop3A_879 : i32 to index
        %parallel_loop3A_881 = arith.index_cast %parallel_loop3A_878 : i32 to index
        %parallel_loop3A_882 = tpu.vector_load %arg11[%parallel_loop3A_880, %parallel_loop3A_881] {strides = array<i32>} : memref<96x512xf32, #tpu.memory_space<vmem>>, vector<16xf32>,
        tpu.vector_store %arg11[%parallel_loop3A_880, %parallel_loop3A_881], %parallel_loop3A_876 {strides = array<i32>} : memref<96x512xf32, #tpu.memory_space<vmem>>, vector<16xf32>,
        %parallel_loop3A_883 = arith.constant 17408 : i32
        %parallel_loop3A_884 = tpu.memref_slice %arg8[%parallel_loop3A_883] : memref<26112xf32, #tpu.memory_space<vmem>> -> memref<272xf32, #tpu.memory_space<vmem>>
        %parallel_loop3A_885 = tpu.vector_load_idx %parallel_loop3A_884[%parallel_loop3A_306] : memref<272xf32, #tpu.memory_space<vmem>>[vector<16xi32>], vector<16xf32>,
        %parallel_loop3A_886 = arith.constant 16 : i32
        %parallel_loop3A_887 = arith.muli %parallel_loop3A_260, %parallel_loop3A_886 : i32
        %parallel_loop3A_888 = arith.constant 64 : i32
        %parallel_loop3A_889 = arith.index_cast %parallel_loop3A_888 : i32 to index
        %parallel_loop3A_890 = arith.index_cast %parallel_loop3A_887 : i32 to index
        %parallel_loop3A_891 = tpu.vector_load %arg11[%parallel_loop3A_889, %parallel_loop3A_890] {strides = array<i32>} : memref<96x512xf32, #tpu.memory_space<vmem>>, vector<16xf32>,
        tpu.vector_store %arg11[%parallel_loop3A_889, %parallel_loop3A_890], %parallel_loop3A_885 {strides = array<i32>} : memref<96x512xf32, #tpu.memory_space<vmem>>, vector<16xf32>,
        %parallel_loop3A_892 = arith.constant 17680 : i32
        %parallel_loop3A_893 = tpu.memref_slice %arg8[%parallel_loop3A_892] : memref<26112xf32, #tpu.memory_space<vmem>> -> memref<272xf32, #tpu.memory_space<vmem>>
        %parallel_loop3A_894 = tpu.vector_load_idx %parallel_loop3A_893[%parallel_loop3A_306] : memref<272xf32, #tpu.memory_space<vmem>>[vector<16xi32>], vector<16xf32>,
        %parallel_loop3A_895 = arith.constant 16 : i32
        %parallel_loop3A_896 = arith.muli %parallel_loop3A_260, %parallel_loop3A_895 : i32
        %parallel_loop3A_897 = arith.constant 65 : i32
        %parallel_loop3A_898 = arith.index_cast %parallel_loop3A_897 : i32 to index
        %parallel_loop3A_899 = arith.index_cast %parallel_loop3A_896 : i32 to index
        %parallel_loop3A_900 = tpu.vector_load %arg11[%parallel_loop3A_898, %parallel_loop3A_899] {strides = array<i32>} : memref<96x512xf32, #tpu.memory_space<vmem>>, vector<16xf32>,
        tpu.vector_store %arg11[%parallel_loop3A_898, %parallel_loop3A_899], %parallel_loop3A_894 {strides = array<i32>} : memref<96x512xf32, #tpu.memory_space<vmem>>, vector<16xf32>,
        %parallel_loop3A_901 = arith.constant 17952 : i32
        %parallel_loop3A_902 = tpu.memref_slice %arg8[%parallel_loop3A_901] : memref<26112xf32, #tpu.memory_space<vmem>> -> memref<272xf32, #tpu.memory_space<vmem>>
        %parallel_loop3A_903 = tpu.vector_load_idx %parallel_loop3A_902[%parallel_loop3A_306] : memref<272xf32, #tpu.memory_space<vmem>>[vector<16xi32>], vector<16xf32>,
        %parallel_loop3A_904 = arith.constant 16 : i32
        %parallel_loop3A_905 = arith.muli %parallel_loop3A_260, %parallel_loop3A_904 : i32
        %parallel_loop3A_906 = arith.constant 66 : i32
        %parallel_loop3A_907 = arith.index_cast %parallel_loop3A_906 : i32 to index
        %parallel_loop3A_908 = arith.index_cast %parallel_loop3A_905 : i32 to index
        %parallel_loop3A_909 = tpu.vector_load %arg11[%parallel_loop3A_907, %parallel_loop3A_908] {strides = array<i32>} : memref<96x512xf32, #tpu.memory_space<vmem>>, vector<16xf32>,
        tpu.vector_store %arg11[%parallel_loop3A_907, %parallel_loop3A_908], %parallel_loop3A_903 {strides = array<i32>} : memref<96x512xf32, #tpu.memory_space<vmem>>, vector<16xf32>,
        %parallel_loop3A_910 = arith.constant 18224 : i32
        %parallel_loop3A_911 = tpu.memref_slice %arg8[%parallel_loop3A_910] : memref<26112xf32, #tpu.memory_space<vmem>> -> memref<272xf32, #tpu.memory_space<vmem>>
        %parallel_loop3A_912 = tpu.vector_load_idx %parallel_loop3A_911[%parallel_loop3A_306] : memref<272xf32, #tpu.memory_space<vmem>>[vector<16xi32>], vector<16xf32>,
        %parallel_loop3A_913 = arith.constant 16 : i32
        %parallel_loop3A_914 = arith.muli %parallel_loop3A_260, %parallel_loop3A_913 : i32
        %parallel_loop3A_915 = arith.constant 67 : i32
        %parallel_loop3A_916 = arith.index_cast %parallel_loop3A_915 : i32 to index
        %parallel_loop3A_917 = arith.index_cast %parallel_loop3A_914 : i32 to index
        %parallel_loop3A_918 = tpu.vector_load %arg11[%parallel_loop3A_916, %parallel_loop3A_917] {strides = array<i32>} : memref<96x512xf32, #tpu.memory_space<vmem>>, vector<16xf32>,
        tpu.vector_store %arg11[%parallel_loop3A_916, %parallel_loop3A_917], %parallel_loop3A_912 {strides = array<i32>} : memref<96x512xf32, #tpu.memory_space<vmem>>, vector<16xf32>,
        %parallel_loop3A_919 = arith.constant 18496 : i32
        %parallel_loop3A_920 = tpu.memref_slice %arg8[%parallel_loop3A_919] : memref<26112xf32, #tpu.memory_space<vmem>> -> memref<272xf32, #tpu.memory_space<vmem>>
        %parallel_loop3A_921 = tpu.vector_load_idx %parallel_loop3A_920[%parallel_loop3A_306] : memref<272xf32, #tpu.memory_space<vmem>>[vector<16xi32>], vector<16xf32>,
        %parallel_loop3A_922 = arith.constant 16 : i32
        %parallel_loop3A_923 = arith.muli %parallel_loop3A_260, %parallel_loop3A_922 : i32
        %parallel_loop3A_924 = arith.constant 68 : i32
        %parallel_loop3A_925 = arith.index_cast %parallel_loop3A_924 : i32 to index
        %parallel_loop3A_926 = arith.index_cast %parallel_loop3A_923 : i32 to index
        %parallel_loop3A_927 = tpu.vector_load %arg11[%parallel_loop3A_925, %parallel_loop3A_926] {strides = array<i32>} : memref<96x512xf32, #tpu.memory_space<vmem>>, vector<16xf32>,
        tpu.vector_store %arg11[%parallel_loop3A_925, %parallel_loop3A_926], %parallel_loop3A_921 {strides = array<i32>} : memref<96x512xf32, #tpu.memory_space<vmem>>, vector<16xf32>,
        %parallel_loop3A_928 = arith.constant 18768 : i32
        %parallel_loop3A_929 = tpu.memref_slice %arg8[%parallel_loop3A_928] : memref<26112xf32, #tpu.memory_space<vmem>> -> memref<272xf32, #tpu.memory_space<vmem>>
        %parallel_loop3A_930 = tpu.vector_load_idx %parallel_loop3A_929[%parallel_loop3A_306] : memref<272xf32, #tpu.memory_space<vmem>>[vector<16xi32>], vector<16xf32>,
        %parallel_loop3A_931 = arith.constant 16 : i32
        %parallel_loop3A_932 = arith.muli %parallel_loop3A_260, %parallel_loop3A_931 : i32
        %parallel_loop3A_933 = arith.constant 69 : i32
        %parallel_loop3A_934 = arith.index_cast %parallel_loop3A_933 : i32 to index
        %parallel_loop3A_935 = arith.index_cast %parallel_loop3A_932 : i32 to index
        %parallel_loop3A_936 = tpu.vector_load %arg11[%parallel_loop3A_934, %parallel_loop3A_935] {strides = array<i32>} : memref<96x512xf32, #tpu.memory_space<vmem>>, vector<16xf32>,
        tpu.vector_store %arg11[%parallel_loop3A_934, %parallel_loop3A_935], %parallel_loop3A_930 {strides = array<i32>} : memref<96x512xf32, #tpu.memory_space<vmem>>, vector<16xf32>,
        %parallel_loop3A_937 = arith.constant 19040 : i32
        %parallel_loop3A_938 = tpu.memref_slice %arg8[%parallel_loop3A_937] : memref<26112xf32, #tpu.memory_space<vmem>> -> memref<272xf32, #tpu.memory_space<vmem>>
        %parallel_loop3A_939 = tpu.vector_load_idx %parallel_loop3A_938[%parallel_loop3A_306] : memref<272xf32, #tpu.memory_space<vmem>>[vector<16xi32>], vector<16xf32>,
        %parallel_loop3A_940 = arith.constant 16 : i32
        %parallel_loop3A_941 = arith.muli %parallel_loop3A_260, %parallel_loop3A_940 : i32
        %parallel_loop3A_942 = arith.constant 70 : i32
        %parallel_loop3A_943 = arith.index_cast %parallel_loop3A_942 : i32 to index
        %parallel_loop3A_944 = arith.index_cast %parallel_loop3A_941 : i32 to index
        %parallel_loop3A_945 = tpu.vector_load %arg11[%parallel_loop3A_943, %parallel_loop3A_944] {strides = array<i32>} : memref<96x512xf32, #tpu.memory_space<vmem>>, vector<16xf32>,
        tpu.vector_store %arg11[%parallel_loop3A_943, %parallel_loop3A_944], %parallel_loop3A_939 {strides = array<i32>} : memref<96x512xf32, #tpu.memory_space<vmem>>, vector<16xf32>,
        %parallel_loop3A_946 = arith.constant 19312 : i32
        %parallel_loop3A_947 = tpu.memref_slice %arg8[%parallel_loop3A_946] : memref<26112xf32, #tpu.memory_space<vmem>> -> memref<272xf32, #tpu.memory_space<vmem>>
        %parallel_loop3A_948 = tpu.vector_load_idx %parallel_loop3A_947[%parallel_loop3A_306] : memref<272xf32, #tpu.memory_space<vmem>>[vector<16xi32>], vector<16xf32>,
        %parallel_loop3A_949 = arith.constant 16 : i32
        %parallel_loop3A_950 = arith.muli %parallel_loop3A_260, %parallel_loop3A_949 : i32
        %parallel_loop3A_951 = arith.constant 71 : i32
        %parallel_loop3A_952 = arith.index_cast %parallel_loop3A_951 : i32 to index
        %parallel_loop3A_953 = arith.index_cast %parallel_loop3A_950 : i32 to index
        %parallel_loop3A_954 = tpu.vector_load %arg11[%parallel_loop3A_952, %parallel_loop3A_953] {strides = array<i32>} : memref<96x512xf32, #tpu.memory_space<vmem>>, vector<16xf32>,
        tpu.vector_store %arg11[%parallel_loop3A_952, %parallel_loop3A_953], %parallel_loop3A_948 {strides = array<i32>} : memref<96x512xf32, #tpu.memory_space<vmem>>, vector<16xf32>,
        %parallel_loop3A_955 = arith.constant 19584 : i32
        %parallel_loop3A_956 = tpu.memref_slice %arg8[%parallel_loop3A_955] : memref<26112xf32, #tpu.memory_space<vmem>> -> memref<272xf32, #tpu.memory_space<vmem>>
        %parallel_loop3A_957 = tpu.vector_load_idx %parallel_loop3A_956[%parallel_loop3A_306] : memref<272xf32, #tpu.memory_space<vmem>>[vector<16xi32>], vector<16xf32>,
        %parallel_loop3A_958 = arith.constant 16 : i32
        %parallel_loop3A_959 = arith.muli %parallel_loop3A_260, %parallel_loop3A_958 : i32
        %parallel_loop3A_960 = arith.constant 72 : i32
        %parallel_loop3A_961 = arith.index_cast %parallel_loop3A_960 : i32 to index
        %parallel_loop3A_962 = arith.index_cast %parallel_loop3A_959 : i32 to index
        %parallel_loop3A_963 = tpu.vector_load %arg11[%parallel_loop3A_961, %parallel_loop3A_962] {strides = array<i32>} : memref<96x512xf32, #tpu.memory_space<vmem>>, vector<16xf32>,
        tpu.vector_store %arg11[%parallel_loop3A_961, %parallel_loop3A_962], %parallel_loop3A_957 {strides = array<i32>} : memref<96x512xf32, #tpu.memory_space<vmem>>, vector<16xf32>,
        %parallel_loop3A_964 = arith.constant 19856 : i32
        %parallel_loop3A_965 = tpu.memref_slice %arg8[%parallel_loop3A_964] : memref<26112xf32, #tpu.memory_space<vmem>> -> memref<272xf32, #tpu.memory_space<vmem>>
        %parallel_loop3A_966 = tpu.vector_load_idx %parallel_loop3A_965[%parallel_loop3A_306] : memref<272xf32, #tpu.memory_space<vmem>>[vector<16xi32>], vector<16xf32>,
        %parallel_loop3A_967 = arith.constant 16 : i32
        %parallel_loop3A_968 = arith.muli %parallel_loop3A_260, %parallel_loop3A_967 : i32
        %parallel_loop3A_969 = arith.constant 73 : i32
        %parallel_loop3A_970 = arith.index_cast %parallel_loop3A_969 : i32 to index
        %parallel_loop3A_971 = arith.index_cast %parallel_loop3A_968 : i32 to index
        %parallel_loop3A_972 = tpu.vector_load %arg11[%parallel_loop3A_970, %parallel_loop3A_971] {strides = array<i32>} : memref<96x512xf32, #tpu.memory_space<vmem>>, vector<16xf32>,
        tpu.vector_store %arg11[%parallel_loop3A_970, %parallel_loop3A_971], %parallel_loop3A_966 {strides = array<i32>} : memref<96x512xf32, #tpu.memory_space<vmem>>, vector<16xf32>,
        %parallel_loop3A_973 = arith.constant 20128 : i32
        %parallel_loop3A_974 = tpu.memref_slice %arg8[%parallel_loop3A_973] : memref<26112xf32, #tpu.memory_space<vmem>> -> memref<272xf32, #tpu.memory_space<vmem>>
        %parallel_loop3A_975 = tpu.vector_load_idx %parallel_loop3A_974[%parallel_loop3A_306] : memref<272xf32, #tpu.memory_space<vmem>>[vector<16xi32>], vector<16xf32>,
        %parallel_loop3A_976 = arith.constant 16 : i32
        %parallel_loop3A_977 = arith.muli %parallel_loop3A_260, %parallel_loop3A_976 : i32
        %parallel_loop3A_978 = arith.constant 74 : i32
        %parallel_loop3A_979 = arith.index_cast %parallel_loop3A_978 : i32 to index
        %parallel_loop3A_980 = arith.index_cast %parallel_loop3A_977 : i32 to index
        %parallel_loop3A_981 = tpu.vector_load %arg11[%parallel_loop3A_979, %parallel_loop3A_980] {strides = array<i32>} : memref<96x512xf32, #tpu.memory_space<vmem>>, vector<16xf32>,
        tpu.vector_store %arg11[%parallel_loop3A_979, %parallel_loop3A_980], %parallel_loop3A_975 {strides = array<i32>} : memref<96x512xf32, #tpu.memory_space<vmem>>, vector<16xf32>,
        %parallel_loop3A_982 = arith.constant 20400 : i32
        %parallel_loop3A_983 = tpu.memref_slice %arg8[%parallel_loop3A_982] : memref<26112xf32, #tpu.memory_space<vmem>> -> memref<272xf32, #tpu.memory_space<vmem>>
        %parallel_loop3A_984 = tpu.vector_load_idx %parallel_loop3A_983[%parallel_loop3A_306] : memref<272xf32, #tpu.memory_space<vmem>>[vector<16xi32>], vector<16xf32>,
        %parallel_loop3A_985 = arith.constant 16 : i32
        %parallel_loop3A_986 = arith.muli %parallel_loop3A_260, %parallel_loop3A_985 : i32
        %parallel_loop3A_987 = arith.constant 75 : i32
        %parallel_loop3A_988 = arith.index_cast %parallel_loop3A_987 : i32 to index
        %parallel_loop3A_989 = arith.index_cast %parallel_loop3A_986 : i32 to index
        %parallel_loop3A_990 = tpu.vector_load %arg11[%parallel_loop3A_988, %parallel_loop3A_989] {strides = array<i32>} : memref<96x512xf32, #tpu.memory_space<vmem>>, vector<16xf32>,
        tpu.vector_store %arg11[%parallel_loop3A_988, %parallel_loop3A_989], %parallel_loop3A_984 {strides = array<i32>} : memref<96x512xf32, #tpu.memory_space<vmem>>, vector<16xf32>,
        %parallel_loop3A_991 = arith.constant 20672 : i32
        %parallel_loop3A_992 = tpu.memref_slice %arg8[%parallel_loop3A_991] : memref<26112xf32, #tpu.memory_space<vmem>> -> memref<272xf32, #tpu.memory_space<vmem>>
        %parallel_loop3A_993 = tpu.vector_load_idx %parallel_loop3A_992[%parallel_loop3A_306] : memref<272xf32, #tpu.memory_space<vmem>>[vector<16xi32>], vector<16xf32>,
        %parallel_loop3A_994 = arith.constant 16 : i32
        %parallel_loop3A_995 = arith.muli %parallel_loop3A_260, %parallel_loop3A_994 : i32
        %parallel_loop3A_996 = arith.constant 76 : i32
        %parallel_loop3A_997 = arith.index_cast %parallel_loop3A_996 : i32 to index
        %parallel_loop3A_998 = arith.index_cast %parallel_loop3A_995 : i32 to index
        %parallel_loop3A_999 = tpu.vector_load %arg11[%parallel_loop3A_997, %parallel_loop3A_998] {strides = array<i32>} : memref<96x512xf32, #tpu.memory_space<vmem>>, vector<16xf32>,
        tpu.vector_store %arg11[%parallel_loop3A_997, %parallel_loop3A_998], %parallel_loop3A_993 {strides = array<i32>} : memref<96x512xf32, #tpu.memory_space<vmem>>, vector<16xf32>,
        %parallel_loop3A_1000 = arith.constant 20944 : i32
        %parallel_loop3A_1001 = tpu.memref_slice %arg8[%parallel_loop3A_1000] : memref<26112xf32, #tpu.memory_space<vmem>> -> memref<272xf32, #tpu.memory_space<vmem>>
        %parallel_loop3A_1002 = tpu.vector_load_idx %parallel_loop3A_1001[%parallel_loop3A_306] : memref<272xf32, #tpu.memory_space<vmem>>[vector<16xi32>], vector<16xf32>,
        %parallel_loop3A_1003 = arith.constant 16 : i32
        %parallel_loop3A_1004 = arith.muli %parallel_loop3A_260, %parallel_loop3A_1003 : i32
        %parallel_loop3A_1005 = arith.constant 77 : i32
        %parallel_loop3A_1006 = arith.index_cast %parallel_loop3A_1005 : i32 to index
        %parallel_loop3A_1007 = arith.index_cast %parallel_loop3A_1004 : i32 to index
        %parallel_loop3A_1008 = tpu.vector_load %arg11[%parallel_loop3A_1006, %parallel_loop3A_1007] {strides = array<i32>} : memref<96x512xf32, #tpu.memory_space<vmem>>, vector<16xf32>,
        tpu.vector_store %arg11[%parallel_loop3A_1006, %parallel_loop3A_1007], %parallel_loop3A_1002 {strides = array<i32>} : memref<96x512xf32, #tpu.memory_space<vmem>>, vector<16xf32>,
        %parallel_loop3A_1009 = arith.constant 21216 : i32
        %parallel_loop3A_1010 = tpu.memref_slice %arg8[%parallel_loop3A_1009] : memref<26112xf32, #tpu.memory_space<vmem>> -> memref<272xf32, #tpu.memory_space<vmem>>
        %parallel_loop3A_1011 = tpu.vector_load_idx %parallel_loop3A_1010[%parallel_loop3A_306] : memref<272xf32, #tpu.memory_space<vmem>>[vector<16xi32>], vector<16xf32>,
        %parallel_loop3A_1012 = arith.constant 16 : i32
        %parallel_loop3A_1013 = arith.muli %parallel_loop3A_260, %parallel_loop3A_1012 : i32
        %parallel_loop3A_1014 = arith.constant 78 : i32
        %parallel_loop3A_1015 = arith.index_cast %parallel_loop3A_1014 : i32 to index
        %parallel_loop3A_1016 = arith.index_cast %parallel_loop3A_1013 : i32 to index
        %parallel_loop3A_1017 = tpu.vector_load %arg11[%parallel_loop3A_1015, %parallel_loop3A_1016] {strides = array<i32>} : memref<96x512xf32, #tpu.memory_space<vmem>>, vector<16xf32>,
        tpu.vector_store %arg11[%parallel_loop3A_1015, %parallel_loop3A_1016], %parallel_loop3A_1011 {strides = array<i32>} : memref<96x512xf32, #tpu.memory_space<vmem>>, vector<16xf32>,
        %parallel_loop3A_1018 = arith.constant 21488 : i32
        %parallel_loop3A_1019 = tpu.memref_slice %arg8[%parallel_loop3A_1018] : memref<26112xf32, #tpu.memory_space<vmem>> -> memref<272xf32, #tpu.memory_space<vmem>>
        %parallel_loop3A_1020 = tpu.vector_load_idx %parallel_loop3A_1019[%parallel_loop3A_306] : memref<272xf32, #tpu.memory_space<vmem>>[vector<16xi32>], vector<16xf32>,
        %parallel_loop3A_1021 = arith.constant 16 : i32
        %parallel_loop3A_1022 = arith.muli %parallel_loop3A_260, %parallel_loop3A_1021 : i32
        %parallel_loop3A_1023 = arith.constant 79 : i32
        %parallel_loop3A_1024 = arith.index_cast %parallel_loop3A_1023 : i32 to index
        %parallel_loop3A_1025 = arith.index_cast %parallel_loop3A_1022 : i32 to index
        %parallel_loop3A_1026 = tpu.vector_load %arg11[%parallel_loop3A_1024, %parallel_loop3A_1025] {strides = array<i32>} : memref<96x512xf32, #tpu.memory_space<vmem>>, vector<16xf32>,
        tpu.vector_store %arg11[%parallel_loop3A_1024, %parallel_loop3A_1025], %parallel_loop3A_1020 {strides = array<i32>} : memref<96x512xf32, #tpu.memory_space<vmem>>, vector<16xf32>,
        %parallel_loop3A_1027 = arith.constant 21760 : i32
        %parallel_loop3A_1028 = tpu.memref_slice %arg8[%parallel_loop3A_1027] : memref<26112xf32, #tpu.memory_space<vmem>> -> memref<272xf32, #tpu.memory_space<vmem>>
        %parallel_loop3A_1029 = tpu.vector_load_idx %parallel_loop3A_1028[%parallel_loop3A_306] : memref<272xf32, #tpu.memory_space<vmem>>[vector<16xi32>], vector<16xf32>,
        %parallel_loop3A_1030 = arith.constant 16 : i32
        %parallel_loop3A_1031 = arith.muli %parallel_loop3A_260, %parallel_loop3A_1030 : i32
        %parallel_loop3A_1032 = arith.constant 80 : i32
        %parallel_loop3A_1033 = arith.index_cast %parallel_loop3A_1032 : i32 to index
        %parallel_loop3A_1034 = arith.index_cast %parallel_loop3A_1031 : i32 to index
        %parallel_loop3A_1035 = tpu.vector_load %arg11[%parallel_loop3A_1033, %parallel_loop3A_1034] {strides = array<i32>} : memref<96x512xf32, #tpu.memory_space<vmem>>, vector<16xf32>,
        tpu.vector_store %arg11[%parallel_loop3A_1033, %parallel_loop3A_1034], %parallel_loop3A_1029 {strides = array<i32>} : memref<96x512xf32, #tpu.memory_space<vmem>>, vector<16xf32>,
        %parallel_loop3A_1036 = arith.constant 22032 : i32
        %parallel_loop3A_1037 = tpu.memref_slice %arg8[%parallel_loop3A_1036] : memref<26112xf32, #tpu.memory_space<vmem>> -> memref<272xf32, #tpu.memory_space<vmem>>
        %parallel_loop3A_1038 = tpu.vector_load_idx %parallel_loop3A_1037[%parallel_loop3A_306] : memref<272xf32, #tpu.memory_space<vmem>>[vector<16xi32>], vector<16xf32>,
        %parallel_loop3A_1039 = arith.constant 16 : i32
        %parallel_loop3A_1040 = arith.muli %parallel_loop3A_260, %parallel_loop3A_1039 : i32
        %parallel_loop3A_1041 = arith.constant 81 : i32
        %parallel_loop3A_1042 = arith.index_cast %parallel_loop3A_1041 : i32 to index
        %parallel_loop3A_1043 = arith.index_cast %parallel_loop3A_1040 : i32 to index
        %parallel_loop3A_1044 = tpu.vector_load %arg11[%parallel_loop3A_1042, %parallel_loop3A_1043] {strides = array<i32>} : memref<96x512xf32, #tpu.memory_space<vmem>>, vector<16xf32>,
        tpu.vector_store %arg11[%parallel_loop3A_1042, %parallel_loop3A_1043], %parallel_loop3A_1038 {strides = array<i32>} : memref<96x512xf32, #tpu.memory_space<vmem>>, vector<16xf32>,
        %parallel_loop3A_1045 = arith.constant 22304 : i32
        %parallel_loop3A_1046 = tpu.memref_slice %arg8[%parallel_loop3A_1045] : memref<26112xf32, #tpu.memory_space<vmem>> -> memref<272xf32, #tpu.memory_space<vmem>>
        %parallel_loop3A_1047 = tpu.vector_load_idx %parallel_loop3A_1046[%parallel_loop3A_306] : memref<272xf32, #tpu.memory_space<vmem>>[vector<16xi32>], vector<16xf32>,
        %parallel_loop3A_1048 = arith.constant 16 : i32
        %parallel_loop3A_1049 = arith.muli %parallel_loop3A_260, %parallel_loop3A_1048 : i32
        %parallel_loop3A_1050 = arith.constant 82 : i32
        %parallel_loop3A_1051 = arith.index_cast %parallel_loop3A_1050 : i32 to index
        %parallel_loop3A_1052 = arith.index_cast %parallel_loop3A_1049 : i32 to index
        %parallel_loop3A_1053 = tpu.vector_load %arg11[%parallel_loop3A_1051, %parallel_loop3A_1052] {strides = array<i32>} : memref<96x512xf32, #tpu.memory_space<vmem>>, vector<16xf32>,
        tpu.vector_store %arg11[%parallel_loop3A_1051, %parallel_loop3A_1052], %parallel_loop3A_1047 {strides = array<i32>} : memref<96x512xf32, #tpu.memory_space<vmem>>, vector<16xf32>,
        %parallel_loop3A_1054 = arith.constant 22576 : i32
        %parallel_loop3A_1055 = tpu.memref_slice %arg8[%parallel_loop3A_1054] : memref<26112xf32, #tpu.memory_space<vmem>> -> memref<272xf32, #tpu.memory_space<vmem>>
        %parallel_loop3A_1056 = tpu.vector_load_idx %parallel_loop3A_1055[%parallel_loop3A_306] : memref<272xf32, #tpu.memory_space<vmem>>[vector<16xi32>], vector<16xf32>,
        %parallel_loop3A_1057 = arith.constant 16 : i32
        %parallel_loop3A_1058 = arith.muli %parallel_loop3A_260, %parallel_loop3A_1057 : i32
        %parallel_loop3A_1059 = arith.constant 83 : i32
        %parallel_loop3A_1060 = arith.index_cast %parallel_loop3A_1059 : i32 to index
        %parallel_loop3A_1061 = arith.index_cast %parallel_loop3A_1058 : i32 to index
        %parallel_loop3A_1062 = tpu.vector_load %arg11[%parallel_loop3A_1060, %parallel_loop3A_1061] {strides = array<i32>} : memref<96x512xf32, #tpu.memory_space<vmem>>, vector<16xf32>,
        tpu.vector_store %arg11[%parallel_loop3A_1060, %parallel_loop3A_1061], %parallel_loop3A_1056 {strides = array<i32>} : memref<96x512xf32, #tpu.memory_space<vmem>>, vector<16xf32>,
        %parallel_loop3A_1063 = arith.constant 22848 : i32
        %parallel_loop3A_1064 = tpu.memref_slice %arg8[%parallel_loop3A_1063] : memref<26112xf32, #tpu.memory_space<vmem>> -> memref<272xf32, #tpu.memory_space<vmem>>
        %parallel_loop3A_1065 = tpu.vector_load_idx %parallel_loop3A_1064[%parallel_loop3A_306] : memref<272xf32, #tpu.memory_space<vmem>>[vector<16xi32>], vector<16xf32>,
        %parallel_loop3A_1066 = arith.constant 16 : i32
        %parallel_loop3A_1067 = arith.muli %parallel_loop3A_260, %parallel_loop3A_1066 : i32
        %parallel_loop3A_1068 = arith.constant 84 : i32
        %parallel_loop3A_1069 = arith.index_cast %parallel_loop3A_1068 : i32 to index
        %parallel_loop3A_1070 = arith.index_cast %parallel_loop3A_1067 : i32 to index
        %parallel_loop3A_1071 = tpu.vector_load %arg11[%parallel_loop3A_1069, %parallel_loop3A_1070] {strides = array<i32>} : memref<96x512xf32, #tpu.memory_space<vmem>>, vector<16xf32>,
        tpu.vector_store %arg11[%parallel_loop3A_1069, %parallel_loop3A_1070], %parallel_loop3A_1065 {strides = array<i32>} : memref<96x512xf32, #tpu.memory_space<vmem>>, vector<16xf32>,
        %parallel_loop3A_1072 = arith.constant 23120 : i32
        %parallel_loop3A_1073 = tpu.memref_slice %arg8[%parallel_loop3A_1072] : memref<26112xf32, #tpu.memory_space<vmem>> -> memref<272xf32, #tpu.memory_space<vmem>>
        %parallel_loop3A_1074 = tpu.vector_load_idx %parallel_loop3A_1073[%parallel_loop3A_306] : memref<272xf32, #tpu.memory_space<vmem>>[vector<16xi32>], vector<16xf32>,
        %parallel_loop3A_1075 = arith.constant 16 : i32
        %parallel_loop3A_1076 = arith.muli %parallel_loop3A_260, %parallel_loop3A_1075 : i32
        %parallel_loop3A_1077 = arith.constant 85 : i32
        %parallel_loop3A_1078 = arith.index_cast %parallel_loop3A_1077 : i32 to index
        %parallel_loop3A_1079 = arith.index_cast %parallel_loop3A_1076 : i32 to index
        %parallel_loop3A_1080 = tpu.vector_load %arg11[%parallel_loop3A_1078, %parallel_loop3A_1079] {strides = array<i32>} : memref<96x512xf32, #tpu.memory_space<vmem>>, vector<16xf32>,
        tpu.vector_store %arg11[%parallel_loop3A_1078, %parallel_loop3A_1079], %parallel_loop3A_1074 {strides = array<i32>} : memref<96x512xf32, #tpu.memory_space<vmem>>, vector<16xf32>,
        %parallel_loop3A_1081 = arith.constant 23392 : i32
        %parallel_loop3A_1082 = tpu.memref_slice %arg8[%parallel_loop3A_1081] : memref<26112xf32, #tpu.memory_space<vmem>> -> memref<272xf32, #tpu.memory_space<vmem>>
        %parallel_loop3A_1083 = tpu.vector_load_idx %parallel_loop3A_1082[%parallel_loop3A_306] : memref<272xf32, #tpu.memory_space<vmem>>[vector<16xi32>], vector<16xf32>,
        %parallel_loop3A_1084 = arith.constant 16 : i32
        %parallel_loop3A_1085 = arith.muli %parallel_loop3A_260, %parallel_loop3A_1084 : i32
        %parallel_loop3A_1086 = arith.constant 86 : i32
        %parallel_loop3A_1087 = arith.index_cast %parallel_loop3A_1086 : i32 to index
        %parallel_loop3A_1088 = arith.index_cast %parallel_loop3A_1085 : i32 to index
        %parallel_loop3A_1089 = tpu.vector_load %arg11[%parallel_loop3A_1087, %parallel_loop3A_1088] {strides = array<i32>} : memref<96x512xf32, #tpu.memory_space<vmem>>, vector<16xf32>,
        tpu.vector_store %arg11[%parallel_loop3A_1087, %parallel_loop3A_1088], %parallel_loop3A_1083 {strides = array<i32>} : memref<96x512xf32, #tpu.memory_space<vmem>>, vector<16xf32>,
        %parallel_loop3A_1090 = arith.constant 23664 : i32
        %parallel_loop3A_1091 = tpu.memref_slice %arg8[%parallel_loop3A_1090] : memref<26112xf32, #tpu.memory_space<vmem>> -> memref<272xf32, #tpu.memory_space<vmem>>
        %parallel_loop3A_1092 = tpu.vector_load_idx %parallel_loop3A_1091[%parallel_loop3A_306] : memref<272xf32, #tpu.memory_space<vmem>>[vector<16xi32>], vector<16xf32>,
        %parallel_loop3A_1093 = arith.constant 16 : i32
        %parallel_loop3A_1094 = arith.muli %parallel_loop3A_260, %parallel_loop3A_1093 : i32
        %parallel_loop3A_1095 = arith.constant 87 : i32
        %parallel_loop3A_1096 = arith.index_cast %parallel_loop3A_1095 : i32 to index
        %parallel_loop3A_1097 = arith.index_cast %parallel_loop3A_1094 : i32 to index
        %parallel_loop3A_1098 = tpu.vector_load %arg11[%parallel_loop3A_1096, %parallel_loop3A_1097] {strides = array<i32>} : memref<96x512xf32, #tpu.memory_space<vmem>>, vector<16xf32>,
        tpu.vector_store %arg11[%parallel_loop3A_1096, %parallel_loop3A_1097], %parallel_loop3A_1092 {strides = array<i32>} : memref<96x512xf32, #tpu.memory_space<vmem>>, vector<16xf32>,
        %parallel_loop3A_1099 = arith.constant 23936 : i32
        %parallel_loop3A_1100 = tpu.memref_slice %arg8[%parallel_loop3A_1099] : memref<26112xf32, #tpu.memory_space<vmem>> -> memref<272xf32, #tpu.memory_space<vmem>>
        %parallel_loop3A_1101 = tpu.vector_load_idx %parallel_loop3A_1100[%parallel_loop3A_306] : memref<272xf32, #tpu.memory_space<vmem>>[vector<16xi32>], vector<16xf32>,
        %parallel_loop3A_1102 = arith.constant 16 : i32
        %parallel_loop3A_1103 = arith.muli %parallel_loop3A_260, %parallel_loop3A_1102 : i32
        %parallel_loop3A_1104 = arith.constant 88 : i32
        %parallel_loop3A_1105 = arith.index_cast %parallel_loop3A_1104 : i32 to index
        %parallel_loop3A_1106 = arith.index_cast %parallel_loop3A_1103 : i32 to index
        %parallel_loop3A_1107 = tpu.vector_load %arg11[%parallel_loop3A_1105, %parallel_loop3A_1106] {strides = array<i32>} : memref<96x512xf32, #tpu.memory_space<vmem>>, vector<16xf32>,
        tpu.vector_store %arg11[%parallel_loop3A_1105, %parallel_loop3A_1106], %parallel_loop3A_1101 {strides = array<i32>} : memref<96x512xf32, #tpu.memory_space<vmem>>, vector<16xf32>,
        %parallel_loop3A_1108 = arith.constant 24208 : i32
        %parallel_loop3A_1109 = tpu.memref_slice %arg8[%parallel_loop3A_1108] : memref<26112xf32, #tpu.memory_space<vmem>> -> memref<272xf32, #tpu.memory_space<vmem>>
        %parallel_loop3A_1110 = tpu.vector_load_idx %parallel_loop3A_1109[%parallel_loop3A_306] : memref<272xf32, #tpu.memory_space<vmem>>[vector<16xi32>], vector<16xf32>,
        %parallel_loop3A_1111 = arith.constant 16 : i32
        %parallel_loop3A_1112 = arith.muli %parallel_loop3A_260, %parallel_loop3A_1111 : i32
        %parallel_loop3A_1113 = arith.constant 89 : i32
        %parallel_loop3A_1114 = arith.index_cast %parallel_loop3A_1113 : i32 to index
        %parallel_loop3A_1115 = arith.index_cast %parallel_loop3A_1112 : i32 to index
        %parallel_loop3A_1116 = tpu.vector_load %arg11[%parallel_loop3A_1114, %parallel_loop3A_1115] {strides = array<i32>} : memref<96x512xf32, #tpu.memory_space<vmem>>, vector<16xf32>,
        tpu.vector_store %arg11[%parallel_loop3A_1114, %parallel_loop3A_1115], %parallel_loop3A_1110 {strides = array<i32>} : memref<96x512xf32, #tpu.memory_space<vmem>>, vector<16xf32>,
        %parallel_loop3A_1117 = arith.constant 24480 : i32
        %parallel_loop3A_1118 = tpu.memref_slice %arg8[%parallel_loop3A_1117] : memref<26112xf32, #tpu.memory_space<vmem>> -> memref<272xf32, #tpu.memory_space<vmem>>
        %parallel_loop3A_1119 = tpu.vector_load_idx %parallel_loop3A_1118[%parallel_loop3A_306] : memref<272xf32, #tpu.memory_space<vmem>>[vector<16xi32>], vector<16xf32>,
        %parallel_loop3A_1120 = arith.constant 16 : i32
        %parallel_loop3A_1121 = arith.muli %parallel_loop3A_260, %parallel_loop3A_1120 : i32
        %parallel_loop3A_1122 = arith.constant 90 : i32
        %parallel_loop3A_1123 = arith.index_cast %parallel_loop3A_1122 : i32 to index
        %parallel_loop3A_1124 = arith.index_cast %parallel_loop3A_1121 : i32 to index
        %parallel_loop3A_1125 = tpu.vector_load %arg11[%parallel_loop3A_1123, %parallel_loop3A_1124] {strides = array<i32>} : memref<96x512xf32, #tpu.memory_space<vmem>>, vector<16xf32>,
        tpu.vector_store %arg11[%parallel_loop3A_1123, %parallel_loop3A_1124], %parallel_loop3A_1119 {strides = array<i32>} : memref<96x512xf32, #tpu.memory_space<vmem>>, vector<16xf32>,
        %parallel_loop3A_1126 = arith.constant 24752 : i32
        %parallel_loop3A_1127 = tpu.memref_slice %arg8[%parallel_loop3A_1126] : memref<26112xf32, #tpu.memory_space<vmem>> -> memref<272xf32, #tpu.memory_space<vmem>>
        %parallel_loop3A_1128 = tpu.vector_load_idx %parallel_loop3A_1127[%parallel_loop3A_306] : memref<272xf32, #tpu.memory_space<vmem>>[vector<16xi32>], vector<16xf32>,
        %parallel_loop3A_1129 = arith.constant 16 : i32
        %parallel_loop3A_1130 = arith.muli %parallel_loop3A_260, %parallel_loop3A_1129 : i32
        %parallel_loop3A_1131 = arith.constant 91 : i32
        %parallel_loop3A_1132 = arith.index_cast %parallel_loop3A_1131 : i32 to index
        %parallel_loop3A_1133 = arith.index_cast %parallel_loop3A_1130 : i32 to index
        %parallel_loop3A_1134 = tpu.vector_load %arg11[%parallel_loop3A_1132, %parallel_loop3A_1133] {strides = array<i32>} : memref<96x512xf32, #tpu.memory_space<vmem>>, vector<16xf32>,
        tpu.vector_store %arg11[%parallel_loop3A_1132, %parallel_loop3A_1133], %parallel_loop3A_1128 {strides = array<i32>} : memref<96x512xf32, #tpu.memory_space<vmem>>, vector<16xf32>,
        %parallel_loop3A_1135 = arith.constant 25024 : i32
        %parallel_loop3A_1136 = tpu.memref_slice %arg8[%parallel_loop3A_1135] : memref<26112xf32, #tpu.memory_space<vmem>> -> memref<272xf32, #tpu.memory_space<vmem>>
        %parallel_loop3A_1137 = tpu.vector_load_idx %parallel_loop3A_1136[%parallel_loop3A_306] : memref<272xf32, #tpu.memory_space<vmem>>[vector<16xi32>], vector<16xf32>,
        %parallel_loop3A_1138 = arith.constant 16 : i32
        %parallel_loop3A_1139 = arith.muli %parallel_loop3A_260, %parallel_loop3A_1138 : i32
        %parallel_loop3A_1140 = arith.constant 92 : i32
        %parallel_loop3A_1141 = arith.index_cast %parallel_loop3A_1140 : i32 to index
        %parallel_loop3A_1142 = arith.index_cast %parallel_loop3A_1139 : i32 to index
        %parallel_loop3A_1143 = tpu.vector_load %arg11[%parallel_loop3A_1141, %parallel_loop3A_1142] {strides = array<i32>} : memref<96x512xf32, #tpu.memory_space<vmem>>, vector<16xf32>,
        tpu.vector_store %arg11[%parallel_loop3A_1141, %parallel_loop3A_1142], %parallel_loop3A_1137 {strides = array<i32>} : memref<96x512xf32, #tpu.memory_space<vmem>>, vector<16xf32>,
        %parallel_loop3A_1144 = arith.constant 25296 : i32
        %parallel_loop3A_1145 = tpu.memref_slice %arg8[%parallel_loop3A_1144] : memref<26112xf32, #tpu.memory_space<vmem>> -> memref<272xf32, #tpu.memory_space<vmem>>
        %parallel_loop3A_1146 = tpu.vector_load_idx %parallel_loop3A_1145[%parallel_loop3A_306] : memref<272xf32, #tpu.memory_space<vmem>>[vector<16xi32>], vector<16xf32>,
        %parallel_loop3A_1147 = arith.constant 16 : i32
        %parallel_loop3A_1148 = arith.muli %parallel_loop3A_260, %parallel_loop3A_1147 : i32
        %parallel_loop3A_1149 = arith.constant 93 : i32
        %parallel_loop3A_1150 = arith.index_cast %parallel_loop3A_1149 : i32 to index
        %parallel_loop3A_1151 = arith.index_cast %parallel_loop3A_1148 : i32 to index
        %parallel_loop3A_1152 = tpu.vector_load %arg11[%parallel_loop3A_1150, %parallel_loop3A_1151] {strides = array<i32>} : memref<96x512xf32, #tpu.memory_space<vmem>>, vector<16xf32>,
        tpu.vector_store %arg11[%parallel_loop3A_1150, %parallel_loop3A_1151], %parallel_loop3A_1146 {strides = array<i32>} : memref<96x512xf32, #tpu.memory_space<vmem>>, vector<16xf32>,
        %parallel_loop3A_1153 = arith.constant 25568 : i32
        %parallel_loop3A_1154 = tpu.memref_slice %arg8[%parallel_loop3A_1153] : memref<26112xf32, #tpu.memory_space<vmem>> -> memref<272xf32, #tpu.memory_space<vmem>>
        %parallel_loop3A_1155 = tpu.vector_load_idx %parallel_loop3A_1154[%parallel_loop3A_306] : memref<272xf32, #tpu.memory_space<vmem>>[vector<16xi32>], vector<16xf32>,
        %parallel_loop3A_1156 = arith.constant 16 : i32
        %parallel_loop3A_1157 = arith.muli %parallel_loop3A_260, %parallel_loop3A_1156 : i32
        %parallel_loop3A_1158 = arith.constant 94 : i32
        %parallel_loop3A_1159 = arith.index_cast %parallel_loop3A_1158 : i32 to index
        %parallel_loop3A_1160 = arith.index_cast %parallel_loop3A_1157 : i32 to index
        %parallel_loop3A_1161 = tpu.vector_load %arg11[%parallel_loop3A_1159, %parallel_loop3A_1160] {strides = array<i32>} : memref<96x512xf32, #tpu.memory_space<vmem>>, vector<16xf32>,
        tpu.vector_store %arg11[%parallel_loop3A_1159, %parallel_loop3A_1160], %parallel_loop3A_1155 {strides = array<i32>} : memref<96x512xf32, #tpu.memory_space<vmem>>, vector<16xf32>,
        %parallel_loop3A_1162 = arith.constant 25840 : i32
        %parallel_loop3A_1163 = tpu.memref_slice %arg8[%parallel_loop3A_1162] : memref<26112xf32, #tpu.memory_space<vmem>> -> memref<272xf32, #tpu.memory_space<vmem>>
        %parallel_loop3A_1164 = tpu.vector_load_idx %parallel_loop3A_1163[%parallel_loop3A_306] : memref<272xf32, #tpu.memory_space<vmem>>[vector<16xi32>], vector<16xf32>,
        %parallel_loop3A_1165 = arith.constant 16 : i32
        %parallel_loop3A_1166 = arith.muli %parallel_loop3A_260, %parallel_loop3A_1165 : i32
        %parallel_loop3A_1167 = arith.constant 95 : i32
        %parallel_loop3A_1168 = arith.index_cast %parallel_loop3A_1167 : i32 to index
        %parallel_loop3A_1169 = arith.index_cast %parallel_loop3A_1166 : i32 to index
        %parallel_loop3A_1170 = tpu.vector_load %arg11[%parallel_loop3A_1168, %parallel_loop3A_1169] {strides = array<i32>} : memref<96x512xf32, #tpu.memory_space<vmem>>, vector<16xf32>,
        tpu.vector_store %arg11[%parallel_loop3A_1168, %parallel_loop3A_1169], %parallel_loop3A_1164 {strides = array<i32>} : memref<96x512xf32, #tpu.memory_space<vmem>>, vector<16xf32>,
      } {sc.loop_unroll_factor = 1 : i64, sc.parallel_access}
      %mul3A_156 = arith.constant 32 : i32
      %mul3A_157 = arith.muli %add3A_84, %mul3A_156 : i32
      %add3A_158 = arith.addi %add3A, %mul3A_157 : i32
      %min3A_159 = arith.constant 1562 : i32
      %min3A_160 = arith.minsi %add3A_158, %min3A_159 : i32
      %mul3A_161 = arith.constant 512 : i32
      %mul3A_162 = arith.muli %min3A_160, %mul3A_161 : i32
      %min3A_163 = arith.constant 799488 : i32
      %min3A_164 = arith.minsi %mul3A_162, %min3A_163 : i32
      %dma_start3A_165 = arith.constant 0 : i32
      %dma_start3A_166 = tpu.memref_slice %arg7[%dma_start3A_165, %min3A_164] : memref<96x800000xf32, #tpu.memory_space<hbm>> -> memref<96x512xf32, #tpu.memory_space<hbm>>
      %dma_start3A_167 = arith.constant 0 : i32
      %dma_start3A_168 = tpu.memref_slice %arg7[%dma_start3A_167, %min3A_164] : memref<96x800000xf32, #tpu.memory_space<hbm>> -> memref<96x512xf32, #tpu.memory_space<hbm>>
      tpu.enqueue_dma source(%arg11 : memref<96x512xf32, #tpu.memory_space<vmem>>) target(%dma_start3A_168 : memref<96x512xf32, #tpu.memory_space<hbm>>) target_semaphore(%arg15 : memref<!tpu.dma_semaphore, #tpu.memory_space<semaphore_mem>>)
      %add3A_169 = arith.constant 1 : i32
      %add3A_170 = arith.addi %add3A_82, %add3A_169 : i32
      %add3A_171 = arith.constant 1 : i32
      %add3A_172 = arith.addi %add3A_170, %add3A_171 : i32
      %mul3A_173 = arith.constant 32 : i32
      %mul3A_174 = arith.muli %add3A_172, %mul3A_173 : i32
      %add3A_175 = arith.addi %add3A, %mul3A_174 : i32
      %min3A_176 = arith.constant 1562 : i32
      %min3A_177 = arith.minsi %add3A_175, %min3A_176 : i32
      %mul3A_178 = arith.constant 512 : i32
      %mul3A_179 = arith.muli %min3A_177, %mul3A_178 : i32
      %min3A_180 = arith.constant 799488 : i32
      %min3A_181 = arith.minsi %mul3A_179, %min3A_180 : i32
      %dma_start3A_182 = arith.constant 0 : i32
      %dma_start3A_183 = tpu.memref_slice %arg9[%dma_start3A_182] : memref<2048xi32, #tpu.memory_space<vmem>> -> memref<512xi32, #tpu.memory_space<vmem>>
      %dma_start3A_184 = tpu.memref_slice %arg2[%min3A_181] : memref<800000xi32, #tpu.memory_space<hbm>> -> memref<512xi32, #tpu.memory_space<hbm>>
      %dma_start3A_185 = arith.constant 0 : i32
      %dma_start3A_186 = tpu.memref_slice %arg9[%dma_start3A_185] : memref<2048xi32, #tpu.memory_space<vmem>> -> memref<512xi32, #tpu.memory_space<vmem>>
      %dma_start3A_187 = tpu.memref_slice %arg2[%min3A_181] : memref<800000xi32, #tpu.memory_space<hbm>> -> memref<512xi32, #tpu.memory_space<hbm>>
      tpu.enqueue_dma source(%dma_start3A_187 : memref<512xi32, #tpu.memory_space<hbm>>) target(%dma_start3A_186 : memref<512xi32, #tpu.memory_space<vmem>>) target_semaphore(%arg13 : memref<!tpu.dma_semaphore, #tpu.memory_space<semaphore_mem>>)
      %dma_start3A_188 = arith.constant 512 : i32
      %dma_start3A_189 = tpu.memref_slice %arg9[%dma_start3A_188] : memref<2048xi32, #tpu.memory_space<vmem>> -> memref<512xi32, #tpu.memory_space<vmem>>
      %dma_start3A_190 = tpu.memref_slice %arg3[%min3A_181] : memref<800000xi32, #tpu.memory_space<hbm>> -> memref<512xi32, #tpu.memory_space<hbm>>
      %dma_start3A_191 = arith.constant 512 : i32
      %dma_start3A_192 = tpu.memref_slice %arg9[%dma_start3A_191] : memref<2048xi32, #tpu.memory_space<vmem>> -> memref<512xi32, #tpu.memory_space<vmem>>
      %dma_start3A_193 = tpu.memref_slice %arg3[%min3A_181] : memref<800000xi32, #tpu.memory_space<hbm>> -> memref<512xi32, #tpu.memory_space<hbm>>
      tpu.enqueue_dma source(%dma_start3A_193 : memref<512xi32, #tpu.memory_space<hbm>>) target(%dma_start3A_192 : memref<512xi32, #tpu.memory_space<vmem>>) target_semaphore(%arg13 : memref<!tpu.dma_semaphore, #tpu.memory_space<semaphore_mem>>)
      %dma_start3A_194 = arith.constant 1024 : i32
      %dma_start3A_195 = tpu.memref_slice %arg9[%dma_start3A_194] : memref<2048xi32, #tpu.memory_space<vmem>> -> memref<512xi32, #tpu.memory_space<vmem>>
      %dma_start3A_196 = tpu.memref_slice %arg4[%min3A_181] : memref<800000xi32, #tpu.memory_space<hbm>> -> memref<512xi32, #tpu.memory_space<hbm>>
      %dma_start3A_197 = arith.constant 1024 : i32
      %dma_start3A_198 = tpu.memref_slice %arg9[%dma_start3A_197] : memref<2048xi32, #tpu.memory_space<vmem>> -> memref<512xi32, #tpu.memory_space<vmem>>
      %dma_start3A_199 = tpu.memref_slice %arg4[%min3A_181] : memref<800000xi32, #tpu.memory_space<hbm>> -> memref<512xi32, #tpu.memory_space<hbm>>
      tpu.enqueue_dma source(%dma_start3A_199 : memref<512xi32, #tpu.memory_space<hbm>>) target(%dma_start3A_198 : memref<512xi32, #tpu.memory_space<vmem>>) target_semaphore(%arg13 : memref<!tpu.dma_semaphore, #tpu.memory_space<semaphore_mem>>)
      %dma_start3A_200 = arith.constant 1536 : i32
      %dma_start3A_201 = tpu.memref_slice %arg9[%dma_start3A_200] : memref<2048xi32, #tpu.memory_space<vmem>> -> memref<512xi32, #tpu.memory_space<vmem>>
      %dma_start3A_202 = tpu.memref_slice %arg5[%min3A_181] : memref<800000xi32, #tpu.memory_space<hbm>> -> memref<512xi32, #tpu.memory_space<hbm>>
      %dma_start3A_203 = arith.constant 1536 : i32
      %dma_start3A_204 = tpu.memref_slice %arg9[%dma_start3A_203] : memref<2048xi32, #tpu.memory_space<vmem>> -> memref<512xi32, #tpu.memory_space<vmem>>
      %dma_start3A_205 = tpu.memref_slice %arg5[%min3A_181] : memref<800000xi32, #tpu.memory_space<hbm>> -> memref<512xi32, #tpu.memory_space<hbm>>
      tpu.enqueue_dma source(%dma_start3A_205 : memref<512xi32, #tpu.memory_space<hbm>>) target(%dma_start3A_204 : memref<512xi32, #tpu.memory_space<vmem>>) target_semaphore(%arg13 : memref<!tpu.dma_semaphore, #tpu.memory_space<semaphore_mem>>)
      %dma_wait3A_206 = arith.constant 0 : i32
      %dma_wait3A_207 = tpu.memref_slice %arg10[%dma_wait3A_206] : memref<2048xi32, #tpu.memory_space<vmem>> -> memref<512xi32, #tpu.memory_space<vmem>>
      %dma_wait3A_208 = arith.constant 0 : i32
      %dma_wait3A_209 = tpu.memref_slice %arg2[%dma_wait3A_208] : memref<800000xi32, #tpu.memory_space<hbm>> -> memref<512xi32, #tpu.memory_space<hbm>>
      %dma_wait3A_210 = arith.constant 0 : i32
      %dma_wait3A_211 = tpu.memref_slice %arg10[%dma_wait3A_210] : memref<2048xi32, #tpu.memory_space<vmem>> -> memref<512xi32, #tpu.memory_space<vmem>>
      %dma_wait3A_212 = arith.constant 0 : i32
      %dma_wait3A_213 = tpu.memref_slice %arg2[%dma_wait3A_212] : memref<800000xi32, #tpu.memory_space<hbm>> -> memref<512xi32, #tpu.memory_space<hbm>>
      tpu.wait_dma2 semaphore(%arg14 : memref<!tpu.dma_semaphore, #tpu.memory_space<semaphore_mem>>) src(%dma_wait3A_213 : memref<512xi32, #tpu.memory_space<hbm>>) dst(%dma_wait3A_211 : memref<512xi32, #tpu.memory_space<vmem>>)
      %dma_wait3A_214 = arith.constant 0 : i32
      %dma_wait3A_215 = tpu.memref_slice %arg10[%dma_wait3A_214] : memref<2048xi32, #tpu.memory_space<vmem>> -> memref<512xi32, #tpu.memory_space<vmem>>
      %dma_wait3A_216 = arith.constant 0 : i32
      %dma_wait3A_217 = tpu.memref_slice %arg2[%dma_wait3A_216] : memref<800000xi32, #tpu.memory_space<hbm>> -> memref<512xi32, #tpu.memory_space<hbm>>
      %dma_wait3A_218 = arith.constant 0 : i32
      %dma_wait3A_219 = tpu.memref_slice %arg10[%dma_wait3A_218] : memref<2048xi32, #tpu.memory_space<vmem>> -> memref<512xi32, #tpu.memory_space<vmem>>
      %dma_wait3A_220 = arith.constant 0 : i32
      %dma_wait3A_221 = tpu.memref_slice %arg2[%dma_wait3A_220] : memref<800000xi32, #tpu.memory_space<hbm>> -> memref<512xi32, #tpu.memory_space<hbm>>
      tpu.wait_dma2 semaphore(%arg14 : memref<!tpu.dma_semaphore, #tpu.memory_space<semaphore_mem>>) src(%dma_wait3A_221 : memref<512xi32, #tpu.memory_space<hbm>>) dst(%dma_wait3A_219 : memref<512xi32, #tpu.memory_space<vmem>>)
      %dma_wait3A_222 = arith.constant 0 : i32
      %dma_wait3A_223 = tpu.memref_slice %arg10[%dma_wait3A_222] : memref<2048xi32, #tpu.memory_space<vmem>> -> memref<512xi32, #tpu.memory_space<vmem>>
      %dma_wait3A_224 = arith.constant 0 : i32
      %dma_wait3A_225 = tpu.memref_slice %arg2[%dma_wait3A_224] : memref<800000xi32, #tpu.memory_space<hbm>> -> memref<512xi32, #tpu.memory_space<hbm>>
      %dma_wait3A_226 = arith.constant 0 : i32
      %dma_wait3A_227 = tpu.memref_slice %arg10[%dma_wait3A_226] : memref<2048xi32, #tpu.memory_space<vmem>> -> memref<512xi32, #tpu.memory_space<vmem>>
      %dma_wait3A_228 = arith.constant 0 : i32
      %dma_wait3A_229 = tpu.memref_slice %arg2[%dma_wait3A_228] : memref<800000xi32, #tpu.memory_space<hbm>> -> memref<512xi32, #tpu.memory_space<hbm>>
      tpu.wait_dma2 semaphore(%arg14 : memref<!tpu.dma_semaphore, #tpu.memory_space<semaphore_mem>>) src(%dma_wait3A_229 : memref<512xi32, #tpu.memory_space<hbm>>) dst(%dma_wait3A_227 : memref<512xi32, #tpu.memory_space<vmem>>)
      %dma_wait3A_230 = arith.constant 0 : i32
      %dma_wait3A_231 = tpu.memref_slice %arg10[%dma_wait3A_230] : memref<2048xi32, #tpu.memory_space<vmem>> -> memref<512xi32, #tpu.memory_space<vmem>>
      %dma_wait3A_232 = arith.constant 0 : i32
      %dma_wait3A_233 = tpu.memref_slice %arg2[%dma_wait3A_232] : memref<800000xi32, #tpu.memory_space<hbm>> -> memref<512xi32, #tpu.memory_space<hbm>>
      %dma_wait3A_234 = arith.constant 0 : i32
      %dma_wait3A_235 = tpu.memref_slice %arg10[%dma_wait3A_234] : memref<2048xi32, #tpu.memory_space<vmem>> -> memref<512xi32, #tpu.memory_space<vmem>>
      %dma_wait3A_236 = arith.constant 0 : i32
      %dma_wait3A_237 = tpu.memref_slice %arg2[%dma_wait3A_236] : memref<800000xi32, #tpu.memory_space<hbm>> -> memref<512xi32, #tpu.memory_space<hbm>>
      tpu.wait_dma2 semaphore(%arg14 : memref<!tpu.dma_semaphore, #tpu.memory_space<semaphore_mem>>) src(%dma_wait3A_237 : memref<512xi32, #tpu.memory_space<hbm>>) dst(%dma_wait3A_235 : memref<512xi32, #tpu.memory_space<vmem>>)
      %ge3A_238 = arith.constant 2 : i32
      %ge3A_239 = arith.cmpi sge, %add3A_170, %ge3A_238 : i32
      %convert_element_type3A_240 = arith.extui %ge3A_239 : i1 to i32
      %cond3A_241 = arith.constant 0 : i32
      %cond3A_242 = arith.cmpi ne, %convert_element_type3A_240, %cond3A_241 : i32
      scf.if %cond3A_242 {
        %dma_wait3A_260 = arith.constant 0 : i32
        %dma_wait3A_261 = arith.constant 0 : i32
        %dma_wait3A_262 = tpu.memref_slice %arg7[%dma_wait3A_260, %dma_wait3A_261] : memref<96x800000xf32, #tpu.memory_space<hbm>> -> memref<96x512xf32, #tpu.memory_space<hbm>>
        %dma_wait3A_263 = arith.constant 0 : i32
        %dma_wait3A_264 = arith.constant 0 : i32
        %dma_wait3A_265 = tpu.memref_slice %arg7[%dma_wait3A_263, %dma_wait3A_264] : memref<96x800000xf32, #tpu.memory_space<hbm>> -> memref<96x512xf32, #tpu.memory_space<hbm>>
        tpu.wait_dma2 semaphore(%arg16 : memref<!tpu.dma_semaphore, #tpu.memory_space<semaphore_mem>>) src(%arg12 : memref<96x512xf32, #tpu.memory_space<vmem>>) dst(%dma_wait3A_265 : memref<96x512xf32, #tpu.memory_space<hbm>>)
      } else {
      }
      %iota3A_243 = tpu.iota {dimensions = array<i32: 0>} : vector<16xi32>
      %parallel_loop3A_244 = arith.constant 0 : i32
      %parallel_loop3A_245 = arith.constant 32 : i32
      %parallel_loop3A_246 = arith.constant 1 : i32
      scf.for %parallel_loop3A_260 = %parallel_loop3A_244 to %parallel_loop3A_245 step %parallel_loop3A_246  : i32 {
        %parallel_loop3A_261 = arith.constant 16 : i32
        %parallel_loop3A_262 = arith.muli %parallel_loop3A_260, %parallel_loop3A_261 : i32
        %parallel_loop3A_263 = arith.constant 0 : i32
        %parallel_loop3A_264 = arith.addi %parallel_loop3A_263, %parallel_loop3A_262 : i32
        %parallel_loop3A_265 = arith.index_cast %parallel_loop3A_264 : i32 to index
        %parallel_loop3A_266 = tpu.vector_load %arg10[%parallel_loop3A_265] {strides = array<i32>} : memref<2048xi32, #tpu.memory_space<vmem>>, vector<16xi32>,
        %parallel_loop3A_267 = arith.constant 21 : i32
        %parallel_loop3A_268 = vector.broadcast %parallel_loop3A_267 : i32 to vector<16xi32>
        %parallel_loop3A_269 = arith.muli %parallel_loop3A_266, %parallel_loop3A_268 : vector<16xi32>
        %parallel_loop3A_270 = arith.constant 16 : i32
        %parallel_loop3A_271 = arith.muli %parallel_loop3A_260, %parallel_loop3A_270 : i32
        %parallel_loop3A_272 = arith.constant 512 : i32
        %parallel_loop3A_273 = arith.addi %parallel_loop3A_272, %parallel_loop3A_271 : i32
        %parallel_loop3A_274 = arith.index_cast %parallel_loop3A_273 : i32 to index
        %parallel_loop3A_275 = tpu.vector_load %arg10[%parallel_loop3A_274] {strides = array<i32>} : memref<2048xi32, #tpu.memory_space<vmem>>, vector<16xi32>,
        %parallel_loop3A_276 = arith.constant 7 : i32
        %parallel_loop3A_277 = vector.broadcast %parallel_loop3A_276 : i32 to vector<16xi32>
        %parallel_loop3A_278 = arith.muli %parallel_loop3A_275, %parallel_loop3A_277 : vector<16xi32>
        %parallel_loop3A_279 = arith.addi %parallel_loop3A_269, %parallel_loop3A_278 : vector<16xi32>
        %parallel_loop3A_280 = arith.constant 16 : i32
        %parallel_loop3A_281 = arith.muli %parallel_loop3A_260, %parallel_loop3A_280 : i32
        %parallel_loop3A_282 = arith.constant 1024 : i32
        %parallel_loop3A_283 = arith.addi %parallel_loop3A_282, %parallel_loop3A_281 : i32
        %parallel_loop3A_284 = arith.index_cast %parallel_loop3A_283 : i32 to index
        %parallel_loop3A_285 = tpu.vector_load %arg10[%parallel_loop3A_284] {strides = array<i32>} : memref<2048xi32, #tpu.memory_space<vmem>>, vector<16xi32>,
        %parallel_loop3A_286 = arith.addi %parallel_loop3A_279, %parallel_loop3A_285 : vector<16xi32>
        %parallel_loop3A_287 = arith.constant 4 : i32
        %parallel_loop3A_288 = vector.broadcast %parallel_loop3A_287 : i32 to vector<16xi32>
        %parallel_loop3A_289 = arith.muli %parallel_loop3A_286, %parallel_loop3A_288 : vector<16xi32>
        %parallel_loop3A_290 = arith.constant 3 : i32
        %parallel_loop3A_291 = vector.broadcast %parallel_loop3A_290 : i32 to vector<16xi32>
        %parallel_loop3A_292 = arith.andi %iota3A_243, %parallel_loop3A_291 : vector<16xi32>
        %parallel_loop3A_293 = arith.addi %parallel_loop3A_289, %parallel_loop3A_292 : vector<16xi32>
        %parallel_loop3A_294 = arith.constant 16 : i32
        %parallel_loop3A_295 = arith.muli %parallel_loop3A_260, %parallel_loop3A_294 : i32
        %parallel_loop3A_296 = arith.constant 1536 : i32
        %parallel_loop3A_297 = arith.addi %parallel_loop3A_296, %parallel_loop3A_295 : i32
        %parallel_loop3A_298 = arith.index_cast %parallel_loop3A_297 : i32 to index
        %parallel_loop3A_299 = tpu.vector_load %arg10[%parallel_loop3A_298] {strides = array<i32>} : memref<2048xi32, #tpu.memory_space<vmem>>, vector<16xi32>,
        %parallel_loop3A_300 = arith.constant 0 : i32
        %parallel_loop3A_301 = vector.broadcast %parallel_loop3A_300 : i32 to vector<16xi32>
        %parallel_loop3A_302 = arith.cmpi ne, %parallel_loop3A_299, %parallel_loop3A_301 : vector<16xi32>
        %parallel_loop3A_303 = arith.constant 256 : i32
        %parallel_loop3A_304 = vector.broadcast %parallel_loop3A_303 : i32 to vector<16xi32>
        %parallel_loop3A_305 = arith.addi %parallel_loop3A_304, %iota3A_243 : vector<16xi32>
        %parallel_loop3A_306 = arith.select %parallel_loop3A_302, %parallel_loop3A_293, %parallel_loop3A_305 : vector<16xi1>, vector<16xi32>
        %parallel_loop3A_307 = arith.constant 0 : i32
        %parallel_loop3A_308 = tpu.memref_slice %arg8[%parallel_loop3A_307] : memref<26112xf32, #tpu.memory_space<vmem>> -> memref<272xf32, #tpu.memory_space<vmem>>
        %parallel_loop3A_309 = tpu.vector_load_idx %parallel_loop3A_308[%parallel_loop3A_306] : memref<272xf32, #tpu.memory_space<vmem>>[vector<16xi32>], vector<16xf32>,
        %parallel_loop3A_310 = arith.constant 16 : i32
        %parallel_loop3A_311 = arith.muli %parallel_loop3A_260, %parallel_loop3A_310 : i32
        %parallel_loop3A_312 = arith.constant 0 : i32
        %parallel_loop3A_313 = arith.index_cast %parallel_loop3A_312 : i32 to index
        %parallel_loop3A_314 = arith.index_cast %parallel_loop3A_311 : i32 to index
        %parallel_loop3A_315 = tpu.vector_load %arg12[%parallel_loop3A_313, %parallel_loop3A_314] {strides = array<i32>} : memref<96x512xf32, #tpu.memory_space<vmem>>, vector<16xf32>,
        tpu.vector_store %arg12[%parallel_loop3A_313, %parallel_loop3A_314], %parallel_loop3A_309 {strides = array<i32>} : memref<96x512xf32, #tpu.memory_space<vmem>>, vector<16xf32>,
        %parallel_loop3A_316 = arith.constant 272 : i32
        %parallel_loop3A_317 = tpu.memref_slice %arg8[%parallel_loop3A_316] : memref<26112xf32, #tpu.memory_space<vmem>> -> memref<272xf32, #tpu.memory_space<vmem>>
        %parallel_loop3A_318 = tpu.vector_load_idx %parallel_loop3A_317[%parallel_loop3A_306] : memref<272xf32, #tpu.memory_space<vmem>>[vector<16xi32>], vector<16xf32>,
        %parallel_loop3A_319 = arith.constant 16 : i32
        %parallel_loop3A_320 = arith.muli %parallel_loop3A_260, %parallel_loop3A_319 : i32
        %parallel_loop3A_321 = arith.constant 1 : i32
        %parallel_loop3A_322 = arith.index_cast %parallel_loop3A_321 : i32 to index
        %parallel_loop3A_323 = arith.index_cast %parallel_loop3A_320 : i32 to index
        %parallel_loop3A_324 = tpu.vector_load %arg12[%parallel_loop3A_322, %parallel_loop3A_323] {strides = array<i32>} : memref<96x512xf32, #tpu.memory_space<vmem>>, vector<16xf32>,
        tpu.vector_store %arg12[%parallel_loop3A_322, %parallel_loop3A_323], %parallel_loop3A_318 {strides = array<i32>} : memref<96x512xf32, #tpu.memory_space<vmem>>, vector<16xf32>,
        %parallel_loop3A_325 = arith.constant 544 : i32
        %parallel_loop3A_326 = tpu.memref_slice %arg8[%parallel_loop3A_325] : memref<26112xf32, #tpu.memory_space<vmem>> -> memref<272xf32, #tpu.memory_space<vmem>>
        %parallel_loop3A_327 = tpu.vector_load_idx %parallel_loop3A_326[%parallel_loop3A_306] : memref<272xf32, #tpu.memory_space<vmem>>[vector<16xi32>], vector<16xf32>,
        %parallel_loop3A_328 = arith.constant 16 : i32
        %parallel_loop3A_329 = arith.muli %parallel_loop3A_260, %parallel_loop3A_328 : i32
        %parallel_loop3A_330 = arith.constant 2 : i32
        %parallel_loop3A_331 = arith.index_cast %parallel_loop3A_330 : i32 to index
        %parallel_loop3A_332 = arith.index_cast %parallel_loop3A_329 : i32 to index
        %parallel_loop3A_333 = tpu.vector_load %arg12[%parallel_loop3A_331, %parallel_loop3A_332] {strides = array<i32>} : memref<96x512xf32, #tpu.memory_space<vmem>>, vector<16xf32>,
        tpu.vector_store %arg12[%parallel_loop3A_331, %parallel_loop3A_332], %parallel_loop3A_327 {strides = array<i32>} : memref<96x512xf32, #tpu.memory_space<vmem>>, vector<16xf32>,
        %parallel_loop3A_334 = arith.constant 816 : i32
        %parallel_loop3A_335 = tpu.memref_slice %arg8[%parallel_loop3A_334] : memref<26112xf32, #tpu.memory_space<vmem>> -> memref<272xf32, #tpu.memory_space<vmem>>
        %parallel_loop3A_336 = tpu.vector_load_idx %parallel_loop3A_335[%parallel_loop3A_306] : memref<272xf32, #tpu.memory_space<vmem>>[vector<16xi32>], vector<16xf32>,
        %parallel_loop3A_337 = arith.constant 16 : i32
        %parallel_loop3A_338 = arith.muli %parallel_loop3A_260, %parallel_loop3A_337 : i32
        %parallel_loop3A_339 = arith.constant 3 : i32
        %parallel_loop3A_340 = arith.index_cast %parallel_loop3A_339 : i32 to index
        %parallel_loop3A_341 = arith.index_cast %parallel_loop3A_338 : i32 to index
        %parallel_loop3A_342 = tpu.vector_load %arg12[%parallel_loop3A_340, %parallel_loop3A_341] {strides = array<i32>} : memref<96x512xf32, #tpu.memory_space<vmem>>, vector<16xf32>,
        tpu.vector_store %arg12[%parallel_loop3A_340, %parallel_loop3A_341], %parallel_loop3A_336 {strides = array<i32>} : memref<96x512xf32, #tpu.memory_space<vmem>>, vector<16xf32>,
        %parallel_loop3A_343 = arith.constant 1088 : i32
        %parallel_loop3A_344 = tpu.memref_slice %arg8[%parallel_loop3A_343] : memref<26112xf32, #tpu.memory_space<vmem>> -> memref<272xf32, #tpu.memory_space<vmem>>
        %parallel_loop3A_345 = tpu.vector_load_idx %parallel_loop3A_344[%parallel_loop3A_306] : memref<272xf32, #tpu.memory_space<vmem>>[vector<16xi32>], vector<16xf32>,
        %parallel_loop3A_346 = arith.constant 16 : i32
        %parallel_loop3A_347 = arith.muli %parallel_loop3A_260, %parallel_loop3A_346 : i32
        %parallel_loop3A_348 = arith.constant 4 : i32
        %parallel_loop3A_349 = arith.index_cast %parallel_loop3A_348 : i32 to index
        %parallel_loop3A_350 = arith.index_cast %parallel_loop3A_347 : i32 to index
        %parallel_loop3A_351 = tpu.vector_load %arg12[%parallel_loop3A_349, %parallel_loop3A_350] {strides = array<i32>} : memref<96x512xf32, #tpu.memory_space<vmem>>, vector<16xf32>,
        tpu.vector_store %arg12[%parallel_loop3A_349, %parallel_loop3A_350], %parallel_loop3A_345 {strides = array<i32>} : memref<96x512xf32, #tpu.memory_space<vmem>>, vector<16xf32>,
        %parallel_loop3A_352 = arith.constant 1360 : i32
        %parallel_loop3A_353 = tpu.memref_slice %arg8[%parallel_loop3A_352] : memref<26112xf32, #tpu.memory_space<vmem>> -> memref<272xf32, #tpu.memory_space<vmem>>
        %parallel_loop3A_354 = tpu.vector_load_idx %parallel_loop3A_353[%parallel_loop3A_306] : memref<272xf32, #tpu.memory_space<vmem>>[vector<16xi32>], vector<16xf32>,
        %parallel_loop3A_355 = arith.constant 16 : i32
        %parallel_loop3A_356 = arith.muli %parallel_loop3A_260, %parallel_loop3A_355 : i32
        %parallel_loop3A_357 = arith.constant 5 : i32
        %parallel_loop3A_358 = arith.index_cast %parallel_loop3A_357 : i32 to index
        %parallel_loop3A_359 = arith.index_cast %parallel_loop3A_356 : i32 to index
        %parallel_loop3A_360 = tpu.vector_load %arg12[%parallel_loop3A_358, %parallel_loop3A_359] {strides = array<i32>} : memref<96x512xf32, #tpu.memory_space<vmem>>, vector<16xf32>,
        tpu.vector_store %arg12[%parallel_loop3A_358, %parallel_loop3A_359], %parallel_loop3A_354 {strides = array<i32>} : memref<96x512xf32, #tpu.memory_space<vmem>>, vector<16xf32>,
        %parallel_loop3A_361 = arith.constant 1632 : i32
        %parallel_loop3A_362 = tpu.memref_slice %arg8[%parallel_loop3A_361] : memref<26112xf32, #tpu.memory_space<vmem>> -> memref<272xf32, #tpu.memory_space<vmem>>
        %parallel_loop3A_363 = tpu.vector_load_idx %parallel_loop3A_362[%parallel_loop3A_306] : memref<272xf32, #tpu.memory_space<vmem>>[vector<16xi32>], vector<16xf32>,
        %parallel_loop3A_364 = arith.constant 16 : i32
        %parallel_loop3A_365 = arith.muli %parallel_loop3A_260, %parallel_loop3A_364 : i32
        %parallel_loop3A_366 = arith.constant 6 : i32
        %parallel_loop3A_367 = arith.index_cast %parallel_loop3A_366 : i32 to index
        %parallel_loop3A_368 = arith.index_cast %parallel_loop3A_365 : i32 to index
        %parallel_loop3A_369 = tpu.vector_load %arg12[%parallel_loop3A_367, %parallel_loop3A_368] {strides = array<i32>} : memref<96x512xf32, #tpu.memory_space<vmem>>, vector<16xf32>,
        tpu.vector_store %arg12[%parallel_loop3A_367, %parallel_loop3A_368], %parallel_loop3A_363 {strides = array<i32>} : memref<96x512xf32, #tpu.memory_space<vmem>>, vector<16xf32>,
        %parallel_loop3A_370 = arith.constant 1904 : i32
        %parallel_loop3A_371 = tpu.memref_slice %arg8[%parallel_loop3A_370] : memref<26112xf32, #tpu.memory_space<vmem>> -> memref<272xf32, #tpu.memory_space<vmem>>
        %parallel_loop3A_372 = tpu.vector_load_idx %parallel_loop3A_371[%parallel_loop3A_306] : memref<272xf32, #tpu.memory_space<vmem>>[vector<16xi32>], vector<16xf32>,
        %parallel_loop3A_373 = arith.constant 16 : i32
        %parallel_loop3A_374 = arith.muli %parallel_loop3A_260, %parallel_loop3A_373 : i32
        %parallel_loop3A_375 = arith.constant 7 : i32
        %parallel_loop3A_376 = arith.index_cast %parallel_loop3A_375 : i32 to index
        %parallel_loop3A_377 = arith.index_cast %parallel_loop3A_374 : i32 to index
        %parallel_loop3A_378 = tpu.vector_load %arg12[%parallel_loop3A_376, %parallel_loop3A_377] {strides = array<i32>} : memref<96x512xf32, #tpu.memory_space<vmem>>, vector<16xf32>,
        tpu.vector_store %arg12[%parallel_loop3A_376, %parallel_loop3A_377], %parallel_loop3A_372 {strides = array<i32>} : memref<96x512xf32, #tpu.memory_space<vmem>>, vector<16xf32>,
        %parallel_loop3A_379 = arith.constant 2176 : i32
        %parallel_loop3A_380 = tpu.memref_slice %arg8[%parallel_loop3A_379] : memref<26112xf32, #tpu.memory_space<vmem>> -> memref<272xf32, #tpu.memory_space<vmem>>
        %parallel_loop3A_381 = tpu.vector_load_idx %parallel_loop3A_380[%parallel_loop3A_306] : memref<272xf32, #tpu.memory_space<vmem>>[vector<16xi32>], vector<16xf32>,
        %parallel_loop3A_382 = arith.constant 16 : i32
        %parallel_loop3A_383 = arith.muli %parallel_loop3A_260, %parallel_loop3A_382 : i32
        %parallel_loop3A_384 = arith.constant 8 : i32
        %parallel_loop3A_385 = arith.index_cast %parallel_loop3A_384 : i32 to index
        %parallel_loop3A_386 = arith.index_cast %parallel_loop3A_383 : i32 to index
        %parallel_loop3A_387 = tpu.vector_load %arg12[%parallel_loop3A_385, %parallel_loop3A_386] {strides = array<i32>} : memref<96x512xf32, #tpu.memory_space<vmem>>, vector<16xf32>,
        tpu.vector_store %arg12[%parallel_loop3A_385, %parallel_loop3A_386], %parallel_loop3A_381 {strides = array<i32>} : memref<96x512xf32, #tpu.memory_space<vmem>>, vector<16xf32>,
        %parallel_loop3A_388 = arith.constant 2448 : i32
        %parallel_loop3A_389 = tpu.memref_slice %arg8[%parallel_loop3A_388] : memref<26112xf32, #tpu.memory_space<vmem>> -> memref<272xf32, #tpu.memory_space<vmem>>
        %parallel_loop3A_390 = tpu.vector_load_idx %parallel_loop3A_389[%parallel_loop3A_306] : memref<272xf32, #tpu.memory_space<vmem>>[vector<16xi32>], vector<16xf32>,
        %parallel_loop3A_391 = arith.constant 16 : i32
        %parallel_loop3A_392 = arith.muli %parallel_loop3A_260, %parallel_loop3A_391 : i32
        %parallel_loop3A_393 = arith.constant 9 : i32
        %parallel_loop3A_394 = arith.index_cast %parallel_loop3A_393 : i32 to index
        %parallel_loop3A_395 = arith.index_cast %parallel_loop3A_392 : i32 to index
        %parallel_loop3A_396 = tpu.vector_load %arg12[%parallel_loop3A_394, %parallel_loop3A_395] {strides = array<i32>} : memref<96x512xf32, #tpu.memory_space<vmem>>, vector<16xf32>,
        tpu.vector_store %arg12[%parallel_loop3A_394, %parallel_loop3A_395], %parallel_loop3A_390 {strides = array<i32>} : memref<96x512xf32, #tpu.memory_space<vmem>>, vector<16xf32>,
        %parallel_loop3A_397 = arith.constant 2720 : i32
        %parallel_loop3A_398 = tpu.memref_slice %arg8[%parallel_loop3A_397] : memref<26112xf32, #tpu.memory_space<vmem>> -> memref<272xf32, #tpu.memory_space<vmem>>
        %parallel_loop3A_399 = tpu.vector_load_idx %parallel_loop3A_398[%parallel_loop3A_306] : memref<272xf32, #tpu.memory_space<vmem>>[vector<16xi32>], vector<16xf32>,
        %parallel_loop3A_400 = arith.constant 16 : i32
        %parallel_loop3A_401 = arith.muli %parallel_loop3A_260, %parallel_loop3A_400 : i32
        %parallel_loop3A_402 = arith.constant 10 : i32
        %parallel_loop3A_403 = arith.index_cast %parallel_loop3A_402 : i32 to index
        %parallel_loop3A_404 = arith.index_cast %parallel_loop3A_401 : i32 to index
        %parallel_loop3A_405 = tpu.vector_load %arg12[%parallel_loop3A_403, %parallel_loop3A_404] {strides = array<i32>} : memref<96x512xf32, #tpu.memory_space<vmem>>, vector<16xf32>,
        tpu.vector_store %arg12[%parallel_loop3A_403, %parallel_loop3A_404], %parallel_loop3A_399 {strides = array<i32>} : memref<96x512xf32, #tpu.memory_space<vmem>>, vector<16xf32>,
        %parallel_loop3A_406 = arith.constant 2992 : i32
        %parallel_loop3A_407 = tpu.memref_slice %arg8[%parallel_loop3A_406] : memref<26112xf32, #tpu.memory_space<vmem>> -> memref<272xf32, #tpu.memory_space<vmem>>
        %parallel_loop3A_408 = tpu.vector_load_idx %parallel_loop3A_407[%parallel_loop3A_306] : memref<272xf32, #tpu.memory_space<vmem>>[vector<16xi32>], vector<16xf32>,
        %parallel_loop3A_409 = arith.constant 16 : i32
        %parallel_loop3A_410 = arith.muli %parallel_loop3A_260, %parallel_loop3A_409 : i32
        %parallel_loop3A_411 = arith.constant 11 : i32
        %parallel_loop3A_412 = arith.index_cast %parallel_loop3A_411 : i32 to index
        %parallel_loop3A_413 = arith.index_cast %parallel_loop3A_410 : i32 to index
        %parallel_loop3A_414 = tpu.vector_load %arg12[%parallel_loop3A_412, %parallel_loop3A_413] {strides = array<i32>} : memref<96x512xf32, #tpu.memory_space<vmem>>, vector<16xf32>,
        tpu.vector_store %arg12[%parallel_loop3A_412, %parallel_loop3A_413], %parallel_loop3A_408 {strides = array<i32>} : memref<96x512xf32, #tpu.memory_space<vmem>>, vector<16xf32>,
        %parallel_loop3A_415 = arith.constant 3264 : i32
        %parallel_loop3A_416 = tpu.memref_slice %arg8[%parallel_loop3A_415] : memref<26112xf32, #tpu.memory_space<vmem>> -> memref<272xf32, #tpu.memory_space<vmem>>
        %parallel_loop3A_417 = tpu.vector_load_idx %parallel_loop3A_416[%parallel_loop3A_306] : memref<272xf32, #tpu.memory_space<vmem>>[vector<16xi32>], vector<16xf32>,
        %parallel_loop3A_418 = arith.constant 16 : i32
        %parallel_loop3A_419 = arith.muli %parallel_loop3A_260, %parallel_loop3A_418 : i32
        %parallel_loop3A_420 = arith.constant 12 : i32
        %parallel_loop3A_421 = arith.index_cast %parallel_loop3A_420 : i32 to index
        %parallel_loop3A_422 = arith.index_cast %parallel_loop3A_419 : i32 to index
        %parallel_loop3A_423 = tpu.vector_load %arg12[%parallel_loop3A_421, %parallel_loop3A_422] {strides = array<i32>} : memref<96x512xf32, #tpu.memory_space<vmem>>, vector<16xf32>,
        tpu.vector_store %arg12[%parallel_loop3A_421, %parallel_loop3A_422], %parallel_loop3A_417 {strides = array<i32>} : memref<96x512xf32, #tpu.memory_space<vmem>>, vector<16xf32>,
        %parallel_loop3A_424 = arith.constant 3536 : i32
        %parallel_loop3A_425 = tpu.memref_slice %arg8[%parallel_loop3A_424] : memref<26112xf32, #tpu.memory_space<vmem>> -> memref<272xf32, #tpu.memory_space<vmem>>
        %parallel_loop3A_426 = tpu.vector_load_idx %parallel_loop3A_425[%parallel_loop3A_306] : memref<272xf32, #tpu.memory_space<vmem>>[vector<16xi32>], vector<16xf32>,
        %parallel_loop3A_427 = arith.constant 16 : i32
        %parallel_loop3A_428 = arith.muli %parallel_loop3A_260, %parallel_loop3A_427 : i32
        %parallel_loop3A_429 = arith.constant 13 : i32
        %parallel_loop3A_430 = arith.index_cast %parallel_loop3A_429 : i32 to index
        %parallel_loop3A_431 = arith.index_cast %parallel_loop3A_428 : i32 to index
        %parallel_loop3A_432 = tpu.vector_load %arg12[%parallel_loop3A_430, %parallel_loop3A_431] {strides = array<i32>} : memref<96x512xf32, #tpu.memory_space<vmem>>, vector<16xf32>,
        tpu.vector_store %arg12[%parallel_loop3A_430, %parallel_loop3A_431], %parallel_loop3A_426 {strides = array<i32>} : memref<96x512xf32, #tpu.memory_space<vmem>>, vector<16xf32>,
        %parallel_loop3A_433 = arith.constant 3808 : i32
        %parallel_loop3A_434 = tpu.memref_slice %arg8[%parallel_loop3A_433] : memref<26112xf32, #tpu.memory_space<vmem>> -> memref<272xf32, #tpu.memory_space<vmem>>
        %parallel_loop3A_435 = tpu.vector_load_idx %parallel_loop3A_434[%parallel_loop3A_306] : memref<272xf32, #tpu.memory_space<vmem>>[vector<16xi32>], vector<16xf32>,
        %parallel_loop3A_436 = arith.constant 16 : i32
        %parallel_loop3A_437 = arith.muli %parallel_loop3A_260, %parallel_loop3A_436 : i32
        %parallel_loop3A_438 = arith.constant 14 : i32
        %parallel_loop3A_439 = arith.index_cast %parallel_loop3A_438 : i32 to index
        %parallel_loop3A_440 = arith.index_cast %parallel_loop3A_437 : i32 to index
        %parallel_loop3A_441 = tpu.vector_load %arg12[%parallel_loop3A_439, %parallel_loop3A_440] {strides = array<i32>} : memref<96x512xf32, #tpu.memory_space<vmem>>, vector<16xf32>,
        tpu.vector_store %arg12[%parallel_loop3A_439, %parallel_loop3A_440], %parallel_loop3A_435 {strides = array<i32>} : memref<96x512xf32, #tpu.memory_space<vmem>>, vector<16xf32>,
        %parallel_loop3A_442 = arith.constant 4080 : i32
        %parallel_loop3A_443 = tpu.memref_slice %arg8[%parallel_loop3A_442] : memref<26112xf32, #tpu.memory_space<vmem>> -> memref<272xf32, #tpu.memory_space<vmem>>
        %parallel_loop3A_444 = tpu.vector_load_idx %parallel_loop3A_443[%parallel_loop3A_306] : memref<272xf32, #tpu.memory_space<vmem>>[vector<16xi32>], vector<16xf32>,
        %parallel_loop3A_445 = arith.constant 16 : i32
        %parallel_loop3A_446 = arith.muli %parallel_loop3A_260, %parallel_loop3A_445 : i32
        %parallel_loop3A_447 = arith.constant 15 : i32
        %parallel_loop3A_448 = arith.index_cast %parallel_loop3A_447 : i32 to index
        %parallel_loop3A_449 = arith.index_cast %parallel_loop3A_446 : i32 to index
        %parallel_loop3A_450 = tpu.vector_load %arg12[%parallel_loop3A_448, %parallel_loop3A_449] {strides = array<i32>} : memref<96x512xf32, #tpu.memory_space<vmem>>, vector<16xf32>,
        tpu.vector_store %arg12[%parallel_loop3A_448, %parallel_loop3A_449], %parallel_loop3A_444 {strides = array<i32>} : memref<96x512xf32, #tpu.memory_space<vmem>>, vector<16xf32>,
        %parallel_loop3A_451 = arith.constant 4352 : i32
        %parallel_loop3A_452 = tpu.memref_slice %arg8[%parallel_loop3A_451] : memref<26112xf32, #tpu.memory_space<vmem>> -> memref<272xf32, #tpu.memory_space<vmem>>
        %parallel_loop3A_453 = tpu.vector_load_idx %parallel_loop3A_452[%parallel_loop3A_306] : memref<272xf32, #tpu.memory_space<vmem>>[vector<16xi32>], vector<16xf32>,
        %parallel_loop3A_454 = arith.constant 16 : i32
        %parallel_loop3A_455 = arith.muli %parallel_loop3A_260, %parallel_loop3A_454 : i32
        %parallel_loop3A_456 = arith.constant 16 : i32
        %parallel_loop3A_457 = arith.index_cast %parallel_loop3A_456 : i32 to index
        %parallel_loop3A_458 = arith.index_cast %parallel_loop3A_455 : i32 to index
        %parallel_loop3A_459 = tpu.vector_load %arg12[%parallel_loop3A_457, %parallel_loop3A_458] {strides = array<i32>} : memref<96x512xf32, #tpu.memory_space<vmem>>, vector<16xf32>,
        tpu.vector_store %arg12[%parallel_loop3A_457, %parallel_loop3A_458], %parallel_loop3A_453 {strides = array<i32>} : memref<96x512xf32, #tpu.memory_space<vmem>>, vector<16xf32>,
        %parallel_loop3A_460 = arith.constant 4624 : i32
        %parallel_loop3A_461 = tpu.memref_slice %arg8[%parallel_loop3A_460] : memref<26112xf32, #tpu.memory_space<vmem>> -> memref<272xf32, #tpu.memory_space<vmem>>
        %parallel_loop3A_462 = tpu.vector_load_idx %parallel_loop3A_461[%parallel_loop3A_306] : memref<272xf32, #tpu.memory_space<vmem>>[vector<16xi32>], vector<16xf32>,
        %parallel_loop3A_463 = arith.constant 16 : i32
        %parallel_loop3A_464 = arith.muli %parallel_loop3A_260, %parallel_loop3A_463 : i32
        %parallel_loop3A_465 = arith.constant 17 : i32
        %parallel_loop3A_466 = arith.index_cast %parallel_loop3A_465 : i32 to index
        %parallel_loop3A_467 = arith.index_cast %parallel_loop3A_464 : i32 to index
        %parallel_loop3A_468 = tpu.vector_load %arg12[%parallel_loop3A_466, %parallel_loop3A_467] {strides = array<i32>} : memref<96x512xf32, #tpu.memory_space<vmem>>, vector<16xf32>,
        tpu.vector_store %arg12[%parallel_loop3A_466, %parallel_loop3A_467], %parallel_loop3A_462 {strides = array<i32>} : memref<96x512xf32, #tpu.memory_space<vmem>>, vector<16xf32>,
        %parallel_loop3A_469 = arith.constant 4896 : i32
        %parallel_loop3A_470 = tpu.memref_slice %arg8[%parallel_loop3A_469] : memref<26112xf32, #tpu.memory_space<vmem>> -> memref<272xf32, #tpu.memory_space<vmem>>
        %parallel_loop3A_471 = tpu.vector_load_idx %parallel_loop3A_470[%parallel_loop3A_306] : memref<272xf32, #tpu.memory_space<vmem>>[vector<16xi32>], vector<16xf32>,
        %parallel_loop3A_472 = arith.constant 16 : i32
        %parallel_loop3A_473 = arith.muli %parallel_loop3A_260, %parallel_loop3A_472 : i32
        %parallel_loop3A_474 = arith.constant 18 : i32
        %parallel_loop3A_475 = arith.index_cast %parallel_loop3A_474 : i32 to index
        %parallel_loop3A_476 = arith.index_cast %parallel_loop3A_473 : i32 to index
        %parallel_loop3A_477 = tpu.vector_load %arg12[%parallel_loop3A_475, %parallel_loop3A_476] {strides = array<i32>} : memref<96x512xf32, #tpu.memory_space<vmem>>, vector<16xf32>,
        tpu.vector_store %arg12[%parallel_loop3A_475, %parallel_loop3A_476], %parallel_loop3A_471 {strides = array<i32>} : memref<96x512xf32, #tpu.memory_space<vmem>>, vector<16xf32>,
        %parallel_loop3A_478 = arith.constant 5168 : i32
        %parallel_loop3A_479 = tpu.memref_slice %arg8[%parallel_loop3A_478] : memref<26112xf32, #tpu.memory_space<vmem>> -> memref<272xf32, #tpu.memory_space<vmem>>
        %parallel_loop3A_480 = tpu.vector_load_idx %parallel_loop3A_479[%parallel_loop3A_306] : memref<272xf32, #tpu.memory_space<vmem>>[vector<16xi32>], vector<16xf32>,
        %parallel_loop3A_481 = arith.constant 16 : i32
        %parallel_loop3A_482 = arith.muli %parallel_loop3A_260, %parallel_loop3A_481 : i32
        %parallel_loop3A_483 = arith.constant 19 : i32
        %parallel_loop3A_484 = arith.index_cast %parallel_loop3A_483 : i32 to index
        %parallel_loop3A_485 = arith.index_cast %parallel_loop3A_482 : i32 to index
        %parallel_loop3A_486 = tpu.vector_load %arg12[%parallel_loop3A_484, %parallel_loop3A_485] {strides = array<i32>} : memref<96x512xf32, #tpu.memory_space<vmem>>, vector<16xf32>,
        tpu.vector_store %arg12[%parallel_loop3A_484, %parallel_loop3A_485], %parallel_loop3A_480 {strides = array<i32>} : memref<96x512xf32, #tpu.memory_space<vmem>>, vector<16xf32>,
        %parallel_loop3A_487 = arith.constant 5440 : i32
        %parallel_loop3A_488 = tpu.memref_slice %arg8[%parallel_loop3A_487] : memref<26112xf32, #tpu.memory_space<vmem>> -> memref<272xf32, #tpu.memory_space<vmem>>
        %parallel_loop3A_489 = tpu.vector_load_idx %parallel_loop3A_488[%parallel_loop3A_306] : memref<272xf32, #tpu.memory_space<vmem>>[vector<16xi32>], vector<16xf32>,
        %parallel_loop3A_490 = arith.constant 16 : i32
        %parallel_loop3A_491 = arith.muli %parallel_loop3A_260, %parallel_loop3A_490 : i32
        %parallel_loop3A_492 = arith.constant 20 : i32
        %parallel_loop3A_493 = arith.index_cast %parallel_loop3A_492 : i32 to index
        %parallel_loop3A_494 = arith.index_cast %parallel_loop3A_491 : i32 to index
        %parallel_loop3A_495 = tpu.vector_load %arg12[%parallel_loop3A_493, %parallel_loop3A_494] {strides = array<i32>} : memref<96x512xf32, #tpu.memory_space<vmem>>, vector<16xf32>,
        tpu.vector_store %arg12[%parallel_loop3A_493, %parallel_loop3A_494], %parallel_loop3A_489 {strides = array<i32>} : memref<96x512xf32, #tpu.memory_space<vmem>>, vector<16xf32>,
        %parallel_loop3A_496 = arith.constant 5712 : i32
        %parallel_loop3A_497 = tpu.memref_slice %arg8[%parallel_loop3A_496] : memref<26112xf32, #tpu.memory_space<vmem>> -> memref<272xf32, #tpu.memory_space<vmem>>
        %parallel_loop3A_498 = tpu.vector_load_idx %parallel_loop3A_497[%parallel_loop3A_306] : memref<272xf32, #tpu.memory_space<vmem>>[vector<16xi32>], vector<16xf32>,
        %parallel_loop3A_499 = arith.constant 16 : i32
        %parallel_loop3A_500 = arith.muli %parallel_loop3A_260, %parallel_loop3A_499 : i32
        %parallel_loop3A_501 = arith.constant 21 : i32
        %parallel_loop3A_502 = arith.index_cast %parallel_loop3A_501 : i32 to index
        %parallel_loop3A_503 = arith.index_cast %parallel_loop3A_500 : i32 to index
        %parallel_loop3A_504 = tpu.vector_load %arg12[%parallel_loop3A_502, %parallel_loop3A_503] {strides = array<i32>} : memref<96x512xf32, #tpu.memory_space<vmem>>, vector<16xf32>,
        tpu.vector_store %arg12[%parallel_loop3A_502, %parallel_loop3A_503], %parallel_loop3A_498 {strides = array<i32>} : memref<96x512xf32, #tpu.memory_space<vmem>>, vector<16xf32>,
        %parallel_loop3A_505 = arith.constant 5984 : i32
        %parallel_loop3A_506 = tpu.memref_slice %arg8[%parallel_loop3A_505] : memref<26112xf32, #tpu.memory_space<vmem>> -> memref<272xf32, #tpu.memory_space<vmem>>
        %parallel_loop3A_507 = tpu.vector_load_idx %parallel_loop3A_506[%parallel_loop3A_306] : memref<272xf32, #tpu.memory_space<vmem>>[vector<16xi32>], vector<16xf32>,
        %parallel_loop3A_508 = arith.constant 16 : i32
        %parallel_loop3A_509 = arith.muli %parallel_loop3A_260, %parallel_loop3A_508 : i32
        %parallel_loop3A_510 = arith.constant 22 : i32
        %parallel_loop3A_511 = arith.index_cast %parallel_loop3A_510 : i32 to index
        %parallel_loop3A_512 = arith.index_cast %parallel_loop3A_509 : i32 to index
        %parallel_loop3A_513 = tpu.vector_load %arg12[%parallel_loop3A_511, %parallel_loop3A_512] {strides = array<i32>} : memref<96x512xf32, #tpu.memory_space<vmem>>, vector<16xf32>,
        tpu.vector_store %arg12[%parallel_loop3A_511, %parallel_loop3A_512], %parallel_loop3A_507 {strides = array<i32>} : memref<96x512xf32, #tpu.memory_space<vmem>>, vector<16xf32>,
        %parallel_loop3A_514 = arith.constant 6256 : i32
        %parallel_loop3A_515 = tpu.memref_slice %arg8[%parallel_loop3A_514] : memref<26112xf32, #tpu.memory_space<vmem>> -> memref<272xf32, #tpu.memory_space<vmem>>
        %parallel_loop3A_516 = tpu.vector_load_idx %parallel_loop3A_515[%parallel_loop3A_306] : memref<272xf32, #tpu.memory_space<vmem>>[vector<16xi32>], vector<16xf32>,
        %parallel_loop3A_517 = arith.constant 16 : i32
        %parallel_loop3A_518 = arith.muli %parallel_loop3A_260, %parallel_loop3A_517 : i32
        %parallel_loop3A_519 = arith.constant 23 : i32
        %parallel_loop3A_520 = arith.index_cast %parallel_loop3A_519 : i32 to index
        %parallel_loop3A_521 = arith.index_cast %parallel_loop3A_518 : i32 to index
        %parallel_loop3A_522 = tpu.vector_load %arg12[%parallel_loop3A_520, %parallel_loop3A_521] {strides = array<i32>} : memref<96x512xf32, #tpu.memory_space<vmem>>, vector<16xf32>,
        tpu.vector_store %arg12[%parallel_loop3A_520, %parallel_loop3A_521], %parallel_loop3A_516 {strides = array<i32>} : memref<96x512xf32, #tpu.memory_space<vmem>>, vector<16xf32>,
        %parallel_loop3A_523 = arith.constant 6528 : i32
        %parallel_loop3A_524 = tpu.memref_slice %arg8[%parallel_loop3A_523] : memref<26112xf32, #tpu.memory_space<vmem>> -> memref<272xf32, #tpu.memory_space<vmem>>
        %parallel_loop3A_525 = tpu.vector_load_idx %parallel_loop3A_524[%parallel_loop3A_306] : memref<272xf32, #tpu.memory_space<vmem>>[vector<16xi32>], vector<16xf32>,
        %parallel_loop3A_526 = arith.constant 16 : i32
        %parallel_loop3A_527 = arith.muli %parallel_loop3A_260, %parallel_loop3A_526 : i32
        %parallel_loop3A_528 = arith.constant 24 : i32
        %parallel_loop3A_529 = arith.index_cast %parallel_loop3A_528 : i32 to index
        %parallel_loop3A_530 = arith.index_cast %parallel_loop3A_527 : i32 to index
        %parallel_loop3A_531 = tpu.vector_load %arg12[%parallel_loop3A_529, %parallel_loop3A_530] {strides = array<i32>} : memref<96x512xf32, #tpu.memory_space<vmem>>, vector<16xf32>,
        tpu.vector_store %arg12[%parallel_loop3A_529, %parallel_loop3A_530], %parallel_loop3A_525 {strides = array<i32>} : memref<96x512xf32, #tpu.memory_space<vmem>>, vector<16xf32>,
        %parallel_loop3A_532 = arith.constant 6800 : i32
        %parallel_loop3A_533 = tpu.memref_slice %arg8[%parallel_loop3A_532] : memref<26112xf32, #tpu.memory_space<vmem>> -> memref<272xf32, #tpu.memory_space<vmem>>
        %parallel_loop3A_534 = tpu.vector_load_idx %parallel_loop3A_533[%parallel_loop3A_306] : memref<272xf32, #tpu.memory_space<vmem>>[vector<16xi32>], vector<16xf32>,
        %parallel_loop3A_535 = arith.constant 16 : i32
        %parallel_loop3A_536 = arith.muli %parallel_loop3A_260, %parallel_loop3A_535 : i32
        %parallel_loop3A_537 = arith.constant 25 : i32
        %parallel_loop3A_538 = arith.index_cast %parallel_loop3A_537 : i32 to index
        %parallel_loop3A_539 = arith.index_cast %parallel_loop3A_536 : i32 to index
        %parallel_loop3A_540 = tpu.vector_load %arg12[%parallel_loop3A_538, %parallel_loop3A_539] {strides = array<i32>} : memref<96x512xf32, #tpu.memory_space<vmem>>, vector<16xf32>,
        tpu.vector_store %arg12[%parallel_loop3A_538, %parallel_loop3A_539], %parallel_loop3A_534 {strides = array<i32>} : memref<96x512xf32, #tpu.memory_space<vmem>>, vector<16xf32>,
        %parallel_loop3A_541 = arith.constant 7072 : i32
        %parallel_loop3A_542 = tpu.memref_slice %arg8[%parallel_loop3A_541] : memref<26112xf32, #tpu.memory_space<vmem>> -> memref<272xf32, #tpu.memory_space<vmem>>
        %parallel_loop3A_543 = tpu.vector_load_idx %parallel_loop3A_542[%parallel_loop3A_306] : memref<272xf32, #tpu.memory_space<vmem>>[vector<16xi32>], vector<16xf32>,
        %parallel_loop3A_544 = arith.constant 16 : i32
        %parallel_loop3A_545 = arith.muli %parallel_loop3A_260, %parallel_loop3A_544 : i32
        %parallel_loop3A_546 = arith.constant 26 : i32
        %parallel_loop3A_547 = arith.index_cast %parallel_loop3A_546 : i32 to index
        %parallel_loop3A_548 = arith.index_cast %parallel_loop3A_545 : i32 to index
        %parallel_loop3A_549 = tpu.vector_load %arg12[%parallel_loop3A_547, %parallel_loop3A_548] {strides = array<i32>} : memref<96x512xf32, #tpu.memory_space<vmem>>, vector<16xf32>,
        tpu.vector_store %arg12[%parallel_loop3A_547, %parallel_loop3A_548], %parallel_loop3A_543 {strides = array<i32>} : memref<96x512xf32, #tpu.memory_space<vmem>>, vector<16xf32>,
        %parallel_loop3A_550 = arith.constant 7344 : i32
        %parallel_loop3A_551 = tpu.memref_slice %arg8[%parallel_loop3A_550] : memref<26112xf32, #tpu.memory_space<vmem>> -> memref<272xf32, #tpu.memory_space<vmem>>
        %parallel_loop3A_552 = tpu.vector_load_idx %parallel_loop3A_551[%parallel_loop3A_306] : memref<272xf32, #tpu.memory_space<vmem>>[vector<16xi32>], vector<16xf32>,
        %parallel_loop3A_553 = arith.constant 16 : i32
        %parallel_loop3A_554 = arith.muli %parallel_loop3A_260, %parallel_loop3A_553 : i32
        %parallel_loop3A_555 = arith.constant 27 : i32
        %parallel_loop3A_556 = arith.index_cast %parallel_loop3A_555 : i32 to index
        %parallel_loop3A_557 = arith.index_cast %parallel_loop3A_554 : i32 to index
        %parallel_loop3A_558 = tpu.vector_load %arg12[%parallel_loop3A_556, %parallel_loop3A_557] {strides = array<i32>} : memref<96x512xf32, #tpu.memory_space<vmem>>, vector<16xf32>,
        tpu.vector_store %arg12[%parallel_loop3A_556, %parallel_loop3A_557], %parallel_loop3A_552 {strides = array<i32>} : memref<96x512xf32, #tpu.memory_space<vmem>>, vector<16xf32>,
        %parallel_loop3A_559 = arith.constant 7616 : i32
        %parallel_loop3A_560 = tpu.memref_slice %arg8[%parallel_loop3A_559] : memref<26112xf32, #tpu.memory_space<vmem>> -> memref<272xf32, #tpu.memory_space<vmem>>
        %parallel_loop3A_561 = tpu.vector_load_idx %parallel_loop3A_560[%parallel_loop3A_306] : memref<272xf32, #tpu.memory_space<vmem>>[vector<16xi32>], vector<16xf32>,
        %parallel_loop3A_562 = arith.constant 16 : i32
        %parallel_loop3A_563 = arith.muli %parallel_loop3A_260, %parallel_loop3A_562 : i32
        %parallel_loop3A_564 = arith.constant 28 : i32
        %parallel_loop3A_565 = arith.index_cast %parallel_loop3A_564 : i32 to index
        %parallel_loop3A_566 = arith.index_cast %parallel_loop3A_563 : i32 to index
        %parallel_loop3A_567 = tpu.vector_load %arg12[%parallel_loop3A_565, %parallel_loop3A_566] {strides = array<i32>} : memref<96x512xf32, #tpu.memory_space<vmem>>, vector<16xf32>,
        tpu.vector_store %arg12[%parallel_loop3A_565, %parallel_loop3A_566], %parallel_loop3A_561 {strides = array<i32>} : memref<96x512xf32, #tpu.memory_space<vmem>>, vector<16xf32>,
        %parallel_loop3A_568 = arith.constant 7888 : i32
        %parallel_loop3A_569 = tpu.memref_slice %arg8[%parallel_loop3A_568] : memref<26112xf32, #tpu.memory_space<vmem>> -> memref<272xf32, #tpu.memory_space<vmem>>
        %parallel_loop3A_570 = tpu.vector_load_idx %parallel_loop3A_569[%parallel_loop3A_306] : memref<272xf32, #tpu.memory_space<vmem>>[vector<16xi32>], vector<16xf32>,
        %parallel_loop3A_571 = arith.constant 16 : i32
        %parallel_loop3A_572 = arith.muli %parallel_loop3A_260, %parallel_loop3A_571 : i32
        %parallel_loop3A_573 = arith.constant 29 : i32
        %parallel_loop3A_574 = arith.index_cast %parallel_loop3A_573 : i32 to index
        %parallel_loop3A_575 = arith.index_cast %parallel_loop3A_572 : i32 to index
        %parallel_loop3A_576 = tpu.vector_load %arg12[%parallel_loop3A_574, %parallel_loop3A_575] {strides = array<i32>} : memref<96x512xf32, #tpu.memory_space<vmem>>, vector<16xf32>,
        tpu.vector_store %arg12[%parallel_loop3A_574, %parallel_loop3A_575], %parallel_loop3A_570 {strides = array<i32>} : memref<96x512xf32, #tpu.memory_space<vmem>>, vector<16xf32>,
        %parallel_loop3A_577 = arith.constant 8160 : i32
        %parallel_loop3A_578 = tpu.memref_slice %arg8[%parallel_loop3A_577] : memref<26112xf32, #tpu.memory_space<vmem>> -> memref<272xf32, #tpu.memory_space<vmem>>
        %parallel_loop3A_579 = tpu.vector_load_idx %parallel_loop3A_578[%parallel_loop3A_306] : memref<272xf32, #tpu.memory_space<vmem>>[vector<16xi32>], vector<16xf32>,
        %parallel_loop3A_580 = arith.constant 16 : i32
        %parallel_loop3A_581 = arith.muli %parallel_loop3A_260, %parallel_loop3A_580 : i32
        %parallel_loop3A_582 = arith.constant 30 : i32
        %parallel_loop3A_583 = arith.index_cast %parallel_loop3A_582 : i32 to index
        %parallel_loop3A_584 = arith.index_cast %parallel_loop3A_581 : i32 to index
        %parallel_loop3A_585 = tpu.vector_load %arg12[%parallel_loop3A_583, %parallel_loop3A_584] {strides = array<i32>} : memref<96x512xf32, #tpu.memory_space<vmem>>, vector<16xf32>,
        tpu.vector_store %arg12[%parallel_loop3A_583, %parallel_loop3A_584], %parallel_loop3A_579 {strides = array<i32>} : memref<96x512xf32, #tpu.memory_space<vmem>>, vector<16xf32>,
        %parallel_loop3A_586 = arith.constant 8432 : i32
        %parallel_loop3A_587 = tpu.memref_slice %arg8[%parallel_loop3A_586] : memref<26112xf32, #tpu.memory_space<vmem>> -> memref<272xf32, #tpu.memory_space<vmem>>
        %parallel_loop3A_588 = tpu.vector_load_idx %parallel_loop3A_587[%parallel_loop3A_306] : memref<272xf32, #tpu.memory_space<vmem>>[vector<16xi32>], vector<16xf32>,
        %parallel_loop3A_589 = arith.constant 16 : i32
        %parallel_loop3A_590 = arith.muli %parallel_loop3A_260, %parallel_loop3A_589 : i32
        %parallel_loop3A_591 = arith.constant 31 : i32
        %parallel_loop3A_592 = arith.index_cast %parallel_loop3A_591 : i32 to index
        %parallel_loop3A_593 = arith.index_cast %parallel_loop3A_590 : i32 to index
        %parallel_loop3A_594 = tpu.vector_load %arg12[%parallel_loop3A_592, %parallel_loop3A_593] {strides = array<i32>} : memref<96x512xf32, #tpu.memory_space<vmem>>, vector<16xf32>,
        tpu.vector_store %arg12[%parallel_loop3A_592, %parallel_loop3A_593], %parallel_loop3A_588 {strides = array<i32>} : memref<96x512xf32, #tpu.memory_space<vmem>>, vector<16xf32>,
        %parallel_loop3A_595 = arith.constant 8704 : i32
        %parallel_loop3A_596 = tpu.memref_slice %arg8[%parallel_loop3A_595] : memref<26112xf32, #tpu.memory_space<vmem>> -> memref<272xf32, #tpu.memory_space<vmem>>
        %parallel_loop3A_597 = tpu.vector_load_idx %parallel_loop3A_596[%parallel_loop3A_306] : memref<272xf32, #tpu.memory_space<vmem>>[vector<16xi32>], vector<16xf32>,
        %parallel_loop3A_598 = arith.constant 16 : i32
        %parallel_loop3A_599 = arith.muli %parallel_loop3A_260, %parallel_loop3A_598 : i32
        %parallel_loop3A_600 = arith.constant 32 : i32
        %parallel_loop3A_601 = arith.index_cast %parallel_loop3A_600 : i32 to index
        %parallel_loop3A_602 = arith.index_cast %parallel_loop3A_599 : i32 to index
        %parallel_loop3A_603 = tpu.vector_load %arg12[%parallel_loop3A_601, %parallel_loop3A_602] {strides = array<i32>} : memref<96x512xf32, #tpu.memory_space<vmem>>, vector<16xf32>,
        tpu.vector_store %arg12[%parallel_loop3A_601, %parallel_loop3A_602], %parallel_loop3A_597 {strides = array<i32>} : memref<96x512xf32, #tpu.memory_space<vmem>>, vector<16xf32>,
        %parallel_loop3A_604 = arith.constant 8976 : i32
        %parallel_loop3A_605 = tpu.memref_slice %arg8[%parallel_loop3A_604] : memref<26112xf32, #tpu.memory_space<vmem>> -> memref<272xf32, #tpu.memory_space<vmem>>
        %parallel_loop3A_606 = tpu.vector_load_idx %parallel_loop3A_605[%parallel_loop3A_306] : memref<272xf32, #tpu.memory_space<vmem>>[vector<16xi32>], vector<16xf32>,
        %parallel_loop3A_607 = arith.constant 16 : i32
        %parallel_loop3A_608 = arith.muli %parallel_loop3A_260, %parallel_loop3A_607 : i32
        %parallel_loop3A_609 = arith.constant 33 : i32
        %parallel_loop3A_610 = arith.index_cast %parallel_loop3A_609 : i32 to index
        %parallel_loop3A_611 = arith.index_cast %parallel_loop3A_608 : i32 to index
        %parallel_loop3A_612 = tpu.vector_load %arg12[%parallel_loop3A_610, %parallel_loop3A_611] {strides = array<i32>} : memref<96x512xf32, #tpu.memory_space<vmem>>, vector<16xf32>,
        tpu.vector_store %arg12[%parallel_loop3A_610, %parallel_loop3A_611], %parallel_loop3A_606 {strides = array<i32>} : memref<96x512xf32, #tpu.memory_space<vmem>>, vector<16xf32>,
        %parallel_loop3A_613 = arith.constant 9248 : i32
        %parallel_loop3A_614 = tpu.memref_slice %arg8[%parallel_loop3A_613] : memref<26112xf32, #tpu.memory_space<vmem>> -> memref<272xf32, #tpu.memory_space<vmem>>
        %parallel_loop3A_615 = tpu.vector_load_idx %parallel_loop3A_614[%parallel_loop3A_306] : memref<272xf32, #tpu.memory_space<vmem>>[vector<16xi32>], vector<16xf32>,
        %parallel_loop3A_616 = arith.constant 16 : i32
        %parallel_loop3A_617 = arith.muli %parallel_loop3A_260, %parallel_loop3A_616 : i32
        %parallel_loop3A_618 = arith.constant 34 : i32
        %parallel_loop3A_619 = arith.index_cast %parallel_loop3A_618 : i32 to index
        %parallel_loop3A_620 = arith.index_cast %parallel_loop3A_617 : i32 to index
        %parallel_loop3A_621 = tpu.vector_load %arg12[%parallel_loop3A_619, %parallel_loop3A_620] {strides = array<i32>} : memref<96x512xf32, #tpu.memory_space<vmem>>, vector<16xf32>,
        tpu.vector_store %arg12[%parallel_loop3A_619, %parallel_loop3A_620], %parallel_loop3A_615 {strides = array<i32>} : memref<96x512xf32, #tpu.memory_space<vmem>>, vector<16xf32>,
        %parallel_loop3A_622 = arith.constant 9520 : i32
        %parallel_loop3A_623 = tpu.memref_slice %arg8[%parallel_loop3A_622] : memref<26112xf32, #tpu.memory_space<vmem>> -> memref<272xf32, #tpu.memory_space<vmem>>
        %parallel_loop3A_624 = tpu.vector_load_idx %parallel_loop3A_623[%parallel_loop3A_306] : memref<272xf32, #tpu.memory_space<vmem>>[vector<16xi32>], vector<16xf32>,
        %parallel_loop3A_625 = arith.constant 16 : i32
        %parallel_loop3A_626 = arith.muli %parallel_loop3A_260, %parallel_loop3A_625 : i32
        %parallel_loop3A_627 = arith.constant 35 : i32
        %parallel_loop3A_628 = arith.index_cast %parallel_loop3A_627 : i32 to index
        %parallel_loop3A_629 = arith.index_cast %parallel_loop3A_626 : i32 to index
        %parallel_loop3A_630 = tpu.vector_load %arg12[%parallel_loop3A_628, %parallel_loop3A_629] {strides = array<i32>} : memref<96x512xf32, #tpu.memory_space<vmem>>, vector<16xf32>,
        tpu.vector_store %arg12[%parallel_loop3A_628, %parallel_loop3A_629], %parallel_loop3A_624 {strides = array<i32>} : memref<96x512xf32, #tpu.memory_space<vmem>>, vector<16xf32>,
        %parallel_loop3A_631 = arith.constant 9792 : i32
        %parallel_loop3A_632 = tpu.memref_slice %arg8[%parallel_loop3A_631] : memref<26112xf32, #tpu.memory_space<vmem>> -> memref<272xf32, #tpu.memory_space<vmem>>
        %parallel_loop3A_633 = tpu.vector_load_idx %parallel_loop3A_632[%parallel_loop3A_306] : memref<272xf32, #tpu.memory_space<vmem>>[vector<16xi32>], vector<16xf32>,
        %parallel_loop3A_634 = arith.constant 16 : i32
        %parallel_loop3A_635 = arith.muli %parallel_loop3A_260, %parallel_loop3A_634 : i32
        %parallel_loop3A_636 = arith.constant 36 : i32
        %parallel_loop3A_637 = arith.index_cast %parallel_loop3A_636 : i32 to index
        %parallel_loop3A_638 = arith.index_cast %parallel_loop3A_635 : i32 to index
        %parallel_loop3A_639 = tpu.vector_load %arg12[%parallel_loop3A_637, %parallel_loop3A_638] {strides = array<i32>} : memref<96x512xf32, #tpu.memory_space<vmem>>, vector<16xf32>,
        tpu.vector_store %arg12[%parallel_loop3A_637, %parallel_loop3A_638], %parallel_loop3A_633 {strides = array<i32>} : memref<96x512xf32, #tpu.memory_space<vmem>>, vector<16xf32>,
        %parallel_loop3A_640 = arith.constant 10064 : i32
        %parallel_loop3A_641 = tpu.memref_slice %arg8[%parallel_loop3A_640] : memref<26112xf32, #tpu.memory_space<vmem>> -> memref<272xf32, #tpu.memory_space<vmem>>
        %parallel_loop3A_642 = tpu.vector_load_idx %parallel_loop3A_641[%parallel_loop3A_306] : memref<272xf32, #tpu.memory_space<vmem>>[vector<16xi32>], vector<16xf32>,
        %parallel_loop3A_643 = arith.constant 16 : i32
        %parallel_loop3A_644 = arith.muli %parallel_loop3A_260, %parallel_loop3A_643 : i32
        %parallel_loop3A_645 = arith.constant 37 : i32
        %parallel_loop3A_646 = arith.index_cast %parallel_loop3A_645 : i32 to index
        %parallel_loop3A_647 = arith.index_cast %parallel_loop3A_644 : i32 to index
        %parallel_loop3A_648 = tpu.vector_load %arg12[%parallel_loop3A_646, %parallel_loop3A_647] {strides = array<i32>} : memref<96x512xf32, #tpu.memory_space<vmem>>, vector<16xf32>,
        tpu.vector_store %arg12[%parallel_loop3A_646, %parallel_loop3A_647], %parallel_loop3A_642 {strides = array<i32>} : memref<96x512xf32, #tpu.memory_space<vmem>>, vector<16xf32>,
        %parallel_loop3A_649 = arith.constant 10336 : i32
        %parallel_loop3A_650 = tpu.memref_slice %arg8[%parallel_loop3A_649] : memref<26112xf32, #tpu.memory_space<vmem>> -> memref<272xf32, #tpu.memory_space<vmem>>
        %parallel_loop3A_651 = tpu.vector_load_idx %parallel_loop3A_650[%parallel_loop3A_306] : memref<272xf32, #tpu.memory_space<vmem>>[vector<16xi32>], vector<16xf32>,
        %parallel_loop3A_652 = arith.constant 16 : i32
        %parallel_loop3A_653 = arith.muli %parallel_loop3A_260, %parallel_loop3A_652 : i32
        %parallel_loop3A_654 = arith.constant 38 : i32
        %parallel_loop3A_655 = arith.index_cast %parallel_loop3A_654 : i32 to index
        %parallel_loop3A_656 = arith.index_cast %parallel_loop3A_653 : i32 to index
        %parallel_loop3A_657 = tpu.vector_load %arg12[%parallel_loop3A_655, %parallel_loop3A_656] {strides = array<i32>} : memref<96x512xf32, #tpu.memory_space<vmem>>, vector<16xf32>,
        tpu.vector_store %arg12[%parallel_loop3A_655, %parallel_loop3A_656], %parallel_loop3A_651 {strides = array<i32>} : memref<96x512xf32, #tpu.memory_space<vmem>>, vector<16xf32>,
        %parallel_loop3A_658 = arith.constant 10608 : i32
        %parallel_loop3A_659 = tpu.memref_slice %arg8[%parallel_loop3A_658] : memref<26112xf32, #tpu.memory_space<vmem>> -> memref<272xf32, #tpu.memory_space<vmem>>
        %parallel_loop3A_660 = tpu.vector_load_idx %parallel_loop3A_659[%parallel_loop3A_306] : memref<272xf32, #tpu.memory_space<vmem>>[vector<16xi32>], vector<16xf32>,
        %parallel_loop3A_661 = arith.constant 16 : i32
        %parallel_loop3A_662 = arith.muli %parallel_loop3A_260, %parallel_loop3A_661 : i32
        %parallel_loop3A_663 = arith.constant 39 : i32
        %parallel_loop3A_664 = arith.index_cast %parallel_loop3A_663 : i32 to index
        %parallel_loop3A_665 = arith.index_cast %parallel_loop3A_662 : i32 to index
        %parallel_loop3A_666 = tpu.vector_load %arg12[%parallel_loop3A_664, %parallel_loop3A_665] {strides = array<i32>} : memref<96x512xf32, #tpu.memory_space<vmem>>, vector<16xf32>,
        tpu.vector_store %arg12[%parallel_loop3A_664, %parallel_loop3A_665], %parallel_loop3A_660 {strides = array<i32>} : memref<96x512xf32, #tpu.memory_space<vmem>>, vector<16xf32>,
        %parallel_loop3A_667 = arith.constant 10880 : i32
        %parallel_loop3A_668 = tpu.memref_slice %arg8[%parallel_loop3A_667] : memref<26112xf32, #tpu.memory_space<vmem>> -> memref<272xf32, #tpu.memory_space<vmem>>
        %parallel_loop3A_669 = tpu.vector_load_idx %parallel_loop3A_668[%parallel_loop3A_306] : memref<272xf32, #tpu.memory_space<vmem>>[vector<16xi32>], vector<16xf32>,
        %parallel_loop3A_670 = arith.constant 16 : i32
        %parallel_loop3A_671 = arith.muli %parallel_loop3A_260, %parallel_loop3A_670 : i32
        %parallel_loop3A_672 = arith.constant 40 : i32
        %parallel_loop3A_673 = arith.index_cast %parallel_loop3A_672 : i32 to index
        %parallel_loop3A_674 = arith.index_cast %parallel_loop3A_671 : i32 to index
        %parallel_loop3A_675 = tpu.vector_load %arg12[%parallel_loop3A_673, %parallel_loop3A_674] {strides = array<i32>} : memref<96x512xf32, #tpu.memory_space<vmem>>, vector<16xf32>,
        tpu.vector_store %arg12[%parallel_loop3A_673, %parallel_loop3A_674], %parallel_loop3A_669 {strides = array<i32>} : memref<96x512xf32, #tpu.memory_space<vmem>>, vector<16xf32>,
        %parallel_loop3A_676 = arith.constant 11152 : i32
        %parallel_loop3A_677 = tpu.memref_slice %arg8[%parallel_loop3A_676] : memref<26112xf32, #tpu.memory_space<vmem>> -> memref<272xf32, #tpu.memory_space<vmem>>
        %parallel_loop3A_678 = tpu.vector_load_idx %parallel_loop3A_677[%parallel_loop3A_306] : memref<272xf32, #tpu.memory_space<vmem>>[vector<16xi32>], vector<16xf32>,
        %parallel_loop3A_679 = arith.constant 16 : i32
        %parallel_loop3A_680 = arith.muli %parallel_loop3A_260, %parallel_loop3A_679 : i32
        %parallel_loop3A_681 = arith.constant 41 : i32
        %parallel_loop3A_682 = arith.index_cast %parallel_loop3A_681 : i32 to index
        %parallel_loop3A_683 = arith.index_cast %parallel_loop3A_680 : i32 to index
        %parallel_loop3A_684 = tpu.vector_load %arg12[%parallel_loop3A_682, %parallel_loop3A_683] {strides = array<i32>} : memref<96x512xf32, #tpu.memory_space<vmem>>, vector<16xf32>,
        tpu.vector_store %arg12[%parallel_loop3A_682, %parallel_loop3A_683], %parallel_loop3A_678 {strides = array<i32>} : memref<96x512xf32, #tpu.memory_space<vmem>>, vector<16xf32>,
        %parallel_loop3A_685 = arith.constant 11424 : i32
        %parallel_loop3A_686 = tpu.memref_slice %arg8[%parallel_loop3A_685] : memref<26112xf32, #tpu.memory_space<vmem>> -> memref<272xf32, #tpu.memory_space<vmem>>
        %parallel_loop3A_687 = tpu.vector_load_idx %parallel_loop3A_686[%parallel_loop3A_306] : memref<272xf32, #tpu.memory_space<vmem>>[vector<16xi32>], vector<16xf32>,
        %parallel_loop3A_688 = arith.constant 16 : i32
        %parallel_loop3A_689 = arith.muli %parallel_loop3A_260, %parallel_loop3A_688 : i32
        %parallel_loop3A_690 = arith.constant 42 : i32
        %parallel_loop3A_691 = arith.index_cast %parallel_loop3A_690 : i32 to index
        %parallel_loop3A_692 = arith.index_cast %parallel_loop3A_689 : i32 to index
        %parallel_loop3A_693 = tpu.vector_load %arg12[%parallel_loop3A_691, %parallel_loop3A_692] {strides = array<i32>} : memref<96x512xf32, #tpu.memory_space<vmem>>, vector<16xf32>,
        tpu.vector_store %arg12[%parallel_loop3A_691, %parallel_loop3A_692], %parallel_loop3A_687 {strides = array<i32>} : memref<96x512xf32, #tpu.memory_space<vmem>>, vector<16xf32>,
        %parallel_loop3A_694 = arith.constant 11696 : i32
        %parallel_loop3A_695 = tpu.memref_slice %arg8[%parallel_loop3A_694] : memref<26112xf32, #tpu.memory_space<vmem>> -> memref<272xf32, #tpu.memory_space<vmem>>
        %parallel_loop3A_696 = tpu.vector_load_idx %parallel_loop3A_695[%parallel_loop3A_306] : memref<272xf32, #tpu.memory_space<vmem>>[vector<16xi32>], vector<16xf32>,
        %parallel_loop3A_697 = arith.constant 16 : i32
        %parallel_loop3A_698 = arith.muli %parallel_loop3A_260, %parallel_loop3A_697 : i32
        %parallel_loop3A_699 = arith.constant 43 : i32
        %parallel_loop3A_700 = arith.index_cast %parallel_loop3A_699 : i32 to index
        %parallel_loop3A_701 = arith.index_cast %parallel_loop3A_698 : i32 to index
        %parallel_loop3A_702 = tpu.vector_load %arg12[%parallel_loop3A_700, %parallel_loop3A_701] {strides = array<i32>} : memref<96x512xf32, #tpu.memory_space<vmem>>, vector<16xf32>,
        tpu.vector_store %arg12[%parallel_loop3A_700, %parallel_loop3A_701], %parallel_loop3A_696 {strides = array<i32>} : memref<96x512xf32, #tpu.memory_space<vmem>>, vector<16xf32>,
        %parallel_loop3A_703 = arith.constant 11968 : i32
        %parallel_loop3A_704 = tpu.memref_slice %arg8[%parallel_loop3A_703] : memref<26112xf32, #tpu.memory_space<vmem>> -> memref<272xf32, #tpu.memory_space<vmem>>
        %parallel_loop3A_705 = tpu.vector_load_idx %parallel_loop3A_704[%parallel_loop3A_306] : memref<272xf32, #tpu.memory_space<vmem>>[vector<16xi32>], vector<16xf32>,
        %parallel_loop3A_706 = arith.constant 16 : i32
        %parallel_loop3A_707 = arith.muli %parallel_loop3A_260, %parallel_loop3A_706 : i32
        %parallel_loop3A_708 = arith.constant 44 : i32
        %parallel_loop3A_709 = arith.index_cast %parallel_loop3A_708 : i32 to index
        %parallel_loop3A_710 = arith.index_cast %parallel_loop3A_707 : i32 to index
        %parallel_loop3A_711 = tpu.vector_load %arg12[%parallel_loop3A_709, %parallel_loop3A_710] {strides = array<i32>} : memref<96x512xf32, #tpu.memory_space<vmem>>, vector<16xf32>,
        tpu.vector_store %arg12[%parallel_loop3A_709, %parallel_loop3A_710], %parallel_loop3A_705 {strides = array<i32>} : memref<96x512xf32, #tpu.memory_space<vmem>>, vector<16xf32>,
        %parallel_loop3A_712 = arith.constant 12240 : i32
        %parallel_loop3A_713 = tpu.memref_slice %arg8[%parallel_loop3A_712] : memref<26112xf32, #tpu.memory_space<vmem>> -> memref<272xf32, #tpu.memory_space<vmem>>
        %parallel_loop3A_714 = tpu.vector_load_idx %parallel_loop3A_713[%parallel_loop3A_306] : memref<272xf32, #tpu.memory_space<vmem>>[vector<16xi32>], vector<16xf32>,
        %parallel_loop3A_715 = arith.constant 16 : i32
        %parallel_loop3A_716 = arith.muli %parallel_loop3A_260, %parallel_loop3A_715 : i32
        %parallel_loop3A_717 = arith.constant 45 : i32
        %parallel_loop3A_718 = arith.index_cast %parallel_loop3A_717 : i32 to index
        %parallel_loop3A_719 = arith.index_cast %parallel_loop3A_716 : i32 to index
        %parallel_loop3A_720 = tpu.vector_load %arg12[%parallel_loop3A_718, %parallel_loop3A_719] {strides = array<i32>} : memref<96x512xf32, #tpu.memory_space<vmem>>, vector<16xf32>,
        tpu.vector_store %arg12[%parallel_loop3A_718, %parallel_loop3A_719], %parallel_loop3A_714 {strides = array<i32>} : memref<96x512xf32, #tpu.memory_space<vmem>>, vector<16xf32>,
        %parallel_loop3A_721 = arith.constant 12512 : i32
        %parallel_loop3A_722 = tpu.memref_slice %arg8[%parallel_loop3A_721] : memref<26112xf32, #tpu.memory_space<vmem>> -> memref<272xf32, #tpu.memory_space<vmem>>
        %parallel_loop3A_723 = tpu.vector_load_idx %parallel_loop3A_722[%parallel_loop3A_306] : memref<272xf32, #tpu.memory_space<vmem>>[vector<16xi32>], vector<16xf32>,
        %parallel_loop3A_724 = arith.constant 16 : i32
        %parallel_loop3A_725 = arith.muli %parallel_loop3A_260, %parallel_loop3A_724 : i32
        %parallel_loop3A_726 = arith.constant 46 : i32
        %parallel_loop3A_727 = arith.index_cast %parallel_loop3A_726 : i32 to index
        %parallel_loop3A_728 = arith.index_cast %parallel_loop3A_725 : i32 to index
        %parallel_loop3A_729 = tpu.vector_load %arg12[%parallel_loop3A_727, %parallel_loop3A_728] {strides = array<i32>} : memref<96x512xf32, #tpu.memory_space<vmem>>, vector<16xf32>,
        tpu.vector_store %arg12[%parallel_loop3A_727, %parallel_loop3A_728], %parallel_loop3A_723 {strides = array<i32>} : memref<96x512xf32, #tpu.memory_space<vmem>>, vector<16xf32>,
        %parallel_loop3A_730 = arith.constant 12784 : i32
        %parallel_loop3A_731 = tpu.memref_slice %arg8[%parallel_loop3A_730] : memref<26112xf32, #tpu.memory_space<vmem>> -> memref<272xf32, #tpu.memory_space<vmem>>
        %parallel_loop3A_732 = tpu.vector_load_idx %parallel_loop3A_731[%parallel_loop3A_306] : memref<272xf32, #tpu.memory_space<vmem>>[vector<16xi32>], vector<16xf32>,
        %parallel_loop3A_733 = arith.constant 16 : i32
        %parallel_loop3A_734 = arith.muli %parallel_loop3A_260, %parallel_loop3A_733 : i32
        %parallel_loop3A_735 = arith.constant 47 : i32
        %parallel_loop3A_736 = arith.index_cast %parallel_loop3A_735 : i32 to index
        %parallel_loop3A_737 = arith.index_cast %parallel_loop3A_734 : i32 to index
        %parallel_loop3A_738 = tpu.vector_load %arg12[%parallel_loop3A_736, %parallel_loop3A_737] {strides = array<i32>} : memref<96x512xf32, #tpu.memory_space<vmem>>, vector<16xf32>,
        tpu.vector_store %arg12[%parallel_loop3A_736, %parallel_loop3A_737], %parallel_loop3A_732 {strides = array<i32>} : memref<96x512xf32, #tpu.memory_space<vmem>>, vector<16xf32>,
        %parallel_loop3A_739 = arith.constant 13056 : i32
        %parallel_loop3A_740 = tpu.memref_slice %arg8[%parallel_loop3A_739] : memref<26112xf32, #tpu.memory_space<vmem>> -> memref<272xf32, #tpu.memory_space<vmem>>
        %parallel_loop3A_741 = tpu.vector_load_idx %parallel_loop3A_740[%parallel_loop3A_306] : memref<272xf32, #tpu.memory_space<vmem>>[vector<16xi32>], vector<16xf32>,
        %parallel_loop3A_742 = arith.constant 16 : i32
        %parallel_loop3A_743 = arith.muli %parallel_loop3A_260, %parallel_loop3A_742 : i32
        %parallel_loop3A_744 = arith.constant 48 : i32
        %parallel_loop3A_745 = arith.index_cast %parallel_loop3A_744 : i32 to index
        %parallel_loop3A_746 = arith.index_cast %parallel_loop3A_743 : i32 to index
        %parallel_loop3A_747 = tpu.vector_load %arg12[%parallel_loop3A_745, %parallel_loop3A_746] {strides = array<i32>} : memref<96x512xf32, #tpu.memory_space<vmem>>, vector<16xf32>,
        tpu.vector_store %arg12[%parallel_loop3A_745, %parallel_loop3A_746], %parallel_loop3A_741 {strides = array<i32>} : memref<96x512xf32, #tpu.memory_space<vmem>>, vector<16xf32>,
        %parallel_loop3A_748 = arith.constant 13328 : i32
        %parallel_loop3A_749 = tpu.memref_slice %arg8[%parallel_loop3A_748] : memref<26112xf32, #tpu.memory_space<vmem>> -> memref<272xf32, #tpu.memory_space<vmem>>
        %parallel_loop3A_750 = tpu.vector_load_idx %parallel_loop3A_749[%parallel_loop3A_306] : memref<272xf32, #tpu.memory_space<vmem>>[vector<16xi32>], vector<16xf32>,
        %parallel_loop3A_751 = arith.constant 16 : i32
        %parallel_loop3A_752 = arith.muli %parallel_loop3A_260, %parallel_loop3A_751 : i32
        %parallel_loop3A_753 = arith.constant 49 : i32
        %parallel_loop3A_754 = arith.index_cast %parallel_loop3A_753 : i32 to index
        %parallel_loop3A_755 = arith.index_cast %parallel_loop3A_752 : i32 to index
        %parallel_loop3A_756 = tpu.vector_load %arg12[%parallel_loop3A_754, %parallel_loop3A_755] {strides = array<i32>} : memref<96x512xf32, #tpu.memory_space<vmem>>, vector<16xf32>,
        tpu.vector_store %arg12[%parallel_loop3A_754, %parallel_loop3A_755], %parallel_loop3A_750 {strides = array<i32>} : memref<96x512xf32, #tpu.memory_space<vmem>>, vector<16xf32>,
        %parallel_loop3A_757 = arith.constant 13600 : i32
        %parallel_loop3A_758 = tpu.memref_slice %arg8[%parallel_loop3A_757] : memref<26112xf32, #tpu.memory_space<vmem>> -> memref<272xf32, #tpu.memory_space<vmem>>
        %parallel_loop3A_759 = tpu.vector_load_idx %parallel_loop3A_758[%parallel_loop3A_306] : memref<272xf32, #tpu.memory_space<vmem>>[vector<16xi32>], vector<16xf32>,
        %parallel_loop3A_760 = arith.constant 16 : i32
        %parallel_loop3A_761 = arith.muli %parallel_loop3A_260, %parallel_loop3A_760 : i32
        %parallel_loop3A_762 = arith.constant 50 : i32
        %parallel_loop3A_763 = arith.index_cast %parallel_loop3A_762 : i32 to index
        %parallel_loop3A_764 = arith.index_cast %parallel_loop3A_761 : i32 to index
        %parallel_loop3A_765 = tpu.vector_load %arg12[%parallel_loop3A_763, %parallel_loop3A_764] {strides = array<i32>} : memref<96x512xf32, #tpu.memory_space<vmem>>, vector<16xf32>,
        tpu.vector_store %arg12[%parallel_loop3A_763, %parallel_loop3A_764], %parallel_loop3A_759 {strides = array<i32>} : memref<96x512xf32, #tpu.memory_space<vmem>>, vector<16xf32>,
        %parallel_loop3A_766 = arith.constant 13872 : i32
        %parallel_loop3A_767 = tpu.memref_slice %arg8[%parallel_loop3A_766] : memref<26112xf32, #tpu.memory_space<vmem>> -> memref<272xf32, #tpu.memory_space<vmem>>
        %parallel_loop3A_768 = tpu.vector_load_idx %parallel_loop3A_767[%parallel_loop3A_306] : memref<272xf32, #tpu.memory_space<vmem>>[vector<16xi32>], vector<16xf32>,
        %parallel_loop3A_769 = arith.constant 16 : i32
        %parallel_loop3A_770 = arith.muli %parallel_loop3A_260, %parallel_loop3A_769 : i32
        %parallel_loop3A_771 = arith.constant 51 : i32
        %parallel_loop3A_772 = arith.index_cast %parallel_loop3A_771 : i32 to index
        %parallel_loop3A_773 = arith.index_cast %parallel_loop3A_770 : i32 to index
        %parallel_loop3A_774 = tpu.vector_load %arg12[%parallel_loop3A_772, %parallel_loop3A_773] {strides = array<i32>} : memref<96x512xf32, #tpu.memory_space<vmem>>, vector<16xf32>,
        tpu.vector_store %arg12[%parallel_loop3A_772, %parallel_loop3A_773], %parallel_loop3A_768 {strides = array<i32>} : memref<96x512xf32, #tpu.memory_space<vmem>>, vector<16xf32>,
        %parallel_loop3A_775 = arith.constant 14144 : i32
        %parallel_loop3A_776 = tpu.memref_slice %arg8[%parallel_loop3A_775] : memref<26112xf32, #tpu.memory_space<vmem>> -> memref<272xf32, #tpu.memory_space<vmem>>
        %parallel_loop3A_777 = tpu.vector_load_idx %parallel_loop3A_776[%parallel_loop3A_306] : memref<272xf32, #tpu.memory_space<vmem>>[vector<16xi32>], vector<16xf32>,
        %parallel_loop3A_778 = arith.constant 16 : i32
        %parallel_loop3A_779 = arith.muli %parallel_loop3A_260, %parallel_loop3A_778 : i32
        %parallel_loop3A_780 = arith.constant 52 : i32
        %parallel_loop3A_781 = arith.index_cast %parallel_loop3A_780 : i32 to index
        %parallel_loop3A_782 = arith.index_cast %parallel_loop3A_779 : i32 to index
        %parallel_loop3A_783 = tpu.vector_load %arg12[%parallel_loop3A_781, %parallel_loop3A_782] {strides = array<i32>} : memref<96x512xf32, #tpu.memory_space<vmem>>, vector<16xf32>,
        tpu.vector_store %arg12[%parallel_loop3A_781, %parallel_loop3A_782], %parallel_loop3A_777 {strides = array<i32>} : memref<96x512xf32, #tpu.memory_space<vmem>>, vector<16xf32>,
        %parallel_loop3A_784 = arith.constant 14416 : i32
        %parallel_loop3A_785 = tpu.memref_slice %arg8[%parallel_loop3A_784] : memref<26112xf32, #tpu.memory_space<vmem>> -> memref<272xf32, #tpu.memory_space<vmem>>
        %parallel_loop3A_786 = tpu.vector_load_idx %parallel_loop3A_785[%parallel_loop3A_306] : memref<272xf32, #tpu.memory_space<vmem>>[vector<16xi32>], vector<16xf32>,
        %parallel_loop3A_787 = arith.constant 16 : i32
        %parallel_loop3A_788 = arith.muli %parallel_loop3A_260, %parallel_loop3A_787 : i32
        %parallel_loop3A_789 = arith.constant 53 : i32
        %parallel_loop3A_790 = arith.index_cast %parallel_loop3A_789 : i32 to index
        %parallel_loop3A_791 = arith.index_cast %parallel_loop3A_788 : i32 to index
        %parallel_loop3A_792 = tpu.vector_load %arg12[%parallel_loop3A_790, %parallel_loop3A_791] {strides = array<i32>} : memref<96x512xf32, #tpu.memory_space<vmem>>, vector<16xf32>,
        tpu.vector_store %arg12[%parallel_loop3A_790, %parallel_loop3A_791], %parallel_loop3A_786 {strides = array<i32>} : memref<96x512xf32, #tpu.memory_space<vmem>>, vector<16xf32>,
        %parallel_loop3A_793 = arith.constant 14688 : i32
        %parallel_loop3A_794 = tpu.memref_slice %arg8[%parallel_loop3A_793] : memref<26112xf32, #tpu.memory_space<vmem>> -> memref<272xf32, #tpu.memory_space<vmem>>
        %parallel_loop3A_795 = tpu.vector_load_idx %parallel_loop3A_794[%parallel_loop3A_306] : memref<272xf32, #tpu.memory_space<vmem>>[vector<16xi32>], vector<16xf32>,
        %parallel_loop3A_796 = arith.constant 16 : i32
        %parallel_loop3A_797 = arith.muli %parallel_loop3A_260, %parallel_loop3A_796 : i32
        %parallel_loop3A_798 = arith.constant 54 : i32
        %parallel_loop3A_799 = arith.index_cast %parallel_loop3A_798 : i32 to index
        %parallel_loop3A_800 = arith.index_cast %parallel_loop3A_797 : i32 to index
        %parallel_loop3A_801 = tpu.vector_load %arg12[%parallel_loop3A_799, %parallel_loop3A_800] {strides = array<i32>} : memref<96x512xf32, #tpu.memory_space<vmem>>, vector<16xf32>,
        tpu.vector_store %arg12[%parallel_loop3A_799, %parallel_loop3A_800], %parallel_loop3A_795 {strides = array<i32>} : memref<96x512xf32, #tpu.memory_space<vmem>>, vector<16xf32>,
        %parallel_loop3A_802 = arith.constant 14960 : i32
        %parallel_loop3A_803 = tpu.memref_slice %arg8[%parallel_loop3A_802] : memref<26112xf32, #tpu.memory_space<vmem>> -> memref<272xf32, #tpu.memory_space<vmem>>
        %parallel_loop3A_804 = tpu.vector_load_idx %parallel_loop3A_803[%parallel_loop3A_306] : memref<272xf32, #tpu.memory_space<vmem>>[vector<16xi32>], vector<16xf32>,
        %parallel_loop3A_805 = arith.constant 16 : i32
        %parallel_loop3A_806 = arith.muli %parallel_loop3A_260, %parallel_loop3A_805 : i32
        %parallel_loop3A_807 = arith.constant 55 : i32
        %parallel_loop3A_808 = arith.index_cast %parallel_loop3A_807 : i32 to index
        %parallel_loop3A_809 = arith.index_cast %parallel_loop3A_806 : i32 to index
        %parallel_loop3A_810 = tpu.vector_load %arg12[%parallel_loop3A_808, %parallel_loop3A_809] {strides = array<i32>} : memref<96x512xf32, #tpu.memory_space<vmem>>, vector<16xf32>,
        tpu.vector_store %arg12[%parallel_loop3A_808, %parallel_loop3A_809], %parallel_loop3A_804 {strides = array<i32>} : memref<96x512xf32, #tpu.memory_space<vmem>>, vector<16xf32>,
        %parallel_loop3A_811 = arith.constant 15232 : i32
        %parallel_loop3A_812 = tpu.memref_slice %arg8[%parallel_loop3A_811] : memref<26112xf32, #tpu.memory_space<vmem>> -> memref<272xf32, #tpu.memory_space<vmem>>
        %parallel_loop3A_813 = tpu.vector_load_idx %parallel_loop3A_812[%parallel_loop3A_306] : memref<272xf32, #tpu.memory_space<vmem>>[vector<16xi32>], vector<16xf32>,
        %parallel_loop3A_814 = arith.constant 16 : i32
        %parallel_loop3A_815 = arith.muli %parallel_loop3A_260, %parallel_loop3A_814 : i32
        %parallel_loop3A_816 = arith.constant 56 : i32
        %parallel_loop3A_817 = arith.index_cast %parallel_loop3A_816 : i32 to index
        %parallel_loop3A_818 = arith.index_cast %parallel_loop3A_815 : i32 to index
        %parallel_loop3A_819 = tpu.vector_load %arg12[%parallel_loop3A_817, %parallel_loop3A_818] {strides = array<i32>} : memref<96x512xf32, #tpu.memory_space<vmem>>, vector<16xf32>,
        tpu.vector_store %arg12[%parallel_loop3A_817, %parallel_loop3A_818], %parallel_loop3A_813 {strides = array<i32>} : memref<96x512xf32, #tpu.memory_space<vmem>>, vector<16xf32>,
        %parallel_loop3A_820 = arith.constant 15504 : i32
        %parallel_loop3A_821 = tpu.memref_slice %arg8[%parallel_loop3A_820] : memref<26112xf32, #tpu.memory_space<vmem>> -> memref<272xf32, #tpu.memory_space<vmem>>
        %parallel_loop3A_822 = tpu.vector_load_idx %parallel_loop3A_821[%parallel_loop3A_306] : memref<272xf32, #tpu.memory_space<vmem>>[vector<16xi32>], vector<16xf32>,
        %parallel_loop3A_823 = arith.constant 16 : i32
        %parallel_loop3A_824 = arith.muli %parallel_loop3A_260, %parallel_loop3A_823 : i32
        %parallel_loop3A_825 = arith.constant 57 : i32
        %parallel_loop3A_826 = arith.index_cast %parallel_loop3A_825 : i32 to index
        %parallel_loop3A_827 = arith.index_cast %parallel_loop3A_824 : i32 to index
        %parallel_loop3A_828 = tpu.vector_load %arg12[%parallel_loop3A_826, %parallel_loop3A_827] {strides = array<i32>} : memref<96x512xf32, #tpu.memory_space<vmem>>, vector<16xf32>,
        tpu.vector_store %arg12[%parallel_loop3A_826, %parallel_loop3A_827], %parallel_loop3A_822 {strides = array<i32>} : memref<96x512xf32, #tpu.memory_space<vmem>>, vector<16xf32>,
        %parallel_loop3A_829 = arith.constant 15776 : i32
        %parallel_loop3A_830 = tpu.memref_slice %arg8[%parallel_loop3A_829] : memref<26112xf32, #tpu.memory_space<vmem>> -> memref<272xf32, #tpu.memory_space<vmem>>
        %parallel_loop3A_831 = tpu.vector_load_idx %parallel_loop3A_830[%parallel_loop3A_306] : memref<272xf32, #tpu.memory_space<vmem>>[vector<16xi32>], vector<16xf32>,
        %parallel_loop3A_832 = arith.constant 16 : i32
        %parallel_loop3A_833 = arith.muli %parallel_loop3A_260, %parallel_loop3A_832 : i32
        %parallel_loop3A_834 = arith.constant 58 : i32
        %parallel_loop3A_835 = arith.index_cast %parallel_loop3A_834 : i32 to index
        %parallel_loop3A_836 = arith.index_cast %parallel_loop3A_833 : i32 to index
        %parallel_loop3A_837 = tpu.vector_load %arg12[%parallel_loop3A_835, %parallel_loop3A_836] {strides = array<i32>} : memref<96x512xf32, #tpu.memory_space<vmem>>, vector<16xf32>,
        tpu.vector_store %arg12[%parallel_loop3A_835, %parallel_loop3A_836], %parallel_loop3A_831 {strides = array<i32>} : memref<96x512xf32, #tpu.memory_space<vmem>>, vector<16xf32>,
        %parallel_loop3A_838 = arith.constant 16048 : i32
        %parallel_loop3A_839 = tpu.memref_slice %arg8[%parallel_loop3A_838] : memref<26112xf32, #tpu.memory_space<vmem>> -> memref<272xf32, #tpu.memory_space<vmem>>
        %parallel_loop3A_840 = tpu.vector_load_idx %parallel_loop3A_839[%parallel_loop3A_306] : memref<272xf32, #tpu.memory_space<vmem>>[vector<16xi32>], vector<16xf32>,
        %parallel_loop3A_841 = arith.constant 16 : i32
        %parallel_loop3A_842 = arith.muli %parallel_loop3A_260, %parallel_loop3A_841 : i32
        %parallel_loop3A_843 = arith.constant 59 : i32
        %parallel_loop3A_844 = arith.index_cast %parallel_loop3A_843 : i32 to index
        %parallel_loop3A_845 = arith.index_cast %parallel_loop3A_842 : i32 to index
        %parallel_loop3A_846 = tpu.vector_load %arg12[%parallel_loop3A_844, %parallel_loop3A_845] {strides = array<i32>} : memref<96x512xf32, #tpu.memory_space<vmem>>, vector<16xf32>,
        tpu.vector_store %arg12[%parallel_loop3A_844, %parallel_loop3A_845], %parallel_loop3A_840 {strides = array<i32>} : memref<96x512xf32, #tpu.memory_space<vmem>>, vector<16xf32>,
        %parallel_loop3A_847 = arith.constant 16320 : i32
        %parallel_loop3A_848 = tpu.memref_slice %arg8[%parallel_loop3A_847] : memref<26112xf32, #tpu.memory_space<vmem>> -> memref<272xf32, #tpu.memory_space<vmem>>
        %parallel_loop3A_849 = tpu.vector_load_idx %parallel_loop3A_848[%parallel_loop3A_306] : memref<272xf32, #tpu.memory_space<vmem>>[vector<16xi32>], vector<16xf32>,
        %parallel_loop3A_850 = arith.constant 16 : i32
        %parallel_loop3A_851 = arith.muli %parallel_loop3A_260, %parallel_loop3A_850 : i32
        %parallel_loop3A_852 = arith.constant 60 : i32
        %parallel_loop3A_853 = arith.index_cast %parallel_loop3A_852 : i32 to index
        %parallel_loop3A_854 = arith.index_cast %parallel_loop3A_851 : i32 to index
        %parallel_loop3A_855 = tpu.vector_load %arg12[%parallel_loop3A_853, %parallel_loop3A_854] {strides = array<i32>} : memref<96x512xf32, #tpu.memory_space<vmem>>, vector<16xf32>,
        tpu.vector_store %arg12[%parallel_loop3A_853, %parallel_loop3A_854], %parallel_loop3A_849 {strides = array<i32>} : memref<96x512xf32, #tpu.memory_space<vmem>>, vector<16xf32>,
        %parallel_loop3A_856 = arith.constant 16592 : i32
        %parallel_loop3A_857 = tpu.memref_slice %arg8[%parallel_loop3A_856] : memref<26112xf32, #tpu.memory_space<vmem>> -> memref<272xf32, #tpu.memory_space<vmem>>
        %parallel_loop3A_858 = tpu.vector_load_idx %parallel_loop3A_857[%parallel_loop3A_306] : memref<272xf32, #tpu.memory_space<vmem>>[vector<16xi32>], vector<16xf32>,
        %parallel_loop3A_859 = arith.constant 16 : i32
        %parallel_loop3A_860 = arith.muli %parallel_loop3A_260, %parallel_loop3A_859 : i32
        %parallel_loop3A_861 = arith.constant 61 : i32
        %parallel_loop3A_862 = arith.index_cast %parallel_loop3A_861 : i32 to index
        %parallel_loop3A_863 = arith.index_cast %parallel_loop3A_860 : i32 to index
        %parallel_loop3A_864 = tpu.vector_load %arg12[%parallel_loop3A_862, %parallel_loop3A_863] {strides = array<i32>} : memref<96x512xf32, #tpu.memory_space<vmem>>, vector<16xf32>,
        tpu.vector_store %arg12[%parallel_loop3A_862, %parallel_loop3A_863], %parallel_loop3A_858 {strides = array<i32>} : memref<96x512xf32, #tpu.memory_space<vmem>>, vector<16xf32>,
        %parallel_loop3A_865 = arith.constant 16864 : i32
        %parallel_loop3A_866 = tpu.memref_slice %arg8[%parallel_loop3A_865] : memref<26112xf32, #tpu.memory_space<vmem>> -> memref<272xf32, #tpu.memory_space<vmem>>
        %parallel_loop3A_867 = tpu.vector_load_idx %parallel_loop3A_866[%parallel_loop3A_306] : memref<272xf32, #tpu.memory_space<vmem>>[vector<16xi32>], vector<16xf32>,
        %parallel_loop3A_868 = arith.constant 16 : i32
        %parallel_loop3A_869 = arith.muli %parallel_loop3A_260, %parallel_loop3A_868 : i32
        %parallel_loop3A_870 = arith.constant 62 : i32
        %parallel_loop3A_871 = arith.index_cast %parallel_loop3A_870 : i32 to index
        %parallel_loop3A_872 = arith.index_cast %parallel_loop3A_869 : i32 to index
        %parallel_loop3A_873 = tpu.vector_load %arg12[%parallel_loop3A_871, %parallel_loop3A_872] {strides = array<i32>} : memref<96x512xf32, #tpu.memory_space<vmem>>, vector<16xf32>,
        tpu.vector_store %arg12[%parallel_loop3A_871, %parallel_loop3A_872], %parallel_loop3A_867 {strides = array<i32>} : memref<96x512xf32, #tpu.memory_space<vmem>>, vector<16xf32>,
        %parallel_loop3A_874 = arith.constant 17136 : i32
        %parallel_loop3A_875 = tpu.memref_slice %arg8[%parallel_loop3A_874] : memref<26112xf32, #tpu.memory_space<vmem>> -> memref<272xf32, #tpu.memory_space<vmem>>
        %parallel_loop3A_876 = tpu.vector_load_idx %parallel_loop3A_875[%parallel_loop3A_306] : memref<272xf32, #tpu.memory_space<vmem>>[vector<16xi32>], vector<16xf32>,
        %parallel_loop3A_877 = arith.constant 16 : i32
        %parallel_loop3A_878 = arith.muli %parallel_loop3A_260, %parallel_loop3A_877 : i32
        %parallel_loop3A_879 = arith.constant 63 : i32
        %parallel_loop3A_880 = arith.index_cast %parallel_loop3A_879 : i32 to index
        %parallel_loop3A_881 = arith.index_cast %parallel_loop3A_878 : i32 to index
        %parallel_loop3A_882 = tpu.vector_load %arg12[%parallel_loop3A_880, %parallel_loop3A_881] {strides = array<i32>} : memref<96x512xf32, #tpu.memory_space<vmem>>, vector<16xf32>,
        tpu.vector_store %arg12[%parallel_loop3A_880, %parallel_loop3A_881], %parallel_loop3A_876 {strides = array<i32>} : memref<96x512xf32, #tpu.memory_space<vmem>>, vector<16xf32>,
        %parallel_loop3A_883 = arith.constant 17408 : i32
        %parallel_loop3A_884 = tpu.memref_slice %arg8[%parallel_loop3A_883] : memref<26112xf32, #tpu.memory_space<vmem>> -> memref<272xf32, #tpu.memory_space<vmem>>
        %parallel_loop3A_885 = tpu.vector_load_idx %parallel_loop3A_884[%parallel_loop3A_306] : memref<272xf32, #tpu.memory_space<vmem>>[vector<16xi32>], vector<16xf32>,
        %parallel_loop3A_886 = arith.constant 16 : i32
        %parallel_loop3A_887 = arith.muli %parallel_loop3A_260, %parallel_loop3A_886 : i32
        %parallel_loop3A_888 = arith.constant 64 : i32
        %parallel_loop3A_889 = arith.index_cast %parallel_loop3A_888 : i32 to index
        %parallel_loop3A_890 = arith.index_cast %parallel_loop3A_887 : i32 to index
        %parallel_loop3A_891 = tpu.vector_load %arg12[%parallel_loop3A_889, %parallel_loop3A_890] {strides = array<i32>} : memref<96x512xf32, #tpu.memory_space<vmem>>, vector<16xf32>,
        tpu.vector_store %arg12[%parallel_loop3A_889, %parallel_loop3A_890], %parallel_loop3A_885 {strides = array<i32>} : memref<96x512xf32, #tpu.memory_space<vmem>>, vector<16xf32>,
        %parallel_loop3A_892 = arith.constant 17680 : i32
        %parallel_loop3A_893 = tpu.memref_slice %arg8[%parallel_loop3A_892] : memref<26112xf32, #tpu.memory_space<vmem>> -> memref<272xf32, #tpu.memory_space<vmem>>
        %parallel_loop3A_894 = tpu.vector_load_idx %parallel_loop3A_893[%parallel_loop3A_306] : memref<272xf32, #tpu.memory_space<vmem>>[vector<16xi32>], vector<16xf32>,
        %parallel_loop3A_895 = arith.constant 16 : i32
        %parallel_loop3A_896 = arith.muli %parallel_loop3A_260, %parallel_loop3A_895 : i32
        %parallel_loop3A_897 = arith.constant 65 : i32
        %parallel_loop3A_898 = arith.index_cast %parallel_loop3A_897 : i32 to index
        %parallel_loop3A_899 = arith.index_cast %parallel_loop3A_896 : i32 to index
        %parallel_loop3A_900 = tpu.vector_load %arg12[%parallel_loop3A_898, %parallel_loop3A_899] {strides = array<i32>} : memref<96x512xf32, #tpu.memory_space<vmem>>, vector<16xf32>,
        tpu.vector_store %arg12[%parallel_loop3A_898, %parallel_loop3A_899], %parallel_loop3A_894 {strides = array<i32>} : memref<96x512xf32, #tpu.memory_space<vmem>>, vector<16xf32>,
        %parallel_loop3A_901 = arith.constant 17952 : i32
        %parallel_loop3A_902 = tpu.memref_slice %arg8[%parallel_loop3A_901] : memref<26112xf32, #tpu.memory_space<vmem>> -> memref<272xf32, #tpu.memory_space<vmem>>
        %parallel_loop3A_903 = tpu.vector_load_idx %parallel_loop3A_902[%parallel_loop3A_306] : memref<272xf32, #tpu.memory_space<vmem>>[vector<16xi32>], vector<16xf32>,
        %parallel_loop3A_904 = arith.constant 16 : i32
        %parallel_loop3A_905 = arith.muli %parallel_loop3A_260, %parallel_loop3A_904 : i32
        %parallel_loop3A_906 = arith.constant 66 : i32
        %parallel_loop3A_907 = arith.index_cast %parallel_loop3A_906 : i32 to index
        %parallel_loop3A_908 = arith.index_cast %parallel_loop3A_905 : i32 to index
        %parallel_loop3A_909 = tpu.vector_load %arg12[%parallel_loop3A_907, %parallel_loop3A_908] {strides = array<i32>} : memref<96x512xf32, #tpu.memory_space<vmem>>, vector<16xf32>,
        tpu.vector_store %arg12[%parallel_loop3A_907, %parallel_loop3A_908], %parallel_loop3A_903 {strides = array<i32>} : memref<96x512xf32, #tpu.memory_space<vmem>>, vector<16xf32>,
        %parallel_loop3A_910 = arith.constant 18224 : i32
        %parallel_loop3A_911 = tpu.memref_slice %arg8[%parallel_loop3A_910] : memref<26112xf32, #tpu.memory_space<vmem>> -> memref<272xf32, #tpu.memory_space<vmem>>
        %parallel_loop3A_912 = tpu.vector_load_idx %parallel_loop3A_911[%parallel_loop3A_306] : memref<272xf32, #tpu.memory_space<vmem>>[vector<16xi32>], vector<16xf32>,
        %parallel_loop3A_913 = arith.constant 16 : i32
        %parallel_loop3A_914 = arith.muli %parallel_loop3A_260, %parallel_loop3A_913 : i32
        %parallel_loop3A_915 = arith.constant 67 : i32
        %parallel_loop3A_916 = arith.index_cast %parallel_loop3A_915 : i32 to index
        %parallel_loop3A_917 = arith.index_cast %parallel_loop3A_914 : i32 to index
        %parallel_loop3A_918 = tpu.vector_load %arg12[%parallel_loop3A_916, %parallel_loop3A_917] {strides = array<i32>} : memref<96x512xf32, #tpu.memory_space<vmem>>, vector<16xf32>,
        tpu.vector_store %arg12[%parallel_loop3A_916, %parallel_loop3A_917], %parallel_loop3A_912 {strides = array<i32>} : memref<96x512xf32, #tpu.memory_space<vmem>>, vector<16xf32>,
        %parallel_loop3A_919 = arith.constant 18496 : i32
        %parallel_loop3A_920 = tpu.memref_slice %arg8[%parallel_loop3A_919] : memref<26112xf32, #tpu.memory_space<vmem>> -> memref<272xf32, #tpu.memory_space<vmem>>
        %parallel_loop3A_921 = tpu.vector_load_idx %parallel_loop3A_920[%parallel_loop3A_306] : memref<272xf32, #tpu.memory_space<vmem>>[vector<16xi32>], vector<16xf32>,
        %parallel_loop3A_922 = arith.constant 16 : i32
        %parallel_loop3A_923 = arith.muli %parallel_loop3A_260, %parallel_loop3A_922 : i32
        %parallel_loop3A_924 = arith.constant 68 : i32
        %parallel_loop3A_925 = arith.index_cast %parallel_loop3A_924 : i32 to index
        %parallel_loop3A_926 = arith.index_cast %parallel_loop3A_923 : i32 to index
        %parallel_loop3A_927 = tpu.vector_load %arg12[%parallel_loop3A_925, %parallel_loop3A_926] {strides = array<i32>} : memref<96x512xf32, #tpu.memory_space<vmem>>, vector<16xf32>,
        tpu.vector_store %arg12[%parallel_loop3A_925, %parallel_loop3A_926], %parallel_loop3A_921 {strides = array<i32>} : memref<96x512xf32, #tpu.memory_space<vmem>>, vector<16xf32>,
        %parallel_loop3A_928 = arith.constant 18768 : i32
        %parallel_loop3A_929 = tpu.memref_slice %arg8[%parallel_loop3A_928] : memref<26112xf32, #tpu.memory_space<vmem>> -> memref<272xf32, #tpu.memory_space<vmem>>
        %parallel_loop3A_930 = tpu.vector_load_idx %parallel_loop3A_929[%parallel_loop3A_306] : memref<272xf32, #tpu.memory_space<vmem>>[vector<16xi32>], vector<16xf32>,
        %parallel_loop3A_931 = arith.constant 16 : i32
        %parallel_loop3A_932 = arith.muli %parallel_loop3A_260, %parallel_loop3A_931 : i32
        %parallel_loop3A_933 = arith.constant 69 : i32
        %parallel_loop3A_934 = arith.index_cast %parallel_loop3A_933 : i32 to index
        %parallel_loop3A_935 = arith.index_cast %parallel_loop3A_932 : i32 to index
        %parallel_loop3A_936 = tpu.vector_load %arg12[%parallel_loop3A_934, %parallel_loop3A_935] {strides = array<i32>} : memref<96x512xf32, #tpu.memory_space<vmem>>, vector<16xf32>,
        tpu.vector_store %arg12[%parallel_loop3A_934, %parallel_loop3A_935], %parallel_loop3A_930 {strides = array<i32>} : memref<96x512xf32, #tpu.memory_space<vmem>>, vector<16xf32>,
        %parallel_loop3A_937 = arith.constant 19040 : i32
        %parallel_loop3A_938 = tpu.memref_slice %arg8[%parallel_loop3A_937] : memref<26112xf32, #tpu.memory_space<vmem>> -> memref<272xf32, #tpu.memory_space<vmem>>
        %parallel_loop3A_939 = tpu.vector_load_idx %parallel_loop3A_938[%parallel_loop3A_306] : memref<272xf32, #tpu.memory_space<vmem>>[vector<16xi32>], vector<16xf32>,
        %parallel_loop3A_940 = arith.constant 16 : i32
        %parallel_loop3A_941 = arith.muli %parallel_loop3A_260, %parallel_loop3A_940 : i32
        %parallel_loop3A_942 = arith.constant 70 : i32
        %parallel_loop3A_943 = arith.index_cast %parallel_loop3A_942 : i32 to index
        %parallel_loop3A_944 = arith.index_cast %parallel_loop3A_941 : i32 to index
        %parallel_loop3A_945 = tpu.vector_load %arg12[%parallel_loop3A_943, %parallel_loop3A_944] {strides = array<i32>} : memref<96x512xf32, #tpu.memory_space<vmem>>, vector<16xf32>,
        tpu.vector_store %arg12[%parallel_loop3A_943, %parallel_loop3A_944], %parallel_loop3A_939 {strides = array<i32>} : memref<96x512xf32, #tpu.memory_space<vmem>>, vector<16xf32>,
        %parallel_loop3A_946 = arith.constant 19312 : i32
        %parallel_loop3A_947 = tpu.memref_slice %arg8[%parallel_loop3A_946] : memref<26112xf32, #tpu.memory_space<vmem>> -> memref<272xf32, #tpu.memory_space<vmem>>
        %parallel_loop3A_948 = tpu.vector_load_idx %parallel_loop3A_947[%parallel_loop3A_306] : memref<272xf32, #tpu.memory_space<vmem>>[vector<16xi32>], vector<16xf32>,
        %parallel_loop3A_949 = arith.constant 16 : i32
        %parallel_loop3A_950 = arith.muli %parallel_loop3A_260, %parallel_loop3A_949 : i32
        %parallel_loop3A_951 = arith.constant 71 : i32
        %parallel_loop3A_952 = arith.index_cast %parallel_loop3A_951 : i32 to index
        %parallel_loop3A_953 = arith.index_cast %parallel_loop3A_950 : i32 to index
        %parallel_loop3A_954 = tpu.vector_load %arg12[%parallel_loop3A_952, %parallel_loop3A_953] {strides = array<i32>} : memref<96x512xf32, #tpu.memory_space<vmem>>, vector<16xf32>,
        tpu.vector_store %arg12[%parallel_loop3A_952, %parallel_loop3A_953], %parallel_loop3A_948 {strides = array<i32>} : memref<96x512xf32, #tpu.memory_space<vmem>>, vector<16xf32>,
        %parallel_loop3A_955 = arith.constant 19584 : i32
        %parallel_loop3A_956 = tpu.memref_slice %arg8[%parallel_loop3A_955] : memref<26112xf32, #tpu.memory_space<vmem>> -> memref<272xf32, #tpu.memory_space<vmem>>
        %parallel_loop3A_957 = tpu.vector_load_idx %parallel_loop3A_956[%parallel_loop3A_306] : memref<272xf32, #tpu.memory_space<vmem>>[vector<16xi32>], vector<16xf32>,
        %parallel_loop3A_958 = arith.constant 16 : i32
        %parallel_loop3A_959 = arith.muli %parallel_loop3A_260, %parallel_loop3A_958 : i32
        %parallel_loop3A_960 = arith.constant 72 : i32
        %parallel_loop3A_961 = arith.index_cast %parallel_loop3A_960 : i32 to index
        %parallel_loop3A_962 = arith.index_cast %parallel_loop3A_959 : i32 to index
        %parallel_loop3A_963 = tpu.vector_load %arg12[%parallel_loop3A_961, %parallel_loop3A_962] {strides = array<i32>} : memref<96x512xf32, #tpu.memory_space<vmem>>, vector<16xf32>,
        tpu.vector_store %arg12[%parallel_loop3A_961, %parallel_loop3A_962], %parallel_loop3A_957 {strides = array<i32>} : memref<96x512xf32, #tpu.memory_space<vmem>>, vector<16xf32>,
        %parallel_loop3A_964 = arith.constant 19856 : i32
        %parallel_loop3A_965 = tpu.memref_slice %arg8[%parallel_loop3A_964] : memref<26112xf32, #tpu.memory_space<vmem>> -> memref<272xf32, #tpu.memory_space<vmem>>
        %parallel_loop3A_966 = tpu.vector_load_idx %parallel_loop3A_965[%parallel_loop3A_306] : memref<272xf32, #tpu.memory_space<vmem>>[vector<16xi32>], vector<16xf32>,
        %parallel_loop3A_967 = arith.constant 16 : i32
        %parallel_loop3A_968 = arith.muli %parallel_loop3A_260, %parallel_loop3A_967 : i32
        %parallel_loop3A_969 = arith.constant 73 : i32
        %parallel_loop3A_970 = arith.index_cast %parallel_loop3A_969 : i32 to index
        %parallel_loop3A_971 = arith.index_cast %parallel_loop3A_968 : i32 to index
        %parallel_loop3A_972 = tpu.vector_load %arg12[%parallel_loop3A_970, %parallel_loop3A_971] {strides = array<i32>} : memref<96x512xf32, #tpu.memory_space<vmem>>, vector<16xf32>,
        tpu.vector_store %arg12[%parallel_loop3A_970, %parallel_loop3A_971], %parallel_loop3A_966 {strides = array<i32>} : memref<96x512xf32, #tpu.memory_space<vmem>>, vector<16xf32>,
        %parallel_loop3A_973 = arith.constant 20128 : i32
        %parallel_loop3A_974 = tpu.memref_slice %arg8[%parallel_loop3A_973] : memref<26112xf32, #tpu.memory_space<vmem>> -> memref<272xf32, #tpu.memory_space<vmem>>
        %parallel_loop3A_975 = tpu.vector_load_idx %parallel_loop3A_974[%parallel_loop3A_306] : memref<272xf32, #tpu.memory_space<vmem>>[vector<16xi32>], vector<16xf32>,
        %parallel_loop3A_976 = arith.constant 16 : i32
        %parallel_loop3A_977 = arith.muli %parallel_loop3A_260, %parallel_loop3A_976 : i32
        %parallel_loop3A_978 = arith.constant 74 : i32
        %parallel_loop3A_979 = arith.index_cast %parallel_loop3A_978 : i32 to index
        %parallel_loop3A_980 = arith.index_cast %parallel_loop3A_977 : i32 to index
        %parallel_loop3A_981 = tpu.vector_load %arg12[%parallel_loop3A_979, %parallel_loop3A_980] {strides = array<i32>} : memref<96x512xf32, #tpu.memory_space<vmem>>, vector<16xf32>,
        tpu.vector_store %arg12[%parallel_loop3A_979, %parallel_loop3A_980], %parallel_loop3A_975 {strides = array<i32>} : memref<96x512xf32, #tpu.memory_space<vmem>>, vector<16xf32>,
        %parallel_loop3A_982 = arith.constant 20400 : i32
        %parallel_loop3A_983 = tpu.memref_slice %arg8[%parallel_loop3A_982] : memref<26112xf32, #tpu.memory_space<vmem>> -> memref<272xf32, #tpu.memory_space<vmem>>
        %parallel_loop3A_984 = tpu.vector_load_idx %parallel_loop3A_983[%parallel_loop3A_306] : memref<272xf32, #tpu.memory_space<vmem>>[vector<16xi32>], vector<16xf32>,
        %parallel_loop3A_985 = arith.constant 16 : i32
        %parallel_loop3A_986 = arith.muli %parallel_loop3A_260, %parallel_loop3A_985 : i32
        %parallel_loop3A_987 = arith.constant 75 : i32
        %parallel_loop3A_988 = arith.index_cast %parallel_loop3A_987 : i32 to index
        %parallel_loop3A_989 = arith.index_cast %parallel_loop3A_986 : i32 to index
        %parallel_loop3A_990 = tpu.vector_load %arg12[%parallel_loop3A_988, %parallel_loop3A_989] {strides = array<i32>} : memref<96x512xf32, #tpu.memory_space<vmem>>, vector<16xf32>,
        tpu.vector_store %arg12[%parallel_loop3A_988, %parallel_loop3A_989], %parallel_loop3A_984 {strides = array<i32>} : memref<96x512xf32, #tpu.memory_space<vmem>>, vector<16xf32>,
        %parallel_loop3A_991 = arith.constant 20672 : i32
        %parallel_loop3A_992 = tpu.memref_slice %arg8[%parallel_loop3A_991] : memref<26112xf32, #tpu.memory_space<vmem>> -> memref<272xf32, #tpu.memory_space<vmem>>
        %parallel_loop3A_993 = tpu.vector_load_idx %parallel_loop3A_992[%parallel_loop3A_306] : memref<272xf32, #tpu.memory_space<vmem>>[vector<16xi32>], vector<16xf32>,
        %parallel_loop3A_994 = arith.constant 16 : i32
        %parallel_loop3A_995 = arith.muli %parallel_loop3A_260, %parallel_loop3A_994 : i32
        %parallel_loop3A_996 = arith.constant 76 : i32
        %parallel_loop3A_997 = arith.index_cast %parallel_loop3A_996 : i32 to index
        %parallel_loop3A_998 = arith.index_cast %parallel_loop3A_995 : i32 to index
        %parallel_loop3A_999 = tpu.vector_load %arg12[%parallel_loop3A_997, %parallel_loop3A_998] {strides = array<i32>} : memref<96x512xf32, #tpu.memory_space<vmem>>, vector<16xf32>,
        tpu.vector_store %arg12[%parallel_loop3A_997, %parallel_loop3A_998], %parallel_loop3A_993 {strides = array<i32>} : memref<96x512xf32, #tpu.memory_space<vmem>>, vector<16xf32>,
        %parallel_loop3A_1000 = arith.constant 20944 : i32
        %parallel_loop3A_1001 = tpu.memref_slice %arg8[%parallel_loop3A_1000] : memref<26112xf32, #tpu.memory_space<vmem>> -> memref<272xf32, #tpu.memory_space<vmem>>
        %parallel_loop3A_1002 = tpu.vector_load_idx %parallel_loop3A_1001[%parallel_loop3A_306] : memref<272xf32, #tpu.memory_space<vmem>>[vector<16xi32>], vector<16xf32>,
        %parallel_loop3A_1003 = arith.constant 16 : i32
        %parallel_loop3A_1004 = arith.muli %parallel_loop3A_260, %parallel_loop3A_1003 : i32
        %parallel_loop3A_1005 = arith.constant 77 : i32
        %parallel_loop3A_1006 = arith.index_cast %parallel_loop3A_1005 : i32 to index
        %parallel_loop3A_1007 = arith.index_cast %parallel_loop3A_1004 : i32 to index
        %parallel_loop3A_1008 = tpu.vector_load %arg12[%parallel_loop3A_1006, %parallel_loop3A_1007] {strides = array<i32>} : memref<96x512xf32, #tpu.memory_space<vmem>>, vector<16xf32>,
        tpu.vector_store %arg12[%parallel_loop3A_1006, %parallel_loop3A_1007], %parallel_loop3A_1002 {strides = array<i32>} : memref<96x512xf32, #tpu.memory_space<vmem>>, vector<16xf32>,
        %parallel_loop3A_1009 = arith.constant 21216 : i32
        %parallel_loop3A_1010 = tpu.memref_slice %arg8[%parallel_loop3A_1009] : memref<26112xf32, #tpu.memory_space<vmem>> -> memref<272xf32, #tpu.memory_space<vmem>>
        %parallel_loop3A_1011 = tpu.vector_load_idx %parallel_loop3A_1010[%parallel_loop3A_306] : memref<272xf32, #tpu.memory_space<vmem>>[vector<16xi32>], vector<16xf32>,
        %parallel_loop3A_1012 = arith.constant 16 : i32
        %parallel_loop3A_1013 = arith.muli %parallel_loop3A_260, %parallel_loop3A_1012 : i32
        %parallel_loop3A_1014 = arith.constant 78 : i32
        %parallel_loop3A_1015 = arith.index_cast %parallel_loop3A_1014 : i32 to index
        %parallel_loop3A_1016 = arith.index_cast %parallel_loop3A_1013 : i32 to index
        %parallel_loop3A_1017 = tpu.vector_load %arg12[%parallel_loop3A_1015, %parallel_loop3A_1016] {strides = array<i32>} : memref<96x512xf32, #tpu.memory_space<vmem>>, vector<16xf32>,
        tpu.vector_store %arg12[%parallel_loop3A_1015, %parallel_loop3A_1016], %parallel_loop3A_1011 {strides = array<i32>} : memref<96x512xf32, #tpu.memory_space<vmem>>, vector<16xf32>,
        %parallel_loop3A_1018 = arith.constant 21488 : i32
        %parallel_loop3A_1019 = tpu.memref_slice %arg8[%parallel_loop3A_1018] : memref<26112xf32, #tpu.memory_space<vmem>> -> memref<272xf32, #tpu.memory_space<vmem>>
        %parallel_loop3A_1020 = tpu.vector_load_idx %parallel_loop3A_1019[%parallel_loop3A_306] : memref<272xf32, #tpu.memory_space<vmem>>[vector<16xi32>], vector<16xf32>,
        %parallel_loop3A_1021 = arith.constant 16 : i32
        %parallel_loop3A_1022 = arith.muli %parallel_loop3A_260, %parallel_loop3A_1021 : i32
        %parallel_loop3A_1023 = arith.constant 79 : i32
        %parallel_loop3A_1024 = arith.index_cast %parallel_loop3A_1023 : i32 to index
        %parallel_loop3A_1025 = arith.index_cast %parallel_loop3A_1022 : i32 to index
        %parallel_loop3A_1026 = tpu.vector_load %arg12[%parallel_loop3A_1024, %parallel_loop3A_1025] {strides = array<i32>} : memref<96x512xf32, #tpu.memory_space<vmem>>, vector<16xf32>,
        tpu.vector_store %arg12[%parallel_loop3A_1024, %parallel_loop3A_1025], %parallel_loop3A_1020 {strides = array<i32>} : memref<96x512xf32, #tpu.memory_space<vmem>>, vector<16xf32>,
        %parallel_loop3A_1027 = arith.constant 21760 : i32
        %parallel_loop3A_1028 = tpu.memref_slice %arg8[%parallel_loop3A_1027] : memref<26112xf32, #tpu.memory_space<vmem>> -> memref<272xf32, #tpu.memory_space<vmem>>
        %parallel_loop3A_1029 = tpu.vector_load_idx %parallel_loop3A_1028[%parallel_loop3A_306] : memref<272xf32, #tpu.memory_space<vmem>>[vector<16xi32>], vector<16xf32>,
        %parallel_loop3A_1030 = arith.constant 16 : i32
        %parallel_loop3A_1031 = arith.muli %parallel_loop3A_260, %parallel_loop3A_1030 : i32
        %parallel_loop3A_1032 = arith.constant 80 : i32
        %parallel_loop3A_1033 = arith.index_cast %parallel_loop3A_1032 : i32 to index
        %parallel_loop3A_1034 = arith.index_cast %parallel_loop3A_1031 : i32 to index
        %parallel_loop3A_1035 = tpu.vector_load %arg12[%parallel_loop3A_1033, %parallel_loop3A_1034] {strides = array<i32>} : memref<96x512xf32, #tpu.memory_space<vmem>>, vector<16xf32>,
        tpu.vector_store %arg12[%parallel_loop3A_1033, %parallel_loop3A_1034], %parallel_loop3A_1029 {strides = array<i32>} : memref<96x512xf32, #tpu.memory_space<vmem>>, vector<16xf32>,
        %parallel_loop3A_1036 = arith.constant 22032 : i32
        %parallel_loop3A_1037 = tpu.memref_slice %arg8[%parallel_loop3A_1036] : memref<26112xf32, #tpu.memory_space<vmem>> -> memref<272xf32, #tpu.memory_space<vmem>>
        %parallel_loop3A_1038 = tpu.vector_load_idx %parallel_loop3A_1037[%parallel_loop3A_306] : memref<272xf32, #tpu.memory_space<vmem>>[vector<16xi32>], vector<16xf32>,
        %parallel_loop3A_1039 = arith.constant 16 : i32
        %parallel_loop3A_1040 = arith.muli %parallel_loop3A_260, %parallel_loop3A_1039 : i32
        %parallel_loop3A_1041 = arith.constant 81 : i32
        %parallel_loop3A_1042 = arith.index_cast %parallel_loop3A_1041 : i32 to index
        %parallel_loop3A_1043 = arith.index_cast %parallel_loop3A_1040 : i32 to index
        %parallel_loop3A_1044 = tpu.vector_load %arg12[%parallel_loop3A_1042, %parallel_loop3A_1043] {strides = array<i32>} : memref<96x512xf32, #tpu.memory_space<vmem>>, vector<16xf32>,
        tpu.vector_store %arg12[%parallel_loop3A_1042, %parallel_loop3A_1043], %parallel_loop3A_1038 {strides = array<i32>} : memref<96x512xf32, #tpu.memory_space<vmem>>, vector<16xf32>,
        %parallel_loop3A_1045 = arith.constant 22304 : i32
        %parallel_loop3A_1046 = tpu.memref_slice %arg8[%parallel_loop3A_1045] : memref<26112xf32, #tpu.memory_space<vmem>> -> memref<272xf32, #tpu.memory_space<vmem>>
        %parallel_loop3A_1047 = tpu.vector_load_idx %parallel_loop3A_1046[%parallel_loop3A_306] : memref<272xf32, #tpu.memory_space<vmem>>[vector<16xi32>], vector<16xf32>,
        %parallel_loop3A_1048 = arith.constant 16 : i32
        %parallel_loop3A_1049 = arith.muli %parallel_loop3A_260, %parallel_loop3A_1048 : i32
        %parallel_loop3A_1050 = arith.constant 82 : i32
        %parallel_loop3A_1051 = arith.index_cast %parallel_loop3A_1050 : i32 to index
        %parallel_loop3A_1052 = arith.index_cast %parallel_loop3A_1049 : i32 to index
        %parallel_loop3A_1053 = tpu.vector_load %arg12[%parallel_loop3A_1051, %parallel_loop3A_1052] {strides = array<i32>} : memref<96x512xf32, #tpu.memory_space<vmem>>, vector<16xf32>,
        tpu.vector_store %arg12[%parallel_loop3A_1051, %parallel_loop3A_1052], %parallel_loop3A_1047 {strides = array<i32>} : memref<96x512xf32, #tpu.memory_space<vmem>>, vector<16xf32>,
        %parallel_loop3A_1054 = arith.constant 22576 : i32
        %parallel_loop3A_1055 = tpu.memref_slice %arg8[%parallel_loop3A_1054] : memref<26112xf32, #tpu.memory_space<vmem>> -> memref<272xf32, #tpu.memory_space<vmem>>
        %parallel_loop3A_1056 = tpu.vector_load_idx %parallel_loop3A_1055[%parallel_loop3A_306] : memref<272xf32, #tpu.memory_space<vmem>>[vector<16xi32>], vector<16xf32>,
        %parallel_loop3A_1057 = arith.constant 16 : i32
        %parallel_loop3A_1058 = arith.muli %parallel_loop3A_260, %parallel_loop3A_1057 : i32
        %parallel_loop3A_1059 = arith.constant 83 : i32
        %parallel_loop3A_1060 = arith.index_cast %parallel_loop3A_1059 : i32 to index
        %parallel_loop3A_1061 = arith.index_cast %parallel_loop3A_1058 : i32 to index
        %parallel_loop3A_1062 = tpu.vector_load %arg12[%parallel_loop3A_1060, %parallel_loop3A_1061] {strides = array<i32>} : memref<96x512xf32, #tpu.memory_space<vmem>>, vector<16xf32>,
        tpu.vector_store %arg12[%parallel_loop3A_1060, %parallel_loop3A_1061], %parallel_loop3A_1056 {strides = array<i32>} : memref<96x512xf32, #tpu.memory_space<vmem>>, vector<16xf32>,
        %parallel_loop3A_1063 = arith.constant 22848 : i32
        %parallel_loop3A_1064 = tpu.memref_slice %arg8[%parallel_loop3A_1063] : memref<26112xf32, #tpu.memory_space<vmem>> -> memref<272xf32, #tpu.memory_space<vmem>>
        %parallel_loop3A_1065 = tpu.vector_load_idx %parallel_loop3A_1064[%parallel_loop3A_306] : memref<272xf32, #tpu.memory_space<vmem>>[vector<16xi32>], vector<16xf32>,
        %parallel_loop3A_1066 = arith.constant 16 : i32
        %parallel_loop3A_1067 = arith.muli %parallel_loop3A_260, %parallel_loop3A_1066 : i32
        %parallel_loop3A_1068 = arith.constant 84 : i32
        %parallel_loop3A_1069 = arith.index_cast %parallel_loop3A_1068 : i32 to index
        %parallel_loop3A_1070 = arith.index_cast %parallel_loop3A_1067 : i32 to index
        %parallel_loop3A_1071 = tpu.vector_load %arg12[%parallel_loop3A_1069, %parallel_loop3A_1070] {strides = array<i32>} : memref<96x512xf32, #tpu.memory_space<vmem>>, vector<16xf32>,
        tpu.vector_store %arg12[%parallel_loop3A_1069, %parallel_loop3A_1070], %parallel_loop3A_1065 {strides = array<i32>} : memref<96x512xf32, #tpu.memory_space<vmem>>, vector<16xf32>,
        %parallel_loop3A_1072 = arith.constant 23120 : i32
        %parallel_loop3A_1073 = tpu.memref_slice %arg8[%parallel_loop3A_1072] : memref<26112xf32, #tpu.memory_space<vmem>> -> memref<272xf32, #tpu.memory_space<vmem>>
        %parallel_loop3A_1074 = tpu.vector_load_idx %parallel_loop3A_1073[%parallel_loop3A_306] : memref<272xf32, #tpu.memory_space<vmem>>[vector<16xi32>], vector<16xf32>,
        %parallel_loop3A_1075 = arith.constant 16 : i32
        %parallel_loop3A_1076 = arith.muli %parallel_loop3A_260, %parallel_loop3A_1075 : i32
        %parallel_loop3A_1077 = arith.constant 85 : i32
        %parallel_loop3A_1078 = arith.index_cast %parallel_loop3A_1077 : i32 to index
        %parallel_loop3A_1079 = arith.index_cast %parallel_loop3A_1076 : i32 to index
        %parallel_loop3A_1080 = tpu.vector_load %arg12[%parallel_loop3A_1078, %parallel_loop3A_1079] {strides = array<i32>} : memref<96x512xf32, #tpu.memory_space<vmem>>, vector<16xf32>,
        tpu.vector_store %arg12[%parallel_loop3A_1078, %parallel_loop3A_1079], %parallel_loop3A_1074 {strides = array<i32>} : memref<96x512xf32, #tpu.memory_space<vmem>>, vector<16xf32>,
        %parallel_loop3A_1081 = arith.constant 23392 : i32
        %parallel_loop3A_1082 = tpu.memref_slice %arg8[%parallel_loop3A_1081] : memref<26112xf32, #tpu.memory_space<vmem>> -> memref<272xf32, #tpu.memory_space<vmem>>
        %parallel_loop3A_1083 = tpu.vector_load_idx %parallel_loop3A_1082[%parallel_loop3A_306] : memref<272xf32, #tpu.memory_space<vmem>>[vector<16xi32>], vector<16xf32>,
        %parallel_loop3A_1084 = arith.constant 16 : i32
        %parallel_loop3A_1085 = arith.muli %parallel_loop3A_260, %parallel_loop3A_1084 : i32
        %parallel_loop3A_1086 = arith.constant 86 : i32
        %parallel_loop3A_1087 = arith.index_cast %parallel_loop3A_1086 : i32 to index
        %parallel_loop3A_1088 = arith.index_cast %parallel_loop3A_1085 : i32 to index
        %parallel_loop3A_1089 = tpu.vector_load %arg12[%parallel_loop3A_1087, %parallel_loop3A_1088] {strides = array<i32>} : memref<96x512xf32, #tpu.memory_space<vmem>>, vector<16xf32>,
        tpu.vector_store %arg12[%parallel_loop3A_1087, %parallel_loop3A_1088], %parallel_loop3A_1083 {strides = array<i32>} : memref<96x512xf32, #tpu.memory_space<vmem>>, vector<16xf32>,
        %parallel_loop3A_1090 = arith.constant 23664 : i32
        %parallel_loop3A_1091 = tpu.memref_slice %arg8[%parallel_loop3A_1090] : memref<26112xf32, #tpu.memory_space<vmem>> -> memref<272xf32, #tpu.memory_space<vmem>>
        %parallel_loop3A_1092 = tpu.vector_load_idx %parallel_loop3A_1091[%parallel_loop3A_306] : memref<272xf32, #tpu.memory_space<vmem>>[vector<16xi32>], vector<16xf32>,
        %parallel_loop3A_1093 = arith.constant 16 : i32
        %parallel_loop3A_1094 = arith.muli %parallel_loop3A_260, %parallel_loop3A_1093 : i32
        %parallel_loop3A_1095 = arith.constant 87 : i32
        %parallel_loop3A_1096 = arith.index_cast %parallel_loop3A_1095 : i32 to index
        %parallel_loop3A_1097 = arith.index_cast %parallel_loop3A_1094 : i32 to index
        %parallel_loop3A_1098 = tpu.vector_load %arg12[%parallel_loop3A_1096, %parallel_loop3A_1097] {strides = array<i32>} : memref<96x512xf32, #tpu.memory_space<vmem>>, vector<16xf32>,
        tpu.vector_store %arg12[%parallel_loop3A_1096, %parallel_loop3A_1097], %parallel_loop3A_1092 {strides = array<i32>} : memref<96x512xf32, #tpu.memory_space<vmem>>, vector<16xf32>,
        %parallel_loop3A_1099 = arith.constant 23936 : i32
        %parallel_loop3A_1100 = tpu.memref_slice %arg8[%parallel_loop3A_1099] : memref<26112xf32, #tpu.memory_space<vmem>> -> memref<272xf32, #tpu.memory_space<vmem>>
        %parallel_loop3A_1101 = tpu.vector_load_idx %parallel_loop3A_1100[%parallel_loop3A_306] : memref<272xf32, #tpu.memory_space<vmem>>[vector<16xi32>], vector<16xf32>,
        %parallel_loop3A_1102 = arith.constant 16 : i32
        %parallel_loop3A_1103 = arith.muli %parallel_loop3A_260, %parallel_loop3A_1102 : i32
        %parallel_loop3A_1104 = arith.constant 88 : i32
        %parallel_loop3A_1105 = arith.index_cast %parallel_loop3A_1104 : i32 to index
        %parallel_loop3A_1106 = arith.index_cast %parallel_loop3A_1103 : i32 to index
        %parallel_loop3A_1107 = tpu.vector_load %arg12[%parallel_loop3A_1105, %parallel_loop3A_1106] {strides = array<i32>} : memref<96x512xf32, #tpu.memory_space<vmem>>, vector<16xf32>,
        tpu.vector_store %arg12[%parallel_loop3A_1105, %parallel_loop3A_1106], %parallel_loop3A_1101 {strides = array<i32>} : memref<96x512xf32, #tpu.memory_space<vmem>>, vector<16xf32>,
        %parallel_loop3A_1108 = arith.constant 24208 : i32
        %parallel_loop3A_1109 = tpu.memref_slice %arg8[%parallel_loop3A_1108] : memref<26112xf32, #tpu.memory_space<vmem>> -> memref<272xf32, #tpu.memory_space<vmem>>
        %parallel_loop3A_1110 = tpu.vector_load_idx %parallel_loop3A_1109[%parallel_loop3A_306] : memref<272xf32, #tpu.memory_space<vmem>>[vector<16xi32>], vector<16xf32>,
        %parallel_loop3A_1111 = arith.constant 16 : i32
        %parallel_loop3A_1112 = arith.muli %parallel_loop3A_260, %parallel_loop3A_1111 : i32
        %parallel_loop3A_1113 = arith.constant 89 : i32
        %parallel_loop3A_1114 = arith.index_cast %parallel_loop3A_1113 : i32 to index
        %parallel_loop3A_1115 = arith.index_cast %parallel_loop3A_1112 : i32 to index
        %parallel_loop3A_1116 = tpu.vector_load %arg12[%parallel_loop3A_1114, %parallel_loop3A_1115] {strides = array<i32>} : memref<96x512xf32, #tpu.memory_space<vmem>>, vector<16xf32>,
        tpu.vector_store %arg12[%parallel_loop3A_1114, %parallel_loop3A_1115], %parallel_loop3A_1110 {strides = array<i32>} : memref<96x512xf32, #tpu.memory_space<vmem>>, vector<16xf32>,
        %parallel_loop3A_1117 = arith.constant 24480 : i32
        %parallel_loop3A_1118 = tpu.memref_slice %arg8[%parallel_loop3A_1117] : memref<26112xf32, #tpu.memory_space<vmem>> -> memref<272xf32, #tpu.memory_space<vmem>>
        %parallel_loop3A_1119 = tpu.vector_load_idx %parallel_loop3A_1118[%parallel_loop3A_306] : memref<272xf32, #tpu.memory_space<vmem>>[vector<16xi32>], vector<16xf32>,
        %parallel_loop3A_1120 = arith.constant 16 : i32
        %parallel_loop3A_1121 = arith.muli %parallel_loop3A_260, %parallel_loop3A_1120 : i32
        %parallel_loop3A_1122 = arith.constant 90 : i32
        %parallel_loop3A_1123 = arith.index_cast %parallel_loop3A_1122 : i32 to index
        %parallel_loop3A_1124 = arith.index_cast %parallel_loop3A_1121 : i32 to index
        %parallel_loop3A_1125 = tpu.vector_load %arg12[%parallel_loop3A_1123, %parallel_loop3A_1124] {strides = array<i32>} : memref<96x512xf32, #tpu.memory_space<vmem>>, vector<16xf32>,
        tpu.vector_store %arg12[%parallel_loop3A_1123, %parallel_loop3A_1124], %parallel_loop3A_1119 {strides = array<i32>} : memref<96x512xf32, #tpu.memory_space<vmem>>, vector<16xf32>,
        %parallel_loop3A_1126 = arith.constant 24752 : i32
        %parallel_loop3A_1127 = tpu.memref_slice %arg8[%parallel_loop3A_1126] : memref<26112xf32, #tpu.memory_space<vmem>> -> memref<272xf32, #tpu.memory_space<vmem>>
        %parallel_loop3A_1128 = tpu.vector_load_idx %parallel_loop3A_1127[%parallel_loop3A_306] : memref<272xf32, #tpu.memory_space<vmem>>[vector<16xi32>], vector<16xf32>,
        %parallel_loop3A_1129 = arith.constant 16 : i32
        %parallel_loop3A_1130 = arith.muli %parallel_loop3A_260, %parallel_loop3A_1129 : i32
        %parallel_loop3A_1131 = arith.constant 91 : i32
        %parallel_loop3A_1132 = arith.index_cast %parallel_loop3A_1131 : i32 to index
        %parallel_loop3A_1133 = arith.index_cast %parallel_loop3A_1130 : i32 to index
        %parallel_loop3A_1134 = tpu.vector_load %arg12[%parallel_loop3A_1132, %parallel_loop3A_1133] {strides = array<i32>} : memref<96x512xf32, #tpu.memory_space<vmem>>, vector<16xf32>,
        tpu.vector_store %arg12[%parallel_loop3A_1132, %parallel_loop3A_1133], %parallel_loop3A_1128 {strides = array<i32>} : memref<96x512xf32, #tpu.memory_space<vmem>>, vector<16xf32>,
        %parallel_loop3A_1135 = arith.constant 25024 : i32
        %parallel_loop3A_1136 = tpu.memref_slice %arg8[%parallel_loop3A_1135] : memref<26112xf32, #tpu.memory_space<vmem>> -> memref<272xf32, #tpu.memory_space<vmem>>
        %parallel_loop3A_1137 = tpu.vector_load_idx %parallel_loop3A_1136[%parallel_loop3A_306] : memref<272xf32, #tpu.memory_space<vmem>>[vector<16xi32>], vector<16xf32>,
        %parallel_loop3A_1138 = arith.constant 16 : i32
        %parallel_loop3A_1139 = arith.muli %parallel_loop3A_260, %parallel_loop3A_1138 : i32
        %parallel_loop3A_1140 = arith.constant 92 : i32
        %parallel_loop3A_1141 = arith.index_cast %parallel_loop3A_1140 : i32 to index
        %parallel_loop3A_1142 = arith.index_cast %parallel_loop3A_1139 : i32 to index
        %parallel_loop3A_1143 = tpu.vector_load %arg12[%parallel_loop3A_1141, %parallel_loop3A_1142] {strides = array<i32>} : memref<96x512xf32, #tpu.memory_space<vmem>>, vector<16xf32>,
        tpu.vector_store %arg12[%parallel_loop3A_1141, %parallel_loop3A_1142], %parallel_loop3A_1137 {strides = array<i32>} : memref<96x512xf32, #tpu.memory_space<vmem>>, vector<16xf32>,
        %parallel_loop3A_1144 = arith.constant 25296 : i32
        %parallel_loop3A_1145 = tpu.memref_slice %arg8[%parallel_loop3A_1144] : memref<26112xf32, #tpu.memory_space<vmem>> -> memref<272xf32, #tpu.memory_space<vmem>>
        %parallel_loop3A_1146 = tpu.vector_load_idx %parallel_loop3A_1145[%parallel_loop3A_306] : memref<272xf32, #tpu.memory_space<vmem>>[vector<16xi32>], vector<16xf32>,
        %parallel_loop3A_1147 = arith.constant 16 : i32
        %parallel_loop3A_1148 = arith.muli %parallel_loop3A_260, %parallel_loop3A_1147 : i32
        %parallel_loop3A_1149 = arith.constant 93 : i32
        %parallel_loop3A_1150 = arith.index_cast %parallel_loop3A_1149 : i32 to index
        %parallel_loop3A_1151 = arith.index_cast %parallel_loop3A_1148 : i32 to index
        %parallel_loop3A_1152 = tpu.vector_load %arg12[%parallel_loop3A_1150, %parallel_loop3A_1151] {strides = array<i32>} : memref<96x512xf32, #tpu.memory_space<vmem>>, vector<16xf32>,
        tpu.vector_store %arg12[%parallel_loop3A_1150, %parallel_loop3A_1151], %parallel_loop3A_1146 {strides = array<i32>} : memref<96x512xf32, #tpu.memory_space<vmem>>, vector<16xf32>,
        %parallel_loop3A_1153 = arith.constant 25568 : i32
        %parallel_loop3A_1154 = tpu.memref_slice %arg8[%parallel_loop3A_1153] : memref<26112xf32, #tpu.memory_space<vmem>> -> memref<272xf32, #tpu.memory_space<vmem>>
        %parallel_loop3A_1155 = tpu.vector_load_idx %parallel_loop3A_1154[%parallel_loop3A_306] : memref<272xf32, #tpu.memory_space<vmem>>[vector<16xi32>], vector<16xf32>,
        %parallel_loop3A_1156 = arith.constant 16 : i32
        %parallel_loop3A_1157 = arith.muli %parallel_loop3A_260, %parallel_loop3A_1156 : i32
        %parallel_loop3A_1158 = arith.constant 94 : i32
        %parallel_loop3A_1159 = arith.index_cast %parallel_loop3A_1158 : i32 to index
        %parallel_loop3A_1160 = arith.index_cast %parallel_loop3A_1157 : i32 to index
        %parallel_loop3A_1161 = tpu.vector_load %arg12[%parallel_loop3A_1159, %parallel_loop3A_1160] {strides = array<i32>} : memref<96x512xf32, #tpu.memory_space<vmem>>, vector<16xf32>,
        tpu.vector_store %arg12[%parallel_loop3A_1159, %parallel_loop3A_1160], %parallel_loop3A_1155 {strides = array<i32>} : memref<96x512xf32, #tpu.memory_space<vmem>>, vector<16xf32>,
        %parallel_loop3A_1162 = arith.constant 25840 : i32
        %parallel_loop3A_1163 = tpu.memref_slice %arg8[%parallel_loop3A_1162] : memref<26112xf32, #tpu.memory_space<vmem>> -> memref<272xf32, #tpu.memory_space<vmem>>
        %parallel_loop3A_1164 = tpu.vector_load_idx %parallel_loop3A_1163[%parallel_loop3A_306] : memref<272xf32, #tpu.memory_space<vmem>>[vector<16xi32>], vector<16xf32>,
        %parallel_loop3A_1165 = arith.constant 16 : i32
        %parallel_loop3A_1166 = arith.muli %parallel_loop3A_260, %parallel_loop3A_1165 : i32
        %parallel_loop3A_1167 = arith.constant 95 : i32
        %parallel_loop3A_1168 = arith.index_cast %parallel_loop3A_1167 : i32 to index
        %parallel_loop3A_1169 = arith.index_cast %parallel_loop3A_1166 : i32 to index
        %parallel_loop3A_1170 = tpu.vector_load %arg12[%parallel_loop3A_1168, %parallel_loop3A_1169] {strides = array<i32>} : memref<96x512xf32, #tpu.memory_space<vmem>>, vector<16xf32>,
        tpu.vector_store %arg12[%parallel_loop3A_1168, %parallel_loop3A_1169], %parallel_loop3A_1164 {strides = array<i32>} : memref<96x512xf32, #tpu.memory_space<vmem>>, vector<16xf32>,
      } {sc.loop_unroll_factor = 1 : i64, sc.parallel_access}
      %mul3A_247 = arith.constant 32 : i32
      %mul3A_248 = arith.muli %add3A_170, %mul3A_247 : i32
      %add3A_249 = arith.addi %add3A, %mul3A_248 : i32
      %min3A_250 = arith.constant 1562 : i32
      %min3A_251 = arith.minsi %add3A_249, %min3A_250 : i32
      %mul3A_252 = arith.constant 512 : i32
      %mul3A_253 = arith.muli %min3A_251, %mul3A_252 : i32
      %min3A_254 = arith.constant 799488 : i32
      %min3A_255 = arith.minsi %mul3A_253, %min3A_254 : i32
      %dma_start3A_256 = arith.constant 0 : i32
      %dma_start3A_257 = tpu.memref_slice %arg7[%dma_start3A_256, %min3A_255] : memref<96x800000xf32, #tpu.memory_space<hbm>> -> memref<96x512xf32, #tpu.memory_space<hbm>>
      %dma_start3A_258 = arith.constant 0 : i32
      %dma_start3A_259 = tpu.memref_slice %arg7[%dma_start3A_258, %min3A_255] : memref<96x800000xf32, #tpu.memory_space<hbm>> -> memref<96x512xf32, #tpu.memory_space<hbm>>
      tpu.enqueue_dma source(%arg12 : memref<96x512xf32, #tpu.memory_space<vmem>>) target(%dma_start3A_259 : memref<96x512xf32, #tpu.memory_space<hbm>>) target_semaphore(%arg16 : memref<!tpu.dma_semaphore, #tpu.memory_space<semaphore_mem>>)
    }
    %scan3A_34 = arith.constant 25 : i32
    %dma_wait3A = arith.constant 0 : i32
    %dma_wait3A_35 = arith.constant 0 : i32
    %dma_wait3A_36 = tpu.memref_slice %arg7[%dma_wait3A, %dma_wait3A_35] : memref<96x800000xf32, #tpu.memory_space<hbm>> -> memref<96x512xf32, #tpu.memory_space<hbm>>
    %dma_wait3A_37 = arith.constant 0 : i32
    %dma_wait3A_38 = arith.constant 0 : i32
    %dma_wait3A_39 = tpu.memref_slice %arg7[%dma_wait3A_37, %dma_wait3A_38] : memref<96x800000xf32, #tpu.memory_space<hbm>> -> memref<96x512xf32, #tpu.memory_space<hbm>>
    tpu.wait_dma2 semaphore(%arg15 : memref<!tpu.dma_semaphore, #tpu.memory_space<semaphore_mem>>) src(%arg11 : memref<96x512xf32, #tpu.memory_space<vmem>>) dst(%dma_wait3A_39 : memref<96x512xf32, #tpu.memory_space<hbm>>)
    %dma_wait3A_40 = arith.constant 0 : i32
    %dma_wait3A_41 = arith.constant 0 : i32
    %dma_wait3A_42 = tpu.memref_slice %arg7[%dma_wait3A_40, %dma_wait3A_41] : memref<96x800000xf32, #tpu.memory_space<hbm>> -> memref<96x512xf32, #tpu.memory_space<hbm>>
    %dma_wait3A_43 = arith.constant 0 : i32
    %dma_wait3A_44 = arith.constant 0 : i32
    %dma_wait3A_45 = tpu.memref_slice %arg7[%dma_wait3A_43, %dma_wait3A_44] : memref<96x800000xf32, #tpu.memory_space<hbm>> -> memref<96x512xf32, #tpu.memory_space<hbm>>
    tpu.wait_dma2 semaphore(%arg16 : memref<!tpu.dma_semaphore, #tpu.memory_space<semaphore_mem>>) src(%arg12 : memref<96x512xf32, #tpu.memory_space<vmem>>) dst(%dma_wait3A_45 : memref<96x512xf32, #tpu.memory_space<hbm>>)
    %dma_wait3A_46 = arith.constant 0 : i32
    %dma_wait3A_47 = tpu.memref_slice %arg9[%dma_wait3A_46] : memref<2048xi32, #tpu.memory_space<vmem>> -> memref<512xi32, #tpu.memory_space<vmem>>
    %dma_wait3A_48 = arith.constant 0 : i32
    %dma_wait3A_49 = tpu.memref_slice %arg2[%dma_wait3A_48] : memref<800000xi32, #tpu.memory_space<hbm>> -> memref<512xi32, #tpu.memory_space<hbm>>
    %dma_wait3A_50 = arith.constant 0 : i32
    %dma_wait3A_51 = tpu.memref_slice %arg9[%dma_wait3A_50] : memref<2048xi32, #tpu.memory_space<vmem>> -> memref<512xi32, #tpu.memory_space<vmem>>
    %dma_wait3A_52 = arith.constant 0 : i32
    %dma_wait3A_53 = tpu.memref_slice %arg2[%dma_wait3A_52] : memref<800000xi32, #tpu.memory_space<hbm>> -> memref<512xi32, #tpu.memory_space<hbm>>
    tpu.wait_dma2 semaphore(%arg13 : memref<!tpu.dma_semaphore, #tpu.memory_space<semaphore_mem>>) src(%dma_wait3A_53 : memref<512xi32, #tpu.memory_space<hbm>>) dst(%dma_wait3A_51 : memref<512xi32, #tpu.memory_space<vmem>>)
    %dma_wait3A_54 = arith.constant 0 : i32
    %dma_wait3A_55 = tpu.memref_slice %arg9[%dma_wait3A_54] : memref<2048xi32, #tpu.memory_space<vmem>> -> memref<512xi32, #tpu.memory_space<vmem>>
    %dma_wait3A_56 = arith.constant 0 : i32
    %dma_wait3A_57 = tpu.memref_slice %arg2[%dma_wait3A_56] : memref<800000xi32, #tpu.memory_space<hbm>> -> memref<512xi32, #tpu.memory_space<hbm>>
    %dma_wait3A_58 = arith.constant 0 : i32
    %dma_wait3A_59 = tpu.memref_slice %arg9[%dma_wait3A_58] : memref<2048xi32, #tpu.memory_space<vmem>> -> memref<512xi32, #tpu.memory_space<vmem>>
    %dma_wait3A_60 = arith.constant 0 : i32
    %dma_wait3A_61 = tpu.memref_slice %arg2[%dma_wait3A_60] : memref<800000xi32, #tpu.memory_space<hbm>> -> memref<512xi32, #tpu.memory_space<hbm>>
    tpu.wait_dma2 semaphore(%arg13 : memref<!tpu.dma_semaphore, #tpu.memory_space<semaphore_mem>>) src(%dma_wait3A_61 : memref<512xi32, #tpu.memory_space<hbm>>) dst(%dma_wait3A_59 : memref<512xi32, #tpu.memory_space<vmem>>)
    %dma_wait3A_62 = arith.constant 0 : i32
    %dma_wait3A_63 = tpu.memref_slice %arg9[%dma_wait3A_62] : memref<2048xi32, #tpu.memory_space<vmem>> -> memref<512xi32, #tpu.memory_space<vmem>>
    %dma_wait3A_64 = arith.constant 0 : i32
    %dma_wait3A_65 = tpu.memref_slice %arg2[%dma_wait3A_64] : memref<800000xi32, #tpu.memory_space<hbm>> -> memref<512xi32, #tpu.memory_space<hbm>>
    %dma_wait3A_66 = arith.constant 0 : i32
    %dma_wait3A_67 = tpu.memref_slice %arg9[%dma_wait3A_66] : memref<2048xi32, #tpu.memory_space<vmem>> -> memref<512xi32, #tpu.memory_space<vmem>>
    %dma_wait3A_68 = arith.constant 0 : i32
    %dma_wait3A_69 = tpu.memref_slice %arg2[%dma_wait3A_68] : memref<800000xi32, #tpu.memory_space<hbm>> -> memref<512xi32, #tpu.memory_space<hbm>>
    tpu.wait_dma2 semaphore(%arg13 : memref<!tpu.dma_semaphore, #tpu.memory_space<semaphore_mem>>) src(%dma_wait3A_69 : memref<512xi32, #tpu.memory_space<hbm>>) dst(%dma_wait3A_67 : memref<512xi32, #tpu.memory_space<vmem>>)
    %dma_wait3A_70 = arith.constant 0 : i32
    %dma_wait3A_71 = tpu.memref_slice %arg9[%dma_wait3A_70] : memref<2048xi32, #tpu.memory_space<vmem>> -> memref<512xi32, #tpu.memory_space<vmem>>
    %dma_wait3A_72 = arith.constant 0 : i32
    %dma_wait3A_73 = tpu.memref_slice %arg2[%dma_wait3A_72] : memref<800000xi32, #tpu.memory_space<hbm>> -> memref<512xi32, #tpu.memory_space<hbm>>
    %dma_wait3A_74 = arith.constant 0 : i32
    %dma_wait3A_75 = tpu.memref_slice %arg9[%dma_wait3A_74] : memref<2048xi32, #tpu.memory_space<vmem>> -> memref<512xi32, #tpu.memory_space<vmem>>
    %dma_wait3A_76 = arith.constant 0 : i32
    %dma_wait3A_77 = tpu.memref_slice %arg2[%dma_wait3A_76] : memref<800000xi32, #tpu.memory_space<hbm>> -> memref<512xi32, #tpu.memory_space<hbm>>
    tpu.wait_dma2 semaphore(%arg13 : memref<!tpu.dma_semaphore, #tpu.memory_space<semaphore_mem>>) src(%dma_wait3A_77 : memref<512xi32, #tpu.memory_space<hbm>>) dst(%dma_wait3A_75 : memref<512xi32, #tpu.memory_space<vmem>>)
    return
  }
}

</mosaic_0001>

<sc_bundles>
// kernel: _sc_lookup.3.cloned.1.call-start
scs
__scs_entry_jumppad:
0x0: {  	(pc) =	sbr.rel $0x88, $3  }
0x1: {  	(tag) =	ssettag $0x0;
	lr =	simm.s32 $0x1  }
0x2: {  	[smem:$0x3F9C] =	sst lr;
	_ =	strace $0xD0000000  }
0x3: {  	_ = 	snop  }
0x4: {  	_ = 	snop  }
0x5: {  	_ = 	snop  }
0x6: {  	_ = 	snop  }
0x7: {  	_ = 	snop  }
__scs_overlays_trampoline_lowered:
0x8: {  	[smem:$0x3FAB] =	sst s0  }
0x9: {  	[smem:$0x3FAC] =	sst s1  }
0xa: {  	[smem:$0x3FAD] =	sst s2  }
0xb: {  	[smem:$0x3FAE] =	sst s3  }
0xc: {  	[smem:$0x3FAF] =	sst s4  }
0xd: {  	[smem:$0x3FB0] =	sst s5  }
0xe: {  	[smem:$0x3FB1] =	sst s6  }
0xf: {  	[smem:$0x3FB2] =	sst s7  }
0x10: {  	[smem:$0x3FB3] =	sst s8  }
0x11: {  	[smem:$0x3FB4] =	sst s9;
	s0 =	simm.s32 @!p0 $0x0  }
0x12: {  	s1 =	sld [smem:$0x3F9A];
	s0 =	simm.s32 @p0 $0x1  }
0x13: {  	[smem:$0x3FB5] =	sst s0;
	s0 =	simm.s32 @!p1 $0x0  }
0x14: {  	s2 =	sld [smem:$0x3F99];
	s0 =	simm.s32 @p1 $0x1  }
0x15: {  	[smem:$0x3FB6] =	sst s0;
	s0 =	simm.s32 @!p2 $0x0  }
0x16: {  	s3 =	sld [smem:$0x3FDB];
	s0 =	simm.s32 @p2 $0x1  }
0x17: {  	s4 =	simm.s32 $0x1BF5;
	[smem:$0x3FB8] =	sst s0  }
0x18: {  	s0 =	sld [smem:$0x3F9B];
	_ =	swait.ge [sflag:s4], $0x0  }
0x19: {  	s7 =	sld [smem:$0x3F9C]  }
0x1a: {  	s8 =	sadd.s32 $0xFFFFE003, lr  }
0x1b: {  	s9 =	sadd.s32 $0xFFFFFEF7, lr;
	s5 =	simm.s32 $0xFFFFFFFF;
	p2 =	slt.u32 s8, $0xFFFFF086  }
0x1c: {  	p1 =	slt.u32 s9, $0xF7A;
	s5 =	simm.s32 @!p2 $0x0  }
0x1d: {  	s5 =	simm.s32 @p1 $0x1;
	p0 =	seq.s32 s7, s2  }
0x1e: {  	s7 =	smul.u32 @!p0 $0xF7A, s2;
	p2 =	seq.s32 @!p0 s5, $0x0  }
0x1f: {  	s9 =	smul.u32 $0xF7A, s1;
	s8 =	simm.s32 @!p0 $0x1BF5;
	p2 =	por !p2, p0  }
0x20: {  	[sflag:s8] =	ssyncset.s32 @!p0 $0xFFFFF086;
	s6 =	sadd.s32 @!p0 s3, s7;
	s7 =	simm.s32 @!p0 $0x108  }
0x21: {  	s3 =	sadd.s32 s3, s9;
	s6 =	sadd.s32 @!p0 $0x88, s6;
	s7 =	simm.s32 @p2 $0x1082  }
0x22: {  	[simem:s7], [sflag:s8] =	dma.local @!p0 [hbm:s6], $0xF7A  }
0x23: {  	s9 =	sor.u32 $0xD0000000, s2;
	s6 =	simm.s32 $0x108;
	_ =	swait.ge @!p0 [sflag:s8], $0x0  }
0x24: {  	s3 =	sadd.s32 $0x88, s3;
	s6 =	simm.s32 @!p1 $0x1082;
	[sflag:s4] =	ssyncset.s32 $0xFFFFF086  }
0x25: {  	[simem:s6], [sflag:s4] =	dma.local [hbm:s3], $0xF7A  }
0x26: {  	[smem:$0x3F9C] =	sst s1;
	(tag) =	ssettag s2;
	_ =	strace s9  }
0x27: {  	s1 =	sld [smem:$0x3FAC]  }
0x28: {  	s2 =	sld [smem:$0x3FAD]  }
0x29: {  	s4 =	sld [smem:$0x3FAF]  }
0x2a: {  	p0 =	seq.s32 s5, $0x0;
	s5 =	sld [smem:$0x3FB0]  }
0x2b: {  	s6 =	sld [smem:$0x3FB1]  }
0x2c: {  	s7 =	sld [smem:$0x3FB2]  }
0x2d: {  	s3 =	simm.s32 $0x108;
	s8 =	sld [smem:$0x3FB3]  }
0x2e: {  	s3 =	simm.s32 @!p0 $0x1082;
	s9 =	sld [smem:$0x3FB4]  }
0x2f: {  	lr =	sadd.s32 s0, s3;
	s0 =	sld [smem:$0x3FAB]  }
0x30: {  	s3 =	sld [smem:$0x3FAE]  }
0x31: {  	[smem:$0x3FB7] =	sst s10  }
0x32: {  	s10 =	sld [smem:$0x3FB5];
	_ =	sdelay $0x3  }
0x33: {  	p0 =	seq.s32 s10, $0x1;
	s10 =	sld [smem:$0x3FB7];
	_ =	sdelay $0x3  }
0x34: {  	[smem:$0x3FB7] =	sst s10  }
0x35: {  	s10 =	sld [smem:$0x3FB6];
	_ =	sdelay $0x3  }
0x36: {  	p1 =	seq.s32 s10, $0x1;
	s10 =	sld [smem:$0x3FB7];
	_ =	sdelay $0x3  }
0x37: {  	[smem:$0x3FB7] =	sst s10  }
0x38: {  	s10 =	sld [smem:$0x3FB8]  }
0x39: {  	_ = 	snop;
	(pc) =	sbr.ind lr, $3  }
0x3a: {  	_ = 	snop  }
0x3b: {  	_ = 	snop  }
0x3c: {  	p2 =	seq.s32 s10, $0x1;
	s10 =	sld [smem:$0x3FB7]  }
0x3d: {  	_ =	shalt  }
0x3e: {  	_ =	shalt  }
0x3f: {  	_ =	shalt  }
0x40: {  	_ =	shalt  }
0x41: {  	_ =	shalt  }
0x42: {  	_ =	shalt  }
0x43: {  	_ =	shalt  }
0x44: {  	_ =	shalt  }
0x45: {  	_ =	shalt  }
0x46: {  	_ =	shalt  }
0x47: {  	_ =	shalt  }
0x48: {  	_ =	shalt  }
0x49: {  	_ =	shalt  }
0x4a: {  	_ =	shalt  }
0x4b: {  	_ =	shalt  }
0x4c: {  	_ =	shalt  }
0x4d: {  	_ =	shalt  }
0x4e: {  	_ =	shalt  }
0x4f: {  	_ =	shalt  }
0x50: {  	_ =	shalt  }
0x51: {  	_ =	shalt  }
0x52: {  	_ =	shalt  }
0x53: {  	_ =	shalt  }
0x54: {  	_ =	shalt  }
0x55: {  	_ =	shalt  }
0x56: {  	_ =	shalt  }
0x57: {  	_ =	shalt  }
0x58: {  	_ =	shalt  }
0x59: {  	_ =	shalt  }
0x5a: {  	_ =	shalt  }
0x5b: {  	_ =	shalt  }
0x5c: {  	_ =	shalt  }
0x5d: {  	_ =	shalt  }
0x5e: {  	_ =	shalt  }
0x5f: {  	_ =	shalt  }
0x60: {  	_ =	shalt  }
0x61: {  	_ =	shalt  }
0x62: {  	_ =	shalt  }
0x63: {  	_ =	shalt  }
0x64: {  	_ =	shalt  }
0x65: {  	_ =	shalt  }
0x66: {  	_ =	shalt  }
0x67: {  	_ =	shalt  }
0x68: {  	_ =	shalt  }
0x69: {  	_ =	shalt  }
0x6a: {  	_ =	shalt  }
0x6b: {  	_ =	shalt  }
0x6c: {  	_ =	shalt  }
0x6d: {  	_ =	shalt  }
0x6e: {  	_ =	shalt  }
0x6f: {  	_ =	shalt  }
0x70: {  	_ =	shalt  }
0x71: {  	_ =	shalt  }
0x72: {  	_ =	shalt  }
0x73: {  	_ =	shalt  }
0x74: {  	_ =	shalt  }
0x75: {  	_ =	shalt  }
0x76: {  	_ =	shalt  }
0x77: {  	_ =	shalt  }
0x78: {  	_ =	shalt  }
0x79: {  	_ =	shalt  }
0x7a: {  	_ =	shalt  }
0x7b: {  	_ =	shalt  }
0x7c: {  	_ =	shalt  }
0x7d: {  	_ =	shalt  }
0x7e: {  	_ =	shalt  }
0x7f: {  	_ =	shalt  }
0x80: {  	_ =	shalt  }
0x81: {  	_ =	shalt  }
0x82: {  	_ =	shalt  }
0x83: {  	_ =	shalt  }
0x84: {  	_ =	shalt  }
0x85: {  	_ =	shalt  }
0x86: {  	_ =	shalt  }
0x87: {  	_ =	shalt  }
.Lfunc_end0:
.L_simem_size_0:
called_computation_lowered:
.L_overlay_start_0:
0x88: {  	s2 =	sld [smem:$0x3FD9]  }
0x89: {  	s3 =	sld [smem:$0x3FFE];
	_ =	sdelay $0x1  }
0x8a: {  	s1 =	srdreg.scid  }
0x8b: {  	s0 =	sand.u32 $0x1, s1  }
0x8c: {  	s18 =	sshll.u32 s0, $0xA;
	s2 =	sadd.s32 s3, s2  }
0x8d: {  	s2 =	sadd.s32 s2, s18  }
0x8e: {  	[smem:$0x3FC3] =	sst s2  }
0x8f: {  	_ = 	snop  }
0x90: {  	s2 =	sld [smem:$0x3FC9]  }
0x91: {  	s19 =	sld [smem:$0x3FC8]  }
0x92: {  	s4 =	sld [smem:$0x3FC7]  }
0x93: {  	s5 =	sld [smem:$0x3FC6]  }
0x94: {  	s6 =	sld [smem:$0x3FC5]  }
0x95: {  	s7 =	sld [smem:$0x3FD0];
	(tm) =	ssettm $0x1  }
0x96: {  	s8 =	sld [smem:$0x3FFB];
	_ =	sdelay $0x3  }
0x97: {  	_ =	strace s8  }
0x98: {  	s8 =	sld [smem:$0x3FFC];
	_ =	sdelay $0x3  }
0x99: {  	_ =	strace s8  }
0x9a: {  	s8 =	sld [smem:$0x3FFD];
	_ =	sdelay $0x3  }
0x9b: {  	_ =	strace s8  }
0x9c: {  	_ =	strace $0x8FFFFFFF  }
0x9d: {  	s20 =	sld [smem:$0x3FDB];
	_ =	sdelay $0x1  }
0x9e: {  	s9 =	simm.s32 $_scs_section_size  }
0x9f: {  	s10 =	simm.s32 $_size__tile_overlayer_lowered;
	s11 =	simm.s32 $_tile_overlayer_lowered  }
0xa0: {  	s23 =	simm.s32 $0x1BFF;
	s22 =	sshll.u32 s11, $0x1;
	s8 =	sadd.s32 s9, s20  }
0xa1: {  	s12 =	simm.s32 $0x0;
	s21 =	sshll.u32 s10, $0x1;
	s10 =	sadd.s32 s22, s8  }
0xa2: {  	[timem:s12], [sflag:s23] =	dma.local [hbm:s10], s21  }
0xa3: {  	_ =	swait.ge [sflag:s23], s21  }
0xa4: {  	s9 =	ssub.s32 $0x0, s21;
	[sflag:s23] =	ssyncset.done $0x0  }
0xa5: {  	[sflag:s23] =	ssyncadd.s32 s9;
	_ =	sdelay $0x1  }
0xa6: {  	s24 =	simm.s32 $0x1B8B  }
0xa7: {  	_ =	swait.ge [sflag:s24], $0x1  }
0xa8: {  	[sflag:s24] =	ssyncset.done $0x0  }
0xa9: {  	s25 =	simm.s32 $0x1B8E;
	[sflag:s24] =	ssyncadd.s32 $0xFFFFFFFF  }
0xaa: {  	s26 =	simm.s32 $execute0_lowered;
	[smem:$0x3FD2] =	sst s25  }
0xab: {  	s9 =	sshll.u32 s26, $0x1;
	_ =	strace $0x80000046;
	[dreg:$0x1] =	wrdreg $0xFFFFFFFF  }
0xac: {  	s28 =	simm.s32 $_size_execute0_lowered;
	s8 =	sadd.s32 s8, s9;
	[dreg:$0x0] =	wrdreg $0x0  }
0xad: {  	s9 =	sshll.u32 s28, $0x1;
	[dreg:$0x2] =	wrdreg s8  }
0xae: {  	[dreg:$0x3] =	wrdreg s9  }
0xaf: {  	[dreg:$0x4] =	wrdreg $0xC0  }
0xb0: {  	_ =	task [dreg:s12], $0x5FFFF  }
0xb1: {  	[dreg:$0x1] =	wrdreg $0xFFFFFFFF  }
0xb2: {  	[dreg:$0x0] =	wrdreg $0x60  }
0xb3: {  	[dreg:$0x2] =	wrdreg s2  }
0xb4: {  	[dreg:$0x3] =	wrdreg s19  }
0xb5: {  	[dreg:$0x4] =	wrdreg s4  }
0xb6: {  	[dreg:$0x5] =	wrdreg s5  }
0xb7: {  	[dreg:$0x6] =	wrdreg s6  }
0xb8: {  	[dreg:$0x7] =	wrdreg s7  }
0xb9: {  	[dreg:$0x8] =	wrdreg $0x9  }
0xba: {  	_ =	task.clear_ibuf [dreg:s12], $0x9FFFF;
	_ =	strace $0x90000046  }
0xbb: {  	s29 =	simm.s32 $0x9;
	_ =	strace $0x80000048  }
0xbc: {  	_ =	swait.ge [sflag:s29], $0x1  }
0xbd: {  	[sflag:s29] =	ssyncadd.s32 $0xFFFFFFFF  }
0xbe: {  	_ =	strace $0x90000048  }
0xbf: {  	_ =	sfence  }
0xc0: {  	s30 =	sld [smem:$0x0];
	_ =	sdelay $0x2  }
0xc1: {  	s31 =	sshll.u32 s1, $0xD;
	s1 =	sshrl.u32 s1, $0x2  }
0xc2: {  	s3 =	sand.u32 $0x4000, s31;
	s1 =	sadd.s32 s1, s30  }
0xc3: {  	s0 =	sor.u32 s3, s0;
	s1 =	sshll.u32 s1, $0x11  }
0xc4: {  	s0 =	sor.u32 s1, s0  }
0xc5: {  	s0 =	sadd.s32 $0x8F2B, s0  }
0xc6: {  	[sflag:s0] =	ssyncadd.remote.s32 $0x1  }
0xc7: {  	_ =	sfence.sel $0xFFFF  }
0xc8: {  	[dreg:$0x0] =	wrdreg $0xFFFFFFFF;
	(pc) =	sbr.abs _section_cstart, $3  }
0xc9: {  	[dreg:$0x1] =	wrdreg $0xFFFFFFFF  }
0xca: {  	_ =	task.clear_ibuf [dreg:s12], $0x2FFFF;
	_ =	strace $0x9FFFFFFF  }
0xcb: {  	(tm) =	ssettm $0x7FFFFFFF  }
tec
execute0_lowered:
.L_overlay_start_1:
0x0: {  	(tag) =	ssettag $0x1  }
0x1: {  	s3 =	rddreg [dreg:$0x0]  }
0x2: {  	s4 =	rddreg [dreg:$0x1]  }
0x3: {  	s5 =	rddreg [dreg:$0x2]  }
0x4: {  	s6 =	rddreg [dreg:$0x3]  }
0x5: {  	s0 =	srdreg.scid;
	s1 =	stileid.u32;
	s20 =	simm.s32 $0x0  }
0x6: {  	s21 =	simm.s32 $0x110;
	s22 =	simm.s32 $0x220;
	s23 =	simm.s32 $0x330  }
0x7: {  	s16 =	simm.s32 $0x440;
	s11 =	simm.s32 $0x550;
	s9 =	simm.s32 $0x660  }
0x8: {  	s8 =	simm.s32 $0x770;
	s15 =	simm.s32 $0xEE0;
	s12 =	simm.s32 $0xFF0  }
0x9: {  	s13 =	simm.s32 $0x1100;
	s14 =	simm.s32 $0x1CB0;
	s0 =	sand.u32 $0x1, s0  }
0xa: {  	s1 =	sshll.u32 s1, $0x1;
	[smem:$0x7FF] =	sst s20;
	s2 =	ssub.s32 $0x2, s0  }
0xb: {  	s7 =	sor.u32 s0, s1;
	_ =	strace $0x80000047;
	s26 =	sshrl.u32 s2, $0x1  }
0xc: {  	s1 =	sshll.u32 s7, $0x6;
	[dreg:$0x7] =	wrdreg s7;
	s31 =	sor.u32 $0x40, s7  }
0xd: {  	s7 =	simm.s32 $0xDD0;
	s28 =	sadd.s32 s3, s1;
	[dreg:$0xc] =	wrdreg s31  }
0xe: {  	s0 =	ssub.s32 s2, s26;
	s29 =	sadd.s32 s4, s1;
	[dreg:$0x8] =	wrdreg s28  }
0xf: {  	s30 =	sadd.s32 s5, s1;
	s1 =	sadd.s32 s6, s1;
	[dreg:$0x9] =	wrdreg s29  }
0x10: {  	s2 =	simm.s32 $0xAA0;
	s3 =	simm.s32 $0xBB0;
	[dreg:$0xa] =	wrdreg s30  }
0x11: {  	v1 =	vlaneseq.u32;
	s4 =	simm.s32 $0xCC0;
	[dreg:$0xb] =	wrdreg s1;
	s0 =	smax.u32 s0, $0x1  }
0x12: {  	v0 =	vand.u32 $0x3, v1;
	v1 =	vor.u32 $0x100, v1;
	s6 =	simm.s32 $0x0;
	s1 =	simm.s32 $0x990;
	[dreg:$0xd] =	wrdreg s0  }
.LBB2_1:
0x13: {  	[dreg:$0xe] =	wrdreg s6  }
0x14: {  	s0 =	rddreg [dreg:$0x4]  }
0x15: {  	[tilespmem:s20], [sflag:$0x5] =	stream.linear.gather [hbm4b:s0+s20], $0x6600, $0x38;
	[tilespmem:$0x1F600] =	vst v63  }
0x16: {  	s18 =	rddreg [dreg:$0x8];
	s5 =	simm.s32 $0x6600  }
0x17: {  	[tilespmem:s5], [sflag:$0x1] =	stream.linear.gather [hbm4b:s18+s20], $0x200, $0x38;
	[tilespmem:$0x1F600] =	vst v63  }
0x18: {  	s19 =	rddreg [dreg:$0x9];
	s24 =	simm.s32 $0x6800  }
0x19: {  	[tilespmem:s24], [sflag:$0x1] =	stream.linear.gather [hbm4b:s19+s20], $0x200, $0x38;
	[tilespmem:$0x1F600] =	vst v63  }
0x1a: {  	s25 =	rddreg [dreg:$0xa];
	s26 =	simm.s32 $0x6A00  }
0x1b: {  	[tilespmem:s26], [sflag:$0x1] =	stream.linear.gather [hbm4b:s25+s20], $0x200, $0x38;
	[tilespmem:$0x1F600] =	vst v63  }
0x1c: {  	s29 =	rddreg [dreg:$0xb];
	s30 =	simm.s32 $0x6C00;
	s31 =	simm.s32 $0x5  }
0x1d: {  	[tilespmem:s30], [sflag:$0x1] =	stream.linear.gather [hbm4b:s29+s20], $0x200, $0x38;
	[tilespmem:$0x1F600] =	vst v63  }
0x1e: {  	_ =	swait.ge [sflag:s31], $0x6600  }
0x1f: {  	[sflag:s31] =	ssyncset.done $0x0  }
0x20: {  	s10 =	simm.s32 $0x0;
	s28 =	simm.s32 $0x880;
	[sflag:s31] =	ssyncadd.s32 $0xFFFF9A00  }
.LBB2_2:
0x21: {  	s5 =	sshll.u32 s10, $0x6;
	s0 =	rddreg [dreg:$0x7]  }
0x22: {  	s0 =	sor.u32 s5, s0  }
0x23: {  	[dreg:$0x12] =	wrdreg s0;
	s0 =	sor.u32 $0x20, s0  }
0x24: {  	s0 =	smin.u32 s0, $0x61A  }
0x25: {  	s18 =	rddreg [dreg:$0x0];
	s0 =	sshll.u32 s0, $0x9  }
0x26: {  	s19 =	rddreg [dreg:$0x1];
	s0 =	smin.u32 s0, $0xC3300  }
0x27: {  	[dreg:$0x10] =	wrdreg s0;
	s0 =	sshrl.u32 s0, $0x3  }
0x28: {  	s6 =	simm.s32 $0x6E00;
	[dreg:$0x11] =	wrdreg s5;
	s5 =	sadd.s32 s18, s0  }
0x29: {  	[tilespmem:s6], [sflag:$0x2] =	stream.linear.gather [hbm4b:s5+s20], $0x200, $0x38;
	[tilespmem:$0x1F600] =	vst v63  }
0x2a: {  	s24 =	simm.s32 $0x7000;
	s25 =	rddreg [dreg:$0x2];
	s5 =	sadd.s32 s19, s0  }
0x2b: {  	[tilespmem:s24], [sflag:$0x2] =	stream.linear.gather [hbm4b:s5+s20], $0x200, $0x38;
	[tilespmem:$0x1F600] =	vst v63  }
0x2c: {  	s26 =	simm.s32 $0x7200;
	s17 =	rddreg [dreg:$0x3];
	s5 =	sadd.s32 s25, s0  }
0x2d: {  	[tilespmem:s26], [sflag:$0x2] =	stream.linear.gather [hbm4b:s5+s20], $0x200, $0x38;
	[tilespmem:$0x1F600] =	vst v63  }
0x2e: {  	s18 =	simm.s32 $0x7400;
	s19 =	simm.s32 $0x1;
	s0 =	sadd.s32 s17, s0  }
0x2f: {  	[tilespmem:s18], [sflag:$0x2] =	stream.linear.gather [hbm4b:s0+s20], $0x200, $0x38;
	[tilespmem:$0x1F600] =	vst v63  }
0x30: {  	_ =	swait.ge [sflag:s19], $0x200  }
0x31: {  	[sflag:s19] =	ssyncset.done $0x0  }
0x32: {  	[sflag:s19] =	ssyncadd.s32 $0xFFFFFE00  }
0x33: {  	_ =	swait.ge [sflag:s19], $0x200  }
0x34: {  	[sflag:s19] =	ssyncset.done $0x0  }
0x35: {  	[sflag:s19] =	ssyncadd.s32 $0xFFFFFE00  }
0x36: {  	_ =	swait.ge [sflag:s19], $0x200  }
0x37: {  	[sflag:s19] =	ssyncset.done $0x0  }
0x38: {  	[sflag:s19] =	ssyncadd.s32 $0xFFFFFE00  }
0x39: {  	_ =	swait.ge [sflag:s19], $0x200  }
0x3a: {  	p0 =	seq.s32 s10, $0x0;
	[sflag:s19] =	ssyncset.done $0x0  }
0x3b: {  	s0 =	simm.s32 @!p0 $0x3;
	[dreg:$0xf] =	wrdreg s10;
	[sflag:s19] =	ssyncadd.s32 $0xFFFFFE00  }
0x3c: {  	_ =	swait.ge @!p0 [sflag:s0], $0xC000  }
0x3d: {  	[sflag:s0] =	ssyncset.done @!p0 $0x0  }
0x3e: {  	s24 =	simm.s32 $0x0;
	s25 =	simm.s32 $0x6600;
	[sflag:s0] =	ssyncadd.s32 @!p0 $0xFFFF4000  }
0x3f: {  	s26 =	sand.u32 $0x1F0, s24;
	v2 =	vld [tilespmem:s25+$0x0]  }
0x40: {  	v3 =	vld [tilespmem:s26+$0x6800];
	_ =	sdelay $0x2  }
0x41: {  	v4 =	vld [tilespmem:s26+$0x6A00];
	_ =	sdelay $0x1  }
0x42: {  	v5 =	vld [tilespmem:s26+$0x6C00];
	v2 =	vmul.u32 $0x15, v2;
	v3 =	vmul.u32 $0x7, v3;
	_ =	sdelay $0x1  }
0x43: {  	v2 =	vadd.s32 v2, v3  }
0x44: {  	v2 =	vadd.s32 v4, v2  }
0x45: {  	v2 =	vshll.u32 v2, $0x2  }
0x46: {  	vm0 =	veq.s32 v5, $0x0;
	v2 =	vor.u32 v0, v2  }
0x47: {  	v6 =	vsel vm0, v1, v2;
	_ =	sdelay $0x4  }
0x48: {  	v2 =	vld.idx.msk [tilespmem:v6+s20+$0x0], $0xffff;
	_ =	sdelay $0x2  }
0x49: {  	s6 =	sand.u32 $0x70, s24;
	s10 =	sand.u32 $0xC00, s24  }
0x4a: {  	s6 =	sor.u32 s6, s10  }
0x4b: {  	[tilespmem:s6+$0x7600] =	vst v2  }
0x4c: {  	v2 =	vld.idx.msk [tilespmem:v6+s21+$0x0], $0xffff;
	_ =	sdelay $0x4  }
0x4d: {  	[tilespmem:s6+$0x7680] =	vst v2  }
0x4e: {  	v2 =	vld.idx.msk [tilespmem:v6+s22+$0x0], $0xffff;
	_ =	sdelay $0x4  }
0x4f: {  	[tilespmem:s6+$0x7700] =	vst v2  }
0x50: {  	v2 =	vld.idx.msk [tilespmem:v6+s23+$0x0], $0xffff;
	_ =	sdelay $0x4  }
0x51: {  	[tilespmem:s6+$0x7780] =	vst v2  }
0x52: {  	v2 =	vld.idx.msk [tilespmem:v6+s16+$0x0], $0xffff;
	_ =	sdelay $0x4  }
0x53: {  	[tilespmem:s6+$0x7800] =	vst v2  }
0x54: {  	v2 =	vld.idx.msk [tilespmem:v6+s11+$0x0], $0xffff;
	_ =	sdelay $0x4  }
0x55: {  	[tilespmem:s6+$0x7880] =	vst v2  }
0x56: {  	v2 =	vld.idx.msk [tilespmem:v6+s9+$0x0], $0xffff;
	_ =	sdelay $0x4  }
0x57: {  	[tilespmem:s6+$0x7900] =	vst v2  }
0x58: {  	v2 =	vld.idx.msk [tilespmem:v6+s8+$0x0], $0xffff;
	_ =	sdelay $0x2  }
0x59: {  	s0 =	sor.u32 s24, s24  }
0x5a: {  	s0 =	sor.u32 $0x380, s0  }
0x5b: {  	[tilespmem:s0+$0x7600] =	vst v2  }
0x5c: {  	v2 =	vld.idx.msk [tilespmem:v6+s28+$0x0], $0xffff;
	_ =	sdelay $0x4  }
0x5d: {  	[tilespmem:s6+$0x8600] =	vst v2  }
0x5e: {  	v2 =	vld.idx.msk [tilespmem:v6+s1+$0x0], $0xffff;
	_ =	sdelay $0x4  }
0x5f: {  	[tilespmem:s6+$0x8680] =	vst v2  }
0x60: {  	v2 =	vld.idx.msk [tilespmem:v6+s2+$0x0], $0xffff;
	_ =	sdelay $0x4  }
0x61: {  	[tilespmem:s6+$0x8700] =	vst v2  }
0x62: {  	v2 =	vld.idx.msk [tilespmem:v6+s3+$0x0], $0xffff;
	_ =	sdelay $0x1  }
0x63: {  	s11 =	simm.s32 $0x6610;
	s0 =	simm.s32 $0x10  }
0x64: {  	v3 =	vld [tilespmem:s11+$0x0];
	s18 =	sand.u32 $0x1F0, s0  }
0x65: {  	v4 =	vld [tilespmem:s18+$0x6800]  }
0x66: {  	[tilespmem:s6+$0x8780] =	vst v2  }
0x67: {  	v2 =	vld.idx.msk [tilespmem:v6+s4+$0x0], $0xffff  }
0x68: {  	v5 =	vld [tilespmem:s18+$0x6A00];
	_ =	sdelay $0x1  }
0x69: {  	v3 =	vmul.u32 $0x15, v3;
	v7 =	vld [tilespmem:s18+$0x6C00];
	v4 =	vmul.u32 $0x7, v4;
	_ =	sdelay $0x1  }
0x6a: {  	v3 =	vadd.s32 v3, v4;
	[tilespmem:s6+$0x8800] =	vst v2  }
0x6b: {  	v2 =	vadd.s32 v5, v3;
	v4 =	vld.idx.msk [tilespmem:v6+s7+$0x0], $0xffff  }
0x6c: {  	v2 =	vshll.u32 v2, $0x2  }
0x6d: {  	vm11 =	veq.s32 v7, $0x0;
	v2 =	vor.u32 v0, v2  }
0x6e: {  	v3 =	vsel vm11, v1, v2;
	_ =	sdelay $0x1  }
0x6f: {  	[tilespmem:s6+$0x8880] =	vst v4  }
0x70: {  	v2 =	vld.idx.msk [tilespmem:v6+s15+$0x0], $0xffff;
	_ =	sdelay $0x1  }
0x71: {  	v4 =	vld.idx.msk [tilespmem:v3+s20+$0x0], $0xffff;
	_ =	sdelay $0x1  }
0x72: {  	s5 =	simm.s32 $0x80  }
0x73: {  	s11 =	sand.u32 $0xC00, s5;
	s10 =	sand.u32 $0x70, s0;
	[tilespmem:s6+$0x8900] =	vst v2  }
0x74: {  	s31 =	sor.u32 s10, s11;
	v2 =	vld.idx.msk [tilespmem:v6+s12+$0x0], $0xffff  }
0x75: {  	[tilespmem:s31+$0x7600] =	vst v4  }
0x76: {  	v4 =	vld.idx.msk [tilespmem:v3+s21+$0x0], $0xffff;
	_ =	sdelay $0x2  }
0x77: {  	[tilespmem:s6+$0x8980] =	vst v2  }
0x78: {  	v2 =	vld.idx.msk [tilespmem:v6+s13+$0x0], $0xffff  }
0x79: {  	[tilespmem:s31+$0x7680] =	vst v4  }
0x7a: {  	v4 =	vld.idx.msk [tilespmem:v3+s22+$0x0], $0xffff;
	_ =	sdelay $0x2  }
0x7b: {  	s25 =	simm.s32 $0x1210;
	[tilespmem:s6+$0x9600] =	vst v2  }
0x7c: {  	v2 =	vld.idx.msk [tilespmem:v6+s25+$0x0], $0xffff  }
0x7d: {  	[tilespmem:s31+$0x7700] =	vst v4  }
0x7e: {  	v4 =	vld.idx.msk [tilespmem:v3+s23+$0x0], $0xffff;
	_ =	sdelay $0x2  }
0x7f: {  	s26 =	simm.s32 $0x1320;
	[tilespmem:s6+$0x9680] =	vst v2  }
0x80: {  	v2 =	vld.idx.msk [tilespmem:v6+s26+$0x0], $0xffff  }
0x81: {  	s1 =	simm.s32 $0x440;
	[tilespmem:s31+$0x7780] =	vst v4  }
0x82: {  	v4 =	vld.idx.msk [tilespmem:v3+s1+$0x0], $0xffff;
	_ =	sdelay $0x2  }
0x83: {  	s16 =	simm.s32 $0x1430;
	[tilespmem:s6+$0x9700] =	vst v2  }
0x84: {  	v2 =	vld.idx.msk [tilespmem:v6+s16+$0x0], $0xffff  }
0x85: {  	s15 =	simm.s32 $0x550;
	[tilespmem:s31+$0x7800] =	vst v4  }
0x86: {  	v4 =	vld.idx.msk [tilespmem:v3+s15+$0x0], $0xffff;
	_ =	sdelay $0x2  }
0x87: {  	s24 =	simm.s32 $0x1540;
	[tilespmem:s6+$0x9780] =	vst v2  }
0x88: {  	v2 =	vld.idx.msk [tilespmem:v6+s24+$0x0], $0xffff  }
0x89: {  	s19 =	simm.s32 $0x660;
	[tilespmem:s31+$0x7880] =	vst v4  }
0x8a: {  	v4 =	vld.idx.msk [tilespmem:v3+s19+$0x0], $0xffff;
	_ =	sdelay $0x2  }
0x8b: {  	s17 =	simm.s32 $0x1650;
	[tilespmem:s6+$0x9800] =	vst v2  }
0x8c: {  	v2 =	vld.idx.msk [tilespmem:v6+s17+$0x0], $0xffff  }
0x8d: {  	s9 =	simm.s32 $0x770;
	[tilespmem:s31+$0x7900] =	vst v4  }
0x8e: {  	v4 =	vld.idx.msk [tilespmem:v3+s9+$0x0], $0xffff;
	_ =	sdelay $0x2  }
0x8f: {  	s0 =	sor.u32 s5, s0;
	s3 =	simm.s32 $0x1760;
	[tilespmem:s6+$0x9880] =	vst v2  }
0x90: {  	s0 =	sor.u32 $0x380, s0;
	v2 =	vld.idx.msk [tilespmem:v6+s3+$0x0], $0xffff  }
0x91: {  	[tilespmem:s0+$0x7600] =	vst v4  }
0x92: {  	v4 =	vld.idx.msk [tilespmem:v3+s28+$0x0], $0xffff;
	_ =	sdelay $0x2  }
0x93: {  	s3 =	simm.s32 $0x1870;
	[tilespmem:s6+$0x9900] =	vst v2  }
0x94: {  	v2 =	vld.idx.msk [tilespmem:v6+s3+$0x0], $0xffff  }
0x95: {  	s2 =	simm.s32 $0x990;
	[tilespmem:s31+$0x8600] =	vst v4  }
0x96: {  	v4 =	vld.idx.msk [tilespmem:v3+s2+$0x0], $0xffff;
	_ =	sdelay $0x2  }
0x97: {  	s2 =	simm.s32 $0x1980;
	[tilespmem:s6+$0x9980] =	vst v2  }
0x98: {  	v2 =	vld.idx.msk [tilespmem:v6+s2+$0x0], $0xffff  }
0x99: {  	s8 =	simm.s32 $0xAA0;
	[tilespmem:s31+$0x8680] =	vst v4  }
0x9a: {  	v4 =	vld.idx.msk [tilespmem:v3+s8+$0x0], $0xffff;
	_ =	sdelay $0x2  }
0x9b: {  	s1 =	simm.s32 $0x1A90;
	[tilespmem:s6+$0xA600] =	vst v2  }
0x9c: {  	v2 =	vld.idx.msk [tilespmem:v6+s1+$0x0], $0xffff  }
0x9d: {  	s29 =	simm.s32 $0xBB0;
	[tilespmem:s31+$0x8700] =	vst v4  }
0x9e: {  	v4 =	vld.idx.msk [tilespmem:v3+s29+$0x0], $0xffff  }
0x9f: {  	s10 =	simm.s32 $0x20;
	s11 =	simm.s32 $0x6620  }
0xa0: {  	v5 =	vld [tilespmem:s11+$0x0];
	s12 =	sand.u32 $0x1F0, s10  }
0xa1: {  	v7 =	vld [tilespmem:s12+$0x6800];
	s13 =	simm.s32 $0x1BA0;
	[tilespmem:s6+$0xA680] =	vst v2  }
0xa2: {  	v2 =	vld.idx.msk [tilespmem:v6+s13+$0x0], $0xffff  }
0xa3: {  	v8 =	vld [tilespmem:s12+$0x6A00];
	[tilespmem:s31+$0x8780] =	vst v4  }
0xa4: {  	v4 =	vld.idx.msk [tilespmem:v3+s4+$0x0], $0xffff;
	_ =	sdelay $0x1  }
0xa5: {  	v5 =	vmul.u32 $0x15, v5;
	v9 =	vld [tilespmem:s12+$0x6C00];
	v7 =	vmul.u32 $0x7, v7  }
0xa6: {  	[tilespmem:s6+$0xA700] =	vst v2  }
0xa7: {  	v5 =	vadd.s32 v5, v7;
	v2 =	vld.idx.msk [tilespmem:v6+s14+$0x0], $0xffff  }
0xa8: {  	s30 =	simm.s32 $0xDD0;
	[tilespmem:s31+$0x8800] =	vst v4;
	v4 =	vadd.s32 v8, v5  }
0xa9: {  	v7 =	vld.idx.msk [tilespmem:v3+s30+$0x0], $0xffff;
	v4 =	vshll.u32 v4, $0x2  }
0xaa: {  	vm12 =	veq.s32 v9, $0x0;
	v4 =	vor.u32 v0, v4  }
0xab: {  	v5 =	vsel vm12, v1, v4  }
0xac: {  	s18 =	simm.s32 $0x1DC0;
	[tilespmem:s6+$0xA780] =	vst v2  }
0xad: {  	v2 =	vld.idx.msk [tilespmem:v6+s18+$0x0], $0xffff  }
0xae: {  	s7 =	simm.s32 $0xEE0;
	[tilespmem:s31+$0x8880] =	vst v7  }
0xaf: {  	v4 =	vld.idx.msk [tilespmem:v3+s7+$0x0], $0xffff  }
0xb0: {  	s17 =	simm.s32 $0x30;
	v7 =	vld.idx.msk [tilespmem:v5+s20+$0x0], $0xffff  }
0xb1: {  	s5 =	sand.u32 $0x1F0, s17  }
0xb2: {  	s11 =	simm.s32 $0x100;
	v8 =	vld [tilespmem:s5+$0x6C00];
	s30 =	simm.s32 $0x1ED0;
	[tilespmem:s6+$0xA800] =	vst v2  }
0xb3: {  	s9 =	sand.u32 $0xC00, s11;
	s7 =	sand.u32 $0x70, s10;
	v2 =	vld.idx.msk [tilespmem:v6+s30+$0x0], $0xffff  }
0xb4: {  	s14 =	simm.s32 $0xFF0;
	s29 =	sor.u32 s7, s9;
	[tilespmem:s31+$0x8900] =	vst v4  }
0xb5: {  	v4 =	vld.idx.msk [tilespmem:v3+s14+$0x0], $0xffff;
	[tilespmem:s29+$0x7600] =	vst v7  }
0xb6: {  	v7 =	vld.idx.msk [tilespmem:v5+s21+$0x0], $0xffff;
	_ =	sdelay $0x1  }
0xb7: {  	s0 =	simm.s32 $0x1FE0;
	[tilespmem:s6+$0xA880] =	vst v2  }
0xb8: {  	v2 =	vld.idx.msk [tilespmem:v6+s0+$0x0], $0xffff  }
0xb9: {  	s8 =	simm.s32 $0x1100;
	[tilespmem:s31+$0x8980] =	vst v4  }
0xba: {  	v4 =	vld.idx.msk [tilespmem:v3+s8+$0x0], $0xffff;
	[tilespmem:s29+$0x7680] =	vst v7  }
0xbb: {  	v7 =	vld.idx.msk [tilespmem:v5+s22+$0x0], $0xffff;
	_ =	sdelay $0x1  }
0xbc: {  	s8 =	simm.s32 $0x20F0;
	[tilespmem:s6+$0xA900] =	vst v2  }
0xbd: {  	v2 =	vld.idx.msk [tilespmem:v6+s8+$0x0], $0xffff  }
0xbe: {  	s25 =	simm.s32 $0x1210;
	[tilespmem:s31+$0x9600] =	vst v4  }
0xbf: {  	v4 =	vld.idx.msk [tilespmem:v3+s25+$0x0], $0xffff;
	[tilespmem:s29+$0x7700] =	vst v7  }
0xc0: {  	v7 =	vld.idx.msk [tilespmem:v5+s23+$0x0], $0xffff;
	_ =	sdelay $0x1  }
0xc1: {  	s25 =	simm.s32 $0x2200;
	[tilespmem:s6+$0xA980] =	vst v2  }
0xc2: {  	v2 =	vld.idx.msk [tilespmem:v6+s25+$0x0], $0xffff  }
0xc3: {  	s14 =	simm.s32 $0x1320;
	[tilespmem:s31+$0x9680] =	vst v4  }
0xc4: {  	s26 =	simm.s32 $0x440;
	v4 =	vld.idx.msk [tilespmem:v3+s14+$0x0], $0xffff;
	[tilespmem:s29+$0x7780] =	vst v7  }
0xc5: {  	v7 =	vld.idx.msk [tilespmem:v5+s26+$0x0], $0xffff;
	_ =	sdelay $0x1  }
0xc6: {  	s26 =	simm.s32 $0x2310;
	[tilespmem:s6+$0xB600] =	vst v2  }
0xc7: {  	v2 =	vld.idx.msk [tilespmem:v6+s26+$0x0], $0xffff  }
0xc8: {  	s16 =	simm.s32 $0x1430;
	[tilespmem:s31+$0x9700] =	vst v4  }
0xc9: {  	s15 =	simm.s32 $0x550;
	v4 =	vld.idx.msk [tilespmem:v3+s16+$0x0], $0xffff;
	[tilespmem:s29+$0x7800] =	vst v7  }
0xca: {  	v7 =	vld.idx.msk [tilespmem:v5+s15+$0x0], $0xffff;
	_ =	sdelay $0x1  }
0xcb: {  	s16 =	simm.s32 $0x2420;
	[tilespmem:s6+$0xB680] =	vst v2  }
0xcc: {  	v2 =	vld.idx.msk [tilespmem:v6+s16+$0x0], $0xffff  }
0xcd: {  	s24 =	simm.s32 $0x1540;
	[tilespmem:s31+$0x9780] =	vst v4  }
0xce: {  	s19 =	simm.s32 $0x660;
	v4 =	vld.idx.msk [tilespmem:v3+s24+$0x0], $0xffff;
	[tilespmem:s29+$0x7880] =	vst v7  }
0xcf: {  	v7 =	vld.idx.msk [tilespmem:v5+s19+$0x0], $0xffff;
	_ =	sdelay $0x1  }
0xd0: {  	s14 =	simm.s32 $0x2530;
	[tilespmem:s6+$0xB700] =	vst v2  }
0xd1: {  	v2 =	vld.idx.msk [tilespmem:v6+s14+$0x0], $0xffff  }
0xd2: {  	s12 =	simm.s32 $0x1650;
	[tilespmem:s31+$0x9800] =	vst v4  }
0xd3: {  	s9 =	simm.s32 $0x770;
	v4 =	vld.idx.msk [tilespmem:v3+s12+$0x0], $0xffff;
	[tilespmem:s29+$0x7900] =	vst v7  }
0xd4: {  	v7 =	vld.idx.msk [tilespmem:v5+s9+$0x0], $0xffff;
	_ =	sdelay $0x1  }
0xd5: {  	s13 =	simm.s32 $0x2640;
	[tilespmem:s6+$0xB780] =	vst v2  }
0xd6: {  	s10 =	sor.u32 s11, s10;
	v2 =	vld.idx.msk [tilespmem:v6+s13+$0x0], $0xffff  }
0xd7: {  	s10 =	sor.u32 $0x380, s10;
	s15 =	simm.s32 $0x1760;
	[tilespmem:s31+$0x9880] =	vst v4  }
0xd8: {  	v4 =	vld.idx.msk [tilespmem:v3+s15+$0x0], $0xffff;
	[tilespmem:s10+$0x7600] =	vst v7  }
0xd9: {  	v7 =	vld.idx.msk [tilespmem:v5+s28+$0x0], $0xffff;
	_ =	sdelay $0x1  }
0xda: {  	s15 =	simm.s32 $0x2750;
	[tilespmem:s6+$0xB800] =	vst v2  }
0xdb: {  	v2 =	vld.idx.msk [tilespmem:v6+s15+$0x0], $0xffff  }
0xdc: {  	[tilespmem:s31+$0x9900] =	vst v4  }
0xdd: {  	s19 =	simm.s32 $0x990;
	v4 =	vld.idx.msk [tilespmem:v3+s3+$0x0], $0xffff;
	[tilespmem:s29+$0x8600] =	vst v7  }
0xde: {  	v7 =	vld.idx.msk [tilespmem:v5+s19+$0x0], $0xffff;
	_ =	sdelay $0x1  }
0xdf: {  	s3 =	simm.s32 $0x2860;
	[tilespmem:s6+$0xB880] =	vst v2  }
0xe0: {  	v2 =	vld.idx.msk [tilespmem:v6+s3+$0x0], $0xffff  }
0xe1: {  	[tilespmem:s31+$0x9980] =	vst v4  }
0xe2: {  	s24 =	simm.s32 $0xAA0;
	v4 =	vld.idx.msk [tilespmem:v3+s2+$0x0], $0xffff;
	[tilespmem:s29+$0x8680] =	vst v7  }
0xe3: {  	v7 =	vld.idx.msk [tilespmem:v5+s24+$0x0], $0xffff;
	_ =	sdelay $0x1  }
0xe4: {  	s19 =	simm.s32 $0x2970;
	[tilespmem:s6+$0xB900] =	vst v2  }
0xe5: {  	v2 =	vld.idx.msk [tilespmem:v6+s19+$0x0], $0xffff  }
0xe6: {  	[tilespmem:s31+$0xA600] =	vst v4  }
0xe7: {  	s2 =	simm.s32 $0xBB0;
	v4 =	vld.idx.msk [tilespmem:v3+s1+$0x0], $0xffff;
	[tilespmem:s29+$0x8700] =	vst v7  }
0xe8: {  	v7 =	vld.idx.msk [tilespmem:v5+s2+$0x0], $0xffff  }
0xe9: {  	s7 =	simm.s32 $0x6630  }
0xea: {  	v9 =	vld [tilespmem:s7+$0x0];
	s24 =	simm.s32 $0x2A80;
	[tilespmem:s6+$0xB980] =	vst v2  }
0xeb: {  	v2 =	vld.idx.msk [tilespmem:v6+s24+$0x0], $0xffff  }
0xec: {  	v10 =	vld [tilespmem:s5+$0x6800];
	s2 =	simm.s32 $0x1BA0;
	[tilespmem:s31+$0xA680] =	vst v4  }
0xed: {  	v4 =	vld.idx.msk [tilespmem:v3+s2+$0x0], $0xffff;
	[tilespmem:s29+$0x8780] =	vst v7  }
0xee: {  	v7 =	vld.idx.msk [tilespmem:v5+s4+$0x0], $0xffff  }
0xef: {  	v11 =	vld [tilespmem:s5+$0x6A00]  }
0xf0: {  	s10 =	simm.s32 $0x2B90;
	[tilespmem:s6+$0xC600] =	vst v2  }
0xf1: {  	v9 =	vmul.u32 $0x15, v9;
	v10 =	vmul.u32 $0x7, v10;
	v2 =	vld.idx.msk [tilespmem:v6+s10+$0x0], $0xffff  }
0xf2: {  	s18 =	simm.s32 $0x1CB0;
	[tilespmem:s31+$0xA700] =	vst v4  }
0xf3: {  	s1 =	simm.s32 $0xDD0;
	v4 =	vadd.s32 v9, v10;
	v9 =	vld.idx.msk [tilespmem:v3+s18+$0x0], $0xffff;
	[tilespmem:s29+$0x8800] =	vst v7  }
0xf4: {  	v4 =	vadd.s32 v11, v4;
	v7 =	vld.idx.msk [tilespmem:v5+s1+$0x0], $0xffff  }
0xf5: {  	v4 =	vshll.u32 v4, $0x2  }
0xf6: {  	vm13 =	veq.s32 v8, $0x0;
	s18 =	simm.s32 $0x2CA0;
	[tilespmem:s6+$0xC680] =	vst v2;
	v2 =	vor.u32 v0, v4  }
0xf7: {  	v4 =	vld.idx.msk [tilespmem:v6+s18+$0x0], $0xffff;
	v2 =	vsel vm13, v1, v2  }
0xf8: {  	s7 =	simm.s32 $0x1DC0;
	[tilespmem:s31+$0xA780] =	vst v9  }
0xf9: {  	s11 =	simm.s32 $0xEE0;
	v8 =	vld.idx.msk [tilespmem:v3+s7+$0x0], $0xffff;
	[tilespmem:s29+$0x8880] =	vst v7  }
0xfa: {  	v7 =	vld.idx.msk [tilespmem:v5+s11+$0x0], $0xffff;
	_ =	sdelay $0x1  }
0xfb: {  	s10 =	simm.s32 $0x2DB0;
	v9 =	vld.idx.msk [tilespmem:v2+s20+$0x0], $0xffff;
	[tilespmem:s6+$0xC700] =	vst v4  }
0xfc: {  	s5 =	simm.s32 $0x180;
	v4 =	vld.idx.msk [tilespmem:v6+s10+$0x0], $0xffff  }
0xfd: {  	s11 =	sand.u32 $0xC00, s5;
	[tilespmem:s31+$0xA800] =	vst v8;
	s10 =	sand.u32 $0x70, s17  }
0xfe: {  	v8 =	vld.idx.msk [tilespmem:v3+s30+$0x0], $0xffff;
	[tilespmem:s29+$0x8900] =	vst v7;
	s30 =	sor.u32 s10, s11;
	s11 =	simm.s32 $0xFF0  }
0xff: {  	v7 =	vld.idx.msk [tilespmem:v5+s11+$0x0], $0xffff  }
0x100: {  	[tilespmem:s30+$0x7600] =	vst v9  }
0x101: {  	s11 =	simm.s32 $0x2EC0;
	v9 =	vld.idx.msk [tilespmem:v2+s21+$0x0], $0xffff;
	[tilespmem:s6+$0xC780] =	vst v4  }
0x102: {  	v4 =	vld.idx.msk [tilespmem:v6+s11+$0x0], $0xffff  }
0x103: {  	[tilespmem:s31+$0xA880] =	vst v8  }
0x104: {  	s11 =	simm.s32 $0x1100;
	v8 =	vld.idx.msk [tilespmem:v3+s0+$0x0], $0xffff;
	[tilespmem:s29+$0x8980] =	vst v7  }
0x105: {  	v7 =	vld.idx.msk [tilespmem:v5+s11+$0x0], $0xffff  }
0x106: {  	[tilespmem:s30+$0x7680] =	vst v9  }
0x107: {  	s10 =	simm.s32 $0x2FD0;
	v9 =	vld.idx.msk [tilespmem:v2+s22+$0x0], $0xffff;
	[tilespmem:s6+$0xC800] =	vst v4  }
0x108: {  	v4 =	vld.idx.msk [tilespmem:v6+s10+$0x0], $0xffff  }
0x109: {  	[tilespmem:s31+$0xA900] =	vst v8  }
0x10a: {  	s11 =	simm.s32 $0x1210;
	v8 =	vld.idx.msk [tilespmem:v3+s8+$0x0], $0xffff;
	[tilespmem:s29+$0x9600] =	vst v7  }
0x10b: {  	v7 =	vld.idx.msk [tilespmem:v5+s11+$0x0], $0xffff  }
0x10c: {  	[tilespmem:s30+$0x7700] =	vst v9  }
0x10d: {  	s8 =	simm.s32 $0x30E0;
	v9 =	vld.idx.msk [tilespmem:v2+s23+$0x0], $0xffff;
	[tilespmem:s6+$0xC880] =	vst v4  }
0x10e: {  	v4 =	vld.idx.msk [tilespmem:v6+s8+$0x0], $0xffff  }
0x10f: {  	[tilespmem:s31+$0xA980] =	vst v8  }
0x110: {  	v8 =	vld.idx.msk [tilespmem:v3+s25+$0x0], $0xffff;
	[tilespmem:s29+$0x9680] =	vst v7;
	s25 =	simm.s32 $0x1320  }
0x111: {  	v7 =	vld.idx.msk [tilespmem:v5+s25+$0x0], $0xffff  }
0x112: {  	s10 =	simm.s32 $0x440;
	[tilespmem:s30+$0x7780] =	vst v9  }
0x113: {  	s25 =	simm.s32 $0x31F0;
	v9 =	vld.idx.msk [tilespmem:v2+s10+$0x0], $0xffff;
	[tilespmem:s6+$0xC900] =	vst v4  }
0x114: {  	v4 =	vld.idx.msk [tilespmem:v6+s25+$0x0], $0xffff  }
0x115: {  	[tilespmem:s31+$0xB600] =	vst v8  }
0x116: {  	s11 =	simm.s32 $0x1430;
	v8 =	vld.idx.msk [tilespmem:v3+s26+$0x0], $0xffff;
	[tilespmem:s29+$0x9700] =	vst v7  }
0x117: {  	v7 =	vld.idx.msk [tilespmem:v5+s11+$0x0], $0xffff  }
0x118: {  	s26 =	simm.s32 $0x550;
	[tilespmem:s30+$0x7800] =	vst v9  }
0x119: {  	v9 =	vld.idx.msk [tilespmem:v2+s26+$0x0], $0xffff;
	[tilespmem:s6+$0xC980] =	vst v4;
	s26 =	simm.s32 $0x3300  }
0x11a: {  	v4 =	vld.idx.msk [tilespmem:v6+s26+$0x0], $0xffff  }
0x11b: {  	[tilespmem:s31+$0xB680] =	vst v8  }
0x11c: {  	s10 =	simm.s32 $0x1540;
	v8 =	vld.idx.msk [tilespmem:v3+s16+$0x0], $0xffff;
	[tilespmem:s29+$0x9780] =	vst v7  }
0x11d: {  	v7 =	vld.idx.msk [tilespmem:v5+s10+$0x0], $0xffff  }
0x11e: {  	s11 =	simm.s32 $0x660;
	[tilespmem:s30+$0x7880] =	vst v9  }
0x11f: {  	s16 =	simm.s32 $0x3410;
	v9 =	vld.idx.msk [tilespmem:v2+s11+$0x0], $0xffff;
	[tilespmem:s6+$0xD600] =	vst v4  }
0x120: {  	v4 =	vld.idx.msk [tilespmem:v6+s16+$0x0], $0xffff  }
0x121: {  	[tilespmem:s31+$0xB700] =	vst v8  }
0x122: {  	v8 =	vld.idx.msk [tilespmem:v3+s14+$0x0], $0xffff;
	[tilespmem:s29+$0x9800] =	vst v7  }
0x123: {  	v7 =	vld.idx.msk [tilespmem:v5+s12+$0x0], $0xffff  }
0x124: {  	[tilespmem:s30+$0x7900] =	vst v9  }
0x125: {  	v9 =	vld.idx.msk [tilespmem:v2+s9+$0x0], $0xffff;
	[tilespmem:s6+$0xD680] =	vst v4;
	s9 =	simm.s32 $0x3520  }
0x126: {  	v4 =	vld.idx.msk [tilespmem:v6+s9+$0x0], $0xffff  }
0x127: {  	[tilespmem:s31+$0xB780] =	vst v8  }
0x128: {  	s14 =	simm.s32 $0x1760;
	s12 =	sor.u32 s5, s17;
	v8 =	vld.idx.msk [tilespmem:v3+s13+$0x0], $0xffff;
	[tilespmem:s29+$0x9880] =	vst v7  }
0x129: {  	s0 =	sor.u32 $0x380, s12;
	v7 =	vld.idx.msk [tilespmem:v5+s14+$0x0], $0xffff  }
0x12a: {  	[tilespmem:s0+$0x7600] =	vst v9  }
0x12b: {  	s14 =	simm.s32 $0x3630;
	v9 =	vld.idx.msk [tilespmem:v2+s28+$0x0], $0xffff;
	[tilespmem:s6+$0xD700] =	vst v4  }
0x12c: {  	v4 =	vld.idx.msk [tilespmem:v6+s14+$0x0], $0xffff  }
0x12d: {  	[tilespmem:s31+$0xB800] =	vst v8  }
0x12e: {  	v8 =	vld.idx.msk [tilespmem:v3+s15+$0x0], $0xffff;
	[tilespmem:s29+$0x9900] =	vst v7;
	s15 =	simm.s32 $0x1870  }
0x12f: {  	v7 =	vld.idx.msk [tilespmem:v5+s15+$0x0], $0xffff  }
0x130: {  	s17 =	simm.s32 $0x990;
	[tilespmem:s30+$0x8600] =	vst v9  }
0x131: {  	s15 =	simm.s32 $0x3740;
	v9 =	vld.idx.msk [tilespmem:v2+s17+$0x0], $0xffff;
	[tilespmem:s6+$0xD780] =	vst v4  }
0x132: {  	v4 =	vld.idx.msk [tilespmem:v6+s15+$0x0], $0xffff  }
0x133: {  	[tilespmem:s31+$0xB880] =	vst v8  }
0x134: {  	s5 =	simm.s32 $0x1980;
	v8 =	vld.idx.msk [tilespmem:v3+s3+$0x0], $0xffff;
	[tilespmem:s29+$0x9980] =	vst v7  }
0x135: {  	v7 =	vld.idx.msk [tilespmem:v5+s5+$0x0], $0xffff  }
0x136: {  	s10 =	simm.s32 $0xAA0;
	[tilespmem:s30+$0x8680] =	vst v9  }
0x137: {  	s13 =	simm.s32 $0x3850;
	v9 =	vld.idx.msk [tilespmem:v2+s10+$0x0], $0xffff;
	[tilespmem:s6+$0xD800] =	vst v4  }
0x138: {  	v4 =	vld.idx.msk [tilespmem:v6+s13+$0x0], $0xffff  }
0x139: {  	[tilespmem:s31+$0xB900] =	vst v8  }
0x13a: {  	s12 =	simm.s32 $0x1A90;
	s5 =	simm.s32 $0x40;
	v8 =	vld.idx.msk [tilespmem:v3+s19+$0x0], $0xffff;
	[tilespmem:s29+$0xA600] =	vst v7  }
0x13b: {  	s3 =	sand.u32 $0x1F0, s5;
	v7 =	vld.idx.msk [tilespmem:v5+s12+$0x0], $0xffff  }
0x13c: {  	s17 =	simm.s32 $0xBB0;
	v11 =	vld [tilespmem:s3+$0x6800];
	[tilespmem:s30+$0x8700] =	vst v9  }
0x13d: {  	s12 =	simm.s32 $0x3960;
	v9 =	vld.idx.msk [tilespmem:v2+s17+$0x0], $0xffff;
	[tilespmem:s6+$0xD880] =	vst v4  }
0x13e: {  	s19 =	simm.s32 $0x6640;
	v4 =	vld.idx.msk [tilespmem:v6+s12+$0x0], $0xffff  }
0x13f: {  	v10 =	vld [tilespmem:s19+$0x0];
	[tilespmem:s31+$0xB980] =	vst v8  }
0x140: {  	v8 =	vld.idx.msk [tilespmem:v3+s24+$0x0], $0xffff;
	[tilespmem:s29+$0xA680] =	vst v7  }
0x141: {  	v7 =	vld.idx.msk [tilespmem:v5+s2+$0x0], $0xffff  }
0x142: {  	v12 =	vld [tilespmem:s3+$0x6A00];
	[tilespmem:s30+$0x8780] =	vst v9  }
0x143: {  	s2 =	simm.s32 $0x3A70;
	v9 =	vld.idx.msk [tilespmem:v2+s4+$0x0], $0xffff;
	[tilespmem:s6+$0xD900] =	vst v4  }
0x144: {  	v4 =	vld.idx.msk [tilespmem:v6+s2+$0x0], $0xffff  }
0x145: {  	s11 =	simm.s32 $0x2B90;
	v13 =	vld [tilespmem:s3+$0x6C00];
	[tilespmem:s31+$0xC600] =	vst v8  }
0x146: {  	v11 =	vmul.u32 $0x7, v11;
	s17 =	simm.s32 $0x1CB0;
	v10 =	vmul.u32 $0x15, v10;
	v8 =	vld.idx.msk [tilespmem:v3+s11+$0x0], $0xffff;
	[tilespmem:s29+$0xA700] =	vst v7  }
0x147: {  	v7 =	vld.idx.msk [tilespmem:v5+s17+$0x0], $0xffff  }
0x148: {  	[tilespmem:s30+$0x8800] =	vst v9;
	v9 =	vadd.s32 v10, v11  }
0x149: {  	s3 =	simm.s32 $0x3B80;
	v10 =	vld.idx.msk [tilespmem:v2+s1+$0x0], $0xffff;
	[tilespmem:s6+$0xD980] =	vst v4;
	v4 =	vadd.s32 v12, v9  }
0x14a: {  	v9 =	vld.idx.msk [tilespmem:v6+s3+$0x0], $0xffff;
	v4 =	vshll.u32 v4, $0x2  }
0x14b: {  	vm14 =	veq.s32 v13, $0x0;
	[tilespmem:s31+$0xC680] =	vst v8;
	v4 =	vor.u32 v0, v4  }
0x14c: {  	v8 =	vld.idx.msk [tilespmem:v3+s18+$0x0], $0xffff;
	[tilespmem:s29+$0xA780] =	vst v7;
	v4 =	vsel vm14, v1, v4  }
0x14d: {  	v7 =	vld.idx.msk [tilespmem:v5+s7+$0x0], $0xffff  }
0x14e: {  	s19 =	simm.s32 $0xEE0;
	[tilespmem:s30+$0x8880] =	vst v10  }
0x14f: {  	s7 =	simm.s32 $0x3C90;
	v10 =	vld.idx.msk [tilespmem:v2+s19+$0x0], $0xffff;
	[tilespmem:s6+$0xE600] =	vst v9  }
0x150: {  	v9 =	vld.idx.msk [tilespmem:v6+s7+$0x0], $0xffff  }
0x151: {  	s24 =	simm.s32 $0x2DB0;
	[tilespmem:s31+$0xC700] =	vst v8;
	v11 =	vld.idx.msk [tilespmem:v4+s20+$0x0], $0xffff  }
0x152: {  	s1 =	simm.s32 $0x1ED0;
	v8 =	vld.idx.msk [tilespmem:v3+s24+$0x0], $0xffff;
	[tilespmem:s29+$0xA800] =	vst v7  }
0x153: {  	s10 =	simm.s32 $0x200;
	v7 =	vld.idx.msk [tilespmem:v5+s1+$0x0], $0xffff  }
0x154: {  	s11 =	sand.u32 $0x70, s5;
	s17 =	sand.u32 $0xC00, s10;
	s19 =	simm.s32 $0xFF0;
	[tilespmem:s30+$0x8900] =	vst v10  }
0x155: {  	s0 =	sor.u32 s11, s17;
	s17 =	simm.s32 $0x3DA0;
	v10 =	vld.idx.msk [tilespmem:v2+s19+$0x0], $0xffff;
	[tilespmem:s6+$0xE680] =	vst v9  }
0x156: {  	[tilespmem:s0+$0x7600] =	vst v11;
	v9 =	vld.idx.msk [tilespmem:v6+s17+$0x0], $0xffff  }
0x157: {  	s24 =	simm.s32 $0x2EC0;
	[tilespmem:s31+$0xC780] =	vst v8;
	v11 =	vld.idx.msk [tilespmem:v4+s21+$0x0], $0xffff  }
0x158: {  	s11 =	simm.s32 $0x1FE0;
	v8 =	vld.idx.msk [tilespmem:v3+s24+$0x0], $0xffff;
	[tilespmem:s29+$0xA880] =	vst v7  }
0x159: {  	v7 =	vld.idx.msk [tilespmem:v5+s11+$0x0], $0xffff  }
0x15a: {  	s19 =	simm.s32 $0x1100;
	[tilespmem:s30+$0x8980] =	vst v10  }
0x15b: {  	v10 =	vld.idx.msk [tilespmem:v2+s19+$0x0], $0xffff;
	[tilespmem:s6+$0xE700] =	vst v9;
	s19 =	simm.s32 $0x3EB0  }
0x15c: {  	[tilespmem:s0+$0x7680] =	vst v11;
	v9 =	vld.idx.msk [tilespmem:v6+s19+$0x0], $0xffff  }
0x15d: {  	s24 =	simm.s32 $0x2FD0;
	[tilespmem:s31+$0xC800] =	vst v8;
	v11 =	vld.idx.msk [tilespmem:v4+s22+$0x0], $0xffff  }
0x15e: {  	s11 =	simm.s32 $0x20F0;
	v8 =	vld.idx.msk [tilespmem:v3+s24+$0x0], $0xffff;
	[tilespmem:s29+$0xA900] =	vst v7  }
0x15f: {  	v7 =	vld.idx.msk [tilespmem:v5+s11+$0x0], $0xffff  }
0x160: {  	s24 =	simm.s32 $0x1210;
	[tilespmem:s30+$0x9600] =	vst v10  }
0x161: {  	v10 =	vld.idx.msk [tilespmem:v2+s24+$0x0], $0xffff;
	[tilespmem:s6+$0xE780] =	vst v9;
	s24 =	simm.s32 $0x3FC0  }
0x162: {  	[tilespmem:s0+$0x7700] =	vst v11;
	v9 =	vld.idx.msk [tilespmem:v6+s24+$0x0], $0xffff  }
0x163: {  	[tilespmem:s31+$0xC880] =	vst v8;
	v11 =	vld.idx.msk [tilespmem:v4+s23+$0x0], $0xffff  }
0x164: {  	s1 =	simm.s32 $0x2200;
	v8 =	vld.idx.msk [tilespmem:v3+s8+$0x0], $0xffff;
	[tilespmem:s29+$0xA980] =	vst v7  }
0x165: {  	v7 =	vld.idx.msk [tilespmem:v5+s1+$0x0], $0xffff  }
0x166: {  	s11 =	simm.s32 $0x1320;
	[tilespmem:s30+$0x9680] =	vst v10  }
0x167: {  	s8 =	simm.s32 $0x40D0;
	v10 =	vld.idx.msk [tilespmem:v2+s11+$0x0], $0xffff;
	[tilespmem:s6+$0xE800] =	vst v9  }
0x168: {  	s11 =	simm.s32 $0x440;
	[tilespmem:s0+$0x7780] =	vst v11;
	v9 =	vld.idx.msk [tilespmem:v6+s8+$0x0], $0xffff  }
0x169: {  	[tilespmem:s31+$0xC900] =	vst v8;
	v11 =	vld.idx.msk [tilespmem:v4+s11+$0x0], $0xffff  }
0x16a: {  	v8 =	vld.idx.msk [tilespmem:v3+s25+$0x0], $0xffff;
	[tilespmem:s29+$0xB600] =	vst v7;
	s25 =	simm.s32 $0x2310  }
0x16b: {  	v7 =	vld.idx.msk [tilespmem:v5+s25+$0x0], $0xffff  }
0x16c: {  	s25 =	simm.s32 $0x1430;
	[tilespmem:s30+$0x9700] =	vst v10  }
0x16d: {  	v10 =	vld.idx.msk [tilespmem:v2+s25+$0x0], $0xffff;
	[tilespmem:s6+$0xE880] =	vst v9;
	s25 =	simm.s32 $0x41E0  }
0x16e: {  	s11 =	simm.s32 $0x550;
	[tilespmem:s0+$0x7800] =	vst v11;
	v9 =	vld.idx.msk [tilespmem:v6+s25+$0x0], $0xffff  }
0x16f: {  	[tilespmem:s31+$0xC980] =	vst v8;
	v11 =	vld.idx.msk [tilespmem:v4+s11+$0x0], $0xffff  }
0x170: {  	v8 =	vld.idx.msk [tilespmem:v3+s26+$0x0], $0xffff;
	[tilespmem:s29+$0xB680] =	vst v7;
	s26 =	simm.s32 $0x2420  }
0x171: {  	v7 =	vld.idx.msk [tilespmem:v5+s26+$0x0], $0xffff  }
0x172: {  	s26 =	simm.s32 $0x1540;
	[tilespmem:s30+$0x9780] =	vst v10  }
0x173: {  	v10 =	vld.idx.msk [tilespmem:v2+s26+$0x0], $0xffff;
	[tilespmem:s6+$0xE900] =	vst v9;
	s26 =	simm.s32 $0x42F0  }
0x174: {  	s11 =	simm.s32 $0x660;
	[tilespmem:s0+$0x7880] =	vst v11;
	v9 =	vld.idx.msk [tilespmem:v6+s26+$0x0], $0xffff  }
0x175: {  	[tilespmem:s31+$0xD600] =	vst v8;
	v11 =	vld.idx.msk [tilespmem:v4+s11+$0x0], $0xffff  }
0x176: {  	v8 =	vld.idx.msk [tilespmem:v3+s16+$0x0], $0xffff;
	[tilespmem:s29+$0xB700] =	vst v7;
	s16 =	simm.s32 $0x2530  }
0x177: {  	v7 =	vld.idx.msk [tilespmem:v5+s16+$0x0], $0xffff  }
0x178: {  	s16 =	simm.s32 $0x1650;
	[tilespmem:s30+$0x9800] =	vst v10  }
0x179: {  	v10 =	vld.idx.msk [tilespmem:v2+s16+$0x0], $0xffff;
	[tilespmem:s6+$0xE980] =	vst v9;
	s16 =	simm.s32 $0x4400  }
0x17a: {  	s11 =	simm.s32 $0x770;
	[tilespmem:s0+$0x7900] =	vst v11;
	v9 =	vld.idx.msk [tilespmem:v6+s16+$0x0], $0xffff  }
0x17b: {  	[tilespmem:s31+$0xD680] =	vst v8;
	v11 =	vld.idx.msk [tilespmem:v4+s11+$0x0], $0xffff  }
0x17c: {  	v8 =	vld.idx.msk [tilespmem:v3+s9+$0x0], $0xffff;
	[tilespmem:s29+$0xB780] =	vst v7;
	s11 =	simm.s32 $0x2640  }
0x17d: {  	v7 =	vld.idx.msk [tilespmem:v5+s11+$0x0], $0xffff  }
0x17e: {  	s5 =	sor.u32 s10, s5;
	s11 =	simm.s32 $0x1760;
	[tilespmem:s30+$0x9880] =	vst v10  }
0x17f: {  	s5 =	sor.u32 $0x380, s5;
	s9 =	simm.s32 $0x4510;
	v10 =	vld.idx.msk [tilespmem:v2+s11+$0x0], $0xffff;
	[tilespmem:s6+$0xF600] =	vst v9  }
0x180: {  	[tilespmem:s5+$0x7600] =	vst v11;
	v9 =	vld.idx.msk [tilespmem:v6+s9+$0x0], $0xffff  }
0x181: {  	[tilespmem:s31+$0xD700] =	vst v8;
	v11 =	vld.idx.msk [tilespmem:v4+s28+$0x0], $0xffff  }
0x182: {  	v8 =	vld.idx.msk [tilespmem:v3+s14+$0x0], $0xffff;
	[tilespmem:s29+$0xB800] =	vst v7;
	s14 =	simm.s32 $0x2750  }
0x183: {  	v7 =	vld.idx.msk [tilespmem:v5+s14+$0x0], $0xffff  }
0x184: {  	s10 =	simm.s32 $0x1870;
	[tilespmem:s30+$0x9900] =	vst v10  }
0x185: {  	s14 =	simm.s32 $0x4620;
	v10 =	vld.idx.msk [tilespmem:v2+s10+$0x0], $0xffff;
	[tilespmem:s6+$0xF680] =	vst v9  }
0x186: {  	s11 =	simm.s32 $0x990;
	[tilespmem:s0+$0x8600] =	vst v11;
	v9 =	vld.idx.msk [tilespmem:v6+s14+$0x0], $0xffff  }
0x187: {  	[tilespmem:s31+$0xD780] =	vst v8;
	v11 =	vld.idx.msk [tilespmem:v4+s11+$0x0], $0xffff  }
0x188: {  	s10 =	simm.s32 $0x2860;
	v8 =	vld.idx.msk [tilespmem:v3+s15+$0x0], $0xffff;
	[tilespmem:s29+$0xB880] =	vst v7  }
0x189: {  	v7 =	vld.idx.msk [tilespmem:v5+s10+$0x0], $0xffff  }
0x18a: {  	s11 =	simm.s32 $0x1980;
	[tilespmem:s30+$0x9980] =	vst v10  }
0x18b: {  	s15 =	simm.s32 $0x4730;
	v10 =	vld.idx.msk [tilespmem:v2+s11+$0x0], $0xffff;
	[tilespmem:s6+$0xF700] =	vst v9  }
0x18c: {  	s10 =	simm.s32 $0xAA0;
	[tilespmem:s0+$0x8680] =	vst v11;
	v9 =	vld.idx.msk [tilespmem:v6+s15+$0x0], $0xffff  }
0x18d: {  	[tilespmem:s31+$0xD800] =	vst v8;
	v11 =	vld.idx.msk [tilespmem:v4+s10+$0x0], $0xffff  }
0x18e: {  	v8 =	vld.idx.msk [tilespmem:v3+s13+$0x0], $0xffff;
	[tilespmem:s29+$0xB900] =	vst v7;
	s13 =	simm.s32 $0x2970  }
0x18f: {  	s11 =	simm.s32 $0x6650;
	v7 =	vld.idx.msk [tilespmem:v5+s13+$0x0], $0xffff;
	s13 =	simm.s32 $0x50  }
0x190: {  	v12 =	vld [tilespmem:s11+$0x0];
	s5 =	sand.u32 $0x1F0, s13  }
0x191: {  	v13 =	vld [tilespmem:s5+$0x6800]  }
0x192: {  	s15 =	simm.s32 $0x1A90;
	[tilespmem:s30+$0xA600] =	vst v10;
	v14 =	vld [tilespmem:s5+$0x6A00]  }
0x193: {  	s10 =	simm.s32 $0x4840;
	v10 =	vld.idx.msk [tilespmem:v2+s15+$0x0], $0xffff;
	[tilespmem:s6+$0xF780] =	vst v9  }
0x194: {  	s11 =	simm.s32 $0xBB0;
	[tilespmem:s0+$0x8700] =	vst v11;
	v9 =	vld.idx.msk [tilespmem:v6+s10+$0x0], $0xffff  }
0x195: {  	[tilespmem:s31+$0xD880] =	vst v8;
	v11 =	vld.idx.msk [tilespmem:v4+s11+$0x0], $0xffff  }
0x196: {  	v8 =	vld.idx.msk [tilespmem:v3+s12+$0x0], $0xffff;
	[tilespmem:s29+$0xB980] =	vst v7;
	s12 =	simm.s32 $0x2A80  }
0x197: {  	v7 =	vld.idx.msk [tilespmem:v5+s12+$0x0], $0xffff  }
0x198: {  	v15 =	vld [tilespmem:s5+$0x6C00];
	s15 =	simm.s32 $0x1BA0;
	[tilespmem:s30+$0xA680] =	vst v10  }
0x199: {  	s11 =	simm.s32 $0x4950;
	v10 =	vld.idx.msk [tilespmem:v2+s15+$0x0], $0xffff;
	[tilespmem:s6+$0xF800] =	vst v9  }
0x19a: {  	[tilespmem:s0+$0x8780] =	vst v11;
	v9 =	vld.idx.msk [tilespmem:v6+s11+$0x0], $0xffff  }
0x19b: {  	[tilespmem:s31+$0xD900] =	vst v8;
	v11 =	vld.idx.msk [tilespmem:v4+s4+$0x0], $0xffff  }
0x19c: {  	s10 =	simm.s32 $0x60;
	s12 =	simm.s32 $0x2B90;
	v8 =	vld.idx.msk [tilespmem:v3+s2+$0x0], $0xffff;
	[tilespmem:s29+$0xC600] =	vst v7  }
0x19d: {  	v7 =	vld.idx.msk [tilespmem:v5+s12+$0x0], $0xffff;
	s12 =	sand.u32 $0x1F0, s10  }
0x19e: {  	s15 =	simm.s32 $0x1CB0;
	v19 =	vld [tilespmem:s12+$0x6800];
	[tilespmem:s30+$0xA700] =	vst v10;
	v10 =	vmul.u32 $0x15, v12;
	v12 =	vmul.u32 $0x7, v13  }
0x19f: {  	s2 =	simm.s32 $0x4A60;
	v13 =	vld.idx.msk [tilespmem:v2+s15+$0x0], $0xffff;
	[tilespmem:s6+$0xF880] =	vst v9  }
0x1a0: {  	s5 =	simm.s32 $0xDD0;
	[tilespmem:s0+$0x8800] =	vst v11;
	v9 =	vld.idx.msk [tilespmem:v6+s2+$0x0], $0xffff;
	v10 =	vadd.s32 v10, v12  }
0x1a1: {  	[tilespmem:s31+$0xD980] =	vst v8;
	v16 =	vld.idx.msk [tilespmem:v4+s5+$0x0], $0xffff;
	v8 =	vadd.s32 v14, v10  }
0x1a2: {  	v10 =	vld.idx.msk [tilespmem:v3+s3+$0x0], $0xffff;
	v8 =	vshll.u32 v8, $0x2  }
0x1a3: {  	vm15 =	veq.s32 v15, $0x0;
	s11 =	simm.s32 $0x2CA0;
	v12 =	vld [tilespmem:s12+$0x6C00];
	[tilespmem:s29+$0xC680] =	vst v7;
	v7 =	vor.u32 v0, v8  }
0x1a4: {  	s15 =	simm.s32 $0x1DC0;
	v8 =	vld.idx.msk [tilespmem:v5+s11+$0x0], $0xffff;
	v11 =	vsel vm15, v1, v7;
	[tilespmem:s30+$0xA780] =	vst v13  }
0x1a5: {  	s3 =	simm.s32 $0x4B70;
	v7 =	vld.idx.msk [tilespmem:v2+s15+$0x0], $0xffff;
	[tilespmem:s6+$0xF900] =	vst v9  }
0x1a6: {  	s18 =	simm.s32 $0xEE0;
	[tilespmem:s0+$0x8880] =	vst v16;
	v9 =	vld.idx.msk [tilespmem:v6+s3+$0x0], $0xffff  }
0x1a7: {  	[tilespmem:s31+$0xE600] =	vst v10;
	v13 =	vld.idx.msk [tilespmem:v4+s18+$0x0], $0xffff  }
0x1a8: {  	v10 =	vld.idx.msk [tilespmem:v3+s7+$0x0], $0xffff  }
0x1a9: {  	s5 =	simm.s32 $0x2DB0;
	[tilespmem:s29+$0xC700] =	vst v8;
	v14 =	vld.idx.msk [tilespmem:v11+s20+$0x0], $0xffff  }
0x1aa: {  	s7 =	simm.s32 $0x1ED0;
	v8 =	vld.idx.msk [tilespmem:v5+s5+$0x0], $0xffff;
	[tilespmem:s30+$0xA800] =	vst v7  }
0x1ab: {  	s2 =	simm.s32 $0x4C80;
	s11 =	simm.s32 $0x280;
	v7 =	vld.idx.msk [tilespmem:v2+s7+$0x0], $0xffff;
	[tilespmem:s6+$0xF980] =	vst v9  }
0x1ac: {  	s15 =	sand.u32 $0x70, s13;
	s3 =	simm.s32 $0xFF0;
	s18 =	sand.u32 $0xC00, s11;
	[tilespmem:s0+$0x8900] =	vst v13;
	v9 =	vld.idx.msk [tilespmem:v6+s2+$0x0], $0xffff  }
0x1ad: {  	s5 =	sor.u32 s15, s18;
	[tilespmem:s31+$0xE680] =	vst v10;
	v13 =	vld.idx.msk [tilespmem:v4+s3+$0x0], $0xffff  }
0x1ae: {  	v10 =	vld.idx.msk [tilespmem:v3+s17+$0x0], $0xffff;
	[tilespmem:s5+$0x7600] =	vst v14  }
0x1af: {  	s4 =	simm.s32 $0x2EC0;
	[tilespmem:s29+$0xC780] =	vst v8;
	v14 =	vld.idx.msk [tilespmem:v11+s21+$0x0], $0xffff  }
0x1b0: {  	s7 =	simm.s32 $0x1FE0;
	v8 =	vld.idx.msk [tilespmem:v5+s4+$0x0], $0xffff;
	[tilespmem:s30+$0xA880] =	vst v7  }
0x1b1: {  	s15 =	simm.s32 $0x4D90;
	v7 =	vld.idx.msk [tilespmem:v2+s7+$0x0], $0xffff;
	[tilespmem:s6+$0x10600] =	vst v9  }
0x1b2: {  	s17 =	simm.s32 $0x1100;
	[tilespmem:s0+$0x8980] =	vst v13;
	v9 =	vld.idx.msk [tilespmem:v6+s15+$0x0], $0xffff  }
0x1b3: {  	[tilespmem:s31+$0xE700] =	vst v10;
	v13 =	vld.idx.msk [tilespmem:v4+s17+$0x0], $0xffff  }
0x1b4: {  	v10 =	vld.idx.msk [tilespmem:v3+s19+$0x0], $0xffff;
	[tilespmem:s5+$0x7680] =	vst v14  }
0x1b5: {  	s18 =	simm.s32 $0x2FD0;
	[tilespmem:s29+$0xC800] =	vst v8;
	v14 =	vld.idx.msk [tilespmem:v11+s22+$0x0], $0xffff  }
0x1b6: {  	s19 =	simm.s32 $0x20F0;
	v8 =	vld.idx.msk [tilespmem:v5+s18+$0x0], $0xffff;
	[tilespmem:s30+$0xA900] =	vst v7  }
0x1b7: {  	s21 =	simm.s32 $0x4EA0;
	v7 =	vld.idx.msk [tilespmem:v2+s19+$0x0], $0xffff;
	[tilespmem:s6+$0x10680] =	vst v9  }
0x1b8: {  	s22 =	simm.s32 $0x1210;
	[tilespmem:s0+$0x9600] =	vst v13;
	v9 =	vld.idx.msk [tilespmem:v6+s21+$0x0], $0xffff  }
0x1b9: {  	[tilespmem:s31+$0xE780] =	vst v10;
	v13 =	vld.idx.msk [tilespmem:v4+s22+$0x0], $0xffff  }
0x1ba: {  	v10 =	vld.idx.msk [tilespmem:v3+s24+$0x0], $0xffff;
	[tilespmem:s5+$0x7700] =	vst v14  }
0x1bb: {  	s24 =	simm.s32 $0x30E0;
	[tilespmem:s29+$0xC880] =	vst v8;
	v14 =	vld.idx.msk [tilespmem:v11+s23+$0x0], $0xffff  }
0x1bc: {  	v8 =	vld.idx.msk [tilespmem:v5+s24+$0x0], $0xffff;
	[tilespmem:s30+$0xA980] =	vst v7  }
0x1bd: {  	s2 =	simm.s32 $0x4FB0;
	v7 =	vld.idx.msk [tilespmem:v2+s1+$0x0], $0xffff;
	[tilespmem:s6+$0x10700] =	vst v9  }
0x1be: {  	s3 =	simm.s32 $0x1320;
	[tilespmem:s0+$0x9680] =	vst v13;
	v9 =	vld.idx.msk [tilespmem:v6+s2+$0x0], $0xffff  }
0x1bf: {  	[tilespmem:s31+$0xE800] =	vst v10;
	v13 =	vld.idx.msk [tilespmem:v4+s3+$0x0], $0xffff  }
0x1c0: {  	s4 =	simm.s32 $0x440;
	v10 =	vld.idx.msk [tilespmem:v3+s8+$0x0], $0xffff;
	[tilespmem:s5+$0x7780] =	vst v14  }
0x1c1: {  	s7 =	simm.s32 $0x31F0;
	[tilespmem:s29+$0xC900] =	vst v8;
	v14 =	vld.idx.msk [tilespmem:v11+s4+$0x0], $0xffff  }
0x1c2: {  	s8 =	simm.s32 $0x2310;
	v8 =	vld.idx.msk [tilespmem:v5+s7+$0x0], $0xffff;
	[tilespmem:s30+$0xB600] =	vst v7  }
0x1c3: {  	s15 =	simm.s32 $0x50C0;
	v7 =	vld.idx.msk [tilespmem:v2+s8+$0x0], $0xffff;
	[tilespmem:s6+$0x10780] =	vst v9  }
0x1c4: {  	s17 =	simm.s32 $0x1430;
	[tilespmem:s0+$0x9700] =	vst v13;
	v9 =	vld.idx.msk [tilespmem:v6+s15+$0x0], $0xffff  }
0x1c5: {  	[tilespmem:s31+$0xE880] =	vst v10;
	v13 =	vld.idx.msk [tilespmem:v4+s17+$0x0], $0xffff  }
0x1c6: {  	s18 =	simm.s32 $0x550;
	v10 =	vld.idx.msk [tilespmem:v3+s25+$0x0], $0xffff;
	[tilespmem:s5+$0x7800] =	vst v14  }
0x1c7: {  	s19 =	simm.s32 $0x3300;
	[tilespmem:s29+$0xC980] =	vst v8;
	v14 =	vld.idx.msk [tilespmem:v11+s18+$0x0], $0xffff  }
0x1c8: {  	s21 =	simm.s32 $0x2420;
	v8 =	vld.idx.msk [tilespmem:v5+s19+$0x0], $0xffff;
	[tilespmem:s30+$0xB680] =	vst v7  }
0x1c9: {  	s22 =	simm.s32 $0x51D0;
	v7 =	vld.idx.msk [tilespmem:v2+s21+$0x0], $0xffff;
	[tilespmem:s6+$0x10800] =	vst v9  }
0x1ca: {  	s23 =	simm.s32 $0x1540;
	[tilespmem:s0+$0x9780] =	vst v13;
	v9 =	vld.idx.msk [tilespmem:v6+s22+$0x0], $0xffff  }
0x1cb: {  	[tilespmem:s31+$0xE900] =	vst v10;
	v13 =	vld.idx.msk [tilespmem:v4+s23+$0x0], $0xffff  }
0x1cc: {  	s24 =	simm.s32 $0x660;
	v10 =	vld.idx.msk [tilespmem:v3+s26+$0x0], $0xffff;
	[tilespmem:s5+$0x7880] =	vst v14  }
0x1cd: {  	s25 =	simm.s32 $0x3410;
	[tilespmem:s29+$0xD600] =	vst v8;
	v14 =	vld.idx.msk [tilespmem:v11+s24+$0x0], $0xffff  }
0x1ce: {  	s26 =	simm.s32 $0x2530;
	v8 =	vld.idx.msk [tilespmem:v5+s25+$0x0], $0xffff;
	[tilespmem:s30+$0xB700] =	vst v7  }
0x1cf: {  	s2 =	simm.s32 $0x52E0;
	v7 =	vld.idx.msk [tilespmem:v2+s26+$0x0], $0xffff;
	[tilespmem:s6+$0x10880] =	vst v9  }
0x1d0: {  	s3 =	simm.s32 $0x1650;
	[tilespmem:s0+$0x9800] =	vst v13;
	v9 =	vld.idx.msk [tilespmem:v6+s2+$0x0], $0xffff  }
0x1d1: {  	[tilespmem:s31+$0xE980] =	vst v10;
	v13 =	vld.idx.msk [tilespmem:v4+s3+$0x0], $0xffff  }
0x1d2: {  	s4 =	simm.s32 $0x770;
	v10 =	vld.idx.msk [tilespmem:v3+s16+$0x0], $0xffff;
	[tilespmem:s5+$0x7900] =	vst v14  }
0x1d3: {  	s7 =	simm.s32 $0x3520;
	[tilespmem:s29+$0xD680] =	vst v8;
	v14 =	vld.idx.msk [tilespmem:v11+s4+$0x0], $0xffff  }
0x1d4: {  	s8 =	simm.s32 $0x2640;
	v8 =	vld.idx.msk [tilespmem:v5+s7+$0x0], $0xffff;
	[tilespmem:s30+$0xB780] =	vst v7  }
0x1d5: {  	s15 =	simm.s32 $0x53F0;
	v7 =	vld.idx.msk [tilespmem:v2+s8+$0x0], $0xffff;
	[tilespmem:s6+$0x10900] =	vst v9  }
0x1d6: {  	s13 =	sor.u32 s11, s13;
	s16 =	simm.s32 $0x1760;
	[tilespmem:s0+$0x9880] =	vst v13;
	v9 =	vld.idx.msk [tilespmem:v6+s15+$0x0], $0xffff  }
0x1d7: {  	s13 =	sor.u32 $0x380, s13;
	[tilespmem:s31+$0xF600] =	vst v10;
	v13 =	vld.idx.msk [tilespmem:v4+s16+$0x0], $0xffff  }
0x1d8: {  	v10 =	vld.idx.msk [tilespmem:v3+s9+$0x0], $0xffff;
	[tilespmem:s13+$0x7600] =	vst v14  }
0x1d9: {  	s17 =	simm.s32 $0x3630;
	[tilespmem:s29+$0xD700] =	vst v8;
	v14 =	vld.idx.msk [tilespmem:v11+s28+$0x0], $0xffff  }
0x1da: {  	s18 =	simm.s32 $0x2750;
	v8 =	vld.idx.msk [tilespmem:v5+s17+$0x0], $0xffff;
	[tilespmem:s30+$0xB800] =	vst v7  }
0x1db: {  	s19 =	simm.s32 $0x5500;
	v7 =	vld.idx.msk [tilespmem:v2+s18+$0x0], $0xffff;
	[tilespmem:s6+$0x10980] =	vst v9  }
0x1dc: {  	s21 =	simm.s32 $0x1870;
	[tilespmem:s0+$0x9900] =	vst v13;
	v9 =	vld.idx.msk [tilespmem:v6+s19+$0x0], $0xffff  }
0x1dd: {  	[tilespmem:s31+$0xF680] =	vst v10;
	v13 =	vld.idx.msk [tilespmem:v4+s21+$0x0], $0xffff  }
0x1de: {  	s22 =	simm.s32 $0x990;
	v10 =	vld.idx.msk [tilespmem:v3+s14+$0x0], $0xffff;
	[tilespmem:s5+$0x8600] =	vst v14  }
0x1df: {  	s23 =	simm.s32 $0x3740;
	[tilespmem:s29+$0xD780] =	vst v8;
	v14 =	vld.idx.msk [tilespmem:v11+s22+$0x0], $0xffff  }
0x1e0: {  	s24 =	simm.s32 $0x2860;
	v8 =	vld.idx.msk [tilespmem:v5+s23+$0x0], $0xffff;
	[tilespmem:s30+$0xB880] =	vst v7  }
0x1e1: {  	s25 =	simm.s32 $0x5610;
	v7 =	vld.idx.msk [tilespmem:v2+s24+$0x0], $0xffff;
	[tilespmem:s6+$0x11600] =	vst v9  }
0x1e2: {  	s26 =	simm.s32 $0x1980;
	[tilespmem:s0+$0x9980] =	vst v13;
	v9 =	vld.idx.msk [tilespmem:v6+s25+$0x0], $0xffff  }
0x1e3: {  	s2 =	simm.s32 $0x4730;
	[tilespmem:s31+$0xF700] =	vst v10;
	v13 =	vld.idx.msk [tilespmem:v4+s26+$0x0], $0xffff  }
0x1e4: {  	s3 =	simm.s32 $0xAA0;
	v10 =	vld.idx.msk [tilespmem:v3+s2+$0x0], $0xffff;
	[tilespmem:s5+$0x8680] =	vst v14  }
0x1e5: {  	s4 =	simm.s32 $0x3850;
	[tilespmem:s29+$0xD800] =	vst v8;
	v14 =	vld.idx.msk [tilespmem:v11+s3+$0x0], $0xffff  }
0x1e6: {  	s7 =	simm.s32 $0x2970;
	v8 =	vld.idx.msk [tilespmem:v5+s4+$0x0], $0xffff;
	[tilespmem:s30+$0xB900] =	vst v7  }
0x1e7: {  	s9 =	simm.s32 $0x5720;
	v7 =	vld.idx.msk [tilespmem:v2+s7+$0x0], $0xffff;
	[tilespmem:s6+$0x11680] =	vst v9  }
0x1e8: {  	s14 =	simm.s32 $0x1A90;
	[tilespmem:s0+$0xA600] =	vst v13;
	v9 =	vld.idx.msk [tilespmem:v6+s9+$0x0], $0xffff  }
0x1e9: {  	s1 =	simm.s32 $0x3960;
	s15 =	simm.s32 $0x4840;
	[tilespmem:s31+$0xF780] =	vst v10;
	v13 =	vld.idx.msk [tilespmem:v4+s14+$0x0], $0xffff  }
0x1ea: {  	s8 =	simm.s32 $0x2970;
	s16 =	simm.s32 $0xBB0;
	s13 =	simm.s32 $0x6660;
	v10 =	vld.idx.msk [tilespmem:v3+s15+$0x0], $0xffff;
	[tilespmem:s5+$0x8700] =	vst v14  }
0x1eb: {  	v18 =	vld [tilespmem:s13+$0x0];
	s17 =	simm.s32 $0x1A90;
	s28 =	simm.s32 $0x5830;
	s18 =	simm.s32 $0xBB0;
	[tilespmem:s29+$0xD880] =	vst v8  }
0x1ec: {  	s19 =	simm.s32 $0x3960;
	s21 =	simm.s32 $0x2A80;
	s22 =	simm.s32 $0x5830;
	v14 =	vld.idx.msk [tilespmem:v11+s16+$0x0], $0xffff;
	[tilespmem:s30+$0xB980] =	vst v7  }
0x1ed: {  	s23 =	simm.s32 $0x1BA0;
	s24 =	simm.s32 $0x2A80;
	s25 =	simm.s32 $0x4950;
	v20 =	vld.idx.msk [tilespmem:v5+s19+$0x0], $0xffff;
	[tilespmem:s6+$0x11700] =	vst v9  }
0x1ee: {  	s26 =	simm.s32 $0x1BA0;
	s4 =	simm.s32 $0x550;
	s3 =	simm.s32 $0x770;
	v7 =	vmov v11;
	v21 =	vld.idx.msk [tilespmem:v2+s21+$0x0], $0xffff;
	[tilespmem:s0+$0xA680] =	vst v13  }
0x1ef: {  	s7 =	simm.s32 $0x5720;
	s9 =	simm.s32 $0x660;
	s14 =	simm.s32 $0x4840;
	v23 =	vld.idx.msk [tilespmem:v6+s22+$0x0], $0xffff;
	[tilespmem:s31+$0xF800] =	vst v10;
	v10 =	vmov v5  }
0x1f0: {  	v15 =	vmov v11;
	s15 =	simm.s32 $0x70;
	s16 =	simm.s32 $0x330;
	s19 =	simm.s32 $0x220;
	v24 =	vld.idx.msk [tilespmem:v4+s23+$0x0], $0xffff  }
0x1f1: {  	v16 =	vmovc v4;
	v8 =	vmovc v4;
	v9 =	vmov v2;
	s22 =	simm.s32 $0x4950;
	v13 =	vmov v3;
	v22 =	vld.idx.msk [tilespmem:v3+s25+$0x0], $0xffff;
	s23 =	simm.s32 $0x440;
	s25 =	simm.s32 $0x110;
	[tilespmem:s5+$0x8780] =	vst v14;
	v14 =	vmov v5  }
.LBB2_3:
0x1f2: {  	v17 =	vmovc v5;
	v5 =	vmov v2;
	v2 =	vmov v4;
	v4 =	vmov v11;
	s2 =	simm.s32 $0xCC0  }
0x1f3: {  	p1 =	sne.s32 s15, $0x1F0;
	v11 =	vld.idx.msk [tilespmem:v7+s2+$0x0], $0xffff;
	[tilespmem:s29+$0xD900] =	vst v20;
	s2 =	simm.s32 $0x3A70  }
0x1f4: {  	v20 =	vld.idx.msk [tilespmem:v10+s2+$0x0], $0xffff  }
0x1f5: {  	s2 =	simm.s32 $0x2B90;
	v25 =	vld [tilespmem:s12+$0x6A00];
	[tilespmem:s30+$0xC600] =	vst v21  }
0x1f6: {  	s12 =	simm.s32 $0x5940;
	v21 =	vld.idx.msk [tilespmem:v9+s2+$0x0], $0xffff;
	[tilespmem:s6+$0x11780] =	vst v23  }
0x1f7: {  	s2 =	simm.s32 $0x1CB0;
	[tilespmem:s0+$0xA700] =	vst v24;
	v23 =	vld.idx.msk [tilespmem:v6+s12+$0x0], $0xffff  }
0x1f8: {  	v18 =	vmul.u32 $0x15, v18;
	v19 =	vmul.u32 $0x7, v19;
	v24 =	vld.idx.msk [tilespmem:v8+s2+$0x0], $0xffff;
	[tilespmem:s31+$0xF880] =	vst v22;
	s2 =	simm.s32 $0x4A60  }
0x1f9: {  	[tilespmem:s5+$0x8800] =	vst v11;
	v22 =	vld.idx.msk [tilespmem:v3+s2+$0x0], $0xffff;
	s2 =	simm.s32 $0xDD0  }
0x1fa: {  	v11 =	vadd.s32 v18, v19;
	v18 =	vld.idx.msk [tilespmem:v7+s2+$0x0], $0xffff;
	[tilespmem:s29+$0xD980] =	vst v20;
	s2 =	simm.s32 $0x3B80  }
0x1fb: {  	s12 =	sand.u32 $0x1F0, s15;
	v11 =	vadd.s32 v25, v11;
	v19 =	vld.idx.msk [tilespmem:v10+s2+$0x0], $0xffff  }
0x1fc: {  	v11 =	vshll.u32 v11, $0x2;
	s2 =	simm.s32 $0x2CA0;
	v20 =	vld [tilespmem:s12+$0x6C00];
	[tilespmem:s30+$0xC680] =	vst v21  }
0x1fd: {  	vm0 =	veq.s32 v12, $0x0;
	s21 =	simm.s32 $0x5A50;
	v11 =	vor.u32 v0, v11;
	v21 =	vld.idx.msk [tilespmem:v9+s2+$0x0], $0xffff;
	[tilespmem:s6+$0x11800] =	vst v23  }
0x1fe: {  	v11 =	vsel vm0, v1, v11;
	s2 =	simm.s32 $0x1DC0;
	[tilespmem:s0+$0xA780] =	vst v24;
	v23 =	vld.idx.msk [tilespmem:v6+s21+$0x0], $0xffff  }
0x1ff: {  	v24 =	vld.idx.msk [tilespmem:v8+s2+$0x0], $0xffff;
	[tilespmem:s31+$0xF900] =	vst v22;
	s2 =	simm.s32 $0x4B70  }
0x200: {  	[tilespmem:s5+$0x8880] =	vst v18;
	v18 =	vld.idx.msk [tilespmem:v3+s2+$0x0], $0xffff;
	s2 =	simm.s32 $0xEE0  }
0x201: {  	v22 =	vld.idx.msk [tilespmem:v7+s2+$0x0], $0xffff;
	[tilespmem:s29+$0xE600] =	vst v19;
	v12 =	vmov v20;
	s2 =	simm.s32 $0x3C90  }
0x202: {  	v19 =	vld.idx.msk [tilespmem:v10+s2+$0x0], $0xffff  }
0x203: {  	s2 =	simm.s32 $0x2DB0;
	v20 =	vld.idx.msk [tilespmem:v11+s20+$0x0], $0xffff;
	[tilespmem:s30+$0xC700] =	vst v21  }
0x204: {  	s20 =	simm.s32 $0x5B60;
	v21 =	vld.idx.msk [tilespmem:v9+s2+$0x0], $0xffff;
	[tilespmem:s6+$0x11880] =	vst v23  }
0x205: {  	s2 =	simm.s32 $0x1ED0;
	[tilespmem:s0+$0xA800] =	vst v24;
	v23 =	vld.idx.msk [tilespmem:v6+s20+$0x0], $0xffff  }
0x206: {  	s11 =	sadd.s32 $0x80, s11;
	v24 =	vld.idx.msk [tilespmem:v8+s2+$0x0], $0xffff;
	[tilespmem:s31+$0xF980] =	vst v18;
	s2 =	simm.s32 $0x4C80  }
0x207: {  	s21 =	sand.u32 $0xC00, s11;
	s20 =	sand.u32 $0x70, s10;
	[tilespmem:s5+$0x8900] =	vst v22;
	v18 =	vld.idx.msk [tilespmem:v3+s2+$0x0], $0xffff;
	s2 =	simm.s32 $0xFF0  }
0x208: {  	s20 =	sor.u32 s20, s21;
	v22 =	vld.idx.msk [tilespmem:v7+s2+$0x0], $0xffff;
	[tilespmem:s29+$0xE680] =	vst v19;
	s2 =	simm.s32 $0x3DA0  }
0x209: {  	[tilespmem:s20+$0x7600] =	vst v20;
	v19 =	vld.idx.msk [tilespmem:v10+s2+$0x0], $0xffff  }
0x20a: {  	s2 =	simm.s32 $0x2EC0;
	v20 =	vld.idx.msk [tilespmem:v11+s25+$0x0], $0xffff;
	[tilespmem:s30+$0xC780] =	vst v21  }
0x20b: {  	s21 =	simm.s32 $0x5C70;
	v21 =	vld.idx.msk [tilespmem:v9+s2+$0x0], $0xffff;
	[tilespmem:s6+$0x11900] =	vst v23  }
0x20c: {  	s2 =	simm.s32 $0x1FE0;
	[tilespmem:s0+$0xA880] =	vst v24;
	v23 =	vld.idx.msk [tilespmem:v6+s21+$0x0], $0xffff  }
0x20d: {  	v24 =	vld.idx.msk [tilespmem:v8+s2+$0x0], $0xffff;
	[tilespmem:s31+$0x10600] =	vst v18;
	s2 =	simm.s32 $0x4D90  }
0x20e: {  	[tilespmem:s5+$0x8980] =	vst v22;
	v18 =	vld.idx.msk [tilespmem:v3+s2+$0x0], $0xffff;
	s2 =	simm.s32 $0x1100  }
0x20f: {  	v22 =	vld.idx.msk [tilespmem:v7+s2+$0x0], $0xffff;
	[tilespmem:s29+$0xE700] =	vst v19;
	s2 =	simm.s32 $0x3EB0  }
0x210: {  	[tilespmem:s20+$0x7680] =	vst v20;
	v19 =	vld.idx.msk [tilespmem:v10+s2+$0x0], $0xffff  }
0x211: {  	s2 =	simm.s32 $0x2FD0;
	v20 =	vld.idx.msk [tilespmem:v11+s19+$0x0], $0xffff;
	[tilespmem:s30+$0xC800] =	vst v21  }
0x212: {  	s21 =	simm.s32 $0x5D80;
	v21 =	vld.idx.msk [tilespmem:v9+s2+$0x0], $0xffff;
	[tilespmem:s6+$0x11980] =	vst v23  }
0x213: {  	s2 =	simm.s32 $0x20F0;
	[tilespmem:s0+$0xA900] =	vst v24;
	v23 =	vld.idx.msk [tilespmem:v6+s21+$0x0], $0xffff  }
0x214: {  	v24 =	vld.idx.msk [tilespmem:v8+s2+$0x0], $0xffff;
	[tilespmem:s31+$0x10680] =	vst v18;
	s2 =	simm.s32 $0x4EA0  }
0x215: {  	[tilespmem:s5+$0x9600] =	vst v22;
	v18 =	vld.idx.msk [tilespmem:v3+s2+$0x0], $0xffff;
	s2 =	simm.s32 $0x1210  }
0x216: {  	v22 =	vld.idx.msk [tilespmem:v7+s2+$0x0], $0xffff;
	[tilespmem:s29+$0xE780] =	vst v19;
	s2 =	simm.s32 $0x3FC0  }
0x217: {  	[tilespmem:s20+$0x7700] =	vst v20;
	v19 =	vld.idx.msk [tilespmem:v10+s2+$0x0], $0xffff  }
0x218: {  	s2 =	simm.s32 $0x30E0;
	v20 =	vld.idx.msk [tilespmem:v11+s16+$0x0], $0xffff;
	[tilespmem:s30+$0xC880] =	vst v21  }
0x219: {  	s21 =	simm.s32 $0x5E90;
	v21 =	vld.idx.msk [tilespmem:v9+s2+$0x0], $0xffff;
	[tilespmem:s6+$0x12600] =	vst v23  }
0x21a: {  	s2 =	simm.s32 $0x2200;
	[tilespmem:s0+$0xA980] =	vst v24;
	v23 =	vld.idx.msk [tilespmem:v6+s21+$0x0], $0xffff  }
0x21b: {  	v24 =	vld.idx.msk [tilespmem:v8+s2+$0x0], $0xffff;
	[tilespmem:s31+$0x10700] =	vst v18;
	s2 =	simm.s32 $0x4FB0  }
0x21c: {  	[tilespmem:s5+$0x9680] =	vst v22;
	v18 =	vld.idx.msk [tilespmem:v3+s2+$0x0], $0xffff;
	s2 =	simm.s32 $0x1320  }
0x21d: {  	v22 =	vld.idx.msk [tilespmem:v7+s2+$0x0], $0xffff;
	[tilespmem:s29+$0xE800] =	vst v19;
	s2 =	simm.s32 $0x40D0  }
0x21e: {  	[tilespmem:s20+$0x7780] =	vst v20;
	v19 =	vld.idx.msk [tilespmem:v10+s2+$0x0], $0xffff  }
0x21f: {  	s2 =	simm.s32 $0x31F0;
	v20 =	vld.idx.msk [tilespmem:v11+s23+$0x0], $0xffff;
	[tilespmem:s30+$0xC900] =	vst v21  }
0x220: {  	s21 =	simm.s32 $0x5FA0;
	v21 =	vld.idx.msk [tilespmem:v9+s2+$0x0], $0xffff;
	[tilespmem:s6+$0x12680] =	vst v23  }
0x221: {  	s2 =	simm.s32 $0x2310;
	[tilespmem:s0+$0xB600] =	vst v24;
	v23 =	vld.idx.msk [tilespmem:v6+s21+$0x0], $0xffff  }
0x222: {  	v24 =	vld.idx.msk [tilespmem:v8+s2+$0x0], $0xffff;
	[tilespmem:s31+$0x10780] =	vst v18;
	s2 =	simm.s32 $0x50C0  }
0x223: {  	[tilespmem:s5+$0x9700] =	vst v22;
	v18 =	vld.idx.msk [tilespmem:v3+s2+$0x0], $0xffff;
	s2 =	simm.s32 $0x1430  }
0x224: {  	v22 =	vld.idx.msk [tilespmem:v7+s2+$0x0], $0xffff;
	[tilespmem:s29+$0xE880] =	vst v19;
	s2 =	simm.s32 $0x41E0  }
0x225: {  	[tilespmem:s20+$0x7800] =	vst v20;
	v19 =	vld.idx.msk [tilespmem:v10+s2+$0x0], $0xffff  }
0x226: {  	s2 =	simm.s32 $0x3300;
	v20 =	vld.idx.msk [tilespmem:v11+s4+$0x0], $0xffff;
	[tilespmem:s30+$0xC980] =	vst v21  }
0x227: {  	s21 =	simm.s32 $0x60B0;
	v21 =	vld.idx.msk [tilespmem:v9+s2+$0x0], $0xffff;
	[tilespmem:s6+$0x12700] =	vst v23  }
0x228: {  	s2 =	simm.s32 $0x2420;
	[tilespmem:s0+$0xB680] =	vst v24;
	v23 =	vld.idx.msk [tilespmem:v6+s21+$0x0], $0xffff  }
0x229: {  	v24 =	vld.idx.msk [tilespmem:v8+s2+$0x0], $0xffff;
	[tilespmem:s31+$0x10800] =	vst v18;
	s2 =	simm.s32 $0x51D0  }
0x22a: {  	[tilespmem:s5+$0x9780] =	vst v22;
	v18 =	vld.idx.msk [tilespmem:v3+s2+$0x0], $0xffff;
	s2 =	simm.s32 $0x1540  }
0x22b: {  	v22 =	vld.idx.msk [tilespmem:v7+s2+$0x0], $0xffff;
	[tilespmem:s29+$0xE900] =	vst v19;
	s2 =	simm.s32 $0x42F0  }
0x22c: {  	[tilespmem:s20+$0x7880] =	vst v20;
	v19 =	vld.idx.msk [tilespmem:v10+s2+$0x0], $0xffff  }
0x22d: {  	s2 =	simm.s32 $0x3410;
	v20 =	vld.idx.msk [tilespmem:v11+s9+$0x0], $0xffff;
	[tilespmem:s30+$0xD600] =	vst v21  }
0x22e: {  	s21 =	simm.s32 $0x61C0;
	v21 =	vld.idx.msk [tilespmem:v9+s2+$0x0], $0xffff;
	[tilespmem:s6+$0x12780] =	vst v23  }
0x22f: {  	s2 =	simm.s32 $0x2530;
	[tilespmem:s0+$0xB700] =	vst v24;
	v23 =	vld.idx.msk [tilespmem:v6+s21+$0x0], $0xffff  }
0x230: {  	v24 =	vld.idx.msk [tilespmem:v8+s2+$0x0], $0xffff;
	[tilespmem:s31+$0x10880] =	vst v18;
	s2 =	simm.s32 $0x52E0  }
0x231: {  	[tilespmem:s5+$0x9800] =	vst v22;
	v18 =	vld.idx.msk [tilespmem:v3+s2+$0x0], $0xffff;
	s2 =	simm.s32 $0x1650  }
0x232: {  	v22 =	vld.idx.msk [tilespmem:v7+s2+$0x0], $0xffff;
	[tilespmem:s29+$0xE980] =	vst v19;
	s2 =	simm.s32 $0x4400  }
0x233: {  	[tilespmem:s20+$0x7900] =	vst v20;
	v19 =	vld.idx.msk [tilespmem:v10+s2+$0x0], $0xffff  }
0x234: {  	s2 =	simm.s32 $0x3520;
	v20 =	vld.idx.msk [tilespmem:v11+s3+$0x0], $0xffff;
	[tilespmem:s30+$0xD680] =	vst v21  }
0x235: {  	s21 =	simm.s32 $0x62D0;
	v21 =	vld.idx.msk [tilespmem:v9+s2+$0x0], $0xffff;
	[tilespmem:s6+$0x12800] =	vst v23  }
0x236: {  	s2 =	simm.s32 $0x2640;
	[tilespmem:s0+$0xB780] =	vst v24;
	v23 =	vld.idx.msk [tilespmem:v6+s21+$0x0], $0xffff  }
0x237: {  	v24 =	vld.idx.msk [tilespmem:v8+s2+$0x0], $0xffff;
	[tilespmem:s31+$0x10900] =	vst v18;
	s2 =	simm.s32 $0x53F0  }
0x238: {  	s21 =	sor.u32 s11, s10;
	s10 =	smov.u32 s15;
	[tilespmem:s5+$0x9880] =	vst v22;
	v18 =	vld.idx.msk [tilespmem:v3+s2+$0x0], $0xffff;
	s2 =	simm.s32 $0x1760  }
0x239: {  	s21 =	sor.u32 $0x380, s21;
	v22 =	vld.idx.msk [tilespmem:v7+s2+$0x0], $0xffff;
	[tilespmem:s29+$0xF600] =	vst v19;
	s2 =	simm.s32 $0x4510  }
0x23a: {  	[tilespmem:s21+$0x7600] =	vst v20;
	s21 =	simm.s32 $0x880;
	v19 =	vld.idx.msk [tilespmem:v10+s2+$0x0], $0xffff  }
0x23b: {  	s2 =	simm.s32 $0x3630;
	v20 =	vld.idx.msk [tilespmem:v11+s21+$0x0], $0xffff;
	[tilespmem:s30+$0xD700] =	vst v21  }
0x23c: {  	v21 =	vld.idx.msk [tilespmem:v9+s2+$0x0], $0xffff;
	[tilespmem:s6+$0x12880] =	vst v23;
	s2 =	simm.s32 $0x63E0  }
0x23d: {  	[tilespmem:s0+$0xB800] =	vst v24;
	v23 =	vld.idx.msk [tilespmem:v6+s2+$0x0], $0xffff;
	s2 =	simm.s32 $0x2750  }
0x23e: {  	v24 =	vld.idx.msk [tilespmem:v8+s2+$0x0], $0xffff;
	[tilespmem:s31+$0x10980] =	vst v18;
	s2 =	simm.s32 $0x5500  }
0x23f: {  	[tilespmem:s5+$0x9900] =	vst v22;
	v18 =	vld.idx.msk [tilespmem:v3+s2+$0x0], $0xffff;
	s2 =	simm.s32 $0x1870  }
0x240: {  	v22 =	vld.idx.msk [tilespmem:v7+s2+$0x0], $0xffff;
	[tilespmem:s29+$0xF680] =	vst v19;
	s2 =	simm.s32 $0x4620  }
0x241: {  	[tilespmem:s20+$0x8600] =	vst v20;
	v19 =	vld.idx.msk [tilespmem:v10+s2+$0x0], $0xffff;
	s2 =	simm.s32 $0x990  }
0x242: {  	v20 =	vld.idx.msk [tilespmem:v11+s2+$0x0], $0xffff;
	[tilespmem:s30+$0xD780] =	vst v21;
	s2 =	simm.s32 $0x3740  }
0x243: {  	v21 =	vld.idx.msk [tilespmem:v9+s2+$0x0], $0xffff;
	[tilespmem:s6+$0x12900] =	vst v23;
	s2 =	simm.s32 $0x64F0  }
0x244: {  	[tilespmem:s0+$0xB880] =	vst v24;
	v23 =	vld.idx.msk [tilespmem:v6+s2+$0x0], $0xffff;
	v6 =	vmovc v3;
	v3 =	vmovc v10;
	v10 =	vmov v9;
	v9 =	vmov v8;
	v8 =	vmov v7;
	s2 =	simm.s32 $0x2860  }
0x245: {  	v7 =	vmov v11;
	v24 =	vld.idx.msk [tilespmem:v16+s2+$0x0], $0xffff;
	[tilespmem:s31+$0x11600] =	vst v18;
	v16 =	vmov v4;
	s2 =	simm.s32 $0x5610  }
0x246: {  	[tilespmem:s5+$0x9980] =	vst v22;
	v22 =	vld.idx.msk [tilespmem:v13+s2+$0x0], $0xffff;
	v13 =	vmov v17;
	s2 =	simm.s32 $0x1980  }
0x247: {  	v17 =	vld.idx.msk [tilespmem:v15+s2+$0x0], $0xffff;
	[tilespmem:s29+$0xF700] =	vst v19;
	v15 =	vmov v11;
	s2 =	simm.s32 $0x4730  }
0x248: {  	[tilespmem:s20+$0x8680] =	vst v20;
	v19 =	vld.idx.msk [tilespmem:v14+s2+$0x0], $0xffff;
	v14 =	vmov v5;
	s2 =	simm.s32 $0xAA0  }
0x249: {  	v20 =	vld.idx.msk [tilespmem:v11+s2+$0x0], $0xffff;
	[tilespmem:s30+$0xD800] =	vst v21;
	s2 =	simm.s32 $0x3850  }
0x24a: {  	s13 =	sadd.s32 $0x10, s13;
	v21 =	vld.idx.msk [tilespmem:v10+s2+$0x0], $0xffff;
	[tilespmem:s6+$0x12980] =	vst v23;
	s6 =	smov.u32 s31;
	s31 =	smov.u32 s29  }
0x24b: {  	s29 =	smov.u32 s30;
	s30 =	smov.u32 s0;
	v18 =	vld [tilespmem:s13+$0x0];
	[tilespmem:s0+$0xB900] =	vst v24;
	s0 =	smov.u32 s5  }
0x24c: {  	s5 =	smov.u32 s20;
	s20 =	simm.s32 $0x0;
	v23 =	vld.idx.msk [tilespmem:v9+s8+$0x0], $0xffff;
	[tilespmem:s6+$0x11680] =	vst v22  }
0x24d: {  	[tilespmem:s0+$0xA600] =	vst v17;
	v17 =	vld.idx.msk [tilespmem:v6+s7+$0x0], $0xffff  }
0x24e: {  	v22 =	vld.idx.msk [tilespmem:v8+s17+$0x0], $0xffff;
	[tilespmem:s31+$0xF780] =	vst v19  }
0x24f: {  	[tilespmem:s5+$0x8700] =	vst v20;
	v25 =	vld.idx.msk [tilespmem:v3+s14+$0x0], $0xffff  }
0x250: {  	v26 =	vld.idx.msk [tilespmem:v11+s18+$0x0], $0xffff;
	[tilespmem:s29+$0xD880] =	vst v21  }
0x251: {  	v20 =	vld.idx.msk [tilespmem:v10+s1+$0x0], $0xffff  }
.Ltmp0:
0x252: {  	v19 =	vld [tilespmem:s12+$0x6800];
	[tilespmem:s30+$0xB980] =	vst v23;
	(pc) =	sbr.rel @p1 .LBB2_3-.Ltmp0, $4  }
0x253: {  	v21 =	vld.idx.msk [tilespmem:v9+s24+$0x0], $0xffff;
	[tilespmem:s6+$0x11700] =	vst v17  }
0x254: {  	[tilespmem:s0+$0xA680] =	vst v22;
	v23 =	vld.idx.msk [tilespmem:v6+s28+$0x0], $0xffff  }
0x255: {  	v24 =	vld.idx.msk [tilespmem:v8+s26+$0x0], $0xffff;
	[tilespmem:s31+$0xF800] =	vst v25  }
0x256: {  	s15 =	sadd.s32 $0x10, s15;
	[tilespmem:s5+$0x8780] =	vst v26;
	v22 =	vld.idx.msk [tilespmem:v3+s22+$0x0], $0xffff  }
0x257: {  	_ =	sdelay $0x2  }
0x258: {  	s1 =	simm.s32 $0xCC0;
	v25 =	vld [tilespmem:s12+$0x6A00]  }
0x259: {  	[tilespmem:s29+$0xD900] =	vst v20;
	s9 =	simm.s32 $0x3A70;
	v17 =	vld.idx.msk [tilespmem:v7+s1+$0x0], $0xffff  }
0x25a: {  	s12 =	simm.s32 $0x2B90;
	v20 =	vld.idx.msk [tilespmem:v10+s9+$0x0], $0xffff;
	[tilespmem:s30+$0xC600] =	vst v21  }
0x25b: {  	s13 =	simm.s32 $0x5940;
	v21 =	vld.idx.msk [tilespmem:v9+s12+$0x0], $0xffff;
	[tilespmem:s6+$0x11780] =	vst v23  }
0x25c: {  	v18 =	vmul.u32 $0x15, v18;
	v19 =	vmul.u32 $0x7, v19;
	s14 =	simm.s32 $0x1CB0;
	[tilespmem:s0+$0xA700] =	vst v24;
	v23 =	vld.idx.msk [tilespmem:v6+s13+$0x0], $0xffff  }
0x25d: {  	s15 =	simm.s32 $0x4A60;
	v24 =	vld.idx.msk [tilespmem:v8+s14+$0x0], $0xffff;
	[tilespmem:s31+$0xF880] =	vst v22  }
0x25e: {  	s16 =	simm.s32 $0xDD0;
	v18 =	vadd.s32 v18, v19;
	[tilespmem:s5+$0x8800] =	vst v17;
	v17 =	vld.idx.msk [tilespmem:v3+s15+$0x0], $0xffff  }
0x25f: {  	s17 =	simm.s32 $0x3B80;
	v18 =	vadd.s32 v25, v18;
	[tilespmem:s29+$0xD980] =	vst v20;
	v19 =	vld.idx.msk [tilespmem:v7+s16+$0x0], $0xffff  }
0x260: {  	s18 =	simm.s32 $0x2CA0;
	v18 =	vshll.u32 v18, $0x2;
	v20 =	vld.idx.msk [tilespmem:v10+s17+$0x0], $0xffff;
	[tilespmem:s30+$0xC680] =	vst v21  }
0x261: {  	vm0 =	veq.s32 v12, $0x0;
	s22 =	simm.s32 $0x5A50;
	v18 =	vor.u32 v0, v18;
	v21 =	vld.idx.msk [tilespmem:v9+s18+$0x0], $0xffff;
	[tilespmem:s6+$0x11800] =	vst v23  }
0x262: {  	s23 =	simm.s32 $0x1DC0;
	v12 =	vsel vm0, v1, v18;
	[tilespmem:s0+$0xA780] =	vst v24;
	v18 =	vld.idx.msk [tilespmem:v6+s22+$0x0], $0xffff  }
0x263: {  	s24 =	simm.s32 $0x4B70;
	v22 =	vld.idx.msk [tilespmem:v8+s23+$0x0], $0xffff;
	[tilespmem:s31+$0xF900] =	vst v17  }
0x264: {  	s25 =	simm.s32 $0xEE0;
	[tilespmem:s5+$0x8880] =	vst v19;
	v17 =	vld.idx.msk [tilespmem:v3+s24+$0x0], $0xffff  }
0x265: {  	s2 =	simm.s32 $0x3C90;
	[tilespmem:s29+$0xE600] =	vst v20;
	v19 =	vld.idx.msk [tilespmem:v7+s25+$0x0], $0xffff  }
0x266: {  	v20 =	vld.idx.msk [tilespmem:v10+s2+$0x0], $0xffff;
	[tilespmem:s30+$0xC700] =	vst v21  }
0x267: {  	s4 =	simm.s32 $0x2DB0;
	v21 =	vld.idx.msk [tilespmem:v12+s20+$0x0], $0xffff;
	[tilespmem:s6+$0x11880] =	vst v18  }
0x268: {  	s7 =	simm.s32 $0x5B60;
	s11 =	sadd.s32 $0x80, s11;
	v18 =	vld.idx.msk [tilespmem:v9+s4+$0x0], $0xffff;
	[tilespmem:s0+$0xA800] =	vst v22  }
0x269: {  	s8 =	simm.s32 $0x1ED0;
	s9 =	sand.u32 $0x70, s10;
	s13 =	sand.u32 $0xC00, s11;
	v22 =	vld.idx.msk [tilespmem:v6+s7+$0x0], $0xffff;
	[tilespmem:s31+$0xF980] =	vst v17  }
0x26a: {  	s2 =	sor.u32 s9, s13;
	s13 =	simm.s32 $0x4C80;
	v17 =	vld.idx.msk [tilespmem:v8+s8+$0x0], $0xffff;
	[tilespmem:s5+$0x8900] =	vst v19  }
0x26b: {  	s12 =	simm.s32 $0xFF0;
	v19 =	vld.idx.msk [tilespmem:v3+s13+$0x0], $0xffff;
	[tilespmem:s29+$0xE680] =	vst v20  }
0x26c: {  	s14 =	simm.s32 $0x110;
	[tilespmem:s2+$0x7600] =	vst v21;
	v20 =	vld.idx.msk [tilespmem:v7+s12+$0x0], $0xffff  }
0x26d: {  	s12 =	simm.s32 $0x3DA0;
	[tilespmem:s30+$0xC780] =	vst v18;
	v18 =	vld.idx.msk [tilespmem:v12+s14+$0x0], $0xffff  }
0x26e: {  	s15 =	simm.s32 $0x2EC0;
	v21 =	vld.idx.msk [tilespmem:v10+s12+$0x0], $0xffff;
	[tilespmem:s6+$0x11900] =	vst v22  }
0x26f: {  	s16 =	simm.s32 $0x5C70;
	v22 =	vld.idx.msk [tilespmem:v9+s15+$0x0], $0xffff;
	[tilespmem:s0+$0xA880] =	vst v17  }
0x270: {  	s17 =	simm.s32 $0x1FE0;
	v17 =	vld.idx.msk [tilespmem:v6+s16+$0x0], $0xffff;
	[tilespmem:s31+$0x10600] =	vst v19  }
0x271: {  	s18 =	simm.s32 $0x4D90;
	v19 =	vld.idx.msk [tilespmem:v8+s17+$0x0], $0xffff;
	[tilespmem:s5+$0x8980] =	vst v20  }
0x272: {  	s22 =	simm.s32 $0x1100;
	v20 =	vld.idx.msk [tilespmem:v3+s18+$0x0], $0xffff;
	[tilespmem:s2+$0x7680] =	vst v18  }
0x273: {  	s24 =	simm.s32 $0x220;
	[tilespmem:s29+$0xE700] =	vst v21;
	v21 =	vld.idx.msk [tilespmem:v7+s22+$0x0], $0xffff  }
0x274: {  	s23 =	simm.s32 $0x3EB0;
	[tilespmem:s30+$0xC800] =	vst v22;
	v22 =	vld.idx.msk [tilespmem:v12+s24+$0x0], $0xffff  }
0x275: {  	s25 =	simm.s32 $0x2FD0;
	v18 =	vld.idx.msk [tilespmem:v10+s23+$0x0], $0xffff;
	[tilespmem:s6+$0x11980] =	vst v17  }
0x276: {  	s4 =	simm.s32 $0x5D80;
	v17 =	vld.idx.msk [tilespmem:v9+s25+$0x0], $0xffff;
	[tilespmem:s0+$0xA900] =	vst v19  }
0x277: {  	s8 =	simm.s32 $0x20F0;
	v19 =	vld.idx.msk [tilespmem:v6+s4+$0x0], $0xffff;
	[tilespmem:s31+$0x10680] =	vst v20  }
0x278: {  	s9 =	simm.s32 $0x4EA0;
	v20 =	vld.idx.msk [tilespmem:v8+s8+$0x0], $0xffff;
	[tilespmem:s5+$0x9600] =	vst v21  }
0x279: {  	s14 =	simm.s32 $0x1210;
	v21 =	vld.idx.msk [tilespmem:v3+s9+$0x0], $0xffff;
	[tilespmem:s2+$0x7700] =	vst v22  }
0x27a: {  	s15 =	simm.s32 $0x3FC0;
	[tilespmem:s29+$0xE780] =	vst v18;
	v18 =	vld.idx.msk [tilespmem:v7+s14+$0x0], $0xffff  }
0x27b: {  	s16 =	simm.s32 $0x330;
	v22 =	vld.idx.msk [tilespmem:v10+s15+$0x0], $0xffff;
	[tilespmem:s30+$0xC880] =	vst v17  }
0x27c: {  	s17 =	simm.s32 $0x30E0;
	v17 =	vld.idx.msk [tilespmem:v12+s16+$0x0], $0xffff;
	[tilespmem:s6+$0x12600] =	vst v19  }
0x27d: {  	s18 =	simm.s32 $0x5E90;
	v19 =	vld.idx.msk [tilespmem:v9+s17+$0x0], $0xffff;
	[tilespmem:s0+$0xA980] =	vst v20  }
0x27e: {  	s22 =	simm.s32 $0x2200;
	v20 =	vld.idx.msk [tilespmem:v6+s18+$0x0], $0xffff;
	[tilespmem:s31+$0x10700] =	vst v21  }
0x27f: {  	s23 =	simm.s32 $0x4FB0;
	v21 =	vld.idx.msk [tilespmem:v8+s22+$0x0], $0xffff;
	[tilespmem:s5+$0x9680] =	vst v18  }
0x280: {  	s24 =	simm.s32 $0x1320;
	v18 =	vld.idx.msk [tilespmem:v3+s23+$0x0], $0xffff;
	[tilespmem:s29+$0xE800] =	vst v22  }
0x281: {  	s25 =	simm.s32 $0x40D0;
	v22 =	vld.idx.msk [tilespmem:v7+s24+$0x0], $0xffff;
	[tilespmem:s2+$0x7780] =	vst v17  }
0x282: {  	s4 =	simm.s32 $0x440;
	v17 =	vld.idx.msk [tilespmem:v10+s25+$0x0], $0xffff;
	[tilespmem:s30+$0xC900] =	vst v19  }
0x283: {  	s8 =	simm.s32 $0x31F0;
	v19 =	vld.idx.msk [tilespmem:v12+s4+$0x0], $0xffff;
	[tilespmem:s6+$0x12680] =	vst v20  }
0x284: {  	s14 =	simm.s32 $0x5FA0;
	v20 =	vld.idx.msk [tilespmem:v9+s8+$0x0], $0xffff;
	[tilespmem:s0+$0xB600] =	vst v21  }
0x285: {  	s15 =	simm.s32 $0x2310;
	v21 =	vld.idx.msk [tilespmem:v6+s14+$0x0], $0xffff;
	[tilespmem:s31+$0x10780] =	vst v18  }
0x286: {  	s16 =	simm.s32 $0x50C0;
	v18 =	vld.idx.msk [tilespmem:v8+s15+$0x0], $0xffff;
	[tilespmem:s5+$0x9700] =	vst v22  }
0x287: {  	s17 =	simm.s32 $0x1430;
	v22 =	vld.idx.msk [tilespmem:v3+s16+$0x0], $0xffff;
	[tilespmem:s29+$0xE880] =	vst v17  }
0x288: {  	s18 =	simm.s32 $0x41E0;
	v17 =	vld.idx.msk [tilespmem:v7+s17+$0x0], $0xffff;
	[tilespmem:s2+$0x7800] =	vst v19  }
0x289: {  	s22 =	simm.s32 $0x550;
	v19 =	vld.idx.msk [tilespmem:v10+s18+$0x0], $0xffff;
	[tilespmem:s30+$0xC980] =	vst v20  }
0x28a: {  	s23 =	simm.s32 $0x3300;
	v20 =	vld.idx.msk [tilespmem:v12+s22+$0x0], $0xffff;
	[tilespmem:s6+$0x12700] =	vst v21  }
0x28b: {  	s24 =	simm.s32 $0x60B0;
	v21 =	vld.idx.msk [tilespmem:v9+s23+$0x0], $0xffff;
	[tilespmem:s0+$0xB680] =	vst v18  }
0x28c: {  	s25 =	simm.s32 $0x2420;
	v18 =	vld.idx.msk [tilespmem:v6+s24+$0x0], $0xffff;
	[tilespmem:s31+$0x10800] =	vst v22  }
0x28d: {  	s4 =	simm.s32 $0x51D0;
	v22 =	vld.idx.msk [tilespmem:v8+s25+$0x0], $0xffff;
	[tilespmem:s5+$0x9780] =	vst v17  }
0x28e: {  	s8 =	simm.s32 $0x1540;
	v17 =	vld.idx.msk [tilespmem:v3+s4+$0x0], $0xffff;
	[tilespmem:s29+$0xE900] =	vst v19  }
0x28f: {  	s14 =	simm.s32 $0x42F0;
	v19 =	vld.idx.msk [tilespmem:v7+s8+$0x0], $0xffff;
	[tilespmem:s2+$0x7880] =	vst v20  }
0x290: {  	s15 =	simm.s32 $0x660;
	v20 =	vld.idx.msk [tilespmem:v10+s14+$0x0], $0xffff;
	[tilespmem:s30+$0xD600] =	vst v21  }
0x291: {  	s16 =	simm.s32 $0x3410;
	v21 =	vld.idx.msk [tilespmem:v12+s15+$0x0], $0xffff;
	[tilespmem:s6+$0x12780] =	vst v18  }
0x292: {  	s17 =	simm.s32 $0x61C0;
	v18 =	vld.idx.msk [tilespmem:v9+s16+$0x0], $0xffff;
	[tilespmem:s0+$0xB700] =	vst v22  }
0x293: {  	s18 =	simm.s32 $0x2530;
	v22 =	vld.idx.msk [tilespmem:v6+s17+$0x0], $0xffff;
	[tilespmem:s31+$0x10880] =	vst v17  }
0x294: {  	s22 =	simm.s32 $0x1650;
	v17 =	vld.idx.msk [tilespmem:v8+s18+$0x0], $0xffff;
	[tilespmem:s5+$0x9800] =	vst v19  }
0x295: {  	s23 =	simm.s32 $0x4400;
	v19 =	vld.idx.msk [tilespmem:v7+s22+$0x0], $0xffff;
	[tilespmem:s29+$0xE980] =	vst v20  }
0x296: {  	s24 =	simm.s32 $0x770;
	[tilespmem:s2+$0x7900] =	vst v21;
	v20 =	vld.idx.msk [tilespmem:v10+s23+$0x0], $0xffff  }
0x297: {  	s8 =	simm.s32 $0x52E0;
	v21 =	vld.idx.msk [tilespmem:v12+s24+$0x0], $0xffff;
	[tilespmem:s30+$0xD680] =	vst v18  }
0x298: {  	s22 =	simm.s32 $0x3520;
	v18 =	vld.idx.msk [tilespmem:v3+s8+$0x0], $0xffff;
	[tilespmem:s6+$0x12800] =	vst v22  }
0x299: {  	s25 =	simm.s32 $0x2640;
	v22 =	vld.idx.msk [tilespmem:v9+s22+$0x0], $0xffff;
	[tilespmem:s0+$0xB780] =	vst v17  }
0x29a: {  	s1 =	sor.u32 s11, s10;
	s4 =	simm.s32 $0x1760;
	v17 =	vld.idx.msk [tilespmem:v8+s25+$0x0], $0xffff;
	[tilespmem:s5+$0x9880] =	vst v19  }
0x29b: {  	s10 =	sor.u32 $0x380, s1;
	s23 =	simm.s32 $0x4510;
	v19 =	vld.idx.msk [tilespmem:v7+s4+$0x0], $0xffff;
	[tilespmem:s29+$0xF600] =	vst v20  }
0x29c: {  	[tilespmem:s10+$0x7600] =	vst v21;
	v20 =	vld.idx.msk [tilespmem:v10+s23+$0x0], $0xffff  }
0x29d: {  	[tilespmem:s31+$0x10900] =	vst v18;
	s10 =	simm.s32 $0x62D0;
	v18 =	vld.idx.msk [tilespmem:v12+s21+$0x0], $0xffff  }
0x29e: {  	s16 =	simm.s32 $0x3630;
	v21 =	vld.idx.msk [tilespmem:v6+s10+$0x0], $0xffff;
	[tilespmem:s30+$0xD700] =	vst v22  }
0x29f: {  	s11 =	simm.s32 $0x2750;
	v22 =	vld.idx.msk [tilespmem:v9+s16+$0x0], $0xffff;
	[tilespmem:s0+$0xB800] =	vst v17  }
0x2a0: {  	s14 =	simm.s32 $0x1870;
	v17 =	vld.idx.msk [tilespmem:v8+s11+$0x0], $0xffff;
	[tilespmem:s5+$0x9900] =	vst v19  }
0x2a1: {  	s15 =	simm.s32 $0x4620;
	v19 =	vld.idx.msk [tilespmem:v7+s14+$0x0], $0xffff;
	[tilespmem:s29+$0xF680] =	vst v20  }
0x2a2: {  	s17 =	simm.s32 $0x990;
	[tilespmem:s2+$0x8600] =	vst v18;
	v18 =	vld.idx.msk [tilespmem:v10+s15+$0x0], $0xffff  }
0x2a3: {  	[tilespmem:s6+$0x12880] =	vst v21;
	s14 =	simm.s32 $0x53F0;
	v20 =	vld.idx.msk [tilespmem:v12+s17+$0x0], $0xffff  }
0x2a4: {  	v21 =	vld.idx.msk [tilespmem:v3+s14+$0x0], $0xffff;
	[tilespmem:s30+$0xD780] =	vst v22;
	s15 =	simm.s32 $0x3740  }
0x2a5: {  	s18 =	simm.s32 $0x2860;
	v22 =	vld.idx.msk [tilespmem:v9+s15+$0x0], $0xffff;
	[tilespmem:s0+$0xB880] =	vst v17  }
0x2a6: {  	s24 =	simm.s32 $0x1980;
	v16 =	vld.idx.msk [tilespmem:v16+s18+$0x0], $0xffff;
	[tilespmem:s5+$0x9980] =	vst v19  }
0x2a7: {  	s28 =	simm.s32 $0x4730;
	v15 =	vld.idx.msk [tilespmem:v15+s24+$0x0], $0xffff;
	[tilespmem:s29+$0xF700] =	vst v18  }
0x2a8: {  	s25 =	simm.s32 $0xAA0;
	[tilespmem:s2+$0x8680] =	vst v20;
	v14 =	vld.idx.msk [tilespmem:v14+s28+$0x0], $0xffff  }
0x2a9: {  	s4 =	simm.s32 $0x63E0;
	[tilespmem:s31+$0x10980] =	vst v21;
	v17 =	vld.idx.msk [tilespmem:v12+s25+$0x0], $0xffff  }
0x2aa: {  	s18 =	simm.s32 $0x3850;
	v18 =	vld.idx.msk [tilespmem:v6+s4+$0x0], $0xffff;
	[tilespmem:s30+$0xD800] =	vst v22  }
0x2ab: {  	s10 =	simm.s32 $0x2970;
	v19 =	vld.idx.msk [tilespmem:v9+s18+$0x0], $0xffff;
	[tilespmem:s0+$0xB900] =	vst v16  }
0x2ac: {  	s11 =	simm.s32 $0x1A90;
	v16 =	vld.idx.msk [tilespmem:v8+s10+$0x0], $0xffff;
	[tilespmem:s5+$0xA600] =	vst v15  }
0x2ad: {  	s25 =	simm.s32 $0x4840;
	v15 =	vld.idx.msk [tilespmem:v7+s11+$0x0], $0xffff;
	[tilespmem:s29+$0xF780] =	vst v14  }
0x2ae: {  	s17 =	simm.s32 $0xBB0;
	[tilespmem:s2+$0x8700] =	vst v17;
	v14 =	vld.idx.msk [tilespmem:v10+s25+$0x0], $0xffff  }
0x2af: {  	s4 =	simm.s32 $0x5500;
	[tilespmem:s6+$0x12900] =	vst v18;
	v17 =	vld.idx.msk [tilespmem:v12+s17+$0x0], $0xffff  }
0x2b0: {  	v18 =	vld.idx.msk [tilespmem:v3+s4+$0x0], $0xffff;
	[tilespmem:s30+$0xD880] =	vst v19;
	s17 =	simm.s32 $0x3960  }
0x2b1: {  	s24 =	simm.s32 $0x2A80;
	v19 =	vld.idx.msk [tilespmem:v9+s17+$0x0], $0xffff;
	[tilespmem:s0+$0xB980] =	vst v16  }
0x2b2: {  	s10 =	simm.s32 $0x1BA0;
	v16 =	vld.idx.msk [tilespmem:v8+s24+$0x0], $0xffff;
	[tilespmem:s5+$0xA680] =	vst v15  }
0x2b3: {  	s24 =	simm.s32 $0x4950;
	v15 =	vld.idx.msk [tilespmem:v7+s10+$0x0], $0xffff;
	[tilespmem:s29+$0xF800] =	vst v14  }
0x2b4: {  	s11 =	simm.s32 $0xCC0;
	[tilespmem:s2+$0x8780] =	vst v17;
	v14 =	vld.idx.msk [tilespmem:v10+s24+$0x0], $0xffff  }
0x2b5: {  	[tilespmem:s31+$0x11600] =	vst v18;
	s10 =	simm.s32 $0x64F0;
	v17 =	vld.idx.msk [tilespmem:v12+s11+$0x0], $0xffff  }
0x2b6: {  	v6 =	vld.idx.msk [tilespmem:v6+s10+$0x0], $0xffff;
	[tilespmem:s30+$0xD900] =	vst v19;
	s11 =	simm.s32 $0x3A70  }
0x2b7: {  	s19 =	simm.s32 $0x2B90;
	v18 =	vld.idx.msk [tilespmem:v9+s11+$0x0], $0xffff;
	[tilespmem:s0+$0xC600] =	vst v16  }
0x2b8: {  	s3 =	simm.s32 $0x1CB0;
	v16 =	vld.idx.msk [tilespmem:v8+s19+$0x0], $0xffff;
	[tilespmem:s5+$0xA700] =	vst v15  }
0x2b9: {  	s19 =	simm.s32 $0x4A60;
	v15 =	vld.idx.msk [tilespmem:v7+s3+$0x0], $0xffff;
	[tilespmem:s29+$0xF880] =	vst v14  }
0x2ba: {  	[tilespmem:s2+$0x8800] =	vst v17;
	s3 =	simm.s32 $0xDD0;
	v14 =	vld.idx.msk [tilespmem:v10+s19+$0x0], $0xffff  }
0x2bb: {  	[tilespmem:s6+$0x12980] =	vst v6;
	v6 =	vld.idx.msk [tilespmem:v12+s3+$0x0], $0xffff;
	s3 =	simm.s32 $0x5610  }
0x2bc: {  	s6 =	simm.s32 $0x3B80;
	[tilespmem:s30+$0xD980] =	vst v18;
	v13 =	vld.idx.msk [tilespmem:v13+s3+$0x0], $0xffff  }
0x2bd: {  	s26 =	simm.s32 $0x2CA0;
	v17 =	vld.idx.msk [tilespmem:v9+s6+$0x0], $0xffff;
	[tilespmem:s0+$0xC680] =	vst v16  }
0x2be: {  	v16 =	vld.idx.msk [tilespmem:v8+s26+$0x0], $0xffff;
	s26 =	simm.s32 $0x1DC0;
	[tilespmem:s5+$0xA780] =	vst v15  }
0x2bf: {  	s10 =	simm.s32 $0x4B70;
	v15 =	vld.idx.msk [tilespmem:v7+s26+$0x0], $0xffff;
	[tilespmem:s29+$0xF900] =	vst v14  }
0x2c0: {  	s11 =	simm.s32 $0xEE0;
	[tilespmem:s2+$0x8880] =	vst v6;
	v6 =	vld.idx.msk [tilespmem:v10+s10+$0x0], $0xffff  }
0x2c1: {  	s1 =	simm.s32 $0x5720;
	[tilespmem:s31+$0x11680] =	vst v13;
	v13 =	vld.idx.msk [tilespmem:v12+s11+$0x0], $0xffff  }
0x2c2: {  	s19 =	simm.s32 $0x3C90;
	[tilespmem:s30+$0xE600] =	vst v17;
	v14 =	vld.idx.msk [tilespmem:v3+s1+$0x0], $0xffff  }
0x2c3: {  	s10 =	simm.s32 $0x2DB0;
	v17 =	vld.idx.msk [tilespmem:v9+s19+$0x0], $0xffff;
	[tilespmem:s0+$0xC700] =	vst v16  }
0x2c4: {  	s19 =	simm.s32 $0x1ED0;
	v16 =	vld.idx.msk [tilespmem:v8+s10+$0x0], $0xffff;
	[tilespmem:s5+$0xA800] =	vst v15  }
0x2c5: {  	v15 =	vld.idx.msk [tilespmem:v7+s19+$0x0], $0xffff;
	[tilespmem:s29+$0xF980] =	vst v6  }
0x2c6: {  	s11 =	simm.s32 $0xFF0;
	[tilespmem:s2+$0x8900] =	vst v13;
	v6 =	vld.idx.msk [tilespmem:v10+s13+$0x0], $0xffff  }
0x2c7: {  	s6 =	simm.s32 $0x5830;
	[tilespmem:s31+$0x11700] =	vst v14;
	v13 =	vld.idx.msk [tilespmem:v12+s11+$0x0], $0xffff  }
0x2c8: {  	[tilespmem:s30+$0xE680] =	vst v17;
	v14 =	vld.idx.msk [tilespmem:v3+s6+$0x0], $0xffff  }
0x2c9: {  	s13 =	simm.s32 $0x2EC0;
	v17 =	vld.idx.msk [tilespmem:v9+s12+$0x0], $0xffff;
	[tilespmem:s0+$0xC780] =	vst v16  }
0x2ca: {  	s7 =	simm.s32 $0x1FE0;
	v16 =	vld.idx.msk [tilespmem:v8+s13+$0x0], $0xffff;
	[tilespmem:s5+$0xA880] =	vst v15  }
0x2cb: {  	s10 =	simm.s32 $0x4D90;
	v15 =	vld.idx.msk [tilespmem:v7+s7+$0x0], $0xffff;
	[tilespmem:s29+$0x10600] =	vst v6  }
0x2cc: {  	s11 =	simm.s32 $0x1100;
	[tilespmem:s2+$0x8980] =	vst v13;
	v6 =	vld.idx.msk [tilespmem:v10+s10+$0x0], $0xffff  }
0x2cd: {  	s7 =	simm.s32 $0x5940;
	[tilespmem:s31+$0x11780] =	vst v14;
	v13 =	vld.idx.msk [tilespmem:v12+s11+$0x0], $0xffff  }
0x2ce: {  	v14 =	vld.idx.msk [tilespmem:v3+s7+$0x0], $0xffff  }
0x2cf: {  	s12 =	simm.s32 $0x3EB0;
	[tilespmem:s30+$0xE700] =	vst v17  }
0x2d0: {  	s13 =	simm.s32 $0x2FD0;
	v17 =	vld.idx.msk [tilespmem:v9+s12+$0x0], $0xffff;
	[tilespmem:s0+$0xC800] =	vst v16  }
0x2d1: {  	s12 =	simm.s32 $0x4EA0;
	v16 =	vld.idx.msk [tilespmem:v8+s13+$0x0], $0xffff;
	[tilespmem:s29+$0x10680] =	vst v6  }
0x2d2: {  	s13 =	simm.s32 $0x1210;
	[tilespmem:s2+$0x9600] =	vst v13;
	v6 =	vld.idx.msk [tilespmem:v10+s12+$0x0], $0xffff  }
0x2d3: {  	[tilespmem:s31+$0x11800] =	vst v14;
	v13 =	vld.idx.msk [tilespmem:v12+s13+$0x0], $0xffff;
	s12 =	simm.s32 $0x5A50  }
0x2d4: {  	s11 =	simm.s32 $0x20F0;
	[tilespmem:s5+$0xA900] =	vst v15;
	v14 =	vld.idx.msk [tilespmem:v3+s12+$0x0], $0xffff  }
0x2d5: {  	v15 =	vld.idx.msk [tilespmem:v7+s11+$0x0], $0xffff;
	s11 =	simm.s32 $0x3FC0;
	[tilespmem:s30+$0xE780] =	vst v17  }
0x2d6: {  	s13 =	simm.s32 $0x30E0;
	v17 =	vld.idx.msk [tilespmem:v9+s11+$0x0], $0xffff;
	[tilespmem:s0+$0xC880] =	vst v16  }
0x2d7: {  	s11 =	simm.s32 $0x4FB0;
	v16 =	vld.idx.msk [tilespmem:v8+s13+$0x0], $0xffff;
	[tilespmem:s29+$0x10700] =	vst v6  }
0x2d8: {  	s13 =	simm.s32 $0x1320;
	[tilespmem:s2+$0x9680] =	vst v13;
	v6 =	vld.idx.msk [tilespmem:v10+s11+$0x0], $0xffff  }
0x2d9: {  	[tilespmem:s31+$0x11880] =	vst v14;
	v13 =	vld.idx.msk [tilespmem:v12+s13+$0x0], $0xffff;
	s11 =	simm.s32 $0x5B60  }
0x2da: {  	v14 =	vld.idx.msk [tilespmem:v3+s11+$0x0], $0xffff  }
0x2db: {  	s10 =	simm.s32 $0x40D0;
	[tilespmem:s30+$0xE800] =	vst v17  }
0x2dc: {  	s13 =	simm.s32 $0x31F0;
	v17 =	vld.idx.msk [tilespmem:v9+s10+$0x0], $0xffff;
	[tilespmem:s0+$0xC900] =	vst v16  }
0x2dd: {  	s10 =	simm.s32 $0x50C0;
	v16 =	vld.idx.msk [tilespmem:v8+s13+$0x0], $0xffff;
	[tilespmem:s29+$0x10780] =	vst v6  }
0x2de: {  	[tilespmem:s2+$0x9700] =	vst v13;
	v6 =	vld.idx.msk [tilespmem:v10+s10+$0x0], $0xffff;
	s10 =	simm.s32 $0x1430  }
0x2df: {  	[tilespmem:s31+$0x11900] =	vst v14;
	v13 =	vld.idx.msk [tilespmem:v12+s10+$0x0], $0xffff;
	s10 =	simm.s32 $0x5C70  }
0x2e0: {  	s9 =	simm.s32 $0x2200;
	[tilespmem:s5+$0xA980] =	vst v15;
	v14 =	vld.idx.msk [tilespmem:v3+s10+$0x0], $0xffff  }
0x2e1: {  	v15 =	vld.idx.msk [tilespmem:v7+s9+$0x0], $0xffff;
	[tilespmem:s30+$0xE880] =	vst v17;
	s10 =	simm.s32 $0x41E0  }
0x2e2: {  	[tilespmem:s0+$0xC980] =	vst v16;
	v17 =	vld.idx.msk [tilespmem:v9+s10+$0x0], $0xffff;
	s10 =	simm.s32 $0x3300  }
0x2e3: {  	s9 =	simm.s32 $0x51D0;
	v16 =	vld.idx.msk [tilespmem:v8+s10+$0x0], $0xffff;
	[tilespmem:s29+$0x10800] =	vst v6  }
0x2e4: {  	[tilespmem:s2+$0x9780] =	vst v13;
	v6 =	vld.idx.msk [tilespmem:v10+s9+$0x0], $0xffff;
	s9 =	simm.s32 $0x1540  }
0x2e5: {  	[tilespmem:s31+$0x11980] =	vst v14;
	v13 =	vld.idx.msk [tilespmem:v12+s9+$0x0], $0xffff;
	s9 =	simm.s32 $0x5D80  }
0x2e6: {  	v14 =	vld.idx.msk [tilespmem:v3+s9+$0x0], $0xffff  }
0x2e7: {  	[tilespmem:s30+$0xE900] =	vst v17;
	s9 =	simm.s32 $0x42F0  }
0x2e8: {  	v17 =	vld.idx.msk [tilespmem:v9+s9+$0x0], $0xffff;
	[tilespmem:s0+$0xD600] =	vst v16;
	s9 =	simm.s32 $0x3410  }
0x2e9: {  	v16 =	vld.idx.msk [tilespmem:v8+s9+$0x0], $0xffff;
	[tilespmem:s29+$0x10880] =	vst v6  }
0x2ea: {  	[tilespmem:s2+$0x9800] =	vst v13;
	v6 =	vld.idx.msk [tilespmem:v10+s8+$0x0], $0xffff;
	s8 =	simm.s32 $0x1650  }
0x2eb: {  	[tilespmem:s31+$0x12600] =	vst v14;
	v13 =	vld.idx.msk [tilespmem:v12+s8+$0x0], $0xffff;
	s8 =	simm.s32 $0x5E90  }
0x2ec: {  	v14 =	vld.idx.msk [tilespmem:v3+s8+$0x0], $0xffff  }
0x2ed: {  	[tilespmem:s30+$0xE980] =	vst v17;
	s8 =	simm.s32 $0x4400  }
0x2ee: {  	v17 =	vld.idx.msk [tilespmem:v9+s8+$0x0], $0xffff;
	[tilespmem:s0+$0xD680] =	vst v16  }
0x2ef: {  	v16 =	vld.idx.msk [tilespmem:v8+s22+$0x0], $0xffff;
	[tilespmem:s29+$0x10900] =	vst v6  }
0x2f0: {  	s22 =	simm.s32 $0x1760;
	[tilespmem:s2+$0x9880] =	vst v13;
	v6 =	vld.idx.msk [tilespmem:v10+s14+$0x0], $0xffff  }
0x2f1: {  	[tilespmem:s31+$0x12680] =	vst v14;
	v13 =	vld.idx.msk [tilespmem:v12+s22+$0x0], $0xffff;
	s22 =	simm.s32 $0x5FA0  }
0x2f2: {  	s13 =	simm.s32 $0x2310;
	[tilespmem:s5+$0xB600] =	vst v15;
	v14 =	vld.idx.msk [tilespmem:v3+s22+$0x0], $0xffff  }
0x2f3: {  	v15 =	vld.idx.msk [tilespmem:v7+s13+$0x0], $0xffff;
	[tilespmem:s30+$0xF600] =	vst v17  }
0x2f4: {  	v17 =	vld.idx.msk [tilespmem:v9+s23+$0x0], $0xffff;
	[tilespmem:s0+$0xD700] =	vst v16  }
0x2f5: {  	v16 =	vld.idx.msk [tilespmem:v8+s16+$0x0], $0xffff;
	[tilespmem:s29+$0x10980] =	vst v6  }
0x2f6: {  	s23 =	simm.s32 $0x1870;
	[tilespmem:s2+$0x9900] =	vst v13;
	v6 =	vld.idx.msk [tilespmem:v10+s4+$0x0], $0xffff  }
0x2f7: {  	s16 =	simm.s32 $0x60B0;
	[tilespmem:s31+$0x12700] =	vst v14;
	v13 =	vld.idx.msk [tilespmem:v12+s23+$0x0], $0xffff  }
0x2f8: {  	[tilespmem:s5+$0xB680] =	vst v15;
	s10 =	simm.s32 $0x2420;
	v14 =	vld.idx.msk [tilespmem:v3+s16+$0x0], $0xffff  }
0x2f9: {  	v15 =	vld.idx.msk [tilespmem:v7+s10+$0x0], $0xffff;
	s22 =	simm.s32 $0x4620;
	[tilespmem:s30+$0xF680] =	vst v17  }
0x2fa: {  	v17 =	vld.idx.msk [tilespmem:v9+s22+$0x0], $0xffff;
	[tilespmem:s0+$0xD780] =	vst v16  }
0x2fb: {  	v16 =	vld.idx.msk [tilespmem:v8+s15+$0x0], $0xffff;
	[tilespmem:s29+$0x11600] =	vst v6  }
0x2fc: {  	s23 =	simm.s32 $0x1980;
	[tilespmem:s2+$0x9980] =	vst v13;
	v5 =	vld.idx.msk [tilespmem:v5+s3+$0x0], $0xffff  }
0x2fd: {  	s4 =	simm.s32 $0x61C0;
	[tilespmem:s31+$0x12780] =	vst v14;
	v6 =	vld.idx.msk [tilespmem:v12+s23+$0x0], $0xffff  }
0x2fe: {  	[tilespmem:s5+$0xB700] =	vst v15;
	s9 =	simm.s32 $0x2530;
	v13 =	vld.idx.msk [tilespmem:v3+s4+$0x0], $0xffff  }
0x2ff: {  	v15 =	vld.idx.msk [tilespmem:v7+s9+$0x0], $0xffff;
	[tilespmem:s30+$0xF700] =	vst v17  }
0x300: {  	v14 =	vld.idx.msk [tilespmem:v2+s28+$0x0], $0xffff;
	[tilespmem:s0+$0xD800] =	vst v16  }
0x301: {  	v16 =	vld.idx.msk [tilespmem:v8+s18+$0x0], $0xffff;
	[tilespmem:s29+$0x11680] =	vst v5  }
0x302: {  	s16 =	simm.s32 $0x1A90;
	[tilespmem:s2+$0xA600] =	vst v6;
	v5 =	vld.idx.msk [tilespmem:v10+s1+$0x0], $0xffff  }
0x303: {  	s18 =	simm.s32 $0x62D0;
	[tilespmem:s31+$0x12800] =	vst v13;
	v6 =	vld.idx.msk [tilespmem:v12+s16+$0x0], $0xffff  }
0x304: {  	s8 =	simm.s32 $0x2640;
	[tilespmem:s5+$0xB780] =	vst v15;
	v13 =	vld.idx.msk [tilespmem:v3+s18+$0x0], $0xffff  }
0x305: {  	v15 =	vld.idx.msk [tilespmem:v7+s8+$0x0], $0xffff;
	[tilespmem:s30+$0xF780] =	vst v14  }
0x306: {  	v14 =	vld.idx.msk [tilespmem:v9+s25+$0x0], $0xffff;
	[tilespmem:s0+$0xD880] =	vst v16  }
0x307: {  	v16 =	vld.idx.msk [tilespmem:v8+s17+$0x0], $0xffff;
	[tilespmem:s29+$0x11700] =	vst v5  }
0x308: {  	s22 =	simm.s32 $0x1BA0;
	[tilespmem:s2+$0xA680] =	vst v6;
	v5 =	vld.idx.msk [tilespmem:v10+s6+$0x0], $0xffff  }
0x309: {  	s23 =	simm.s32 $0x63E0;
	[tilespmem:s31+$0x12880] =	vst v13;
	v6 =	vld.idx.msk [tilespmem:v12+s22+$0x0], $0xffff  }
0x30a: {  	s14 =	simm.s32 $0x2750;
	[tilespmem:s5+$0xB800] =	vst v15;
	v13 =	vld.idx.msk [tilespmem:v3+s23+$0x0], $0xffff  }
0x30b: {  	v15 =	vld.idx.msk [tilespmem:v7+s14+$0x0], $0xffff;
	[tilespmem:s30+$0xF800] =	vst v14  }
0x30c: {  	v14 =	vld.idx.msk [tilespmem:v9+s24+$0x0], $0xffff;
	[tilespmem:s0+$0xD900] =	vst v16;
	s24 =	simm.s32 $0x3A70  }
0x30d: {  	v16 =	vld.idx.msk [tilespmem:v8+s24+$0x0], $0xffff;
	[tilespmem:s29+$0x11780] =	vst v5  }
0x30e: {  	s25 =	simm.s32 $0x1CB0;
	[tilespmem:s2+$0xA700] =	vst v6;
	v5 =	vld.idx.msk [tilespmem:v10+s7+$0x0], $0xffff  }
0x30f: {  	s7 =	simm.s32 $0x64F0;
	[tilespmem:s31+$0x12900] =	vst v13;
	v6 =	vld.idx.msk [tilespmem:v12+s25+$0x0], $0xffff  }
0x310: {  	v3 =	vld.idx.msk [tilespmem:v3+s7+$0x0], $0xffff;
	_ =	sdelay $0x1  }
0x311: {  	[tilespmem:s5+$0xB880] =	vst v15;
	s15 =	simm.s32 $0x2860  }
0x312: {  	v15 =	vld.idx.msk [tilespmem:v11+s15+$0x0], $0xffff;
	[tilespmem:s0+$0xD980] =	vst v16  }
0x313: {  	[tilespmem:s2+$0xA780] =	vst v6  }
0x314: {  	s17 =	simm.s32 $0x3B80;
	[tilespmem:s31+$0x12980] =	vst v3;
	v3 =	vld.idx.msk [tilespmem:v12+s26+$0x0], $0xffff  }
0x315: {  	[tilespmem:s30+$0xF880] =	vst v14;
	v14 =	vld.idx.msk [tilespmem:v8+s17+$0x0], $0xffff;
	_ =	sdelay $0x1  }
0x316: {  	s3 =	simm.s32 $0x2970;
	[tilespmem:s5+$0xB900] =	vst v15  }
0x317: {  	v15 =	vld.idx.msk [tilespmem:v7+s3+$0x0], $0xffff  }
0x318: {  	[tilespmem:s2+$0xA800] =	vst v3  }
0x319: {  	[tilespmem:s0+$0xE600] =	vst v14;
	v14 =	vld.idx.msk [tilespmem:v12+s19+$0x0], $0xffff;
	_ =	sdelay $0x2  }
0x31a: {  	s4 =	simm.s32 $0x2A80;
	[tilespmem:s5+$0xB980] =	vst v15  }
0x31b: {  	v15 =	vld.idx.msk [tilespmem:v7+s4+$0x0], $0xffff  }
0x31c: {  	s25 =	simm.s32 $0x1FE0;
	[tilespmem:s2+$0xA880] =	vst v14  }
0x31d: {  	v14 =	vld.idx.msk [tilespmem:v12+s25+$0x0], $0xffff;
	_ =	sdelay $0x2  }
0x31e: {  	s6 =	simm.s32 $0x2B90;
	[tilespmem:s5+$0xC600] =	vst v15  }
0x31f: {  	v15 =	vld.idx.msk [tilespmem:v7+s6+$0x0], $0xffff  }
0x320: {  	s26 =	simm.s32 $0x20F0;
	[tilespmem:s2+$0xA900] =	vst v14  }
0x321: {  	v14 =	vld.idx.msk [tilespmem:v12+s26+$0x0], $0xffff  }
0x322: {  	s16 =	simm.s32 $0x4A60  }
0x323: {  	v13 =	vld.idx.msk [tilespmem:v9+s16+$0x0], $0xffff  }
0x324: {  	s18 =	simm.s32 $0x2CA0;
	[tilespmem:s5+$0xC680] =	vst v15  }
0x325: {  	v15 =	vld.idx.msk [tilespmem:v7+s18+$0x0], $0xffff;
	[tilespmem:s29+$0x11800] =	vst v5  }
0x326: {  	v6 =	vld.idx.msk [tilespmem:v10+s12+$0x0], $0xffff;
	s12 =	simm.s32 $0x2200;
	[tilespmem:s2+$0xA980] =	vst v14  }
0x327: {  	v14 =	vld.idx.msk [tilespmem:v12+s12+$0x0], $0xffff  }
0x328: {  	s22 =	simm.s32 $0x4B70;
	[tilespmem:s30+$0xF900] =	vst v13  }
0x329: {  	s23 =	simm.s32 $0x3C90;
	v5 =	vld.idx.msk [tilespmem:v9+s22+$0x0], $0xffff  }
0x32a: {  	s24 =	simm.s32 $0x2DB0;
	[tilespmem:s5+$0xC700] =	vst v15;
	v13 =	vld.idx.msk [tilespmem:v8+s23+$0x0], $0xffff  }
0x32b: {  	[tilespmem:s29+$0x11880] =	vst v6;
	v6 =	vld.idx.msk [tilespmem:v7+s24+$0x0], $0xffff  }
0x32c: {  	v3 =	vld.idx.msk [tilespmem:v10+s11+$0x0], $0xffff;
	[tilespmem:s2+$0xB600] =	vst v14  }
0x32d: {  	v14 =	vld.idx.msk [tilespmem:v12+s13+$0x0], $0xffff;
	_ =	sdelay $0x4  }
0x32e: {  	[tilespmem:s2+$0xB680] =	vst v14  }
0x32f: {  	v14 =	vld.idx.msk [tilespmem:v12+s10+$0x0], $0xffff;
	_ =	sdelay $0x4  }
0x330: {  	[tilespmem:s2+$0xB700] =	vst v14  }
0x331: {  	v14 =	vld.idx.msk [tilespmem:v12+s9+$0x0], $0xffff;
	_ =	sdelay $0x4  }
0x332: {  	[tilespmem:s2+$0xB780] =	vst v14  }
0x333: {  	v14 =	vld.idx.msk [tilespmem:v12+s8+$0x0], $0xffff;
	_ =	sdelay $0x4  }
0x334: {  	[tilespmem:s2+$0xB800] =	vst v14  }
0x335: {  	v14 =	vld.idx.msk [tilespmem:v12+s14+$0x0], $0xffff;
	_ =	sdelay $0x4  }
0x336: {  	[tilespmem:s2+$0xB880] =	vst v14  }
0x337: {  	v14 =	vld.idx.msk [tilespmem:v12+s15+$0x0], $0xffff;
	_ =	sdelay $0x4  }
0x338: {  	[tilespmem:s2+$0xB900] =	vst v14  }
0x339: {  	v14 =	vld.idx.msk [tilespmem:v12+s3+$0x0], $0xffff;
	_ =	sdelay $0x4  }
0x33a: {  	[tilespmem:s2+$0xB980] =	vst v14  }
0x33b: {  	v14 =	vld.idx.msk [tilespmem:v12+s4+$0x0], $0xffff;
	_ =	sdelay $0x4  }
0x33c: {  	[tilespmem:s2+$0xC600] =	vst v14  }
0x33d: {  	v14 =	vld.idx.msk [tilespmem:v12+s6+$0x0], $0xffff;
	_ =	sdelay $0x4  }
0x33e: {  	[tilespmem:s2+$0xC680] =	vst v14  }
0x33f: {  	v14 =	vld.idx.msk [tilespmem:v12+s18+$0x0], $0xffff;
	_ =	sdelay $0x4  }
0x340: {  	[tilespmem:s2+$0xC700] =	vst v14  }
0x341: {  	v14 =	vld.idx.msk [tilespmem:v12+s24+$0x0], $0xffff;
	_ =	sdelay $0x3  }
0x342: {  	[tilespmem:s5+$0xC780] =	vst v6;
	s14 =	simm.s32 $0x2EC0  }
0x343: {  	v6 =	vld.idx.msk [tilespmem:v7+s14+$0x0], $0xffff;
	[tilespmem:s2+$0xC780] =	vst v14  }
0x344: {  	v14 =	vld.idx.msk [tilespmem:v12+s14+$0x0], $0xffff;
	_ =	sdelay $0x3  }
0x345: {  	[tilespmem:s5+$0xC800] =	vst v6;
	s15 =	simm.s32 $0x2FD0  }
0x346: {  	v6 =	vld.idx.msk [tilespmem:v7+s15+$0x0], $0xffff;
	[tilespmem:s2+$0xC800] =	vst v14  }
0x347: {  	v14 =	vld.idx.msk [tilespmem:v12+s15+$0x0], $0xffff;
	_ =	sdelay $0x3  }
0x348: {  	s16 =	simm.s32 $0x30E0;
	[tilespmem:s5+$0xC880] =	vst v6  }
0x349: {  	v6 =	vld.idx.msk [tilespmem:v7+s16+$0x0], $0xffff;
	[tilespmem:s2+$0xC880] =	vst v14  }
0x34a: {  	v14 =	vld.idx.msk [tilespmem:v12+s16+$0x0], $0xffff;
	_ =	sdelay $0x3  }
0x34b: {  	s17 =	simm.s32 $0x31F0;
	[tilespmem:s5+$0xC900] =	vst v6  }
0x34c: {  	v6 =	vld.idx.msk [tilespmem:v7+s17+$0x0], $0xffff;
	[tilespmem:s2+$0xC900] =	vst v14  }
0x34d: {  	v14 =	vld.idx.msk [tilespmem:v12+s17+$0x0], $0xffff;
	_ =	sdelay $0x3  }
0x34e: {  	[tilespmem:s5+$0xC980] =	vst v6;
	s18 =	simm.s32 $0x3300  }
0x34f: {  	v6 =	vld.idx.msk [tilespmem:v7+s18+$0x0], $0xffff;
	[tilespmem:s2+$0xC980] =	vst v14  }
0x350: {  	v14 =	vld.idx.msk [tilespmem:v12+s18+$0x0], $0xffff;
	_ =	sdelay $0x3  }
0x351: {  	s19 =	simm.s32 $0x3410;
	[tilespmem:s5+$0xD600] =	vst v6  }
0x352: {  	v6 =	vld.idx.msk [tilespmem:v7+s19+$0x0], $0xffff;
	[tilespmem:s2+$0xD600] =	vst v14  }
0x353: {  	v14 =	vld.idx.msk [tilespmem:v12+s19+$0x0], $0xffff;
	_ =	sdelay $0x3  }
0x354: {  	s22 =	simm.s32 $0x3520;
	[tilespmem:s5+$0xD680] =	vst v6  }
0x355: {  	v6 =	vld.idx.msk [tilespmem:v7+s22+$0x0], $0xffff;
	[tilespmem:s2+$0xD680] =	vst v14  }
0x356: {  	v14 =	vld.idx.msk [tilespmem:v12+s22+$0x0], $0xffff;
	_ =	sdelay $0x3  }
0x357: {  	s23 =	simm.s32 $0x3630;
	[tilespmem:s5+$0xD700] =	vst v6  }
0x358: {  	v6 =	vld.idx.msk [tilespmem:v7+s23+$0x0], $0xffff;
	[tilespmem:s2+$0xD700] =	vst v14  }
0x359: {  	v14 =	vld.idx.msk [tilespmem:v12+s23+$0x0], $0xffff;
	_ =	sdelay $0x3  }
0x35a: {  	s24 =	simm.s32 $0x3740;
	[tilespmem:s5+$0xD780] =	vst v6  }
0x35b: {  	v6 =	vld.idx.msk [tilespmem:v7+s24+$0x0], $0xffff;
	[tilespmem:s2+$0xD780] =	vst v14  }
0x35c: {  	v14 =	vld.idx.msk [tilespmem:v12+s24+$0x0], $0xffff;
	_ =	sdelay $0x3  }
0x35d: {  	s25 =	simm.s32 $0x3850;
	[tilespmem:s5+$0xD800] =	vst v6  }
0x35e: {  	v6 =	vld.idx.msk [tilespmem:v7+s25+$0x0], $0xffff;
	[tilespmem:s2+$0xD800] =	vst v14  }
0x35f: {  	v14 =	vld.idx.msk [tilespmem:v12+s25+$0x0], $0xffff;
	_ =	sdelay $0x3  }
0x360: {  	s26 =	simm.s32 $0x3960;
	[tilespmem:s5+$0xD880] =	vst v6  }
0x361: {  	v6 =	vld.idx.msk [tilespmem:v7+s26+$0x0], $0xffff;
	[tilespmem:s2+$0xD880] =	vst v14  }
0x362: {  	v14 =	vld.idx.msk [tilespmem:v12+s26+$0x0], $0xffff;
	_ =	sdelay $0x3  }
0x363: {  	s1 =	simm.s32 $0x3A70;
	[tilespmem:s5+$0xD900] =	vst v6  }
0x364: {  	v6 =	vld.idx.msk [tilespmem:v7+s1+$0x0], $0xffff;
	[tilespmem:s2+$0xD900] =	vst v14  }
0x365: {  	v14 =	vld.idx.msk [tilespmem:v12+s1+$0x0], $0xffff;
	_ =	sdelay $0x3  }
0x366: {  	s3 =	simm.s32 $0x3B80;
	[tilespmem:s5+$0xD980] =	vst v6  }
0x367: {  	v6 =	vld.idx.msk [tilespmem:v7+s3+$0x0], $0xffff;
	[tilespmem:s2+$0xD980] =	vst v14  }
0x368: {  	v14 =	vld.idx.msk [tilespmem:v12+s3+$0x0], $0xffff;
	_ =	sdelay $0x3  }
0x369: {  	s4 =	simm.s32 $0x3C90;
	[tilespmem:s5+$0xE600] =	vst v6  }
0x36a: {  	v6 =	vld.idx.msk [tilespmem:v7+s4+$0x0], $0xffff;
	[tilespmem:s2+$0xE600] =	vst v14  }
0x36b: {  	v14 =	vld.idx.msk [tilespmem:v12+s4+$0x0], $0xffff;
	_ =	sdelay $0x1  }
0x36c: {  	[tilespmem:s0+$0xE680] =	vst v13;
	s6 =	simm.s32 $0x3DA0  }
0x36d: {  	v13 =	vld.idx.msk [tilespmem:v8+s6+$0x0], $0xffff  }
0x36e: {  	[tilespmem:s5+$0xE680] =	vst v6  }
0x36f: {  	v6 =	vld.idx.msk [tilespmem:v7+s6+$0x0], $0xffff;
	[tilespmem:s2+$0xE680] =	vst v14  }
0x370: {  	v14 =	vld.idx.msk [tilespmem:v12+s6+$0x0], $0xffff;
	_ =	sdelay $0x1  }
0x371: {  	s7 =	simm.s32 $0x3EB0;
	[tilespmem:s0+$0xE700] =	vst v13  }
0x372: {  	v13 =	vld.idx.msk [tilespmem:v8+s7+$0x0], $0xffff  }
0x373: {  	[tilespmem:s5+$0xE700] =	vst v6  }
0x374: {  	v6 =	vld.idx.msk [tilespmem:v7+s7+$0x0], $0xffff;
	[tilespmem:s2+$0xE700] =	vst v14  }
0x375: {  	v14 =	vld.idx.msk [tilespmem:v12+s7+$0x0], $0xffff;
	_ =	sdelay $0x1  }
0x376: {  	s8 =	simm.s32 $0x3FC0;
	[tilespmem:s0+$0xE780] =	vst v13  }
0x377: {  	v13 =	vld.idx.msk [tilespmem:v8+s8+$0x0], $0xffff  }
0x378: {  	[tilespmem:s5+$0xE780] =	vst v6  }
0x379: {  	v6 =	vld.idx.msk [tilespmem:v7+s8+$0x0], $0xffff;
	[tilespmem:s2+$0xE780] =	vst v14  }
0x37a: {  	v14 =	vld.idx.msk [tilespmem:v12+s8+$0x0], $0xffff;
	_ =	sdelay $0x1  }
0x37b: {  	s9 =	simm.s32 $0x40D0;
	[tilespmem:s0+$0xE800] =	vst v13  }
0x37c: {  	v13 =	vld.idx.msk [tilespmem:v8+s9+$0x0], $0xffff  }
0x37d: {  	[tilespmem:s5+$0xE800] =	vst v6  }
0x37e: {  	v6 =	vld.idx.msk [tilespmem:v7+s9+$0x0], $0xffff;
	[tilespmem:s2+$0xE800] =	vst v14  }
0x37f: {  	v14 =	vld.idx.msk [tilespmem:v12+s9+$0x0], $0xffff;
	_ =	sdelay $0x1  }
0x380: {  	s10 =	simm.s32 $0x41E0;
	[tilespmem:s0+$0xE880] =	vst v13  }
0x381: {  	v13 =	vld.idx.msk [tilespmem:v8+s10+$0x0], $0xffff  }
0x382: {  	[tilespmem:s5+$0xE880] =	vst v6  }
0x383: {  	v6 =	vld.idx.msk [tilespmem:v7+s10+$0x0], $0xffff;
	[tilespmem:s2+$0xE880] =	vst v14  }
0x384: {  	v14 =	vld.idx.msk [tilespmem:v12+s10+$0x0], $0xffff;
	_ =	sdelay $0x1  }
0x385: {  	s11 =	simm.s32 $0x42F0;
	[tilespmem:s0+$0xE900] =	vst v13  }
0x386: {  	v13 =	vld.idx.msk [tilespmem:v8+s11+$0x0], $0xffff  }
0x387: {  	[tilespmem:s5+$0xE900] =	vst v6  }
0x388: {  	v6 =	vld.idx.msk [tilespmem:v7+s11+$0x0], $0xffff;
	[tilespmem:s2+$0xE900] =	vst v14  }
0x389: {  	v14 =	vld.idx.msk [tilespmem:v12+s11+$0x0], $0xffff;
	_ =	sdelay $0x1  }
0x38a: {  	s12 =	simm.s32 $0x4400;
	[tilespmem:s0+$0xE980] =	vst v13  }
0x38b: {  	v13 =	vld.idx.msk [tilespmem:v8+s12+$0x0], $0xffff  }
0x38c: {  	[tilespmem:s5+$0xE980] =	vst v6  }
0x38d: {  	v6 =	vld.idx.msk [tilespmem:v7+s12+$0x0], $0xffff;
	[tilespmem:s2+$0xE980] =	vst v14  }
0x38e: {  	v14 =	vld.idx.msk [tilespmem:v12+s12+$0x0], $0xffff;
	_ =	sdelay $0x1  }
0x38f: {  	s13 =	simm.s32 $0x4510;
	[tilespmem:s0+$0xF600] =	vst v13  }
0x390: {  	v13 =	vld.idx.msk [tilespmem:v8+s13+$0x0], $0xffff  }
0x391: {  	[tilespmem:s5+$0xF600] =	vst v6  }
0x392: {  	v6 =	vld.idx.msk [tilespmem:v7+s13+$0x0], $0xffff;
	[tilespmem:s2+$0xF600] =	vst v14  }
0x393: {  	v14 =	vld.idx.msk [tilespmem:v12+s13+$0x0], $0xffff;
	_ =	sdelay $0x1  }
0x394: {  	s14 =	simm.s32 $0x4620;
	[tilespmem:s0+$0xF680] =	vst v13  }
0x395: {  	v13 =	vld.idx.msk [tilespmem:v8+s14+$0x0], $0xffff  }
0x396: {  	[tilespmem:s5+$0xF680] =	vst v6  }
0x397: {  	v6 =	vld.idx.msk [tilespmem:v7+s14+$0x0], $0xffff;
	[tilespmem:s2+$0xF680] =	vst v14  }
0x398: {  	v14 =	vld.idx.msk [tilespmem:v12+s14+$0x0], $0xffff;
	_ =	sdelay $0x1  }
0x399: {  	s15 =	simm.s32 $0x4730;
	[tilespmem:s0+$0xF700] =	vst v13  }
0x39a: {  	v13 =	vld.idx.msk [tilespmem:v4+s15+$0x0], $0xffff  }
0x39b: {  	[tilespmem:s5+$0xF700] =	vst v6  }
0x39c: {  	v6 =	vld.idx.msk [tilespmem:v11+s15+$0x0], $0xffff;
	[tilespmem:s2+$0xF700] =	vst v14  }
0x39d: {  	v14 =	vld.idx.msk [tilespmem:v12+s15+$0x0], $0xffff;
	_ =	sdelay $0x1  }
0x39e: {  	s16 =	simm.s32 $0x4840;
	[tilespmem:s0+$0xF780] =	vst v13  }
0x39f: {  	v13 =	vld.idx.msk [tilespmem:v8+s16+$0x0], $0xffff  }
0x3a0: {  	[tilespmem:s5+$0xF780] =	vst v6  }
0x3a1: {  	v6 =	vld.idx.msk [tilespmem:v7+s16+$0x0], $0xffff;
	[tilespmem:s2+$0xF780] =	vst v14  }
0x3a2: {  	v14 =	vld.idx.msk [tilespmem:v12+s16+$0x0], $0xffff;
	_ =	sdelay $0x1  }
0x3a3: {  	s17 =	simm.s32 $0x4950;
	[tilespmem:s0+$0xF800] =	vst v13  }
0x3a4: {  	v13 =	vld.idx.msk [tilespmem:v8+s17+$0x0], $0xffff  }
0x3a5: {  	[tilespmem:s5+$0xF800] =	vst v6  }
0x3a6: {  	v6 =	vld.idx.msk [tilespmem:v7+s17+$0x0], $0xffff;
	[tilespmem:s2+$0xF800] =	vst v14  }
0x3a7: {  	v14 =	vld.idx.msk [tilespmem:v12+s17+$0x0], $0xffff;
	_ =	sdelay $0x1  }
0x3a8: {  	s18 =	simm.s32 $0x4A60;
	[tilespmem:s0+$0xF880] =	vst v13  }
0x3a9: {  	v13 =	vld.idx.msk [tilespmem:v8+s18+$0x0], $0xffff  }
0x3aa: {  	[tilespmem:s5+$0xF880] =	vst v6  }
0x3ab: {  	v6 =	vld.idx.msk [tilespmem:v7+s18+$0x0], $0xffff;
	[tilespmem:s2+$0xF880] =	vst v14  }
0x3ac: {  	v14 =	vld.idx.msk [tilespmem:v12+s18+$0x0], $0xffff;
	_ =	sdelay $0x1  }
0x3ad: {  	s19 =	simm.s32 $0x4B70;
	[tilespmem:s0+$0xF900] =	vst v13  }
0x3ae: {  	v13 =	vld.idx.msk [tilespmem:v8+s19+$0x0], $0xffff  }
0x3af: {  	[tilespmem:s5+$0xF900] =	vst v6  }
0x3b0: {  	v6 =	vld.idx.msk [tilespmem:v7+s19+$0x0], $0xffff;
	[tilespmem:s2+$0xF900] =	vst v14  }
0x3b1: {  	[tilespmem:s30+$0xF980] =	vst v5;
	s22 =	simm.s32 $0x4C80;
	v14 =	vld.idx.msk [tilespmem:v12+s19+$0x0], $0xffff  }
0x3b2: {  	v5 =	vld.idx.msk [tilespmem:v9+s22+$0x0], $0xffff  }
0x3b3: {  	[tilespmem:s0+$0xF980] =	vst v13  }
0x3b4: {  	v13 =	vld.idx.msk [tilespmem:v8+s22+$0x0], $0xffff  }
0x3b5: {  	[tilespmem:s5+$0xF980] =	vst v6  }
0x3b6: {  	v6 =	vld.idx.msk [tilespmem:v7+s22+$0x0], $0xffff;
	[tilespmem:s2+$0xF980] =	vst v14  }
0x3b7: {  	[tilespmem:s30+$0x10600] =	vst v5;
	s23 =	simm.s32 $0x4D90;
	v14 =	vld.idx.msk [tilespmem:v12+s22+$0x0], $0xffff  }
0x3b8: {  	v5 =	vld.idx.msk [tilespmem:v9+s23+$0x0], $0xffff  }
0x3b9: {  	[tilespmem:s0+$0x10600] =	vst v13  }
0x3ba: {  	v13 =	vld.idx.msk [tilespmem:v8+s23+$0x0], $0xffff  }
0x3bb: {  	[tilespmem:s5+$0x10600] =	vst v6  }
0x3bc: {  	v6 =	vld.idx.msk [tilespmem:v7+s23+$0x0], $0xffff;
	[tilespmem:s2+$0x10600] =	vst v14  }
0x3bd: {  	[tilespmem:s30+$0x10680] =	vst v5;
	s24 =	simm.s32 $0x4EA0;
	v14 =	vld.idx.msk [tilespmem:v12+s23+$0x0], $0xffff  }
0x3be: {  	v5 =	vld.idx.msk [tilespmem:v9+s24+$0x0], $0xffff  }
0x3bf: {  	[tilespmem:s0+$0x10680] =	vst v13  }
0x3c0: {  	v13 =	vld.idx.msk [tilespmem:v8+s24+$0x0], $0xffff  }
0x3c1: {  	[tilespmem:s5+$0x10680] =	vst v6  }
0x3c2: {  	v6 =	vld.idx.msk [tilespmem:v7+s24+$0x0], $0xffff;
	[tilespmem:s2+$0x10680] =	vst v14  }
0x3c3: {  	[tilespmem:s30+$0x10700] =	vst v5;
	s25 =	simm.s32 $0x4FB0;
	v14 =	vld.idx.msk [tilespmem:v12+s24+$0x0], $0xffff  }
0x3c4: {  	v5 =	vld.idx.msk [tilespmem:v9+s25+$0x0], $0xffff  }
0x3c5: {  	[tilespmem:s0+$0x10700] =	vst v13  }
0x3c6: {  	v13 =	vld.idx.msk [tilespmem:v8+s25+$0x0], $0xffff  }
0x3c7: {  	[tilespmem:s5+$0x10700] =	vst v6  }
0x3c8: {  	v6 =	vld.idx.msk [tilespmem:v7+s25+$0x0], $0xffff;
	[tilespmem:s2+$0x10700] =	vst v14  }
0x3c9: {  	[tilespmem:s30+$0x10780] =	vst v5;
	s26 =	simm.s32 $0x50C0;
	v14 =	vld.idx.msk [tilespmem:v12+s25+$0x0], $0xffff  }
0x3ca: {  	v5 =	vld.idx.msk [tilespmem:v9+s26+$0x0], $0xffff  }
0x3cb: {  	[tilespmem:s0+$0x10780] =	vst v13  }
0x3cc: {  	v13 =	vld.idx.msk [tilespmem:v8+s26+$0x0], $0xffff  }
0x3cd: {  	[tilespmem:s5+$0x10780] =	vst v6  }
0x3ce: {  	v6 =	vld.idx.msk [tilespmem:v7+s26+$0x0], $0xffff;
	[tilespmem:s2+$0x10780] =	vst v14  }
0x3cf: {  	[tilespmem:s30+$0x10800] =	vst v5;
	s3 =	simm.s32 $0x51D0;
	v14 =	vld.idx.msk [tilespmem:v12+s26+$0x0], $0xffff  }
0x3d0: {  	v5 =	vld.idx.msk [tilespmem:v9+s3+$0x0], $0xffff  }
0x3d1: {  	[tilespmem:s0+$0x10800] =	vst v13  }
0x3d2: {  	v13 =	vld.idx.msk [tilespmem:v8+s3+$0x0], $0xffff  }
0x3d3: {  	[tilespmem:s5+$0x10800] =	vst v6  }
0x3d4: {  	v6 =	vld.idx.msk [tilespmem:v7+s3+$0x0], $0xffff;
	[tilespmem:s2+$0x10800] =	vst v14  }
0x3d5: {  	[tilespmem:s30+$0x10880] =	vst v5;
	s4 =	simm.s32 $0x52E0;
	v14 =	vld.idx.msk [tilespmem:v12+s3+$0x0], $0xffff  }
0x3d6: {  	v5 =	vld.idx.msk [tilespmem:v9+s4+$0x0], $0xffff  }
0x3d7: {  	[tilespmem:s0+$0x10880] =	vst v13  }
0x3d8: {  	v13 =	vld.idx.msk [tilespmem:v8+s4+$0x0], $0xffff  }
0x3d9: {  	[tilespmem:s5+$0x10880] =	vst v6  }
0x3da: {  	v6 =	vld.idx.msk [tilespmem:v7+s4+$0x0], $0xffff;
	[tilespmem:s2+$0x10880] =	vst v14  }
0x3db: {  	[tilespmem:s30+$0x10900] =	vst v5;
	s6 =	simm.s32 $0x53F0;
	v14 =	vld.idx.msk [tilespmem:v12+s4+$0x0], $0xffff  }
0x3dc: {  	v5 =	vld.idx.msk [tilespmem:v9+s6+$0x0], $0xffff  }
0x3dd: {  	[tilespmem:s0+$0x10900] =	vst v13  }
0x3de: {  	v13 =	vld.idx.msk [tilespmem:v8+s6+$0x0], $0xffff  }
0x3df: {  	[tilespmem:s5+$0x10900] =	vst v6  }
0x3e0: {  	v6 =	vld.idx.msk [tilespmem:v7+s6+$0x0], $0xffff;
	[tilespmem:s2+$0x10900] =	vst v14  }
0x3e1: {  	[tilespmem:s30+$0x10980] =	vst v5;
	s7 =	simm.s32 $0x5500;
	v14 =	vld.idx.msk [tilespmem:v12+s6+$0x0], $0xffff  }
0x3e2: {  	v5 =	vld.idx.msk [tilespmem:v9+s7+$0x0], $0xffff  }
0x3e3: {  	[tilespmem:s0+$0x10980] =	vst v13  }
0x3e4: {  	v13 =	vld.idx.msk [tilespmem:v8+s7+$0x0], $0xffff  }
0x3e5: {  	[tilespmem:s5+$0x10980] =	vst v6  }
0x3e6: {  	v6 =	vld.idx.msk [tilespmem:v7+s7+$0x0], $0xffff;
	[tilespmem:s2+$0x10980] =	vst v14  }
0x3e7: {  	[tilespmem:s30+$0x11600] =	vst v5;
	s8 =	simm.s32 $0x5610;
	v14 =	vld.idx.msk [tilespmem:v12+s7+$0x0], $0xffff  }
0x3e8: {  	v2 =	vld.idx.msk [tilespmem:v2+s8+$0x0], $0xffff  }
0x3e9: {  	[tilespmem:s0+$0x11600] =	vst v13  }
0x3ea: {  	v4 =	vld.idx.msk [tilespmem:v4+s8+$0x0], $0xffff  }
0x3eb: {  	[tilespmem:s5+$0x11600] =	vst v6  }
0x3ec: {  	v5 =	vld.idx.msk [tilespmem:v11+s8+$0x0], $0xffff;
	[tilespmem:s2+$0x11600] =	vst v14  }
0x3ed: {  	[tilespmem:s30+$0x11680] =	vst v2;
	s9 =	simm.s32 $0x5720;
	v6 =	vld.idx.msk [tilespmem:v12+s8+$0x0], $0xffff  }
0x3ee: {  	v2 =	vld.idx.msk [tilespmem:v9+s9+$0x0], $0xffff  }
0x3ef: {  	[tilespmem:s0+$0x11680] =	vst v4  }
0x3f0: {  	v4 =	vld.idx.msk [tilespmem:v8+s9+$0x0], $0xffff  }
0x3f1: {  	[tilespmem:s5+$0x11680] =	vst v5  }
0x3f2: {  	v5 =	vld.idx.msk [tilespmem:v7+s9+$0x0], $0xffff;
	[tilespmem:s2+$0x11680] =	vst v6  }
0x3f3: {  	[tilespmem:s30+$0x11700] =	vst v2;
	s10 =	simm.s32 $0x5830;
	v6 =	vld.idx.msk [tilespmem:v12+s9+$0x0], $0xffff  }
0x3f4: {  	v2 =	vld.idx.msk [tilespmem:v9+s10+$0x0], $0xffff  }
0x3f5: {  	[tilespmem:s0+$0x11700] =	vst v4  }
0x3f6: {  	v4 =	vld.idx.msk [tilespmem:v8+s10+$0x0], $0xffff  }
0x3f7: {  	[tilespmem:s5+$0x11700] =	vst v5  }
0x3f8: {  	v5 =	vld.idx.msk [tilespmem:v7+s10+$0x0], $0xffff;
	[tilespmem:s2+$0x11700] =	vst v6  }
0x3f9: {  	[tilespmem:s30+$0x11780] =	vst v2;
	s11 =	simm.s32 $0x5940;
	v6 =	vld.idx.msk [tilespmem:v12+s10+$0x0], $0xffff  }
0x3fa: {  	v2 =	vld.idx.msk [tilespmem:v9+s11+$0x0], $0xffff  }
0x3fb: {  	[tilespmem:s0+$0x11780] =	vst v4  }
0x3fc: {  	v4 =	vld.idx.msk [tilespmem:v8+s11+$0x0], $0xffff  }
0x3fd: {  	[tilespmem:s5+$0x11780] =	vst v5  }
0x3fe: {  	s12 =	simm.s32 $0x5940;
	v5 =	vld.idx.msk [tilespmem:v7+s11+$0x0], $0xffff;
	[tilespmem:s2+$0x11780] =	vst v6  }
0x3ff: {  	[tilespmem:s30+$0x11800] =	vst v2;
	s13 =	simm.s32 $0x5A50;
	v6 =	vld.idx.msk [tilespmem:v12+s12+$0x0], $0xffff  }
0x400: {  	v2 =	vld.idx.msk [tilespmem:v9+s13+$0x0], $0xffff  }
0x401: {  	[tilespmem:s0+$0x11800] =	vst v4  }
0x402: {  	v4 =	vld.idx.msk [tilespmem:v8+s13+$0x0], $0xffff  }
0x403: {  	[tilespmem:s5+$0x11800] =	vst v5  }
0x404: {  	s14 =	simm.s32 $0x5A50;
	v5 =	vld.idx.msk [tilespmem:v7+s13+$0x0], $0xffff;
	[tilespmem:s2+$0x11800] =	vst v6  }
0x405: {  	[tilespmem:s30+$0x11880] =	vst v2;
	s15 =	simm.s32 $0x5B60;
	v6 =	vld.idx.msk [tilespmem:v12+s14+$0x0], $0xffff  }
0x406: {  	v2 =	vld.idx.msk [tilespmem:v9+s15+$0x0], $0xffff  }
0x407: {  	[tilespmem:s0+$0x11880] =	vst v4  }
0x408: {  	[tilespmem:s29+$0x11900] =	vst v3;
	s17 =	simm.s32 $0x5C70;
	v4 =	vld.idx.msk [tilespmem:v8+s15+$0x0], $0xffff  }
0x409: {  	v3 =	vld.idx.msk [tilespmem:v10+s17+$0x0], $0xffff;
	[tilespmem:s5+$0x11880] =	vst v5  }
0x40a: {  	s16 =	simm.s32 $0x5B60;
	v5 =	vld.idx.msk [tilespmem:v7+s15+$0x0], $0xffff;
	[tilespmem:s2+$0x11880] =	vst v6  }
0x40b: {  	[tilespmem:s30+$0x11900] =	vst v2;
	v6 =	vld.idx.msk [tilespmem:v12+s16+$0x0], $0xffff  }
0x40c: {  	v2 =	vld.idx.msk [tilespmem:v9+s17+$0x0], $0xffff  }
0x40d: {  	[tilespmem:s0+$0x11900] =	vst v4  }
0x40e: {  	[tilespmem:s29+$0x11980] =	vst v3;
	v4 =	vld.idx.msk [tilespmem:v8+s17+$0x0], $0xffff;
	s19 =	simm.s32 $0x5D80  }
0x40f: {  	v3 =	vld.idx.msk [tilespmem:v10+s19+$0x0], $0xffff;
	[tilespmem:s5+$0x11900] =	vst v5  }
0x410: {  	s18 =	simm.s32 $0x5C70;
	v5 =	vld.idx.msk [tilespmem:v7+s17+$0x0], $0xffff;
	[tilespmem:s2+$0x11900] =	vst v6  }
0x411: {  	[tilespmem:s30+$0x11980] =	vst v2;
	v6 =	vld.idx.msk [tilespmem:v12+s18+$0x0], $0xffff  }
0x412: {  	v2 =	vld.idx.msk [tilespmem:v9+s19+$0x0], $0xffff  }
0x413: {  	[tilespmem:s0+$0x11980] =	vst v4  }
0x414: {  	v4 =	vld.idx.msk [tilespmem:v8+s19+$0x0], $0xffff;
	[tilespmem:s29+$0x12600] =	vst v3;
	s23 =	simm.s32 $0x5E90  }
0x415: {  	v3 =	vld.idx.msk [tilespmem:v10+s23+$0x0], $0xffff;
	[tilespmem:s5+$0x11980] =	vst v5  }
0x416: {  	s22 =	simm.s32 $0x5D80;
	v5 =	vld.idx.msk [tilespmem:v7+s19+$0x0], $0xffff;
	[tilespmem:s2+$0x11980] =	vst v6  }
0x417: {  	[tilespmem:s30+$0x12600] =	vst v2;
	v6 =	vld.idx.msk [tilespmem:v12+s22+$0x0], $0xffff  }
0x418: {  	v2 =	vld.idx.msk [tilespmem:v9+s23+$0x0], $0xffff  }
0x419: {  	[tilespmem:s0+$0x12600] =	vst v4  }
0x41a: {  	v4 =	vld.idx.msk [tilespmem:v8+s23+$0x0], $0xffff;
	[tilespmem:s29+$0x12680] =	vst v3;
	s25 =	simm.s32 $0x5FA0  }
0x41b: {  	v3 =	vld.idx.msk [tilespmem:v10+s25+$0x0], $0xffff;
	[tilespmem:s5+$0x12600] =	vst v5  }
0x41c: {  	s24 =	simm.s32 $0x5E90;
	v5 =	vld.idx.msk [tilespmem:v7+s23+$0x0], $0xffff;
	[tilespmem:s2+$0x12600] =	vst v6  }
0x41d: {  	[tilespmem:s30+$0x12680] =	vst v2;
	v6 =	vld.idx.msk [tilespmem:v12+s24+$0x0], $0xffff  }
0x41e: {  	v2 =	vld.idx.msk [tilespmem:v9+s25+$0x0], $0xffff  }
0x41f: {  	[tilespmem:s0+$0x12680] =	vst v4  }
0x420: {  	v4 =	vld.idx.msk [tilespmem:v8+s25+$0x0], $0xffff;
	[tilespmem:s29+$0x12700] =	vst v3;
	s3 =	simm.s32 $0x60B0  }
0x421: {  	v3 =	vld.idx.msk [tilespmem:v10+s3+$0x0], $0xffff;
	[tilespmem:s5+$0x12680] =	vst v5  }
0x422: {  	s26 =	simm.s32 $0x5FA0;
	v5 =	vld.idx.msk [tilespmem:v7+s25+$0x0], $0xffff;
	[tilespmem:s2+$0x12680] =	vst v6  }
0x423: {  	[tilespmem:s30+$0x12700] =	vst v2;
	v6 =	vld.idx.msk [tilespmem:v12+s26+$0x0], $0xffff  }
0x424: {  	v2 =	vld.idx.msk [tilespmem:v9+s3+$0x0], $0xffff  }
0x425: {  	[tilespmem:s0+$0x12700] =	vst v4  }
0x426: {  	v4 =	vld.idx.msk [tilespmem:v8+s3+$0x0], $0xffff;
	[tilespmem:s29+$0x12780] =	vst v3;
	s6 =	simm.s32 $0x61C0  }
0x427: {  	v3 =	vld.idx.msk [tilespmem:v10+s6+$0x0], $0xffff;
	[tilespmem:s5+$0x12700] =	vst v5  }
0x428: {  	s4 =	simm.s32 $0x60B0;
	v5 =	vld.idx.msk [tilespmem:v7+s3+$0x0], $0xffff;
	[tilespmem:s2+$0x12700] =	vst v6  }
0x429: {  	[tilespmem:s30+$0x12780] =	vst v2;
	v6 =	vld.idx.msk [tilespmem:v12+s4+$0x0], $0xffff  }
0x42a: {  	v2 =	vld.idx.msk [tilespmem:v9+s6+$0x0], $0xffff  }
0x42b: {  	[tilespmem:s0+$0x12780] =	vst v4  }
0x42c: {  	v4 =	vld.idx.msk [tilespmem:v8+s6+$0x0], $0xffff;
	[tilespmem:s29+$0x12800] =	vst v3;
	s8 =	simm.s32 $0x62D0  }
0x42d: {  	v3 =	vld.idx.msk [tilespmem:v10+s8+$0x0], $0xffff;
	[tilespmem:s5+$0x12780] =	vst v5  }
0x42e: {  	s7 =	simm.s32 $0x61C0;
	v5 =	vld.idx.msk [tilespmem:v7+s6+$0x0], $0xffff;
	[tilespmem:s2+$0x12780] =	vst v6  }
0x42f: {  	[tilespmem:s30+$0x12800] =	vst v2;
	v6 =	vld.idx.msk [tilespmem:v12+s7+$0x0], $0xffff  }
0x430: {  	v2 =	vld.idx.msk [tilespmem:v9+s8+$0x0], $0xffff  }
0x431: {  	[tilespmem:s0+$0x12800] =	vst v4  }
0x432: {  	v4 =	vld.idx.msk [tilespmem:v8+s8+$0x0], $0xffff;
	[tilespmem:s29+$0x12880] =	vst v3;
	s10 =	simm.s32 $0x63E0  }
0x433: {  	v3 =	vld.idx.msk [tilespmem:v10+s10+$0x0], $0xffff;
	[tilespmem:s5+$0x12800] =	vst v5  }
0x434: {  	s9 =	simm.s32 $0x62D0;
	v5 =	vld.idx.msk [tilespmem:v7+s8+$0x0], $0xffff;
	[tilespmem:s2+$0x12800] =	vst v6  }
0x435: {  	[tilespmem:s30+$0x12880] =	vst v2;
	v6 =	vld.idx.msk [tilespmem:v12+s9+$0x0], $0xffff  }
0x436: {  	v2 =	vld.idx.msk [tilespmem:v9+s10+$0x0], $0xffff  }
0x437: {  	[tilespmem:s0+$0x12880] =	vst v4  }
0x438: {  	v4 =	vld.idx.msk [tilespmem:v8+s10+$0x0], $0xffff;
	[tilespmem:s29+$0x12900] =	vst v3;
	s12 =	simm.s32 $0x64F0  }
0x439: {  	v3 =	vld.idx.msk [tilespmem:v10+s12+$0x0], $0xffff;
	[tilespmem:s5+$0x12880] =	vst v5  }
0x43a: {  	s11 =	simm.s32 $0x63E0;
	v5 =	vld.idx.msk [tilespmem:v7+s10+$0x0], $0xffff;
	[tilespmem:s2+$0x12880] =	vst v6  }
0x43b: {  	[tilespmem:s30+$0x12900] =	vst v2;
	v6 =	vld.idx.msk [tilespmem:v12+s11+$0x0], $0xffff  }
0x43c: {  	v2 =	vld.idx.msk [tilespmem:v9+s12+$0x0], $0xffff  }
0x43d: {  	[tilespmem:s0+$0x12900] =	vst v4  }
0x43e: {  	[tilespmem:s29+$0x12980] =	vst v3  }
0x43f: {  	v4 =	vld.idx.msk [tilespmem:v8+s12+$0x0], $0xffff;
	[tilespmem:s5+$0x12900] =	vst v5  }
0x440: {  	s13 =	simm.s32 $0x64F0;
	v5 =	vld.idx.msk [tilespmem:v7+s12+$0x0], $0xffff;
	[tilespmem:s2+$0x12900] =	vst v6  }
0x441: {  	[tilespmem:s30+$0x12980] =	vst v2;
	v6 =	vld.idx.msk [tilespmem:v12+s13+$0x0], $0xffff  }
0x442: {  	s14 =	rddreg [dreg:$0x12]  }
0x443: {  	s15 =	smin.u32 s14, $0x61A  }
0x444: {  	[tilespmem:s0+$0x12980] =	vst v4;
	s16 =	sshll.u32 s15, $0x9  }
0x445: {  	s17 =	rddreg [dreg:$0x5];
	s19 =	simm.s32 $0x61A800;
	[tilespmem:s5+$0x12980] =	vst v5;
	s0 =	smin.u32 s16, $0xC3300  }
0x446: {  	s18 =	simm.s32 $0x1000;
	s22 =	simm.s32 $0x7600;
	s0 =	sadd.s32 s17, s0;
	[tilespmem:s2+$0x12980] =	vst v6  }
0x447: {  	[hbm4b:s0+s18] =	stream.strided.scatter [tilespmem:s22], [sflag:$0x3], $0xC000, s19, s18, $0x38;
	[tilespmem:$0x1F600] =	vst v63  }
0x448: {  	s23 =	rddreg [dreg:$0xc]  }
0x449: {  	s24 =	rddreg [dreg:$0x11]  }
0x44a: {  	s0 =	sadd.s32 s23, s24  }
0x44b: {  	s0 =	smin.u32 s0, $0x61A  }
0x44c: {  	s0 =	sshll.u32 s0, $0x9  }
0x44d: {  	s0 =	smin.u32 s0, $0xC3300  }
0x44e: {  	s25 =	rddreg [dreg:$0x0];
	s0 =	sshrl.u32 s0, $0x3  }
0x44f: {  	s1 =	rddreg [dreg:$0x1];
	s26 =	simm.s32 $0x6600;
	s5 =	sadd.s32 s25, s0  }
0x450: {  	[tilespmem:s26], [sflag:$0x1] =	stream.linear.gather [hbm4b:s5+s20], $0x200, $0x38;
	[tilespmem:$0x1F600] =	vst v63  }
0x451: {  	s3 =	rddreg [dreg:$0x2];
	s2 =	simm.s32 $0x6800;
	s5 =	sadd.s32 s1, s0  }
0x452: {  	[tilespmem:s2], [sflag:$0x1] =	stream.linear.gather [hbm4b:s5+s20], $0x200, $0x38;
	[tilespmem:$0x1F600] =	vst v63  }
0x453: {  	s6 =	rddreg [dreg:$0x3];
	s4 =	simm.s32 $0x6A00;
	s5 =	sadd.s32 s3, s0  }
0x454: {  	[tilespmem:s4], [sflag:$0x1] =	stream.linear.gather [hbm4b:s5+s20], $0x200, $0x38;
	[tilespmem:$0x1F600] =	vst v63  }
0x455: {  	s8 =	simm.s32 $0x2;
	s7 =	simm.s32 $0x6C00;
	s0 =	sadd.s32 s6, s0  }
0x456: {  	[tilespmem:s7], [sflag:$0x1] =	stream.linear.gather [hbm4b:s0+s20], $0x200, $0x38;
	[tilespmem:$0x1F600] =	vst v63  }
0x457: {  	_ =	swait.ge [sflag:s8], $0x200  }
0x458: {  	[sflag:s8] =	ssyncset.done $0x0  }
0x459: {  	[sflag:s8] =	ssyncadd.s32 $0xFFFFFE00  }
0x45a: {  	_ =	swait.ge [sflag:s8], $0x200  }
0x45b: {  	[sflag:s8] =	ssyncset.done $0x0  }
0x45c: {  	[sflag:s8] =	ssyncadd.s32 $0xFFFFFE00  }
0x45d: {  	_ =	swait.ge [sflag:s8], $0x200  }
0x45e: {  	[sflag:s8] =	ssyncset.done $0x0  }
0x45f: {  	[sflag:s8] =	ssyncadd.s32 $0xFFFFFE00  }
0x460: {  	_ =	swait.ge [sflag:s8], $0x200  }
0x461: {  	[sflag:s8] =	ssyncset.done $0x0  }
0x462: {  	s0 =	simm.s32 @!p0 $0x4;
	[sflag:s8] =	ssyncadd.s32 $0xFFFFFE00  }
0x463: {  	_ =	swait.ge @!p0 [sflag:s0], $0xC000  }
0x464: {  	[sflag:s0] =	ssyncset.done @!p0 $0x0  }
0x465: {  	s10 =	simm.s32 $0x6E00;
	s9 =	simm.s32 $0x0;
	[sflag:s0] =	ssyncadd.s32 @!p0 $0xFFFF4000  }
0x466: {  	s11 =	sand.u32 $0x1F0, s9;
	v2 =	vld [tilespmem:s10+$0x0]  }
0x467: {  	v3 =	vld [tilespmem:s11+$0x7000];
	_ =	sdelay $0x2  }
0x468: {  	v4 =	vld [tilespmem:s11+$0x7200];
	_ =	sdelay $0x1  }
0x469: {  	v5 =	vld [tilespmem:s11+$0x7400];
	v2 =	vmul.u32 $0x15, v2;
	v3 =	vmul.u32 $0x7, v3;
	_ =	sdelay $0x1  }
0x46a: {  	v2 =	vadd.s32 v2, v3  }
0x46b: {  	v2 =	vadd.s32 v4, v2  }
0x46c: {  	v2 =	vshll.u32 v2, $0x2  }
0x46d: {  	vm10 =	veq.s32 v5, $0x0;
	v2 =	vor.u32 v0, v2  }
0x46e: {  	v6 =	vsel vm10, v1, v2;
	_ =	sdelay $0x4  }
0x46f: {  	v2 =	vld.idx.msk [tilespmem:v6+s20+$0x0], $0xffff;
	_ =	sdelay $0x2  }
0x470: {  	s12 =	sand.u32 $0x70, s9;
	s13 =	sand.u32 $0xC00, s9  }
0x471: {  	s6 =	sor.u32 s12, s13  }
0x472: {  	s14 =	simm.s32 $0x110;
	[tilespmem:s6+$0x13600] =	vst v2  }
0x473: {  	v2 =	vld.idx.msk [tilespmem:v6+s14+$0x0], $0xffff;
	_ =	sdelay $0x3  }
0x474: {  	s5 =	sadd.s32 $0x13600, s6  }
0x475: {  	s19 =	simm.s32 $0x220;
	[tilespmem:s5+$0x80] =	vst v2  }
0x476: {  	v2 =	vld.idx.msk [tilespmem:v6+s19+$0x0], $0xffff;
	_ =	sdelay $0x4  }
0x477: {  	s8 =	simm.s32 $0x330;
	[tilespmem:s5+$0x100] =	vst v2  }
0x478: {  	v2 =	vld.idx.msk [tilespmem:v6+s8+$0x0], $0xffff;
	_ =	sdelay $0x4  }
0x479: {  	s12 =	simm.s32 $0x440;
	[tilespmem:s5+$0x180] =	vst v2  }
0x47a: {  	v2 =	vld.idx.msk [tilespmem:v6+s12+$0x0], $0xffff;
	_ =	sdelay $0x4  }
0x47b: {  	s13 =	simm.s32 $0x550;
	[tilespmem:s5+$0x200] =	vst v2  }
0x47c: {  	v2 =	vld.idx.msk [tilespmem:v6+s13+$0x0], $0xffff;
	_ =	sdelay $0x4  }
0x47d: {  	s17 =	simm.s32 $0x660;
	[tilespmem:s5+$0x280] =	vst v2  }
0x47e: {  	v2 =	vld.idx.msk [tilespmem:v6+s17+$0x0], $0xffff;
	_ =	sdelay $0x4  }
0x47f: {  	s16 =	simm.s32 $0x770;
	[tilespmem:s5+$0x300] =	vst v2  }
0x480: {  	v2 =	vld.idx.msk [tilespmem:v6+s16+$0x0], $0xffff;
	_ =	sdelay $0x2  }
0x481: {  	s0 =	sor.u32 s9, s9  }
0x482: {  	s0 =	sor.u32 $0x380, s0  }
0x483: {  	[tilespmem:s0+$0x13600] =	vst v2  }
0x484: {  	v2 =	vld.idx.msk [tilespmem:v6+s21+$0x0], $0xffff;
	_ =	sdelay $0x4  }
0x485: {  	s18 =	simm.s32 $0x990;
	[tilespmem:s6+$0x14600] =	vst v2  }
0x486: {  	v2 =	vld.idx.msk [tilespmem:v6+s18+$0x0], $0xffff;
	_ =	sdelay $0x4  }
0x487: {  	s23 =	simm.s32 $0xAA0;
	[tilespmem:s6+$0x14680] =	vst v2  }
0x488: {  	v2 =	vld.idx.msk [tilespmem:v6+s23+$0x0], $0xffff;
	_ =	sdelay $0x4  }
0x489: {  	s15 =	simm.s32 $0xBB0;
	[tilespmem:s6+$0x14700] =	vst v2  }
0x48a: {  	v2 =	vld.idx.msk [tilespmem:v6+s15+$0x0], $0xffff;
	_ =	sdelay $0x1  }
0x48b: {  	s22 =	simm.s32 $0x6E10;
	s0 =	simm.s32 $0x10  }
0x48c: {  	v3 =	vld [tilespmem:s22+$0x0];
	s24 =	sand.u32 $0x1F0, s0  }
0x48d: {  	v4 =	vld [tilespmem:s24+$0x7000]  }
0x48e: {  	s3 =	simm.s32 $0xCC0;
	[tilespmem:s6+$0x14780] =	vst v2  }
0x48f: {  	v2 =	vld.idx.msk [tilespmem:v6+s3+$0x0], $0xffff  }
0x490: {  	v5 =	vld [tilespmem:s24+$0x7200];
	_ =	sdelay $0x1  }
0x491: {  	v3 =	vmul.u32 $0x15, v3;
	v7 =	vld [tilespmem:s24+$0x7400];
	v4 =	vmul.u32 $0x7, v4;
	_ =	sdelay $0x1  }
0x492: {  	s2 =	simm.s32 $0xDD0;
	v3 =	vadd.s32 v3, v4;
	[tilespmem:s6+$0x14800] =	vst v2  }
0x493: {  	v2 =	vadd.s32 v5, v3;
	v3 =	vld.idx.msk [tilespmem:v6+s2+$0x0], $0xffff  }
0x494: {  	v2 =	vshll.u32 v2, $0x2  }
0x495: {  	vm11 =	veq.s32 v7, $0x0;
	v2 =	vor.u32 v0, v2  }
0x496: {  	v2 =	vsel vm11, v1, v2;
	_ =	sdelay $0x1  }
0x497: {  	s1 =	simm.s32 $0xEE0;
	[tilespmem:s6+$0x14880] =	vst v3  }
0x498: {  	v3 =	vld.idx.msk [tilespmem:v6+s1+$0x0], $0xffff;
	_ =	sdelay $0x1  }
0x499: {  	v4 =	vld.idx.msk [tilespmem:v2+s20+$0x0], $0xffff;
	_ =	sdelay $0x1  }
0x49a: {  	s5 =	simm.s32 $0x80  }
0x49b: {  	s9 =	simm.s32 $0xFF0;
	s26 =	sand.u32 $0xC00, s5;
	s25 =	sand.u32 $0x70, s0;
	[tilespmem:s6+$0x14900] =	vst v3  }
0x49c: {  	s29 =	sor.u32 s25, s26;
	v3 =	vld.idx.msk [tilespmem:v6+s9+$0x0], $0xffff  }
0x49d: {  	[tilespmem:s29+$0x13600] =	vst v4  }
0x49e: {  	v4 =	vld.idx.msk [tilespmem:v2+s14+$0x0], $0xffff;
	_ =	sdelay $0x2  }
0x49f: {  	s14 =	simm.s32 $0x1100;
	[tilespmem:s6+$0x14980] =	vst v3  }
0x4a0: {  	s10 =	sadd.s32 $0x13600, s29;
	v3 =	vld.idx.msk [tilespmem:v6+s14+$0x0], $0xffff  }
0x4a1: {  	[tilespmem:s10+$0x80] =	vst v4  }
0x4a2: {  	v4 =	vld.idx.msk [tilespmem:v2+s19+$0x0], $0xffff;
	_ =	sdelay $0x2  }
0x4a3: {  	s19 =	simm.s32 $0x1210;
	[tilespmem:s6+$0x15600] =	vst v3  }
0x4a4: {  	v3 =	vld.idx.msk [tilespmem:v6+s19+$0x0], $0xffff  }
0x4a5: {  	[tilespmem:s10+$0x100] =	vst v4  }
0x4a6: {  	v4 =	vld.idx.msk [tilespmem:v2+s8+$0x0], $0xffff;
	_ =	sdelay $0x2  }
0x4a7: {  	s22 =	simm.s32 $0x1320;
	[tilespmem:s6+$0x15680] =	vst v3  }
0x4a8: {  	v3 =	vld.idx.msk [tilespmem:v6+s22+$0x0], $0xffff  }
0x4a9: {  	[tilespmem:s10+$0x180] =	vst v4  }
0x4aa: {  	v4 =	vld.idx.msk [tilespmem:v2+s12+$0x0], $0xffff;
	_ =	sdelay $0x2  }
0x4ab: {  	s8 =	simm.s32 $0x1430;
	[tilespmem:s6+$0x15700] =	vst v3  }
0x4ac: {  	v3 =	vld.idx.msk [tilespmem:v6+s8+$0x0], $0xffff  }
0x4ad: {  	[tilespmem:s10+$0x200] =	vst v4  }
0x4ae: {  	v4 =	vld.idx.msk [tilespmem:v2+s13+$0x0], $0xffff;
	_ =	sdelay $0x2  }
0x4af: {  	s4 =	simm.s32 $0x1540;
	[tilespmem:s6+$0x15780] =	vst v3  }
0x4b0: {  	v3 =	vld.idx.msk [tilespmem:v6+s4+$0x0], $0xffff  }
0x4b1: {  	[tilespmem:s10+$0x280] =	vst v4  }
0x4b2: {  	v4 =	vld.idx.msk [tilespmem:v2+s17+$0x0], $0xffff;
	_ =	sdelay $0x2  }
0x4b3: {  	s7 =	simm.s32 $0x1650;
	[tilespmem:s6+$0x15800] =	vst v3  }
0x4b4: {  	v3 =	vld.idx.msk [tilespmem:v6+s7+$0x0], $0xffff  }
0x4b5: {  	[tilespmem:s10+$0x300] =	vst v4  }
0x4b6: {  	v4 =	vld.idx.msk [tilespmem:v2+s16+$0x0], $0xffff;
	_ =	sdelay $0x2  }
0x4b7: {  	s0 =	sor.u32 s5, s0;
	s16 =	simm.s32 $0x1760;
	[tilespmem:s6+$0x15880] =	vst v3  }
0x4b8: {  	s0 =	sor.u32 $0x380, s0;
	v3 =	vld.idx.msk [tilespmem:v6+s16+$0x0], $0xffff  }
0x4b9: {  	[tilespmem:s0+$0x13600] =	vst v4  }
0x4ba: {  	v4 =	vld.idx.msk [tilespmem:v2+s21+$0x0], $0xffff;
	_ =	sdelay $0x2  }
0x4bb: {  	s17 =	simm.s32 $0x1870;
	[tilespmem:s6+$0x15900] =	vst v3  }
0x4bc: {  	v3 =	vld.idx.msk [tilespmem:v6+s17+$0x0], $0xffff  }
0x4bd: {  	[tilespmem:s29+$0x14600] =	vst v4  }
0x4be: {  	v4 =	vld.idx.msk [tilespmem:v2+s18+$0x0], $0xffff;
	_ =	sdelay $0x2  }
0x4bf: {  	s18 =	simm.s32 $0x1980;
	[tilespmem:s6+$0x15980] =	vst v3  }
0x4c0: {  	v3 =	vld.idx.msk [tilespmem:v6+s18+$0x0], $0xffff  }
0x4c1: {  	[tilespmem:s29+$0x14680] =	vst v4  }
0x4c2: {  	v4 =	vld.idx.msk [tilespmem:v2+s23+$0x0], $0xffff;
	_ =	sdelay $0x2  }
0x4c3: {  	s23 =	simm.s32 $0x1A90;
	[tilespmem:s6+$0x16600] =	vst v3  }
0x4c4: {  	v3 =	vld.idx.msk [tilespmem:v6+s23+$0x0], $0xffff  }
0x4c5: {  	[tilespmem:s29+$0x14700] =	vst v4  }
0x4c6: {  	v4 =	vld.idx.msk [tilespmem:v2+s15+$0x0], $0xffff  }
0x4c7: {  	s5 =	simm.s32 $0x6E20;
	s10 =	simm.s32 $0x20  }
0x4c8: {  	v5 =	vld [tilespmem:s5+$0x0];
	s11 =	sand.u32 $0x1F0, s10  }
0x4c9: {  	s31 =	simm.s32 $0x1BA0;
	v7 =	vld [tilespmem:s11+$0x7000];
	[tilespmem:s6+$0x16680] =	vst v3  }
0x4ca: {  	v3 =	vld.idx.msk [tilespmem:v6+s31+$0x0], $0xffff  }
0x4cb: {  	v8 =	vld [tilespmem:s11+$0x7200];
	[tilespmem:s29+$0x14780] =	vst v4  }
0x4cc: {  	v4 =	vld.idx.msk [tilespmem:v2+s3+$0x0], $0xffff;
	_ =	sdelay $0x1  }
0x4cd: {  	v5 =	vmul.u32 $0x15, v5;
	v9 =	vld [tilespmem:s11+$0x7400];
	v7 =	vmul.u32 $0x7, v7  }
0x4ce: {  	s3 =	simm.s32 $0x1CB0;
	[tilespmem:s6+$0x16700] =	vst v3  }
0x4cf: {  	v3 =	vadd.s32 v5, v7;
	v10 =	vld.idx.msk [tilespmem:v6+s3+$0x0], $0xffff  }
0x4d0: {  	[tilespmem:s29+$0x14800] =	vst v4;
	v3 =	vadd.s32 v8, v3  }
0x4d1: {  	v4 =	vld.idx.msk [tilespmem:v2+s2+$0x0], $0xffff;
	v3 =	vshll.u32 v3, $0x2  }
0x4d2: {  	vm12 =	veq.s32 v9, $0x0;
	v3 =	vor.u32 v0, v3  }
0x4d3: {  	v3 =	vsel vm12, v1, v3  }
0x4d4: {  	s12 =	simm.s32 $0x1DC0;
	[tilespmem:s6+$0x16780] =	vst v10  }
0x4d5: {  	v5 =	vld.idx.msk [tilespmem:v6+s12+$0x0], $0xffff  }
0x4d6: {  	[tilespmem:s29+$0x14880] =	vst v4  }
0x4d7: {  	v4 =	vld.idx.msk [tilespmem:v2+s1+$0x0], $0xffff  }
0x4d8: {  	s15 =	simm.s32 $0x30;
	v7 =	vld.idx.msk [tilespmem:v3+s20+$0x0], $0xffff  }
0x4d9: {  	s5 =	sand.u32 $0x1F0, s15  }
0x4da: {  	s13 =	simm.s32 $0x1ED0;
	s11 =	simm.s32 $0x100;
	v8 =	vld [tilespmem:s5+$0x7400];
	[tilespmem:s6+$0x16800] =	vst v5  }
0x4db: {  	s2 =	sand.u32 $0xC00, s11;
	s1 =	sand.u32 $0x70, s10;
	v5 =	vld.idx.msk [tilespmem:v6+s13+$0x0], $0xffff  }
0x4dc: {  	s30 =	sor.u32 s1, s2;
	[tilespmem:s29+$0x14900] =	vst v4  }
0x4dd: {  	s0 =	simm.s32 $0x110;
	v4 =	vld.idx.msk [tilespmem:v2+s9+$0x0], $0xffff;
	[tilespmem:s30+$0x13600] =	vst v7  }
0x4de: {  	v7 =	vld.idx.msk [tilespmem:v3+s0+$0x0], $0xffff;
	_ =	sdelay $0x1  }
0x4df: {  	s13 =	simm.s32 $0x1FE0;
	[tilespmem:s6+$0x16880] =	vst v5  }
0x4e0: {  	v5 =	vld.idx.msk [tilespmem:v6+s13+$0x0], $0xffff  }
0x4e1: {  	s12 =	sadd.s32 $0x13600, s30;
	[tilespmem:s29+$0x14980] =	vst v4  }
0x4e2: {  	s24 =	simm.s32 $0x220;
	v4 =	vld.idx.msk [tilespmem:v2+s14+$0x0], $0xffff;
	[tilespmem:s12+$0x80] =	vst v7  }
0x4e3: {  	v7 =	vld.idx.msk [tilespmem:v3+s24+$0x0], $0xffff;
	_ =	sdelay $0x1  }
0x4e4: {  	s14 =	simm.s32 $0x20F0;
	[tilespmem:s6+$0x16900] =	vst v5  }
0x4e5: {  	v5 =	vld.idx.msk [tilespmem:v6+s14+$0x0], $0xffff  }
0x4e6: {  	[tilespmem:s29+$0x15600] =	vst v4  }
0x4e7: {  	s25 =	simm.s32 $0x330;
	v4 =	vld.idx.msk [tilespmem:v2+s19+$0x0], $0xffff;
	[tilespmem:s12+$0x100] =	vst v7  }
0x4e8: {  	v7 =	vld.idx.msk [tilespmem:v3+s25+$0x0], $0xffff;
	_ =	sdelay $0x1  }
0x4e9: {  	s25 =	simm.s32 $0x2200;
	[tilespmem:s6+$0x16980] =	vst v5  }
0x4ea: {  	v5 =	vld.idx.msk [tilespmem:v6+s25+$0x0], $0xffff  }
0x4eb: {  	[tilespmem:s29+$0x15680] =	vst v4  }
0x4ec: {  	s26 =	simm.s32 $0x440;
	v4 =	vld.idx.msk [tilespmem:v2+s22+$0x0], $0xffff;
	[tilespmem:s12+$0x180] =	vst v7  }
0x4ed: {  	v7 =	vld.idx.msk [tilespmem:v3+s26+$0x0], $0xffff;
	_ =	sdelay $0x1  }
0x4ee: {  	s1 =	simm.s32 $0x2310;
	[tilespmem:s6+$0x17600] =	vst v5  }
0x4ef: {  	v5 =	vld.idx.msk [tilespmem:v6+s1+$0x0], $0xffff  }
0x4f0: {  	[tilespmem:s29+$0x15700] =	vst v4  }
0x4f1: {  	s28 =	simm.s32 $0x550;
	v4 =	vld.idx.msk [tilespmem:v2+s8+$0x0], $0xffff;
	[tilespmem:s12+$0x200] =	vst v7  }
0x4f2: {  	v7 =	vld.idx.msk [tilespmem:v3+s28+$0x0], $0xffff;
	_ =	sdelay $0x1  }
0x4f3: {  	s22 =	simm.s32 $0x2420;
	[tilespmem:s6+$0x17680] =	vst v5  }
0x4f4: {  	v5 =	vld.idx.msk [tilespmem:v6+s22+$0x0], $0xffff  }
0x4f5: {  	[tilespmem:s29+$0x15780] =	vst v4  }
0x4f6: {  	s9 =	simm.s32 $0x660;
	v4 =	vld.idx.msk [tilespmem:v2+s4+$0x0], $0xffff;
	[tilespmem:s12+$0x280] =	vst v7  }
0x4f7: {  	v7 =	vld.idx.msk [tilespmem:v3+s9+$0x0], $0xffff;
	_ =	sdelay $0x1  }
0x4f8: {  	s4 =	simm.s32 $0x2530;
	[tilespmem:s6+$0x17700] =	vst v5  }
0x4f9: {  	v5 =	vld.idx.msk [tilespmem:v6+s4+$0x0], $0xffff  }
0x4fa: {  	[tilespmem:s29+$0x15800] =	vst v4  }
0x4fb: {  	s2 =	simm.s32 $0x770;
	v4 =	vld.idx.msk [tilespmem:v2+s7+$0x0], $0xffff;
	[tilespmem:s12+$0x300] =	vst v7  }
0x4fc: {  	v7 =	vld.idx.msk [tilespmem:v3+s2+$0x0], $0xffff;
	_ =	sdelay $0x1  }
0x4fd: {  	s7 =	simm.s32 $0x2640;
	[tilespmem:s6+$0x17780] =	vst v5  }
0x4fe: {  	s10 =	sor.u32 s11, s10;
	v5 =	vld.idx.msk [tilespmem:v6+s7+$0x0], $0xffff  }
0x4ff: {  	s10 =	sor.u32 $0x380, s10;
	[tilespmem:s29+$0x15880] =	vst v4  }
0x500: {  	v4 =	vld.idx.msk [tilespmem:v2+s16+$0x0], $0xffff;
	[tilespmem:s10+$0x13600] =	vst v7  }
0x501: {  	v7 =	vld.idx.msk [tilespmem:v3+s21+$0x0], $0xffff;
	_ =	sdelay $0x1  }
0x502: {  	s8 =	simm.s32 $0x2750;
	[tilespmem:s6+$0x17800] =	vst v5  }
0x503: {  	v5 =	vld.idx.msk [tilespmem:v6+s8+$0x0], $0xffff  }
0x504: {  	[tilespmem:s29+$0x15900] =	vst v4  }
0x505: {  	v4 =	vld.idx.msk [tilespmem:v2+s17+$0x0], $0xffff;
	[tilespmem:s30+$0x14600] =	vst v7;
	s17 =	simm.s32 $0x990  }
0x506: {  	v7 =	vld.idx.msk [tilespmem:v3+s17+$0x0], $0xffff;
	_ =	sdelay $0x1  }
0x507: {  	s17 =	simm.s32 $0x2860;
	[tilespmem:s6+$0x17880] =	vst v5  }
0x508: {  	v5 =	vld.idx.msk [tilespmem:v6+s17+$0x0], $0xffff  }
0x509: {  	[tilespmem:s29+$0x15980] =	vst v4  }
0x50a: {  	s19 =	simm.s32 $0xAA0;
	v4 =	vld.idx.msk [tilespmem:v2+s18+$0x0], $0xffff;
	[tilespmem:s30+$0x14680] =	vst v7  }
0x50b: {  	v7 =	vld.idx.msk [tilespmem:v3+s19+$0x0], $0xffff;
	_ =	sdelay $0x1  }
0x50c: {  	s9 =	simm.s32 $0x2970;
	[tilespmem:s6+$0x17900] =	vst v5  }
0x50d: {  	v5 =	vld.idx.msk [tilespmem:v6+s9+$0x0], $0xffff  }
0x50e: {  	[tilespmem:s29+$0x16600] =	vst v4  }
0x50f: {  	s24 =	simm.s32 $0xBB0;
	v4 =	vld.idx.msk [tilespmem:v2+s23+$0x0], $0xffff;
	[tilespmem:s30+$0x14700] =	vst v7  }
0x510: {  	v7 =	vld.idx.msk [tilespmem:v3+s24+$0x0], $0xffff;
	_ =	sdelay $0x1  }
0x511: {  	v10 =	vld [tilespmem:s5+$0x7000];
	s16 =	simm.s32 $0x2A80;
	[tilespmem:s6+$0x17980] =	vst v5  }
0x512: {  	s26 =	simm.s32 $0x6E30;
	v5 =	vld.idx.msk [tilespmem:v6+s16+$0x0], $0xffff  }
0x513: {  	v9 =	vld [tilespmem:s26+$0x0];
	[tilespmem:s29+$0x16680] =	vst v4  }
0x514: {  	s12 =	simm.s32 $0xCC0;
	v4 =	vld.idx.msk [tilespmem:v2+s31+$0x0], $0xffff;
	[tilespmem:s30+$0x14780] =	vst v7  }
0x515: {  	v7 =	vld.idx.msk [tilespmem:v3+s12+$0x0], $0xffff  }
0x516: {  	v11 =	vld [tilespmem:s5+$0x7200]  }
0x517: {  	s28 =	simm.s32 $0x2B90;
	[tilespmem:s6+$0x18600] =	vst v5  }
0x518: {  	v10 =	vmul.u32 $0x7, v10;
	v9 =	vmul.u32 $0x15, v9;
	v5 =	vld.idx.msk [tilespmem:v6+s28+$0x0], $0xffff  }
0x519: {  	[tilespmem:s29+$0x16700] =	vst v4  }
0x51a: {  	v4 =	vadd.s32 v9, v10;
	v9 =	vld.idx.msk [tilespmem:v2+s3+$0x0], $0xffff;
	[tilespmem:s30+$0x14800] =	vst v7;
	s3 =	simm.s32 $0xDD0  }
0x51b: {  	v4 =	vadd.s32 v11, v4;
	v7 =	vld.idx.msk [tilespmem:v3+s3+$0x0], $0xffff  }
0x51c: {  	v4 =	vshll.u32 v4, $0x2  }
0x51d: {  	vm13 =	veq.s32 v8, $0x0;
	s18 =	simm.s32 $0x2CA0;
	v4 =	vor.u32 v0, v4;
	[tilespmem:s6+$0x18680] =	vst v5  }
0x51e: {  	v4 =	vsel vm13, v1, v4;
	v5 =	vld.idx.msk [tilespmem:v6+s18+$0x0], $0xffff  }
0x51f: {  	s23 =	simm.s32 $0x1DC0;
	[tilespmem:s29+$0x16780] =	vst v9  }
0x520: {  	s19 =	simm.s32 $0xEE0;
	v8 =	vld.idx.msk [tilespmem:v2+s23+$0x0], $0xffff;
	[tilespmem:s30+$0x14880] =	vst v7  }
0x521: {  	v7 =	vld.idx.msk [tilespmem:v3+s19+$0x0], $0xffff;
	_ =	sdelay $0x1  }
0x522: {  	s26 =	simm.s32 $0x2DB0;
	v9 =	vld.idx.msk [tilespmem:v4+s20+$0x0], $0xffff;
	[tilespmem:s6+$0x18700] =	vst v5  }
0x523: {  	s5 =	simm.s32 $0x180;
	v5 =	vld.idx.msk [tilespmem:v6+s26+$0x0], $0xffff  }
0x524: {  	s11 =	sand.u32 $0xC00, s5;
	s10 =	sand.u32 $0x70, s15;
	s24 =	simm.s32 $0x1ED0;
	[tilespmem:s29+$0x16800] =	vst v8  }
0x525: {  	s31 =	sor.u32 s10, s11;
	s11 =	simm.s32 $0xFF0;
	v8 =	vld.idx.msk [tilespmem:v2+s24+$0x0], $0xffff;
	[tilespmem:s30+$0x14900] =	vst v7  }
0x526: {  	v7 =	vld.idx.msk [tilespmem:v3+s11+$0x0], $0xffff  }
0x527: {  	[tilespmem:s31+$0x13600] =	vst v9  }
0x528: {  	s10 =	simm.s32 $0x2EC0;
	v9 =	vld.idx.msk [tilespmem:v4+s0+$0x0], $0xffff;
	[tilespmem:s6+$0x18780] =	vst v5  }
0x529: {  	v5 =	vld.idx.msk [tilespmem:v6+s10+$0x0], $0xffff  }
0x52a: {  	[tilespmem:s29+$0x16880] =	vst v8  }
0x52b: {  	v8 =	vld.idx.msk [tilespmem:v2+s13+$0x0], $0xffff;
	[tilespmem:s30+$0x14980] =	vst v7;
	s13 =	simm.s32 $0x1100  }
0x52c: {  	s10 =	sadd.s32 $0x13600, s31;
	v7 =	vld.idx.msk [tilespmem:v3+s13+$0x0], $0xffff  }
0x52d: {  	s11 =	simm.s32 $0x220;
	[tilespmem:s10+$0x80] =	vst v9  }
0x52e: {  	v9 =	vld.idx.msk [tilespmem:v4+s11+$0x0], $0xffff;
	s11 =	simm.s32 $0x2FD0;
	[tilespmem:s6+$0x18800] =	vst v5  }
0x52f: {  	v5 =	vld.idx.msk [tilespmem:v6+s11+$0x0], $0xffff  }
0x530: {  	[tilespmem:s29+$0x16900] =	vst v8  }
0x531: {  	v8 =	vld.idx.msk [tilespmem:v2+s14+$0x0], $0xffff;
	[tilespmem:s30+$0x15600] =	vst v7;
	s14 =	simm.s32 $0x1210  }
0x532: {  	v7 =	vld.idx.msk [tilespmem:v3+s14+$0x0], $0xffff  }
0x533: {  	s11 =	simm.s32 $0x330;
	[tilespmem:s10+$0x100] =	vst v9  }
0x534: {  	s14 =	simm.s32 $0x30E0;
	v9 =	vld.idx.msk [tilespmem:v4+s11+$0x0], $0xffff;
	[tilespmem:s6+$0x18880] =	vst v5  }
0x535: {  	v5 =	vld.idx.msk [tilespmem:v6+s14+$0x0], $0xffff  }
0x536: {  	[tilespmem:s29+$0x16980] =	vst v8  }
0x537: {  	s14 =	simm.s32 $0x1320;
	v8 =	vld.idx.msk [tilespmem:v2+s25+$0x0], $0xffff;
	[tilespmem:s30+$0x15680] =	vst v7  }
0x538: {  	v7 =	vld.idx.msk [tilespmem:v3+s14+$0x0], $0xffff  }
0x539: {  	s25 =	simm.s32 $0x440;
	[tilespmem:s10+$0x180] =	vst v9  }
0x53a: {  	v9 =	vld.idx.msk [tilespmem:v4+s25+$0x0], $0xffff;
	s25 =	simm.s32 $0x31F0;
	[tilespmem:s6+$0x18900] =	vst v5  }
0x53b: {  	v5 =	vld.idx.msk [tilespmem:v6+s25+$0x0], $0xffff  }
0x53c: {  	[tilespmem:s29+$0x17600] =	vst v8  }
0x53d: {  	v8 =	vld.idx.msk [tilespmem:v2+s1+$0x0], $0xffff;
	[tilespmem:s30+$0x15700] =	vst v7;
	s1 =	simm.s32 $0x1430  }
0x53e: {  	v7 =	vld.idx.msk [tilespmem:v3+s1+$0x0], $0xffff  }
0x53f: {  	s11 =	simm.s32 $0x550;
	[tilespmem:s10+$0x200] =	vst v9  }
0x540: {  	v9 =	vld.idx.msk [tilespmem:v4+s11+$0x0], $0xffff;
	s11 =	simm.s32 $0x3300;
	[tilespmem:s6+$0x18980] =	vst v5  }
0x541: {  	v5 =	vld.idx.msk [tilespmem:v6+s11+$0x0], $0xffff  }
0x542: {  	[tilespmem:s29+$0x17680] =	vst v8  }
0x543: {  	v8 =	vld.idx.msk [tilespmem:v2+s22+$0x0], $0xffff;
	[tilespmem:s30+$0x15780] =	vst v7;
	s22 =	simm.s32 $0x1540  }
0x544: {  	v7 =	vld.idx.msk [tilespmem:v3+s22+$0x0], $0xffff  }
0x545: {  	s11 =	simm.s32 $0x660;
	[tilespmem:s10+$0x280] =	vst v9  }
0x546: {  	v9 =	vld.idx.msk [tilespmem:v4+s11+$0x0], $0xffff;
	s11 =	simm.s32 $0x3410;
	[tilespmem:s6+$0x19600] =	vst v5  }
0x547: {  	v5 =	vld.idx.msk [tilespmem:v6+s11+$0x0], $0xffff  }
0x548: {  	[tilespmem:s29+$0x17700] =	vst v8  }
0x549: {  	v8 =	vld.idx.msk [tilespmem:v2+s4+$0x0], $0xffff;
	[tilespmem:s30+$0x15800] =	vst v7;
	s4 =	simm.s32 $0x1650  }
0x54a: {  	v7 =	vld.idx.msk [tilespmem:v3+s4+$0x0], $0xffff  }
0x54b: {  	[tilespmem:s10+$0x300] =	vst v9  }
0x54c: {  	v9 =	vld.idx.msk [tilespmem:v4+s2+$0x0], $0xffff;
	s2 =	simm.s32 $0x3520;
	[tilespmem:s6+$0x19680] =	vst v5  }
0x54d: {  	v5 =	vld.idx.msk [tilespmem:v6+s2+$0x0], $0xffff  }
0x54e: {  	[tilespmem:s29+$0x17780] =	vst v8  }
0x54f: {  	s5 =	sor.u32 s5, s15;
	v8 =	vld.idx.msk [tilespmem:v2+s7+$0x0], $0xffff;
	[tilespmem:s30+$0x15880] =	vst v7;
	s7 =	simm.s32 $0x1760  }
0x550: {  	s0 =	sor.u32 $0x380, s5;
	v7 =	vld.idx.msk [tilespmem:v3+s7+$0x0], $0xffff  }
0x551: {  	[tilespmem:s0+$0x13600] =	vst v9  }
0x552: {  	s7 =	simm.s32 $0x3630;
	v9 =	vld.idx.msk [tilespmem:v4+s21+$0x0], $0xffff;
	[tilespmem:s6+$0x19700] =	vst v5  }
0x553: {  	v5 =	vld.idx.msk [tilespmem:v6+s7+$0x0], $0xffff  }
0x554: {  	[tilespmem:s29+$0x17800] =	vst v8  }
0x555: {  	v8 =	vld.idx.msk [tilespmem:v2+s8+$0x0], $0xffff;
	[tilespmem:s30+$0x15900] =	vst v7;
	s8 =	simm.s32 $0x1870  }
0x556: {  	v7 =	vld.idx.msk [tilespmem:v3+s8+$0x0], $0xffff  }
0x557: {  	s10 =	simm.s32 $0x990;
	[tilespmem:s31+$0x14600] =	vst v9  }
0x558: {  	s15 =	simm.s32 $0x3740;
	v9 =	vld.idx.msk [tilespmem:v4+s10+$0x0], $0xffff;
	[tilespmem:s6+$0x19780] =	vst v5  }
0x559: {  	v5 =	vld.idx.msk [tilespmem:v6+s15+$0x0], $0xffff  }
0x55a: {  	[tilespmem:s29+$0x17880] =	vst v8  }
0x55b: {  	s11 =	simm.s32 $0x1980;
	v8 =	vld.idx.msk [tilespmem:v2+s17+$0x0], $0xffff;
	[tilespmem:s30+$0x15980] =	vst v7  }
0x55c: {  	v7 =	vld.idx.msk [tilespmem:v3+s11+$0x0], $0xffff  }
0x55d: {  	s17 =	simm.s32 $0xAA0;
	[tilespmem:s31+$0x14680] =	vst v9  }
0x55e: {  	v9 =	vld.idx.msk [tilespmem:v4+s17+$0x0], $0xffff;
	s17 =	simm.s32 $0x3850;
	[tilespmem:s6+$0x19800] =	vst v5  }
0x55f: {  	v5 =	vld.idx.msk [tilespmem:v6+s17+$0x0], $0xffff  }
0x560: {  	[tilespmem:s29+$0x17900] =	vst v8  }
0x561: {  	s5 =	simm.s32 $0x1A90;
	v8 =	vld.idx.msk [tilespmem:v2+s9+$0x0], $0xffff;
	[tilespmem:s30+$0x16600] =	vst v7  }
0x562: {  	s9 =	simm.s32 $0x6E40;
	v7 =	vld.idx.msk [tilespmem:v3+s5+$0x0], $0xffff  }
0x563: {  	s8 =	simm.s32 $0xBB0;
	[tilespmem:s31+$0x14700] =	vst v9;
	v10 =	vld [tilespmem:s9+$0x0]  }
0x564: {  	s5 =	simm.s32 $0x40;
	v9 =	vld.idx.msk [tilespmem:v4+s8+$0x0], $0xffff;
	s8 =	simm.s32 $0x3960;
	[tilespmem:s6+$0x19880] =	vst v5  }
0x565: {  	s10 =	sand.u32 $0x1F0, s5;
	v5 =	vld.idx.msk [tilespmem:v6+s8+$0x0], $0xffff  }
0x566: {  	v11 =	vld [tilespmem:s10+$0x7000];
	[tilespmem:s29+$0x17980] =	vst v8  }
0x567: {  	s11 =	simm.s32 $0x1BA0;
	v8 =	vld.idx.msk [tilespmem:v2+s16+$0x0], $0xffff;
	[tilespmem:s30+$0x16680] =	vst v7  }
0x568: {  	v7 =	vld.idx.msk [tilespmem:v3+s11+$0x0], $0xffff  }
0x569: {  	v12 =	vld [tilespmem:s10+$0x7200];
	[tilespmem:s31+$0x14780] =	vst v9  }
0x56a: {  	s9 =	simm.s32 $0x3A70;
	v9 =	vld.idx.msk [tilespmem:v4+s12+$0x0], $0xffff;
	[tilespmem:s6+$0x19900] =	vst v5  }
0x56b: {  	v5 =	vld.idx.msk [tilespmem:v6+s9+$0x0], $0xffff  }
0x56c: {  	v13 =	vld [tilespmem:s10+$0x7400];
	[tilespmem:s29+$0x18600] =	vst v8  }
0x56d: {  	v10 =	vmul.u32 $0x15, v10;
	s16 =	simm.s32 $0x1CB0;
	v11 =	vmul.u32 $0x7, v11;
	v8 =	vld.idx.msk [tilespmem:v2+s28+$0x0], $0xffff;
	[tilespmem:s30+$0x16700] =	vst v7  }
0x56e: {  	v7 =	vld.idx.msk [tilespmem:v3+s16+$0x0], $0xffff  }
0x56f: {  	[tilespmem:s31+$0x14800] =	vst v9;
	v9 =	vadd.s32 v10, v11  }
0x570: {  	s28 =	simm.s32 $0x3B80;
	v10 =	vld.idx.msk [tilespmem:v4+s3+$0x0], $0xffff;
	[tilespmem:s6+$0x19980] =	vst v5;
	v5 =	vadd.s32 v12, v9  }
0x571: {  	v9 =	vld.idx.msk [tilespmem:v6+s28+$0x0], $0xffff;
	v5 =	vshll.u32 v5, $0x2  }
0x572: {  	vm14 =	veq.s32 v13, $0x0;
	[tilespmem:s29+$0x18680] =	vst v8;
	v5 =	vor.u32 v0, v5  }
0x573: {  	v8 =	vld.idx.msk [tilespmem:v2+s18+$0x0], $0xffff;
	[tilespmem:s30+$0x16780] =	vst v7;
	v5 =	vsel vm14, v1, v5  }
0x574: {  	v7 =	vld.idx.msk [tilespmem:v3+s23+$0x0], $0xffff  }
0x575: {  	[tilespmem:s31+$0x14880] =	vst v10  }
0x576: {  	s3 =	simm.s32 $0x3C90;
	v10 =	vld.idx.msk [tilespmem:v4+s19+$0x0], $0xffff;
	[tilespmem:s6+$0x1A600] =	vst v9  }
0x577: {  	v9 =	vld.idx.msk [tilespmem:v6+s3+$0x0], $0xffff  }
0x578: {  	[tilespmem:s29+$0x18700] =	vst v8;
	v11 =	vld.idx.msk [tilespmem:v5+s20+$0x0], $0xffff  }
0x579: {  	v8 =	vld.idx.msk [tilespmem:v2+s26+$0x0], $0xffff;
	[tilespmem:s30+$0x16800] =	vst v7  }
0x57a: {  	s10 =	simm.s32 $0x200;
	v7 =	vld.idx.msk [tilespmem:v3+s24+$0x0], $0xffff  }
0x57b: {  	s18 =	sand.u32 $0x70, s5;
	s23 =	simm.s32 $0xFF0;
	s19 =	sand.u32 $0xC00, s10;
	[tilespmem:s31+$0x14900] =	vst v10  }
0x57c: {  	s16 =	simm.s32 $0x3DA0;
	s0 =	sor.u32 s18, s19;
	v10 =	vld.idx.msk [tilespmem:v4+s23+$0x0], $0xffff;
	[tilespmem:s6+$0x1A680] =	vst v9  }
0x57d: {  	s24 =	simm.s32 $0x110;
	[tilespmem:s0+$0x13600] =	vst v11;
	v9 =	vld.idx.msk [tilespmem:v6+s16+$0x0], $0xffff  }
0x57e: {  	s18 =	simm.s32 $0x2EC0;
	[tilespmem:s29+$0x18780] =	vst v8;
	v11 =	vld.idx.msk [tilespmem:v5+s24+$0x0], $0xffff  }
0x57f: {  	s19 =	simm.s32 $0x1FE0;
	v8 =	vld.idx.msk [tilespmem:v2+s18+$0x0], $0xffff;
	[tilespmem:s30+$0x16880] =	vst v7  }
0x580: {  	v7 =	vld.idx.msk [tilespmem:v3+s19+$0x0], $0xffff  }
0x581: {  	[tilespmem:s31+$0x14980] =	vst v10  }
0x582: {  	s11 =	sadd.s32 $0x13600, s0;
	s18 =	simm.s32 $0x3EB0;
	v10 =	vld.idx.msk [tilespmem:v4+s13+$0x0], $0xffff;
	[tilespmem:s6+$0x1A700] =	vst v9  }
0x583: {  	s23 =	simm.s32 $0x220;
	[tilespmem:s11+$0x80] =	vst v11;
	v9 =	vld.idx.msk [tilespmem:v6+s18+$0x0], $0xffff  }
0x584: {  	s24 =	simm.s32 $0x2FD0;
	[tilespmem:s29+$0x18800] =	vst v8;
	v11 =	vld.idx.msk [tilespmem:v5+s23+$0x0], $0xffff  }
0x585: {  	s19 =	simm.s32 $0x20F0;
	v8 =	vld.idx.msk [tilespmem:v2+s24+$0x0], $0xffff;
	[tilespmem:s30+$0x16900] =	vst v7  }
0x586: {  	v7 =	vld.idx.msk [tilespmem:v3+s19+$0x0], $0xffff  }
0x587: {  	s23 =	simm.s32 $0x1210;
	[tilespmem:s31+$0x15600] =	vst v10  }
0x588: {  	v10 =	vld.idx.msk [tilespmem:v4+s23+$0x0], $0xffff;
	s23 =	simm.s32 $0x3FC0;
	[tilespmem:s6+$0x1A780] =	vst v9  }
0x589: {  	s24 =	simm.s32 $0x330;
	[tilespmem:s11+$0x100] =	vst v11;
	v9 =	vld.idx.msk [tilespmem:v6+s23+$0x0], $0xffff  }
0x58a: {  	s19 =	simm.s32 $0x30E0;
	[tilespmem:s29+$0x18880] =	vst v8;
	v11 =	vld.idx.msk [tilespmem:v5+s24+$0x0], $0xffff  }
0x58b: {  	v8 =	vld.idx.msk [tilespmem:v2+s19+$0x0], $0xffff;
	[tilespmem:s30+$0x16980] =	vst v7;
	s24 =	simm.s32 $0x2200  }
0x58c: {  	v7 =	vld.idx.msk [tilespmem:v3+s24+$0x0], $0xffff  }
0x58d: {  	[tilespmem:s31+$0x15680] =	vst v10  }
0x58e: {  	s19 =	simm.s32 $0x40D0;
	v10 =	vld.idx.msk [tilespmem:v4+s14+$0x0], $0xffff;
	[tilespmem:s6+$0x1A800] =	vst v9  }
0x58f: {  	s14 =	simm.s32 $0x440;
	[tilespmem:s11+$0x180] =	vst v11;
	v9 =	vld.idx.msk [tilespmem:v6+s19+$0x0], $0xffff  }
0x590: {  	[tilespmem:s29+$0x18900] =	vst v8;
	v11 =	vld.idx.msk [tilespmem:v5+s14+$0x0], $0xffff  }
0x591: {  	s24 =	simm.s32 $0x2310;
	v8 =	vld.idx.msk [tilespmem:v2+s25+$0x0], $0xffff;
	[tilespmem:s30+$0x17600] =	vst v7  }
0x592: {  	v7 =	vld.idx.msk [tilespmem:v3+s24+$0x0], $0xffff  }
0x593: {  	[tilespmem:s31+$0x15700] =	vst v10  }
0x594: {  	s24 =	simm.s32 $0x41E0;
	v10 =	vld.idx.msk [tilespmem:v4+s1+$0x0], $0xffff;
	[tilespmem:s6+$0x1A880] =	vst v9  }
0x595: {  	s25 =	simm.s32 $0x550;
	[tilespmem:s11+$0x200] =	vst v11;
	v9 =	vld.idx.msk [tilespmem:v6+s24+$0x0], $0xffff  }
0x596: {  	s13 =	simm.s32 $0x3300;
	[tilespmem:s29+$0x18980] =	vst v8;
	v11 =	vld.idx.msk [tilespmem:v5+s25+$0x0], $0xffff  }
0x597: {  	s14 =	simm.s32 $0x2420;
	v8 =	vld.idx.msk [tilespmem:v2+s13+$0x0], $0xffff;
	[tilespmem:s30+$0x17680] =	vst v7  }
0x598: {  	v7 =	vld.idx.msk [tilespmem:v3+s14+$0x0], $0xffff  }
0x599: {  	[tilespmem:s31+$0x15780] =	vst v10  }
0x59a: {  	s14 =	simm.s32 $0x42F0;
	v10 =	vld.idx.msk [tilespmem:v4+s22+$0x0], $0xffff;
	[tilespmem:s6+$0x1A900] =	vst v9  }
0x59b: {  	s22 =	simm.s32 $0x660;
	[tilespmem:s11+$0x280] =	vst v11;
	v9 =	vld.idx.msk [tilespmem:v6+s14+$0x0], $0xffff  }
0x59c: {  	s25 =	simm.s32 $0x3410;
	[tilespmem:s29+$0x19600] =	vst v8;
	v11 =	vld.idx.msk [tilespmem:v5+s22+$0x0], $0xffff  }
0x59d: {  	s13 =	simm.s32 $0x2530;
	v8 =	vld.idx.msk [tilespmem:v2+s25+$0x0], $0xffff;
	[tilespmem:s30+$0x17700] =	vst v7  }
0x59e: {  	v7 =	vld.idx.msk [tilespmem:v3+s13+$0x0], $0xffff  }
0x59f: {  	[tilespmem:s31+$0x15800] =	vst v10  }
0x5a0: {  	s1 =	simm.s32 $0x4400;
	v10 =	vld.idx.msk [tilespmem:v4+s4+$0x0], $0xffff;
	[tilespmem:s6+$0x1A980] =	vst v9  }
0x5a1: {  	s22 =	simm.s32 $0x770;
	[tilespmem:s11+$0x300] =	vst v11;
	v9 =	vld.idx.msk [tilespmem:v6+s1+$0x0], $0xffff  }
0x5a2: {  	[tilespmem:s29+$0x19680] =	vst v8;
	v11 =	vld.idx.msk [tilespmem:v5+s22+$0x0], $0xffff  }
0x5a3: {  	s25 =	simm.s32 $0x2640;
	v8 =	vld.idx.msk [tilespmem:v2+s2+$0x0], $0xffff;
	[tilespmem:s30+$0x17780] =	vst v7  }
0x5a4: {  	v7 =	vld.idx.msk [tilespmem:v3+s25+$0x0], $0xffff  }
0x5a5: {  	s5 =	sor.u32 s10, s5;
	s4 =	simm.s32 $0x1760;
	[tilespmem:s31+$0x15880] =	vst v10  }
0x5a6: {  	s5 =	sor.u32 $0x380, s5;
	s22 =	simm.s32 $0x4510;
	v10 =	vld.idx.msk [tilespmem:v4+s4+$0x0], $0xffff;
	[tilespmem:s6+$0x1B600] =	vst v9  }
0x5a7: {  	[tilespmem:s5+$0x13600] =	vst v11;
	v9 =	vld.idx.msk [tilespmem:v6+s22+$0x0], $0xffff  }
0x5a8: {  	[tilespmem:s29+$0x19700] =	vst v8;
	v11 =	vld.idx.msk [tilespmem:v5+s21+$0x0], $0xffff  }
0x5a9: {  	s5 =	simm.s32 $0x2750;
	v8 =	vld.idx.msk [tilespmem:v2+s7+$0x0], $0xffff;
	[tilespmem:s30+$0x17800] =	vst v7  }
0x5aa: {  	v7 =	vld.idx.msk [tilespmem:v3+s5+$0x0], $0xffff  }
0x5ab: {  	s7 =	simm.s32 $0x1870;
	[tilespmem:s31+$0x15900] =	vst v10  }
0x5ac: {  	s25 =	simm.s32 $0x4620;
	v10 =	vld.idx.msk [tilespmem:v4+s7+$0x0], $0xffff;
	[tilespmem:s6+$0x1B680] =	vst v9  }
0x5ad: {  	s10 =	simm.s32 $0x990;
	[tilespmem:s0+$0x14600] =	vst v11;
	v9 =	vld.idx.msk [tilespmem:v6+s25+$0x0], $0xffff  }
0x5ae: {  	[tilespmem:s29+$0x19780] =	vst v8;
	v11 =	vld.idx.msk [tilespmem:v5+s10+$0x0], $0xffff  }
0x5af: {  	s11 =	simm.s32 $0x2860;
	v8 =	vld.idx.msk [tilespmem:v2+s15+$0x0], $0xffff;
	[tilespmem:s30+$0x17880] =	vst v7  }
0x5b0: {  	s4 =	simm.s32 $0x6E50;
	v7 =	vld.idx.msk [tilespmem:v3+s11+$0x0], $0xffff  }
0x5b1: {  	s13 =	simm.s32 $0x1980;
	v12 =	vld [tilespmem:s4+$0x0];
	[tilespmem:s31+$0x15980] =	vst v10  }
0x5b2: {  	s7 =	simm.s32 $0x4730;
	v10 =	vld.idx.msk [tilespmem:v4+s13+$0x0], $0xffff;
	[tilespmem:s6+$0x1B700] =	vst v9  }
0x5b3: {  	s15 =	simm.s32 $0xAA0;
	[tilespmem:s0+$0x14680] =	vst v11;
	v9 =	vld.idx.msk [tilespmem:v6+s7+$0x0], $0xffff  }
0x5b4: {  	[tilespmem:s29+$0x19800] =	vst v8;
	v11 =	vld.idx.msk [tilespmem:v5+s15+$0x0], $0xffff  }
0x5b5: {  	s5 =	simm.s32 $0x2970;
	s13 =	simm.s32 $0x50;
	v8 =	vld.idx.msk [tilespmem:v2+s17+$0x0], $0xffff;
	[tilespmem:s30+$0x17900] =	vst v7  }
0x5b6: {  	s15 =	sand.u32 $0x1F0, s13;
	v7 =	vld.idx.msk [tilespmem:v3+s5+$0x0], $0xffff  }
0x5b7: {  	s10 =	simm.s32 $0x1A90;
	[tilespmem:s31+$0x16600] =	vst v10;
	v13 =	vld [tilespmem:s15+$0x7000]  }
0x5b8: {  	v10 =	vld.idx.msk [tilespmem:v4+s10+$0x0], $0xffff  }
0x5b9: {  	s17 =	simm.s32 $0x4840;
	v14 =	vld [tilespmem:s15+$0x7200];
	[tilespmem:s6+$0x1B780] =	vst v9  }
0x5ba: {  	s11 =	simm.s32 $0xBB0;
	[tilespmem:s0+$0x14700] =	vst v11;
	v9 =	vld.idx.msk [tilespmem:v6+s17+$0x0], $0xffff  }
0x5bb: {  	[tilespmem:s29+$0x19880] =	vst v8;
	v11 =	vld.idx.msk [tilespmem:v5+s11+$0x0], $0xffff  }
0x5bc: {  	s4 =	simm.s32 $0x2A80;
	v8 =	vld.idx.msk [tilespmem:v2+s8+$0x0], $0xffff;
	[tilespmem:s30+$0x17980] =	vst v7  }
0x5bd: {  	s8 =	simm.s32 $0x1BA0;
	v7 =	vld.idx.msk [tilespmem:v3+s4+$0x0], $0xffff;
	[tilespmem:s31+$0x16680] =	vst v10  }
0x5be: {  	v10 =	vld.idx.msk [tilespmem:v4+s8+$0x0], $0xffff  }
0x5bf: {  	v15 =	vld [tilespmem:s15+$0x7400];
	s10 =	simm.s32 $0x4950;
	[tilespmem:s6+$0x1B800] =	vst v9  }
0x5c0: {  	s11 =	simm.s32 $0xCC0;
	[tilespmem:s0+$0x14780] =	vst v11;
	v9 =	vld.idx.msk [tilespmem:v6+s10+$0x0], $0xffff  }
0x5c1: {  	[tilespmem:s29+$0x19900] =	vst v8;
	v11 =	vld.idx.msk [tilespmem:v5+s11+$0x0], $0xffff  }
0x5c2: {  	s12 =	simm.s32 $0x2B90;
	v8 =	vld.idx.msk [tilespmem:v2+s9+$0x0], $0xffff;
	[tilespmem:s30+$0x18600] =	vst v7  }
0x5c3: {  	s10 =	simm.s32 $0x60;
	v7 =	vld.idx.msk [tilespmem:v3+s12+$0x0], $0xffff;
	[tilespmem:s31+$0x16700] =	vst v10;
	v10 =	vmul.u32 $0x15, v12;
	v12 =	vmul.u32 $0x7, v13;
	s12 =	simm.s32 $0x1CB0  }
0x5c4: {  	v13 =	vld.idx.msk [tilespmem:v4+s12+$0x0], $0xffff;
	s12 =	sand.u32 $0x1F0, s10  }
0x5c5: {  	s15 =	simm.s32 $0x4A60;
	v10 =	vadd.s32 v10, v12;
	v12 =	vld [tilespmem:s12+$0x7400];
	[tilespmem:s6+$0x1B880] =	vst v9  }
0x5c6: {  	s4 =	simm.s32 $0xDD0;
	[tilespmem:s0+$0x14800] =	vst v11;
	v9 =	vld.idx.msk [tilespmem:v6+s15+$0x0], $0xffff  }
0x5c7: {  	[tilespmem:s29+$0x19980] =	vst v8;
	v8 =	vadd.s32 v14, v10;
	v16 =	vld.idx.msk [tilespmem:v5+s4+$0x0], $0xffff  }
0x5c8: {  	v10 =	vld.idx.msk [tilespmem:v2+s28+$0x0], $0xffff;
	v8 =	vshll.u32 v8, $0x2  }
0x5c9: {  	s5 =	simm.s32 $0x2CA0;
	vm15 =	veq.s32 v15, $0x0;
	v24 =	vld [tilespmem:s12+$0x7000];
	[tilespmem:s30+$0x18680] =	vst v7;
	v7 =	vor.u32 v0, v8  }
0x5ca: {  	s8 =	simm.s32 $0x1DC0;
	v8 =	vld.idx.msk [tilespmem:v3+s5+$0x0], $0xffff;
	[tilespmem:s31+$0x16780] =	vst v13;
	v11 =	vsel vm15, v1, v7  }
0x5cb: {  	s9 =	simm.s32 $0x4B70;
	v7 =	vld.idx.msk [tilespmem:v4+s8+$0x0], $0xffff;
	[tilespmem:s6+$0x1B900] =	vst v9  }
0x5cc: {  	s11 =	simm.s32 $0xEE0;
	[tilespmem:s0+$0x14880] =	vst v16;
	v9 =	vld.idx.msk [tilespmem:v6+s9+$0x0], $0xffff  }
0x5cd: {  	[tilespmem:s29+$0x1A600] =	vst v10;
	v13 =	vld.idx.msk [tilespmem:v5+s11+$0x0], $0xffff  }
0x5ce: {  	v10 =	vld.idx.msk [tilespmem:v2+s3+$0x0], $0xffff  }
0x5cf: {  	s26 =	simm.s32 $0x2DB0;
	[tilespmem:s30+$0x18700] =	vst v8;
	v14 =	vld.idx.msk [tilespmem:v11+s20+$0x0], $0xffff  }
0x5d0: {  	s15 =	simm.s32 $0x1ED0;
	v8 =	vld.idx.msk [tilespmem:v3+s26+$0x0], $0xffff;
	[tilespmem:s31+$0x16800] =	vst v7  }
0x5d1: {  	s4 =	simm.s32 $0x4C80;
	s11 =	simm.s32 $0x280;
	v7 =	vld.idx.msk [tilespmem:v4+s15+$0x0], $0xffff;
	[tilespmem:s6+$0x1B980] =	vst v9  }
0x5d2: {  	s8 =	simm.s32 $0xFF0;
	s26 =	sand.u32 $0x70, s13;
	s3 =	sand.u32 $0xC00, s11;
	[tilespmem:s0+$0x14900] =	vst v13;
	v9 =	vld.idx.msk [tilespmem:v6+s4+$0x0], $0xffff  }
0x5d3: {  	s5 =	sor.u32 s26, s3;
	[tilespmem:s29+$0x1A680] =	vst v10;
	v13 =	vld.idx.msk [tilespmem:v5+s8+$0x0], $0xffff  }
0x5d4: {  	s9 =	simm.s32 $0x110;
	[tilespmem:s5+$0x13600] =	vst v14;
	v10 =	vld.idx.msk [tilespmem:v2+s16+$0x0], $0xffff  }
0x5d5: {  	s15 =	simm.s32 $0x2EC0;
	[tilespmem:s30+$0x18780] =	vst v8;
	v14 =	vld.idx.msk [tilespmem:v11+s9+$0x0], $0xffff  }
0x5d6: {  	s16 =	simm.s32 $0x1FE0;
	v8 =	vld.idx.msk [tilespmem:v3+s15+$0x0], $0xffff;
	[tilespmem:s31+$0x16880] =	vst v7  }
0x5d7: {  	s26 =	simm.s32 $0x4D90;
	v7 =	vld.idx.msk [tilespmem:v4+s16+$0x0], $0xffff;
	[tilespmem:s6+$0x1C600] =	vst v9  }
0x5d8: {  	s3 =	simm.s32 $0x1100;
	[tilespmem:s0+$0x14980] =	vst v13;
	v9 =	vld.idx.msk [tilespmem:v6+s26+$0x0], $0xffff  }
0x5d9: {  	s15 =	sadd.s32 $0x13600, s5;
	[tilespmem:s29+$0x1A700] =	vst v10;
	v13 =	vld.idx.msk [tilespmem:v5+s3+$0x0], $0xffff  }
0x5da: {  	s4 =	simm.s32 $0x220;
	[tilespmem:s15+$0x80] =	vst v14;
	v10 =	vld.idx.msk [tilespmem:v2+s18+$0x0], $0xffff  }
0x5db: {  	s8 =	simm.s32 $0x2FD0;
	[tilespmem:s30+$0x18800] =	vst v8;
	v14 =	vld.idx.msk [tilespmem:v11+s4+$0x0], $0xffff  }
0x5dc: {  	s9 =	simm.s32 $0x20F0;
	v8 =	vld.idx.msk [tilespmem:v3+s8+$0x0], $0xffff;
	[tilespmem:s31+$0x16900] =	vst v7  }
0x5dd: {  	s16 =	simm.s32 $0x4EA0;
	v7 =	vld.idx.msk [tilespmem:v4+s9+$0x0], $0xffff;
	[tilespmem:s6+$0x1C680] =	vst v9  }
0x5de: {  	s18 =	simm.s32 $0x1210;
	[tilespmem:s0+$0x15600] =	vst v13;
	v9 =	vld.idx.msk [tilespmem:v6+s16+$0x0], $0xffff  }
0x5df: {  	[tilespmem:s29+$0x1A780] =	vst v10;
	v13 =	vld.idx.msk [tilespmem:v5+s18+$0x0], $0xffff  }
0x5e0: {  	s26 =	simm.s32 $0x330;
	[tilespmem:s15+$0x100] =	vst v14;
	v10 =	vld.idx.msk [tilespmem:v2+s23+$0x0], $0xffff  }
0x5e1: {  	s3 =	simm.s32 $0x30E0;
	[tilespmem:s30+$0x18880] =	vst v8;
	v14 =	vld.idx.msk [tilespmem:v11+s26+$0x0], $0xffff  }
0x5e2: {  	s4 =	simm.s32 $0x2200;
	v8 =	vld.idx.msk [tilespmem:v3+s3+$0x0], $0xffff;
	[tilespmem:s31+$0x16980] =	vst v7  }
0x5e3: {  	s8 =	simm.s32 $0x4FB0;
	v7 =	vld.idx.msk [tilespmem:v4+s4+$0x0], $0xffff;
	[tilespmem:s6+$0x1C700] =	vst v9  }
0x5e4: {  	s9 =	simm.s32 $0x1320;
	[tilespmem:s0+$0x15680] =	vst v13;
	v9 =	vld.idx.msk [tilespmem:v6+s8+$0x0], $0xffff  }
0x5e5: {  	[tilespmem:s29+$0x1A800] =	vst v10;
	v13 =	vld.idx.msk [tilespmem:v5+s9+$0x0], $0xffff  }
0x5e6: {  	s16 =	simm.s32 $0x440;
	[tilespmem:s15+$0x180] =	vst v14;
	v10 =	vld.idx.msk [tilespmem:v2+s19+$0x0], $0xffff  }
0x5e7: {  	s18 =	simm.s32 $0x31F0;
	[tilespmem:s30+$0x18900] =	vst v8;
	v14 =	vld.idx.msk [tilespmem:v11+s16+$0x0], $0xffff  }
0x5e8: {  	s19 =	simm.s32 $0x2310;
	v8 =	vld.idx.msk [tilespmem:v3+s18+$0x0], $0xffff;
	[tilespmem:s31+$0x17600] =	vst v7  }
0x5e9: {  	s23 =	simm.s32 $0x50C0;
	v7 =	vld.idx.msk [tilespmem:v4+s19+$0x0], $0xffff;
	[tilespmem:s6+$0x1C780] =	vst v9  }
0x5ea: {  	s26 =	simm.s32 $0x1430;
	[tilespmem:s0+$0x15700] =	vst v13;
	v9 =	vld.idx.msk [tilespmem:v6+s23+$0x0], $0xffff  }
0x5eb: {  	[tilespmem:s29+$0x1A880] =	vst v10;
	v13 =	vld.idx.msk [tilespmem:v5+s26+$0x0], $0xffff  }
0x5ec: {  	s3 =	simm.s32 $0x550;
	[tilespmem:s15+$0x200] =	vst v14;
	v10 =	vld.idx.msk [tilespmem:v2+s24+$0x0], $0xffff  }
0x5ed: {  	s4 =	simm.s32 $0x3300;
	[tilespmem:s30+$0x18980] =	vst v8;
	v14 =	vld.idx.msk [tilespmem:v11+s3+$0x0], $0xffff  }
0x5ee: {  	s8 =	simm.s32 $0x2420;
	v8 =	vld.idx.msk [tilespmem:v3+s4+$0x0], $0xffff;
	[tilespmem:s31+$0x17680] =	vst v7  }
0x5ef: {  	s9 =	simm.s32 $0x51D0;
	v7 =	vld.idx.msk [tilespmem:v4+s8+$0x0], $0xffff;
	[tilespmem:s6+$0x1C800] =	vst v9  }
0x5f0: {  	s16 =	simm.s32 $0x1540;
	[tilespmem:s0+$0x15780] =	vst v13;
	v9 =	vld.idx.msk [tilespmem:v6+s9+$0x0], $0xffff  }
0x5f1: {  	[tilespmem:s29+$0x1A900] =	vst v10;
	v13 =	vld.idx.msk [tilespmem:v5+s16+$0x0], $0xffff  }
0x5f2: {  	s18 =	simm.s32 $0x660;
	[tilespmem:s15+$0x280] =	vst v14;
	v10 =	vld.idx.msk [tilespmem:v2+s14+$0x0], $0xffff  }
0x5f3: {  	s19 =	simm.s32 $0x3410;
	[tilespmem:s30+$0x19600] =	vst v8;
	v14 =	vld.idx.msk [tilespmem:v11+s18+$0x0], $0xffff  }
0x5f4: {  	s23 =	simm.s32 $0x2530;
	v8 =	vld.idx.msk [tilespmem:v3+s19+$0x0], $0xffff;
	[tilespmem:s31+$0x17700] =	vst v7  }
0x5f5: {  	s24 =	simm.s32 $0x52E0;
	v7 =	vld.idx.msk [tilespmem:v4+s23+$0x0], $0xffff;
	[tilespmem:s6+$0x1C880] =	vst v9  }
0x5f6: {  	s26 =	simm.s32 $0x1650;
	[tilespmem:s0+$0x15800] =	vst v13;
	v9 =	vld.idx.msk [tilespmem:v6+s24+$0x0], $0xffff  }
0x5f7: {  	[tilespmem:s29+$0x1A980] =	vst v10;
	v13 =	vld.idx.msk [tilespmem:v5+s26+$0x0], $0xffff  }
0x5f8: {  	s3 =	simm.s32 $0x770;
	[tilespmem:s15+$0x300] =	vst v14;
	v10 =	vld.idx.msk [tilespmem:v2+s1+$0x0], $0xffff  }
0x5f9: {  	s4 =	simm.s32 $0x3520;
	[tilespmem:s30+$0x19680] =	vst v8;
	v14 =	vld.idx.msk [tilespmem:v11+s3+$0x0], $0xffff  }
0x5fa: {  	s8 =	simm.s32 $0x2640;
	v8 =	vld.idx.msk [tilespmem:v3+s4+$0x0], $0xffff;
	[tilespmem:s31+$0x17780] =	vst v7  }
0x5fb: {  	s9 =	simm.s32 $0x53F0;
	v7 =	vld.idx.msk [tilespmem:v4+s8+$0x0], $0xffff;
	[tilespmem:s6+$0x1C900] =	vst v9  }
0x5fc: {  	s13 =	sor.u32 s11, s13;
	s14 =	simm.s32 $0x1760;
	[tilespmem:s0+$0x15880] =	vst v13;
	v9 =	vld.idx.msk [tilespmem:v6+s9+$0x0], $0xffff  }
0x5fd: {  	s13 =	sor.u32 $0x380, s13;
	[tilespmem:s29+$0x1B600] =	vst v10;
	v13 =	vld.idx.msk [tilespmem:v5+s14+$0x0], $0xffff  }
0x5fe: {  	[tilespmem:s13+$0x13600] =	vst v14;
	v10 =	vld.idx.msk [tilespmem:v2+s22+$0x0], $0xffff  }
0x5ff: {  	s15 =	simm.s32 $0x3630;
	[tilespmem:s30+$0x19700] =	vst v8;
	v14 =	vld.idx.msk [tilespmem:v11+s21+$0x0], $0xffff  }
0x600: {  	s16 =	simm.s32 $0x2750;
	v8 =	vld.idx.msk [tilespmem:v3+s15+$0x0], $0xffff;
	[tilespmem:s31+$0x17800] =	vst v7  }
0x601: {  	s18 =	simm.s32 $0x5500;
	v7 =	vld.idx.msk [tilespmem:v4+s16+$0x0], $0xffff;
	[tilespmem:s6+$0x1C980] =	vst v9  }
0x602: {  	s19 =	simm.s32 $0x1870;
	[tilespmem:s0+$0x15900] =	vst v13;
	v9 =	vld.idx.msk [tilespmem:v6+s18+$0x0], $0xffff  }
0x603: {  	[tilespmem:s29+$0x1B680] =	vst v10;
	v13 =	vld.idx.msk [tilespmem:v5+s19+$0x0], $0xffff  }
0x604: {  	s21 =	simm.s32 $0x990;
	[tilespmem:s5+$0x14600] =	vst v14;
	v10 =	vld.idx.msk [tilespmem:v2+s25+$0x0], $0xffff  }
0x605: {  	s22 =	simm.s32 $0x3740;
	[tilespmem:s30+$0x19780] =	vst v8;
	v14 =	vld.idx.msk [tilespmem:v11+s21+$0x0], $0xffff  }
0x606: {  	s23 =	simm.s32 $0x2860;
	v8 =	vld.idx.msk [tilespmem:v3+s22+$0x0], $0xffff;
	[tilespmem:s31+$0x17880] =	vst v7  }
0x607: {  	s2 =	simm.s32 $0x5610;
	v7 =	vld.idx.msk [tilespmem:v4+s23+$0x0], $0xffff;
	[tilespmem:s6+$0x1D600] =	vst v9  }
0x608: {  	s3 =	simm.s32 $0x1980;
	[tilespmem:s0+$0x15980] =	vst v13;
	v9 =	vld.idx.msk [tilespmem:v6+s2+$0x0], $0xffff  }
0x609: {  	[tilespmem:s29+$0x1B700] =	vst v10;
	v13 =	vld.idx.msk [tilespmem:v5+s3+$0x0], $0xffff  }
0x60a: {  	[tilespmem:s5+$0x14680] =	vst v14;
	v10 =	vld.idx.msk [tilespmem:v2+s7+$0x0], $0xffff;
	s7 =	simm.s32 $0xAA0  }
0x60b: {  	s8 =	simm.s32 $0x3850;
	[tilespmem:s30+$0x19800] =	vst v8;
	v14 =	vld.idx.msk [tilespmem:v11+s7+$0x0], $0xffff  }
0x60c: {  	s9 =	simm.s32 $0x2970;
	v8 =	vld.idx.msk [tilespmem:v3+s8+$0x0], $0xffff;
	[tilespmem:s31+$0x17900] =	vst v7  }
0x60d: {  	s15 =	simm.s32 $0x5720;
	v7 =	vld.idx.msk [tilespmem:v4+s9+$0x0], $0xffff;
	[tilespmem:s6+$0x1D680] =	vst v9  }
0x60e: {  	s16 =	simm.s32 $0x1A90;
	[tilespmem:s0+$0x16600] =	vst v13;
	v9 =	vld.idx.msk [tilespmem:v6+s15+$0x0], $0xffff  }
0x60f: {  	s28 =	simm.s32 $0x5830;
	[tilespmem:s29+$0x1B780] =	vst v10;
	v13 =	vld.idx.msk [tilespmem:v5+s16+$0x0], $0xffff  }
0x610: {  	s24 =	simm.s32 $0x4620;
	s26 =	simm.s32 $0x1870;
	s13 =	simm.s32 $0x6E60;
	[tilespmem:s5+$0x14700] =	vst v14;
	v10 =	vld.idx.msk [tilespmem:v2+s17+$0x0], $0xffff  }
0x611: {  	s1 =	simm.s32 $0x3960;
	s4 =	simm.s32 $0x5610;
	v18 =	vld [tilespmem:s13+$0x0];
	s19 =	simm.s32 $0xBB0;
	[tilespmem:s30+$0x19880] =	vst v8  }
0x612: {  	s14 =	simm.s32 $0x2860;
	s18 =	simm.s32 $0x4730;
	s21 =	simm.s32 $0x3960;
	v14 =	vld.idx.msk [tilespmem:v11+s19+$0x0], $0xffff;
	[tilespmem:s31+$0x17980] =	vst v7  }
0x613: {  	s25 =	simm.s32 $0x3740;
	s22 =	simm.s32 $0x2970;
	s9 =	simm.s32 $0x2A80;
	v19 =	vld.idx.msk [tilespmem:v3+s21+$0x0], $0xffff;
	[tilespmem:s6+$0x1D700] =	vst v9  }
0x614: {  	s23 =	simm.s32 $0x1980;
	s2 =	simm.s32 $0x3850;
	s15 =	simm.s32 $0x5830;
	v7 =	vmov v11;
	v20 =	vld.idx.msk [tilespmem:v4+s9+$0x0], $0xffff;
	[tilespmem:s0+$0x16680] =	vst v13  }
0x615: {  	s3 =	simm.s32 $0x1BA0;
	s7 =	simm.s32 $0x5720;
	s17 =	simm.s32 $0x1BA0;
	v23 =	vld.idx.msk [tilespmem:v6+s15+$0x0], $0xffff;
	[tilespmem:s29+$0x1B800] =	vst v10;
	v10 =	vmov v3  }
0x616: {  	v15 =	vmov v11;
	s8 =	simm.s32 $0x1A90;
	s16 =	simm.s32 $0x4840;
	s21 =	simm.s32 $0x4950;
	v21 =	vld.idx.msk [tilespmem:v5+s17+$0x0], $0xffff  }
0x617: {  	v16 =	vmovc v5;
	v8 =	vmovc v5;
	s19 =	simm.s32 $0x2A80;
	v9 =	vmov v4;
	s15 =	simm.s32 $0x70;
	v13 =	vmov v3;
	[tilespmem:s5+$0x14780] =	vst v14;
	s17 =	simm.s32 $0x4950;
	v22 =	vld.idx.msk [tilespmem:v2+s21+$0x0], $0xffff;
	v14 =	vmov v2  }
.LBB2_5:
0x618: {  	v17 =	vmovc v3;
	v3 =	vmov v4;
	v4 =	vmov v5;
	v5 =	vmov v11;
	s9 =	simm.s32 $0xCC0  }
0x619: {  	p0 =	sne.s32 s15, $0x1F0;
	v11 =	vld.idx.msk [tilespmem:v7+s9+$0x0], $0xffff;
	[tilespmem:s30+$0x19900] =	vst v19;
	s9 =	simm.s32 $0x3A70  }
0x61a: {  	v19 =	vld.idx.msk [tilespmem:v10+s9+$0x0], $0xffff  }
0x61b: {  	s9 =	simm.s32 $0x2B90;
	v25 =	vld [tilespmem:s12+$0x7200];
	[tilespmem:s31+$0x18600] =	vst v20  }
0x61c: {  	s12 =	simm.s32 $0x5940;
	v20 =	vld.idx.msk [tilespmem:v9+s9+$0x0], $0xffff;
	[tilespmem:s6+$0x1D780] =	vst v23  }
0x61d: {  	s9 =	simm.s32 $0x1CB0;
	[tilespmem:s0+$0x16700] =	vst v21;
	v21 =	vld.idx.msk [tilespmem:v6+s12+$0x0], $0xffff  }
0x61e: {  	v18 =	vmul.u32 $0x15, v18;
	v23 =	vmul.u32 $0x7, v24;
	v24 =	vld.idx.msk [tilespmem:v8+s9+$0x0], $0xffff;
	[tilespmem:s29+$0x1B880] =	vst v22;
	s9 =	simm.s32 $0x4A60  }
0x61f: {  	[tilespmem:s5+$0x14800] =	vst v11;
	v22 =	vld.idx.msk [tilespmem:v2+s9+$0x0], $0xffff;
	s9 =	simm.s32 $0xDD0  }
0x620: {  	v11 =	vadd.s32 v18, v23;
	v18 =	vld.idx.msk [tilespmem:v7+s9+$0x0], $0xffff;
	[tilespmem:s30+$0x19980] =	vst v19;
	s9 =	simm.s32 $0x3B80  }
0x621: {  	s12 =	sand.u32 $0x1F0, s15;
	v11 =	vadd.s32 v25, v11;
	v19 =	vld.idx.msk [tilespmem:v10+s9+$0x0], $0xffff  }
0x622: {  	v11 =	vshll.u32 v11, $0x2;
	s9 =	simm.s32 $0x2CA0;
	v23 =	vld [tilespmem:s12+$0x7400];
	[tilespmem:s31+$0x18680] =	vst v20  }
0x623: {  	vm0 =	veq.s32 v12, $0x0;
	s21 =	simm.s32 $0x5A50;
	v11 =	vor.u32 v0, v11;
	v20 =	vld.idx.msk [tilespmem:v9+s9+$0x0], $0xffff;
	[tilespmem:s6+$0x1D800] =	vst v21  }
0x624: {  	v11 =	vsel vm0, v1, v11;
	s9 =	simm.s32 $0x1DC0;
	[tilespmem:s0+$0x16780] =	vst v24;
	v21 =	vld.idx.msk [tilespmem:v6+s21+$0x0], $0xffff  }
0x625: {  	v24 =	vld.idx.msk [tilespmem:v8+s9+$0x0], $0xffff;
	[tilespmem:s29+$0x1B900] =	vst v22;
	s9 =	simm.s32 $0x4B70  }
0x626: {  	[tilespmem:s5+$0x14880] =	vst v18;
	v18 =	vld.idx.msk [tilespmem:v2+s9+$0x0], $0xffff;
	s9 =	simm.s32 $0xEE0  }
0x627: {  	v22 =	vld.idx.msk [tilespmem:v7+s9+$0x0], $0xffff;
	[tilespmem:s30+$0x1A600] =	vst v19;
	v12 =	vmov v23;
	s9 =	simm.s32 $0x3C90  }
0x628: {  	v19 =	vld.idx.msk [tilespmem:v10+s9+$0x0], $0xffff  }
0x629: {  	s9 =	simm.s32 $0x2DB0;
	v23 =	vld.idx.msk [tilespmem:v11+s20+$0x0], $0xffff;
	[tilespmem:s31+$0x18700] =	vst v20  }
0x62a: {  	v20 =	vld.idx.msk [tilespmem:v9+s9+$0x0], $0xffff;
	[tilespmem:s6+$0x1D880] =	vst v21;
	s9 =	simm.s32 $0x5B60  }
0x62b: {  	[tilespmem:s0+$0x16800] =	vst v24;
	v21 =	vld.idx.msk [tilespmem:v6+s9+$0x0], $0xffff;
	s9 =	simm.s32 $0x1ED0  }
0x62c: {  	s11 =	sadd.s32 $0x80, s11;
	v24 =	vld.idx.msk [tilespmem:v8+s9+$0x0], $0xffff;
	[tilespmem:s29+$0x1B980] =	vst v18;
	s9 =	simm.s32 $0x4C80  }
0x62d: {  	s21 =	sand.u32 $0xC00, s11;
	s20 =	sand.u32 $0x70, s10;
	[tilespmem:s5+$0x14900] =	vst v22;
	v18 =	vld.idx.msk [tilespmem:v2+s9+$0x0], $0xffff;
	s9 =	simm.s32 $0xFF0  }
0x62e: {  	s20 =	sor.u32 s20, s21;
	v22 =	vld.idx.msk [tilespmem:v7+s9+$0x0], $0xffff;
	[tilespmem:s30+$0x1A680] =	vst v19;
	s9 =	simm.s32 $0x3DA0  }
0x62f: {  	[tilespmem:s20+$0x13600] =	vst v23;
	v19 =	vld.idx.msk [tilespmem:v10+s9+$0x0], $0xffff;
	s9 =	simm.s32 $0x110  }
0x630: {  	v23 =	vld.idx.msk [tilespmem:v11+s9+$0x0], $0xffff;
	[tilespmem:s31+$0x18780] =	vst v20;
	s9 =	simm.s32 $0x2EC0  }
0x631: {  	v20 =	vld.idx.msk [tilespmem:v9+s9+$0x0], $0xffff;
	[tilespmem:s6+$0x1D900] =	vst v21;
	s9 =	simm.s32 $0x5C70  }
0x632: {  	[tilespmem:s0+$0x16880] =	vst v24;
	v21 =	vld.idx.msk [tilespmem:v6+s9+$0x0], $0xffff;
	s9 =	simm.s32 $0x1FE0  }
0x633: {  	v24 =	vld.idx.msk [tilespmem:v8+s9+$0x0], $0xffff;
	[tilespmem:s29+$0x1C600] =	vst v18;
	s9 =	simm.s32 $0x4D90  }
0x634: {  	[tilespmem:s5+$0x14980] =	vst v22;
	v18 =	vld.idx.msk [tilespmem:v2+s9+$0x0], $0xffff;
	s9 =	simm.s32 $0x1100  }
0x635: {  	s21 =	sadd.s32 $0x13600, s20;
	v22 =	vld.idx.msk [tilespmem:v7+s9+$0x0], $0xffff;
	[tilespmem:s30+$0x1A700] =	vst v19;
	s9 =	simm.s32 $0x3EB0  }
0x636: {  	[tilespmem:s21+$0x80] =	vst v23;
	v19 =	vld.idx.msk [tilespmem:v10+s9+$0x0], $0xffff;
	s9 =	simm.s32 $0x220  }
0x637: {  	v23 =	vld.idx.msk [tilespmem:v11+s9+$0x0], $0xffff;
	[tilespmem:s31+$0x18800] =	vst v20;
	s9 =	simm.s32 $0x2FD0  }
0x638: {  	v20 =	vld.idx.msk [tilespmem:v9+s9+$0x0], $0xffff;
	[tilespmem:s6+$0x1D980] =	vst v21;
	s9 =	simm.s32 $0x5D80  }
0x639: {  	[tilespmem:s0+$0x16900] =	vst v24;
	v21 =	vld.idx.msk [tilespmem:v6+s9+$0x0], $0xffff;
	s9 =	simm.s32 $0x20F0  }
0x63a: {  	v24 =	vld.idx.msk [tilespmem:v8+s9+$0x0], $0xffff;
	[tilespmem:s29+$0x1C680] =	vst v18;
	s9 =	simm.s32 $0x4EA0  }
0x63b: {  	[tilespmem:s5+$0x15600] =	vst v22;
	v18 =	vld.idx.msk [tilespmem:v2+s9+$0x0], $0xffff;
	s9 =	simm.s32 $0x1210  }
0x63c: {  	v22 =	vld.idx.msk [tilespmem:v7+s9+$0x0], $0xffff;
	[tilespmem:s30+$0x1A780] =	vst v19;
	s9 =	simm.s32 $0x3FC0  }
0x63d: {  	[tilespmem:s21+$0x100] =	vst v23;
	v19 =	vld.idx.msk [tilespmem:v10+s9+$0x0], $0xffff;
	s9 =	simm.s32 $0x330  }
0x63e: {  	v23 =	vld.idx.msk [tilespmem:v11+s9+$0x0], $0xffff;
	[tilespmem:s31+$0x18880] =	vst v20;
	s9 =	simm.s32 $0x30E0  }
0x63f: {  	v20 =	vld.idx.msk [tilespmem:v9+s9+$0x0], $0xffff;
	[tilespmem:s6+$0x1E600] =	vst v21;
	s9 =	simm.s32 $0x5E90  }
0x640: {  	[tilespmem:s0+$0x16980] =	vst v24;
	v21 =	vld.idx.msk [tilespmem:v6+s9+$0x0], $0xffff;
	s9 =	simm.s32 $0x2200  }
0x641: {  	v24 =	vld.idx.msk [tilespmem:v8+s9+$0x0], $0xffff;
	[tilespmem:s29+$0x1C700] =	vst v18;
	s9 =	simm.s32 $0x4FB0  }
0x642: {  	[tilespmem:s5+$0x15680] =	vst v22;
	v18 =	vld.idx.msk [tilespmem:v2+s9+$0x0], $0xffff;
	s9 =	simm.s32 $0x1320  }
0x643: {  	v22 =	vld.idx.msk [tilespmem:v7+s9+$0x0], $0xffff;
	[tilespmem:s30+$0x1A800] =	vst v19;
	s9 =	simm.s32 $0x40D0  }
0x644: {  	[tilespmem:s21+$0x180] =	vst v23;
	v19 =	vld.idx.msk [tilespmem:v10+s9+$0x0], $0xffff;
	s9 =	simm.s32 $0x440  }
0x645: {  	v23 =	vld.idx.msk [tilespmem:v11+s9+$0x0], $0xffff;
	[tilespmem:s31+$0x18900] =	vst v20;
	s9 =	simm.s32 $0x31F0  }
0x646: {  	v20 =	vld.idx.msk [tilespmem:v9+s9+$0x0], $0xffff;
	[tilespmem:s6+$0x1E680] =	vst v21;
	s9 =	simm.s32 $0x5FA0  }
0x647: {  	[tilespmem:s0+$0x17600] =	vst v24;
	v21 =	vld.idx.msk [tilespmem:v6+s9+$0x0], $0xffff;
	s9 =	simm.s32 $0x2310  }
0x648: {  	v24 =	vld.idx.msk [tilespmem:v8+s9+$0x0], $0xffff;
	[tilespmem:s29+$0x1C780] =	vst v18;
	s9 =	simm.s32 $0x50C0  }
0x649: {  	[tilespmem:s5+$0x15700] =	vst v22;
	v18 =	vld.idx.msk [tilespmem:v2+s9+$0x0], $0xffff;
	s9 =	simm.s32 $0x1430  }
0x64a: {  	v22 =	vld.idx.msk [tilespmem:v7+s9+$0x0], $0xffff;
	[tilespmem:s30+$0x1A880] =	vst v19;
	s9 =	simm.s32 $0x41E0  }
0x64b: {  	[tilespmem:s21+$0x200] =	vst v23;
	v19 =	vld.idx.msk [tilespmem:v10+s9+$0x0], $0xffff;
	s9 =	simm.s32 $0x550  }
0x64c: {  	v23 =	vld.idx.msk [tilespmem:v11+s9+$0x0], $0xffff;
	[tilespmem:s31+$0x18980] =	vst v20;
	s9 =	simm.s32 $0x3300  }
0x64d: {  	v20 =	vld.idx.msk [tilespmem:v9+s9+$0x0], $0xffff;
	[tilespmem:s6+$0x1E700] =	vst v21;
	s9 =	simm.s32 $0x60B0  }
0x64e: {  	[tilespmem:s0+$0x17680] =	vst v24;
	v21 =	vld.idx.msk [tilespmem:v6+s9+$0x0], $0xffff;
	s9 =	simm.s32 $0x2420  }
0x64f: {  	v24 =	vld.idx.msk [tilespmem:v8+s9+$0x0], $0xffff;
	[tilespmem:s29+$0x1C800] =	vst v18;
	s9 =	simm.s32 $0x51D0  }
0x650: {  	[tilespmem:s5+$0x15780] =	vst v22;
	v18 =	vld.idx.msk [tilespmem:v2+s9+$0x0], $0xffff;
	s9 =	simm.s32 $0x1540  }
0x651: {  	v22 =	vld.idx.msk [tilespmem:v7+s9+$0x0], $0xffff;
	[tilespmem:s30+$0x1A900] =	vst v19;
	s9 =	simm.s32 $0x42F0  }
0x652: {  	[tilespmem:s21+$0x280] =	vst v23;
	v19 =	vld.idx.msk [tilespmem:v10+s9+$0x0], $0xffff;
	s9 =	simm.s32 $0x660  }
0x653: {  	v23 =	vld.idx.msk [tilespmem:v11+s9+$0x0], $0xffff;
	[tilespmem:s31+$0x19600] =	vst v20;
	s9 =	simm.s32 $0x3410  }
0x654: {  	v20 =	vld.idx.msk [tilespmem:v9+s9+$0x0], $0xffff;
	[tilespmem:s6+$0x1E780] =	vst v21;
	s9 =	simm.s32 $0x61C0  }
0x655: {  	[tilespmem:s0+$0x17700] =	vst v24;
	v21 =	vld.idx.msk [tilespmem:v6+s9+$0x0], $0xffff;
	s9 =	simm.s32 $0x2530  }
0x656: {  	v24 =	vld.idx.msk [tilespmem:v8+s9+$0x0], $0xffff;
	[tilespmem:s29+$0x1C880] =	vst v18;
	s9 =	simm.s32 $0x52E0  }
0x657: {  	[tilespmem:s5+$0x15800] =	vst v22;
	v18 =	vld.idx.msk [tilespmem:v2+s9+$0x0], $0xffff;
	s9 =	simm.s32 $0x1650  }
0x658: {  	v22 =	vld.idx.msk [tilespmem:v7+s9+$0x0], $0xffff;
	[tilespmem:s30+$0x1A980] =	vst v19;
	s9 =	simm.s32 $0x4400  }
0x659: {  	[tilespmem:s21+$0x300] =	vst v23;
	v19 =	vld.idx.msk [tilespmem:v10+s9+$0x0], $0xffff;
	s9 =	simm.s32 $0x770  }
0x65a: {  	v23 =	vld.idx.msk [tilespmem:v11+s9+$0x0], $0xffff;
	[tilespmem:s31+$0x19680] =	vst v20;
	s9 =	simm.s32 $0x3520  }
0x65b: {  	v20 =	vld.idx.msk [tilespmem:v9+s9+$0x0], $0xffff;
	[tilespmem:s6+$0x1E800] =	vst v21;
	s9 =	simm.s32 $0x62D0  }
0x65c: {  	[tilespmem:s0+$0x17780] =	vst v24;
	v21 =	vld.idx.msk [tilespmem:v6+s9+$0x0], $0xffff;
	s9 =	simm.s32 $0x2640  }
0x65d: {  	v24 =	vld.idx.msk [tilespmem:v8+s9+$0x0], $0xffff;
	[tilespmem:s29+$0x1C900] =	vst v18;
	s9 =	simm.s32 $0x53F0  }
0x65e: {  	s21 =	sor.u32 s11, s10;
	s10 =	smov.u32 s15;
	[tilespmem:s5+$0x15880] =	vst v22;
	v18 =	vld.idx.msk [tilespmem:v2+s9+$0x0], $0xffff;
	s9 =	simm.s32 $0x1760  }
0x65f: {  	s21 =	sor.u32 $0x380, s21;
	v22 =	vld.idx.msk [tilespmem:v7+s9+$0x0], $0xffff;
	[tilespmem:s30+$0x1B600] =	vst v19;
	s9 =	simm.s32 $0x4510  }
0x660: {  	[tilespmem:s21+$0x13600] =	vst v23;
	s21 =	simm.s32 $0x880;
	v19 =	vld.idx.msk [tilespmem:v10+s9+$0x0], $0xffff  }
0x661: {  	s9 =	simm.s32 $0x3630;
	v23 =	vld.idx.msk [tilespmem:v11+s21+$0x0], $0xffff;
	[tilespmem:s31+$0x19700] =	vst v20  }
0x662: {  	v20 =	vld.idx.msk [tilespmem:v9+s9+$0x0], $0xffff;
	[tilespmem:s6+$0x1E880] =	vst v21;
	s9 =	simm.s32 $0x63E0  }
0x663: {  	[tilespmem:s0+$0x17800] =	vst v24;
	v21 =	vld.idx.msk [tilespmem:v6+s9+$0x0], $0xffff;
	s9 =	simm.s32 $0x2750  }
0x664: {  	v24 =	vld.idx.msk [tilespmem:v8+s9+$0x0], $0xffff;
	[tilespmem:s29+$0x1C980] =	vst v18;
	s9 =	simm.s32 $0x5500  }
0x665: {  	[tilespmem:s5+$0x15900] =	vst v22;
	v18 =	vld.idx.msk [tilespmem:v2+s9+$0x0], $0xffff  }
0x666: {  	v22 =	vld.idx.msk [tilespmem:v7+s26+$0x0], $0xffff;
	[tilespmem:s30+$0x1B680] =	vst v19  }
0x667: {  	s9 =	simm.s32 $0x990;
	[tilespmem:s20+$0x14600] =	vst v23;
	v19 =	vld.idx.msk [tilespmem:v10+s24+$0x0], $0xffff  }
0x668: {  	v23 =	vld.idx.msk [tilespmem:v11+s9+$0x0], $0xffff;
	[tilespmem:s31+$0x19780] =	vst v20  }
0x669: {  	s9 =	simm.s32 $0x64F0;
	v20 =	vld.idx.msk [tilespmem:v9+s25+$0x0], $0xffff;
	[tilespmem:s6+$0x1E900] =	vst v21  }
0x66a: {  	[tilespmem:s0+$0x17880] =	vst v24;
	v21 =	vld.idx.msk [tilespmem:v6+s9+$0x0], $0xffff;
	v6 =	vmovc v2;
	v2 =	vmovc v10;
	v10 =	vmov v9;
	v9 =	vmov v8;
	v8 =	vmov v7  }
0x66b: {  	v7 =	vmov v11;
	v24 =	vld.idx.msk [tilespmem:v16+s14+$0x0], $0xffff;
	[tilespmem:s29+$0x1D600] =	vst v18;
	v16 =	vmov v5  }
0x66c: {  	[tilespmem:s5+$0x15980] =	vst v22;
	v22 =	vld.idx.msk [tilespmem:v14+s4+$0x0], $0xffff;
	v14 =	vmov v17  }
0x66d: {  	v17 =	vld.idx.msk [tilespmem:v15+s23+$0x0], $0xffff;
	[tilespmem:s30+$0x1B700] =	vst v19;
	v15 =	vmov v11  }
0x66e: {  	s9 =	simm.s32 $0xAA0;
	[tilespmem:s20+$0x14680] =	vst v23;
	v19 =	vld.idx.msk [tilespmem:v13+s18+$0x0], $0xffff;
	v13 =	vmov v3  }
0x66f: {  	v23 =	vld.idx.msk [tilespmem:v11+s9+$0x0], $0xffff;
	[tilespmem:s31+$0x19800] =	vst v20  }
0x670: {  	s13 =	sadd.s32 $0x10, s13;
	v20 =	vld.idx.msk [tilespmem:v10+s2+$0x0], $0xffff;
	[tilespmem:s6+$0x1E980] =	vst v21;
	s6 =	smov.u32 s29;
	s29 =	smov.u32 s30  }
0x671: {  	s30 =	smov.u32 s31;
	s31 =	smov.u32 s0;
	v18 =	vld [tilespmem:s13+$0x0];
	[tilespmem:s0+$0x17900] =	vst v24;
	s0 =	smov.u32 s5  }
0x672: {  	s5 =	smov.u32 s20;
	s20 =	simm.s32 $0x0;
	v21 =	vld.idx.msk [tilespmem:v9+s22+$0x0], $0xffff;
	[tilespmem:s6+$0x1D680] =	vst v22  }
0x673: {  	[tilespmem:s0+$0x16600] =	vst v17;
	v17 =	vld.idx.msk [tilespmem:v6+s7+$0x0], $0xffff  }
0x674: {  	v22 =	vld.idx.msk [tilespmem:v8+s8+$0x0], $0xffff;
	[tilespmem:s29+$0x1B780] =	vst v19  }
0x675: {  	s9 =	simm.s32 $0xBB0;
	[tilespmem:s5+$0x14700] =	vst v23;
	v25 =	vld.idx.msk [tilespmem:v2+s16+$0x0], $0xffff  }
0x676: {  	v26 =	vld.idx.msk [tilespmem:v11+s9+$0x0], $0xffff;
	[tilespmem:s30+$0x19880] =	vst v20  }
0x677: {  	v19 =	vld.idx.msk [tilespmem:v10+s1+$0x0], $0xffff  }
.Ltmp1:
0x678: {  	v24 =	vld [tilespmem:s12+$0x7000];
	[tilespmem:s31+$0x17980] =	vst v21;
	(pc) =	sbr.rel @p0 .LBB2_5-.Ltmp1, $4  }
0x679: {  	v20 =	vld.idx.msk [tilespmem:v9+s19+$0x0], $0xffff;
	[tilespmem:s6+$0x1D700] =	vst v17  }
0x67a: {  	[tilespmem:s0+$0x16680] =	vst v22;
	v23 =	vld.idx.msk [tilespmem:v6+s28+$0x0], $0xffff  }
0x67b: {  	v21 =	vld.idx.msk [tilespmem:v8+s3+$0x0], $0xffff;
	[tilespmem:s29+$0x1B800] =	vst v25  }
0x67c: {  	s15 =	sadd.s32 $0x10, s15;
	[tilespmem:s5+$0x14780] =	vst v26;
	v22 =	vld.idx.msk [tilespmem:v2+s17+$0x0], $0xffff  }
0x67d: {  	v17 =	vld [tilespmem:s12+$0x7200];
	_ =	sdelay $0x1  }
0x67e: {  	v18 =	vmul.u32 $0x15, v18;
	v24 =	vmul.u32 $0x7, v24;
	_ =	sdelay $0x1  }
0x67f: {  	v18 =	vadd.s32 v18, v24  }
0x680: {  	v17 =	vadd.s32 v17, v18  }
0x681: {  	v17 =	vshll.u32 v17, $0x2  }
0x682: {  	vm0 =	veq.s32 v12, $0x0;
	v17 =	vor.u32 v0, v17  }
0x683: {  	v12 =	vsel vm0, v1, v17;
	_ =	sdelay $0x4  }
0x684: {  	v17 =	vld.idx.msk [tilespmem:v12+s20+$0x0], $0xffff;
	_ =	sdelay $0x1  }
0x685: {  	s11 =	sadd.s32 $0x80, s11  }
0x686: {  	s7 =	sand.u32 $0x70, s10;
	s13 =	sand.u32 $0xC00, s11  }
0x687: {  	s2 =	sor.u32 s7, s13  }
0x688: {  	s1 =	simm.s32 $0x110;
	[tilespmem:s2+$0x13600] =	vst v17  }
0x689: {  	v17 =	vld.idx.msk [tilespmem:v12+s1+$0x0], $0xffff;
	_ =	sdelay $0x3  }
0x68a: {  	s12 =	sadd.s32 $0x13600, s2  }
0x68b: {  	s8 =	simm.s32 $0x220;
	[tilespmem:s12+$0x80] =	vst v17  }
0x68c: {  	v17 =	vld.idx.msk [tilespmem:v12+s8+$0x0], $0xffff;
	_ =	sdelay $0x4  }
0x68d: {  	s9 =	simm.s32 $0x330;
	[tilespmem:s12+$0x100] =	vst v17  }
0x68e: {  	v17 =	vld.idx.msk [tilespmem:v12+s9+$0x0], $0xffff;
	_ =	sdelay $0x4  }
0x68f: {  	s13 =	simm.s32 $0x440;
	[tilespmem:s12+$0x180] =	vst v17  }
0x690: {  	v17 =	vld.idx.msk [tilespmem:v12+s13+$0x0], $0xffff;
	_ =	sdelay $0x4  }
0x691: {  	s14 =	simm.s32 $0x550;
	[tilespmem:s12+$0x200] =	vst v17  }
0x692: {  	v17 =	vld.idx.msk [tilespmem:v12+s14+$0x0], $0xffff  }
0x693: {  	[tilespmem:s30+$0x19900] =	vst v19;
	s18 =	simm.s32 $0x3A70  }
0x694: {  	v19 =	vld.idx.msk [tilespmem:v10+s18+$0x0], $0xffff;
	[tilespmem:s6+$0x1D780] =	vst v23;
	s9 =	simm.s32 $0x5940  }
0x695: {  	v38 =	vld.idx.msk [tilespmem:v6+s9+$0x0], $0xffff;
	_ =	sdelay $0x1  }
0x696: {  	s15 =	simm.s32 $0x660;
	[tilespmem:s12+$0x280] =	vst v17  }
0x697: {  	s22 =	simm.s32 $0x1CB0;
	[tilespmem:s0+$0x16700] =	vst v21;
	v17 =	vld.idx.msk [tilespmem:v12+s15+$0x0], $0xffff  }
0x698: {  	s23 =	simm.s32 $0x3B80;
	v21 =	vld.idx.msk [tilespmem:v8+s22+$0x0], $0xffff;
	[tilespmem:s30+$0x19980] =	vst v19  }
0x699: {  	v19 =	vld.idx.msk [tilespmem:v10+s23+$0x0], $0xffff;
	s8 =	simm.s32 $0x5A50;
	[tilespmem:s6+$0x1D800] =	vst v38  }
0x69a: {  	[tilespmem:s31+$0x18600] =	vst v20;
	v18 =	vld.idx.msk [tilespmem:v6+s8+$0x0], $0xffff;
	s14 =	simm.s32 $0xCC0  }
0x69b: {  	[tilespmem:s29+$0x1B880] =	vst v22;
	v39 =	vld.idx.msk [tilespmem:v7+s14+$0x0], $0xffff;
	s15 =	simm.s32 $0x4A60  }
0x69c: {  	s16 =	simm.s32 $0x770;
	v40 =	vld.idx.msk [tilespmem:v2+s15+$0x0], $0xffff;
	[tilespmem:s12+$0x300] =	vst v17  }
0x69d: {  	s25 =	simm.s32 $0x1DC0;
	[tilespmem:s0+$0x16780] =	vst v21;
	v17 =	vld.idx.msk [tilespmem:v12+s16+$0x0], $0xffff  }
0x69e: {  	s19 =	simm.s32 $0x2B90;
	v21 =	vld.idx.msk [tilespmem:v8+s25+$0x0], $0xffff;
	[tilespmem:s30+$0x1A600] =	vst v19  }
0x69f: {  	s3 =	simm.s32 $0x5B60;
	v20 =	vld.idx.msk [tilespmem:v9+s19+$0x0], $0xffff;
	[tilespmem:s6+$0x1D880] =	vst v18  }
0x6a0: {  	s17 =	sor.u32 s11, s10;
	v18 =	vld.idx.msk [tilespmem:v6+s3+$0x0], $0xffff;
	[tilespmem:s5+$0x14800] =	vst v39;
	s12 =	simm.s32 $0xDD0  }
0x6a1: {  	s26 =	simm.s32 $0x4B70;
	s10 =	sor.u32 $0x380, s17;
	v41 =	vld.idx.msk [tilespmem:v7+s12+$0x0], $0xffff;
	[tilespmem:s29+$0x1B900] =	vst v40  }
0x6a2: {  	s7 =	simm.s32 $0x3C90;
	[tilespmem:s10+$0x13600] =	vst v17;
	v17 =	vld.idx.msk [tilespmem:v2+s26+$0x0], $0xffff  }
0x6a3: {  	s11 =	simm.s32 $0x1ED0;
	v19 =	vld.idx.msk [tilespmem:v10+s7+$0x0], $0xffff;
	[tilespmem:s0+$0x16800] =	vst v21  }
0x6a4: {  	s24 =	simm.s32 $0x2CA0;
	[tilespmem:s31+$0x18680] =	vst v20;
	v21 =	vld.idx.msk [tilespmem:v8+s11+$0x0], $0xffff  }
0x6a5: {  	s4 =	simm.s32 $0x5C70;
	v20 =	vld.idx.msk [tilespmem:v9+s24+$0x0], $0xffff;
	[tilespmem:s6+$0x1D900] =	vst v18  }
0x6a6: {  	s13 =	simm.s32 $0xEE0;
	v18 =	vld.idx.msk [tilespmem:v6+s4+$0x0], $0xffff;
	[tilespmem:s5+$0x14880] =	vst v41  }
0x6a7: {  	s17 =	simm.s32 $0x4C80;
	v22 =	vld.idx.msk [tilespmem:v7+s13+$0x0], $0xffff;
	[tilespmem:s29+$0x1B980] =	vst v17  }
0x6a8: {  	s18 =	simm.s32 $0x3DA0;
	[tilespmem:s30+$0x1A680] =	vst v19;
	v17 =	vld.idx.msk [tilespmem:v2+s17+$0x0], $0xffff  }
0x6a9: {  	s23 =	simm.s32 $0x1FE0;
	v19 =	vld.idx.msk [tilespmem:v10+s18+$0x0], $0xffff;
	[tilespmem:s0+$0x16880] =	vst v21  }
0x6aa: {  	[tilespmem:s31+$0x18700] =	vst v20;
	v21 =	vld.idx.msk [tilespmem:v8+s23+$0x0], $0xffff;
	s10 =	simm.s32 $0x2DB0  }
0x6ab: {  	s7 =	simm.s32 $0x5D80;
	[tilespmem:s6+$0x1D980] =	vst v18;
	v20 =	vld.idx.msk [tilespmem:v9+s10+$0x0], $0xffff  }
0x6ac: {  	s11 =	simm.s32 $0xFF0;
	v18 =	vld.idx.msk [tilespmem:v6+s7+$0x0], $0xffff;
	[tilespmem:s5+$0x14900] =	vst v22  }
0x6ad: {  	s24 =	simm.s32 $0x4D90;
	v22 =	vld.idx.msk [tilespmem:v7+s11+$0x0], $0xffff;
	[tilespmem:s29+$0x1C600] =	vst v17  }
0x6ae: {  	s25 =	simm.s32 $0x3EB0;
	[tilespmem:s30+$0x1A700] =	vst v19;
	v17 =	vld.idx.msk [tilespmem:v2+s24+$0x0], $0xffff  }
0x6af: {  	s18 =	simm.s32 $0x20F0;
	v19 =	vld.idx.msk [tilespmem:v10+s25+$0x0], $0xffff;
	[tilespmem:s0+$0x16900] =	vst v21  }
0x6b0: {  	s22 =	simm.s32 $0x2EC0;
	v21 =	vld.idx.msk [tilespmem:v8+s18+$0x0], $0xffff;
	[tilespmem:s31+$0x18780] =	vst v20  }
0x6b1: {  	s19 =	simm.s32 $0x5E90;
	[tilespmem:s6+$0x1E600] =	vst v18;
	v20 =	vld.idx.msk [tilespmem:v9+s22+$0x0], $0xffff  }
0x6b2: {  	s10 =	simm.s32 $0x1100;
	v18 =	vld.idx.msk [tilespmem:v6+s19+$0x0], $0xffff;
	[tilespmem:s5+$0x14980] =	vst v22  }
0x6b3: {  	s19 =	simm.s32 $0x4EA0;
	v22 =	vld.idx.msk [tilespmem:v7+s10+$0x0], $0xffff;
	[tilespmem:s29+$0x1C680] =	vst v17  }
0x6b4: {  	s23 =	simm.s32 $0x3FC0;
	[tilespmem:s30+$0x1A780] =	vst v19;
	v17 =	vld.idx.msk [tilespmem:v2+s19+$0x0], $0xffff  }
0x6b5: {  	v19 =	vld.idx.msk [tilespmem:v10+s23+$0x0], $0xffff;
	[tilespmem:s0+$0x16980] =	vst v21  }
0x6b6: {  	v47 =	vld.idx.msk [tilespmem:v12+s21+$0x0], $0xffff;
	s17 =	simm.s32 $0x2FD0;
	[tilespmem:s31+$0x18800] =	vst v20  }
0x6b7: {  	s26 =	simm.s32 $0x5FA0;
	[tilespmem:s6+$0x1E680] =	vst v18;
	v20 =	vld.idx.msk [tilespmem:v9+s17+$0x0], $0xffff  }
0x6b8: {  	s22 =	simm.s32 $0x1210;
	v18 =	vld.idx.msk [tilespmem:v6+s26+$0x0], $0xffff;
	[tilespmem:s5+$0x15600] =	vst v22  }
0x6b9: {  	s17 =	simm.s32 $0x4FB0;
	v22 =	vld.idx.msk [tilespmem:v7+s22+$0x0], $0xffff;
	[tilespmem:s29+$0x1C700] =	vst v17  }
0x6ba: {  	[tilespmem:s30+$0x1A800] =	vst v19;
	s19 =	simm.s32 $0x40D0;
	v17 =	vld.idx.msk [tilespmem:v2+s17+$0x0], $0xffff  }
0x6bb: {  	[tilespmem:s2+$0x14600] =	vst v47;
	s26 =	simm.s32 $0x2200;
	v19 =	vld.idx.msk [tilespmem:v10+s19+$0x0], $0xffff  }
0x6bc: {  	s25 =	simm.s32 $0x30E0;
	v21 =	vld.idx.msk [tilespmem:v8+s26+$0x0], $0xffff;
	[tilespmem:s31+$0x18880] =	vst v20  }
0x6bd: {  	s24 =	simm.s32 $0x60B0;
	[tilespmem:s6+$0x1E700] =	vst v18;
	v20 =	vld.idx.msk [tilespmem:v9+s25+$0x0], $0xffff  }
0x6be: {  	s18 =	simm.s32 $0x1320;
	v18 =	vld.idx.msk [tilespmem:v6+s24+$0x0], $0xffff;
	[tilespmem:s5+$0x15680] =	vst v22  }
0x6bf: {  	s25 =	simm.s32 $0x50C0;
	v22 =	vld.idx.msk [tilespmem:v7+s18+$0x0], $0xffff;
	[tilespmem:s29+$0x1C780] =	vst v17  }
0x6c0: {  	[tilespmem:s30+$0x1A880] =	vst v19;
	s17 =	simm.s32 $0x41E0;
	v17 =	vld.idx.msk [tilespmem:v2+s25+$0x0], $0xffff  }
0x6c1: {  	[tilespmem:s0+$0x17600] =	vst v21;
	s24 =	simm.s32 $0x2310;
	v19 =	vld.idx.msk [tilespmem:v10+s17+$0x0], $0xffff  }
0x6c2: {  	s23 =	simm.s32 $0x31F0;
	v21 =	vld.idx.msk [tilespmem:v8+s24+$0x0], $0xffff;
	[tilespmem:s31+$0x18900] =	vst v20  }
0x6c3: {  	[tilespmem:s6+$0x1E780] =	vst v18;
	s22 =	simm.s32 $0x61C0;
	v20 =	vld.idx.msk [tilespmem:v9+s23+$0x0], $0xffff  }
0x6c4: {  	s26 =	simm.s32 $0x1430;
	v18 =	vld.idx.msk [tilespmem:v6+s22+$0x0], $0xffff;
	[tilespmem:s5+$0x15700] =	vst v22  }
0x6c5: {  	s23 =	simm.s32 $0x51D0;
	v22 =	vld.idx.msk [tilespmem:v7+s26+$0x0], $0xffff;
	[tilespmem:s29+$0x1C800] =	vst v17  }
0x6c6: {  	[tilespmem:s30+$0x1A900] =	vst v19;
	s25 =	simm.s32 $0x42F0;
	v17 =	vld.idx.msk [tilespmem:v2+s23+$0x0], $0xffff  }
0x6c7: {  	[tilespmem:s0+$0x17680] =	vst v21;
	s22 =	simm.s32 $0x2420;
	v19 =	vld.idx.msk [tilespmem:v10+s25+$0x0], $0xffff  }
0x6c8: {  	s19 =	simm.s32 $0x3300;
	v21 =	vld.idx.msk [tilespmem:v8+s22+$0x0], $0xffff;
	[tilespmem:s31+$0x18980] =	vst v20  }
0x6c9: {  	[tilespmem:s6+$0x1E800] =	vst v18;
	s18 =	simm.s32 $0x62D0;
	v20 =	vld.idx.msk [tilespmem:v9+s19+$0x0], $0xffff  }
0x6ca: {  	s24 =	simm.s32 $0x1540;
	v18 =	vld.idx.msk [tilespmem:v6+s18+$0x0], $0xffff;
	[tilespmem:s5+$0x15780] =	vst v22  }
0x6cb: {  	s19 =	simm.s32 $0x52E0;
	v22 =	vld.idx.msk [tilespmem:v7+s24+$0x0], $0xffff;
	[tilespmem:s29+$0x1C880] =	vst v17  }
0x6cc: {  	[tilespmem:s30+$0x1A980] =	vst v19;
	s23 =	simm.s32 $0x4400;
	v17 =	vld.idx.msk [tilespmem:v2+s19+$0x0], $0xffff  }
0x6cd: {  	[tilespmem:s0+$0x17700] =	vst v21;
	s18 =	simm.s32 $0x2530;
	v19 =	vld.idx.msk [tilespmem:v10+s23+$0x0], $0xffff  }
0x6ce: {  	s17 =	simm.s32 $0x3410;
	v21 =	vld.idx.msk [tilespmem:v8+s18+$0x0], $0xffff;
	[tilespmem:s31+$0x19600] =	vst v20  }
0x6cf: {  	[tilespmem:s6+$0x1E880] =	vst v18;
	s26 =	simm.s32 $0x63E0;
	v20 =	vld.idx.msk [tilespmem:v9+s17+$0x0], $0xffff  }
0x6d0: {  	s22 =	simm.s32 $0x1650;
	v18 =	vld.idx.msk [tilespmem:v6+s26+$0x0], $0xffff;
	[tilespmem:s5+$0x15800] =	vst v22  }
0x6d1: {  	s17 =	simm.s32 $0x53F0;
	v22 =	vld.idx.msk [tilespmem:v7+s22+$0x0], $0xffff;
	[tilespmem:s29+$0x1C900] =	vst v17  }
0x6d2: {  	[tilespmem:s30+$0x1B600] =	vst v19;
	s19 =	simm.s32 $0x4510;
	v17 =	vld.idx.msk [tilespmem:v2+s17+$0x0], $0xffff  }
0x6d3: {  	[tilespmem:s0+$0x17780] =	vst v21;
	s26 =	simm.s32 $0x2640;
	v46 =	vld.idx.msk [tilespmem:v10+s19+$0x0], $0xffff  }
0x6d4: {  	s25 =	simm.s32 $0x3520;
	v44 =	vld.idx.msk [tilespmem:v8+s26+$0x0], $0xffff;
	[tilespmem:s31+$0x19680] =	vst v20  }
0x6d5: {  	[tilespmem:s6+$0x1E900] =	vst v18;
	s24 =	simm.s32 $0x64F0;
	v43 =	vld.idx.msk [tilespmem:v9+s25+$0x0], $0xffff  }
0x6d6: {  	s18 =	simm.s32 $0x1760;
	v42 =	vld.idx.msk [tilespmem:v6+s24+$0x0], $0xffff;
	[tilespmem:s5+$0x15880] =	vst v22  }
0x6d7: {  	s22 =	simm.s32 $0x5500;
	v45 =	vld.idx.msk [tilespmem:v7+s18+$0x0], $0xffff;
	[tilespmem:s29+$0x1C980] =	vst v17  }
0x6d8: {  	s24 =	simm.s32 $0x4620;
	[tilespmem:s30+$0x1B680] =	vst v46;
	v17 =	vld.idx.msk [tilespmem:v2+s22+$0x0], $0xffff  }
0x6d9: {  	s26 =	simm.s32 $0x990;
	[tilespmem:s0+$0x17800] =	vst v44;
	v6 =	vld.idx.msk [tilespmem:v10+s24+$0x0], $0xffff  }
0x6da: {  	s21 =	simm.s32 $0x3630;
	v19 =	vld.idx.msk [tilespmem:v12+s26+$0x0], $0xffff;
	[tilespmem:s31+$0x19700] =	vst v43  }
0x6db: {  	[tilespmem:s6+$0x1E980] =	vst v42;
	s25 =	simm.s32 $0x2750;
	v18 =	vld.idx.msk [tilespmem:v9+s21+$0x0], $0xffff  }
0x6dc: {  	s23 =	simm.s32 $0x1870;
	v20 =	vld.idx.msk [tilespmem:v8+s25+$0x0], $0xffff;
	[tilespmem:s5+$0x15900] =	vst v45  }
0x6dd: {  	s17 =	simm.s32 $0x5610;
	v21 =	vld.idx.msk [tilespmem:v7+s23+$0x0], $0xffff;
	[tilespmem:s29+$0x1D600] =	vst v17  }
0x6de: {  	s18 =	simm.s32 $0x4730;
	[tilespmem:s30+$0x1B700] =	vst v6;
	v14 =	vld.idx.msk [tilespmem:v14+s17+$0x0], $0xffff  }
0x6df: {  	s19 =	simm.s32 $0xAA0;
	[tilespmem:s2+$0x14680] =	vst v19;
	v6 =	vld.idx.msk [tilespmem:v13+s18+$0x0], $0xffff  }
0x6e0: {  	s6 =	simm.s32 $0x3740;
	v48 =	vld.idx.msk [tilespmem:v12+s19+$0x0], $0xffff;
	[tilespmem:s31+$0x19780] =	vst v18  }
0x6e1: {  	[tilespmem:s0+$0x17880] =	vst v20;
	s22 =	simm.s32 $0x2860;
	v18 =	vld.idx.msk [tilespmem:v9+s6+$0x0], $0xffff  }
0x6e2: {  	v16 =	vld.idx.msk [tilespmem:v16+s22+$0x0], $0xffff;
	s23 =	simm.s32 $0x1980;
	[tilespmem:s5+$0x15980] =	vst v21  }
0x6e3: {  	s21 =	simm.s32 $0x5720;
	v15 =	vld.idx.msk [tilespmem:v15+s23+$0x0], $0xffff;
	[tilespmem:s29+$0x1D680] =	vst v14  }
0x6e4: {  	s24 =	simm.s32 $0x4840;
	[tilespmem:s30+$0x1B780] =	vst v6;
	v14 =	vld.idx.msk [tilespmem:v2+s21+$0x0], $0xffff  }
0x6e5: {  	[tilespmem:s2+$0x14700] =	vst v48;
	s6 =	simm.s32 $0xBB0;
	v6 =	vld.idx.msk [tilespmem:v10+s24+$0x0], $0xffff  }
0x6e6: {  	s26 =	simm.s32 $0x3850;
	v13 =	vld.idx.msk [tilespmem:v12+s6+$0x0], $0xffff;
	[tilespmem:s31+$0x19800] =	vst v18  }
0x6e7: {  	s19 =	simm.s32 $0x2970;
	[tilespmem:s0+$0x17900] =	vst v16;
	v49 =	vld.idx.msk [tilespmem:v9+s26+$0x0], $0xffff  }
0x6e8: {  	v16 =	vld.idx.msk [tilespmem:v8+s19+$0x0], $0xffff;
	[tilespmem:s5+$0x16600] =	vst v15;
	s21 =	simm.s32 $0x1A90  }
0x6e9: {  	s17 =	simm.s32 $0x5830;
	v15 =	vld.idx.msk [tilespmem:v7+s21+$0x0], $0xffff;
	[tilespmem:s29+$0x1D700] =	vst v14  }
0x6ea: {  	s6 =	simm.s32 $0x4950;
	[tilespmem:s30+$0x1B800] =	vst v6;
	v14 =	vld.idx.msk [tilespmem:v2+s17+$0x0], $0xffff  }
0x6eb: {  	[tilespmem:s2+$0x14780] =	vst v13;
	v6 =	vld.idx.msk [tilespmem:v10+s6+$0x0], $0xffff  }
0x6ec: {  	s24 =	simm.s32 $0x3960;
	v13 =	vld.idx.msk [tilespmem:v12+s14+$0x0], $0xffff;
	[tilespmem:s31+$0x19880] =	vst v49  }
0x6ed: {  	s18 =	simm.s32 $0x2A80;
	[tilespmem:s0+$0x17980] =	vst v16;
	v17 =	vld.idx.msk [tilespmem:v9+s24+$0x0], $0xffff  }
0x6ee: {  	v16 =	vld.idx.msk [tilespmem:v8+s18+$0x0], $0xffff;
	[tilespmem:s5+$0x16680] =	vst v15;
	s17 =	simm.s32 $0x1BA0  }
0x6ef: {  	v15 =	vld.idx.msk [tilespmem:v7+s17+$0x0], $0xffff;
	[tilespmem:s29+$0x1D780] =	vst v14  }
0x6f0: {  	[tilespmem:s30+$0x1B880] =	vst v6;
	v14 =	vld.idx.msk [tilespmem:v2+s9+$0x0], $0xffff  }
0x6f1: {  	[tilespmem:s2+$0x14800] =	vst v13;
	v6 =	vld.idx.msk [tilespmem:v10+s15+$0x0], $0xffff  }
0x6f2: {  	s16 =	simm.s32 $0x3A70;
	v13 =	vld.idx.msk [tilespmem:v12+s12+$0x0], $0xffff;
	[tilespmem:s31+$0x19900] =	vst v17  }
0x6f3: {  	[tilespmem:s0+$0x18600] =	vst v16;
	v17 =	vld.idx.msk [tilespmem:v9+s16+$0x0], $0xffff;
	s16 =	simm.s32 $0x2B90  }
0x6f4: {  	s14 =	simm.s32 $0x1CB0;
	v16 =	vld.idx.msk [tilespmem:v8+s16+$0x0], $0xffff;
	[tilespmem:s5+$0x16700] =	vst v15  }
0x6f5: {  	v15 =	vld.idx.msk [tilespmem:v7+s14+$0x0], $0xffff;
	[tilespmem:s29+$0x1D800] =	vst v14  }
0x6f6: {  	[tilespmem:s30+$0x1B900] =	vst v6;
	s9 =	simm.s32 $0x4B70;
	v14 =	vld.idx.msk [tilespmem:v2+s8+$0x0], $0xffff  }
0x6f7: {  	[tilespmem:s2+$0x14880] =	vst v13;
	v6 =	vld.idx.msk [tilespmem:v10+s9+$0x0], $0xffff  }
0x6f8: {  	s6 =	simm.s32 $0x3B80;
	v13 =	vld.idx.msk [tilespmem:v12+s13+$0x0], $0xffff;
	[tilespmem:s31+$0x19980] =	vst v17  }
0x6f9: {  	s15 =	simm.s32 $0x2CA0;
	v17 =	vld.idx.msk [tilespmem:v9+s6+$0x0], $0xffff;
	[tilespmem:s0+$0x18680] =	vst v16  }
0x6fa: {  	s12 =	simm.s32 $0x1DC0;
	v16 =	vld.idx.msk [tilespmem:v8+s15+$0x0], $0xffff;
	[tilespmem:s5+$0x16780] =	vst v15  }
0x6fb: {  	v15 =	vld.idx.msk [tilespmem:v7+s12+$0x0], $0xffff;
	[tilespmem:s29+$0x1D880] =	vst v14  }
0x6fc: {  	[tilespmem:s30+$0x1B980] =	vst v6;
	v14 =	vld.idx.msk [tilespmem:v2+s3+$0x0], $0xffff;
	s3 =	simm.s32 $0x4C80  }
0x6fd: {  	[tilespmem:s2+$0x14900] =	vst v13;
	v6 =	vld.idx.msk [tilespmem:v10+s3+$0x0], $0xffff  }
0x6fe: {  	s13 =	simm.s32 $0x3C90;
	v13 =	vld.idx.msk [tilespmem:v12+s11+$0x0], $0xffff;
	[tilespmem:s31+$0x1A600] =	vst v17  }
0x6ff: {  	v17 =	vld.idx.msk [tilespmem:v9+s13+$0x0], $0xffff;
	[tilespmem:s0+$0x18700] =	vst v16;
	s13 =	simm.s32 $0x2DB0  }
0x700: {  	s9 =	simm.s32 $0x1ED0;
	v16 =	vld.idx.msk [tilespmem:v8+s13+$0x0], $0xffff;
	[tilespmem:s5+$0x16800] =	vst v15  }
0x701: {  	v15 =	vld.idx.msk [tilespmem:v7+s9+$0x0], $0xffff;
	[tilespmem:s29+$0x1D900] =	vst v14  }
0x702: {  	s8 =	simm.s32 $0x4D90;
	v14 =	vld.idx.msk [tilespmem:v2+s4+$0x0], $0xffff;
	[tilespmem:s30+$0x1C600] =	vst v6  }
0x703: {  	[tilespmem:s2+$0x14980] =	vst v13;
	v6 =	vld.idx.msk [tilespmem:v10+s8+$0x0], $0xffff  }
0x704: {  	s6 =	simm.s32 $0x3DA0;
	v13 =	vld.idx.msk [tilespmem:v12+s10+$0x0], $0xffff;
	[tilespmem:s31+$0x1A680] =	vst v17  }
0x705: {  	s11 =	simm.s32 $0x2EC0;
	v17 =	vld.idx.msk [tilespmem:v9+s6+$0x0], $0xffff;
	[tilespmem:s0+$0x18780] =	vst v16  }
0x706: {  	s6 =	simm.s32 $0x1FE0;
	v16 =	vld.idx.msk [tilespmem:v8+s11+$0x0], $0xffff;
	[tilespmem:s5+$0x16880] =	vst v15  }
0x707: {  	v15 =	vld.idx.msk [tilespmem:v7+s6+$0x0], $0xffff;
	[tilespmem:s29+$0x1D980] =	vst v14  }
0x708: {  	s3 =	simm.s32 $0x4EA0;
	v14 =	vld.idx.msk [tilespmem:v2+s7+$0x0], $0xffff;
	[tilespmem:s30+$0x1C680] =	vst v6  }
0x709: {  	[tilespmem:s2+$0x15600] =	vst v13;
	s7 =	simm.s32 $0x1210;
	v6 =	vld.idx.msk [tilespmem:v10+s3+$0x0], $0xffff  }
0x70a: {  	v13 =	vld.idx.msk [tilespmem:v12+s7+$0x0], $0xffff  }
0x70b: {  	s10 =	simm.s32 $0x3EB0;
	[tilespmem:s31+$0x1A700] =	vst v17  }
0x70c: {  	v17 =	vld.idx.msk [tilespmem:v9+s10+$0x0], $0xffff;
	[tilespmem:s0+$0x18800] =	vst v16;
	s10 =	simm.s32 $0x2FD0  }
0x70d: {  	s4 =	simm.s32 $0x20F0;
	v16 =	vld.idx.msk [tilespmem:v8+s10+$0x0], $0xffff;
	[tilespmem:s5+$0x16900] =	vst v15  }
0x70e: {  	v15 =	vld.idx.msk [tilespmem:v7+s4+$0x0], $0xffff;
	s7 =	simm.s32 $0x4FB0;
	[tilespmem:s30+$0x1C700] =	vst v6  }
0x70f: {  	[tilespmem:s2+$0x15680] =	vst v13;
	v52 =	vld.idx.msk [tilespmem:v10+s7+$0x0], $0xffff;
	s7 =	simm.s32 $0x1320  }
0x710: {  	v19 =	vld.idx.msk [tilespmem:v12+s7+$0x0], $0xffff  }
0x711: {  	s8 =	simm.s32 $0x3FC0;
	[tilespmem:s31+$0x1A780] =	vst v17  }
0x712: {  	v17 =	vld.idx.msk [tilespmem:v9+s8+$0x0], $0xffff;
	[tilespmem:s0+$0x18880] =	vst v16;
	s8 =	simm.s32 $0x30E0  }
0x713: {  	s3 =	simm.s32 $0x5E90;
	v16 =	vld.idx.msk [tilespmem:v8+s8+$0x0], $0xffff;
	[tilespmem:s29+$0x1E600] =	vst v14  }
0x714: {  	[tilespmem:s5+$0x16980] =	vst v15;
	v50 =	vld.idx.msk [tilespmem:v2+s3+$0x0], $0xffff;
	s3 =	simm.s32 $0x2200  }
0x715: {  	s28 =	simm.s32 $0x1430;
	v51 =	vld.idx.msk [tilespmem:v7+s3+$0x0], $0xffff;
	[tilespmem:s2+$0x15700] =	vst v19  }
0x716: {  	v56 =	vld.idx.msk [tilespmem:v12+s28+$0x0], $0xffff  }
0x717: {  	[tilespmem:s31+$0x1A800] =	vst v17;
	s7 =	simm.s32 $0x40D0  }
0x718: {  	[tilespmem:s0+$0x18900] =	vst v16;
	v53 =	vld.idx.msk [tilespmem:v9+s7+$0x0], $0xffff;
	s7 =	simm.s32 $0x31F0  }
0x719: {  	s1 =	simm.s32 $0x5FA0;
	v16 =	vld.idx.msk [tilespmem:v8+s7+$0x0], $0xffff;
	[tilespmem:s29+$0x1E680] =	vst v50  }
0x71a: {  	[tilespmem:s5+$0x17600] =	vst v51;
	v54 =	vld.idx.msk [tilespmem:v2+s1+$0x0], $0xffff;
	s1 =	simm.s32 $0x2310  }
0x71b: {  	v55 =	vld.idx.msk [tilespmem:v7+s1+$0x0], $0xffff;
	s28 =	simm.s32 $0x1540;
	[tilespmem:s2+$0x15780] =	vst v56  }
0x71c: {  	v17 =	vld.idx.msk [tilespmem:v12+s28+$0x0], $0xffff;
	_ =	sdelay $0x4  }
0x71d: {  	s28 =	simm.s32 $0x1650;
	[tilespmem:s2+$0x15800] =	vst v17  }
0x71e: {  	v17 =	vld.idx.msk [tilespmem:v12+s28+$0x0], $0xffff;
	_ =	sdelay $0x4  }
0x71f: {  	s28 =	simm.s32 $0x1760;
	[tilespmem:s2+$0x15880] =	vst v17  }
0x720: {  	v17 =	vld.idx.msk [tilespmem:v12+s28+$0x0], $0xffff;
	_ =	sdelay $0x4  }
0x721: {  	s28 =	simm.s32 $0x1870;
	[tilespmem:s2+$0x15900] =	vst v17  }
0x722: {  	v17 =	vld.idx.msk [tilespmem:v12+s28+$0x0], $0xffff;
	_ =	sdelay $0x4  }
0x723: {  	[tilespmem:s2+$0x15980] =	vst v17  }
0x724: {  	v17 =	vld.idx.msk [tilespmem:v12+s23+$0x0], $0xffff;
	_ =	sdelay $0x4  }
0x725: {  	[tilespmem:s2+$0x16600] =	vst v17  }
0x726: {  	v17 =	vld.idx.msk [tilespmem:v12+s21+$0x0], $0xffff;
	_ =	sdelay $0x4  }
0x727: {  	[tilespmem:s2+$0x16680] =	vst v17  }
0x728: {  	v17 =	vld.idx.msk [tilespmem:v12+s17+$0x0], $0xffff;
	_ =	sdelay $0x4  }
0x729: {  	[tilespmem:s2+$0x16700] =	vst v17  }
0x72a: {  	v17 =	vld.idx.msk [tilespmem:v12+s14+$0x0], $0xffff;
	_ =	sdelay $0x4  }
0x72b: {  	[tilespmem:s2+$0x16780] =	vst v17  }
0x72c: {  	v17 =	vld.idx.msk [tilespmem:v12+s12+$0x0], $0xffff;
	_ =	sdelay $0x4  }
0x72d: {  	[tilespmem:s2+$0x16800] =	vst v17  }
0x72e: {  	v17 =	vld.idx.msk [tilespmem:v12+s9+$0x0], $0xffff;
	_ =	sdelay $0x4  }
0x72f: {  	[tilespmem:s2+$0x16880] =	vst v17  }
0x730: {  	v17 =	vld.idx.msk [tilespmem:v12+s6+$0x0], $0xffff;
	_ =	sdelay $0x4  }
0x731: {  	[tilespmem:s2+$0x16900] =	vst v17  }
0x732: {  	v17 =	vld.idx.msk [tilespmem:v12+s4+$0x0], $0xffff;
	_ =	sdelay $0x4  }
0x733: {  	[tilespmem:s2+$0x16980] =	vst v17  }
0x734: {  	v17 =	vld.idx.msk [tilespmem:v12+s3+$0x0], $0xffff;
	_ =	sdelay $0x4  }
0x735: {  	[tilespmem:s2+$0x17600] =	vst v17  }
0x736: {  	v17 =	vld.idx.msk [tilespmem:v12+s1+$0x0], $0xffff;
	_ =	sdelay $0x3  }
0x737: {  	[tilespmem:s5+$0x17680] =	vst v55;
	s9 =	simm.s32 $0x2420  }
0x738: {  	v15 =	vld.idx.msk [tilespmem:v7+s9+$0x0], $0xffff;
	[tilespmem:s2+$0x17680] =	vst v17  }
0x739: {  	v17 =	vld.idx.msk [tilespmem:v12+s9+$0x0], $0xffff;
	_ =	sdelay $0x3  }
0x73a: {  	s12 =	simm.s32 $0x2530;
	[tilespmem:s5+$0x17700] =	vst v15  }
0x73b: {  	v15 =	vld.idx.msk [tilespmem:v7+s12+$0x0], $0xffff;
	[tilespmem:s2+$0x17700] =	vst v17  }
0x73c: {  	v17 =	vld.idx.msk [tilespmem:v12+s12+$0x0], $0xffff;
	_ =	sdelay $0x3  }
0x73d: {  	s14 =	simm.s32 $0x2640;
	[tilespmem:s5+$0x17780] =	vst v15  }
0x73e: {  	v15 =	vld.idx.msk [tilespmem:v7+s14+$0x0], $0xffff;
	[tilespmem:s2+$0x17780] =	vst v17  }
0x73f: {  	v17 =	vld.idx.msk [tilespmem:v12+s14+$0x0], $0xffff;
	_ =	sdelay $0x3  }
0x740: {  	[tilespmem:s5+$0x17800] =	vst v15  }
0x741: {  	v15 =	vld.idx.msk [tilespmem:v7+s25+$0x0], $0xffff;
	[tilespmem:s2+$0x17800] =	vst v17  }
0x742: {  	v17 =	vld.idx.msk [tilespmem:v12+s25+$0x0], $0xffff;
	_ =	sdelay $0x3  }
0x743: {  	[tilespmem:s5+$0x17880] =	vst v15  }
0x744: {  	v15 =	vld.idx.msk [tilespmem:v11+s22+$0x0], $0xffff;
	[tilespmem:s2+$0x17880] =	vst v17  }
0x745: {  	v17 =	vld.idx.msk [tilespmem:v12+s22+$0x0], $0xffff;
	_ =	sdelay $0x3  }
0x746: {  	[tilespmem:s5+$0x17900] =	vst v15  }
0x747: {  	v15 =	vld.idx.msk [tilespmem:v7+s19+$0x0], $0xffff;
	[tilespmem:s2+$0x17900] =	vst v17  }
0x748: {  	v17 =	vld.idx.msk [tilespmem:v12+s19+$0x0], $0xffff;
	_ =	sdelay $0x3  }
0x749: {  	[tilespmem:s5+$0x17980] =	vst v15  }
0x74a: {  	v15 =	vld.idx.msk [tilespmem:v7+s18+$0x0], $0xffff;
	[tilespmem:s2+$0x17980] =	vst v17  }
0x74b: {  	v17 =	vld.idx.msk [tilespmem:v12+s18+$0x0], $0xffff;
	_ =	sdelay $0x3  }
0x74c: {  	[tilespmem:s5+$0x18600] =	vst v15  }
0x74d: {  	v15 =	vld.idx.msk [tilespmem:v7+s16+$0x0], $0xffff;
	[tilespmem:s2+$0x18600] =	vst v17  }
0x74e: {  	v17 =	vld.idx.msk [tilespmem:v12+s16+$0x0], $0xffff;
	_ =	sdelay $0x3  }
0x74f: {  	[tilespmem:s5+$0x18680] =	vst v15  }
0x750: {  	v15 =	vld.idx.msk [tilespmem:v7+s15+$0x0], $0xffff;
	[tilespmem:s2+$0x18680] =	vst v17  }
0x751: {  	v17 =	vld.idx.msk [tilespmem:v12+s15+$0x0], $0xffff;
	_ =	sdelay $0x3  }
0x752: {  	[tilespmem:s5+$0x18700] =	vst v15  }
0x753: {  	v15 =	vld.idx.msk [tilespmem:v7+s13+$0x0], $0xffff;
	[tilespmem:s2+$0x18700] =	vst v17  }
0x754: {  	v17 =	vld.idx.msk [tilespmem:v12+s13+$0x0], $0xffff;
	_ =	sdelay $0x3  }
0x755: {  	[tilespmem:s5+$0x18780] =	vst v15  }
0x756: {  	v15 =	vld.idx.msk [tilespmem:v7+s11+$0x0], $0xffff;
	[tilespmem:s2+$0x18780] =	vst v17  }
0x757: {  	v17 =	vld.idx.msk [tilespmem:v12+s11+$0x0], $0xffff;
	_ =	sdelay $0x3  }
0x758: {  	[tilespmem:s5+$0x18800] =	vst v15  }
0x759: {  	v15 =	vld.idx.msk [tilespmem:v7+s10+$0x0], $0xffff;
	[tilespmem:s2+$0x18800] =	vst v17  }
0x75a: {  	v17 =	vld.idx.msk [tilespmem:v12+s10+$0x0], $0xffff;
	_ =	sdelay $0x3  }
0x75b: {  	[tilespmem:s5+$0x18880] =	vst v15  }
0x75c: {  	v15 =	vld.idx.msk [tilespmem:v7+s8+$0x0], $0xffff;
	[tilespmem:s2+$0x18880] =	vst v17  }
0x75d: {  	v17 =	vld.idx.msk [tilespmem:v12+s8+$0x0], $0xffff;
	_ =	sdelay $0x3  }
0x75e: {  	[tilespmem:s5+$0x18900] =	vst v15  }
0x75f: {  	v15 =	vld.idx.msk [tilespmem:v7+s7+$0x0], $0xffff;
	[tilespmem:s2+$0x18900] =	vst v17  }
0x760: {  	v17 =	vld.idx.msk [tilespmem:v12+s7+$0x0], $0xffff;
	_ =	sdelay $0x2  }
0x761: {  	[tilespmem:s0+$0x18980] =	vst v16;
	s17 =	simm.s32 $0x3300  }
0x762: {  	v16 =	vld.idx.msk [tilespmem:v8+s17+$0x0], $0xffff;
	[tilespmem:s5+$0x18980] =	vst v15  }
0x763: {  	s18 =	simm.s32 $0x3300;
	v15 =	vld.idx.msk [tilespmem:v7+s17+$0x0], $0xffff;
	[tilespmem:s2+$0x18980] =	vst v17  }
0x764: {  	v17 =	vld.idx.msk [tilespmem:v12+s18+$0x0], $0xffff;
	_ =	sdelay $0x2  }
0x765: {  	[tilespmem:s0+$0x19600] =	vst v16;
	s19 =	simm.s32 $0x3410  }
0x766: {  	v16 =	vld.idx.msk [tilespmem:v8+s19+$0x0], $0xffff;
	[tilespmem:s5+$0x19600] =	vst v15  }
0x767: {  	s21 =	simm.s32 $0x3410;
	v15 =	vld.idx.msk [tilespmem:v7+s19+$0x0], $0xffff;
	[tilespmem:s2+$0x19600] =	vst v17  }
0x768: {  	v17 =	vld.idx.msk [tilespmem:v12+s21+$0x0], $0xffff;
	_ =	sdelay $0x2  }
0x769: {  	s22 =	simm.s32 $0x3520;
	[tilespmem:s0+$0x19680] =	vst v16  }
0x76a: {  	v16 =	vld.idx.msk [tilespmem:v8+s22+$0x0], $0xffff;
	[tilespmem:s5+$0x19680] =	vst v15  }
0x76b: {  	s23 =	simm.s32 $0x3520;
	v15 =	vld.idx.msk [tilespmem:v7+s22+$0x0], $0xffff;
	[tilespmem:s2+$0x19680] =	vst v17  }
0x76c: {  	v17 =	vld.idx.msk [tilespmem:v12+s23+$0x0], $0xffff;
	_ =	sdelay $0x2  }
0x76d: {  	s25 =	simm.s32 $0x3630;
	[tilespmem:s0+$0x19700] =	vst v16  }
0x76e: {  	v16 =	vld.idx.msk [tilespmem:v8+s25+$0x0], $0xffff;
	[tilespmem:s5+$0x19700] =	vst v15  }
0x76f: {  	s3 =	simm.s32 $0x3630;
	v15 =	vld.idx.msk [tilespmem:v7+s25+$0x0], $0xffff;
	[tilespmem:s2+$0x19700] =	vst v17  }
0x770: {  	v17 =	vld.idx.msk [tilespmem:v12+s3+$0x0], $0xffff;
	_ =	sdelay $0x2  }
0x771: {  	s4 =	simm.s32 $0x3740;
	[tilespmem:s0+$0x19780] =	vst v16  }
0x772: {  	v16 =	vld.idx.msk [tilespmem:v8+s4+$0x0], $0xffff;
	[tilespmem:s5+$0x19780] =	vst v15  }
0x773: {  	s6 =	simm.s32 $0x3740;
	v15 =	vld.idx.msk [tilespmem:v7+s4+$0x0], $0xffff;
	[tilespmem:s2+$0x19780] =	vst v17  }
0x774: {  	v17 =	vld.idx.msk [tilespmem:v12+s6+$0x0], $0xffff;
	_ =	sdelay $0x2  }
0x775: {  	[tilespmem:s0+$0x19800] =	vst v16  }
0x776: {  	v16 =	vld.idx.msk [tilespmem:v8+s26+$0x0], $0xffff;
	[tilespmem:s5+$0x19800] =	vst v15  }
0x777: {  	v15 =	vld.idx.msk [tilespmem:v7+s26+$0x0], $0xffff;
	[tilespmem:s2+$0x19800] =	vst v17  }
0x778: {  	v17 =	vld.idx.msk [tilespmem:v12+s26+$0x0], $0xffff;
	_ =	sdelay $0x2  }
0x779: {  	[tilespmem:s0+$0x19880] =	vst v16  }
0x77a: {  	v16 =	vld.idx.msk [tilespmem:v8+s24+$0x0], $0xffff;
	[tilespmem:s5+$0x19880] =	vst v15  }
0x77b: {  	v15 =	vld.idx.msk [tilespmem:v7+s24+$0x0], $0xffff;
	[tilespmem:s2+$0x19880] =	vst v17  }
0x77c: {  	v17 =	vld.idx.msk [tilespmem:v12+s24+$0x0], $0xffff;
	_ =	sdelay $0x2  }
0x77d: {  	[tilespmem:s0+$0x19900] =	vst v16;
	s7 =	simm.s32 $0x3A70  }
0x77e: {  	v16 =	vld.idx.msk [tilespmem:v8+s7+$0x0], $0xffff;
	[tilespmem:s5+$0x19900] =	vst v15  }
0x77f: {  	s8 =	simm.s32 $0x3A70;
	v15 =	vld.idx.msk [tilespmem:v7+s7+$0x0], $0xffff;
	[tilespmem:s2+$0x19900] =	vst v17  }
0x780: {  	v17 =	vld.idx.msk [tilespmem:v12+s8+$0x0], $0xffff;
	_ =	sdelay $0x2  }
0x781: {  	s9 =	simm.s32 $0x3B80;
	[tilespmem:s0+$0x19980] =	vst v16  }
0x782: {  	v16 =	vld.idx.msk [tilespmem:v8+s9+$0x0], $0xffff;
	[tilespmem:s5+$0x19980] =	vst v15  }
0x783: {  	s10 =	simm.s32 $0x3B80;
	v15 =	vld.idx.msk [tilespmem:v7+s9+$0x0], $0xffff;
	[tilespmem:s2+$0x19980] =	vst v17  }
0x784: {  	v17 =	vld.idx.msk [tilespmem:v12+s10+$0x0], $0xffff;
	_ =	sdelay $0x2  }
0x785: {  	s11 =	simm.s32 $0x3C90;
	[tilespmem:s0+$0x1A600] =	vst v16  }
0x786: {  	v16 =	vld.idx.msk [tilespmem:v8+s11+$0x0], $0xffff;
	[tilespmem:s5+$0x1A600] =	vst v15  }
0x787: {  	s12 =	simm.s32 $0x3C90;
	v15 =	vld.idx.msk [tilespmem:v7+s11+$0x0], $0xffff;
	[tilespmem:s2+$0x1A600] =	vst v17  }
0x788: {  	v17 =	vld.idx.msk [tilespmem:v12+s12+$0x0], $0xffff;
	_ =	sdelay $0x2  }
0x789: {  	s13 =	simm.s32 $0x3DA0;
	[tilespmem:s0+$0x1A680] =	vst v16  }
0x78a: {  	v16 =	vld.idx.msk [tilespmem:v8+s13+$0x0], $0xffff;
	[tilespmem:s5+$0x1A680] =	vst v15  }
0x78b: {  	s14 =	simm.s32 $0x3DA0;
	v15 =	vld.idx.msk [tilespmem:v7+s13+$0x0], $0xffff;
	[tilespmem:s2+$0x1A680] =	vst v17  }
0x78c: {  	v17 =	vld.idx.msk [tilespmem:v12+s14+$0x0], $0xffff;
	_ =	sdelay $0x2  }
0x78d: {  	s15 =	simm.s32 $0x3EB0;
	[tilespmem:s0+$0x1A700] =	vst v16  }
0x78e: {  	v16 =	vld.idx.msk [tilespmem:v8+s15+$0x0], $0xffff;
	[tilespmem:s5+$0x1A700] =	vst v15  }
0x78f: {  	s16 =	simm.s32 $0x3EB0;
	v15 =	vld.idx.msk [tilespmem:v7+s15+$0x0], $0xffff;
	[tilespmem:s2+$0x1A700] =	vst v17  }
0x790: {  	v17 =	vld.idx.msk [tilespmem:v12+s16+$0x0], $0xffff;
	_ =	sdelay $0x2  }
0x791: {  	s17 =	simm.s32 $0x3FC0;
	[tilespmem:s0+$0x1A780] =	vst v16  }
0x792: {  	v16 =	vld.idx.msk [tilespmem:v8+s17+$0x0], $0xffff;
	[tilespmem:s5+$0x1A780] =	vst v15  }
0x793: {  	s18 =	simm.s32 $0x3FC0;
	v15 =	vld.idx.msk [tilespmem:v7+s17+$0x0], $0xffff;
	[tilespmem:s2+$0x1A780] =	vst v17  }
0x794: {  	v17 =	vld.idx.msk [tilespmem:v12+s18+$0x0], $0xffff;
	_ =	sdelay $0x2  }
0x795: {  	s19 =	simm.s32 $0x40D0;
	[tilespmem:s0+$0x1A800] =	vst v16  }
0x796: {  	v16 =	vld.idx.msk [tilespmem:v8+s19+$0x0], $0xffff;
	[tilespmem:s5+$0x1A800] =	vst v15  }
0x797: {  	s21 =	simm.s32 $0x40D0;
	v15 =	vld.idx.msk [tilespmem:v7+s19+$0x0], $0xffff;
	[tilespmem:s2+$0x1A800] =	vst v17  }
0x798: {  	v17 =	vld.idx.msk [tilespmem:v12+s21+$0x0], $0xffff;
	_ =	sdelay $0x1  }
0x799: {  	[tilespmem:s31+$0x1A880] =	vst v53;
	s22 =	simm.s32 $0x41E0  }
0x79a: {  	v14 =	vld.idx.msk [tilespmem:v9+s22+$0x0], $0xffff;
	[tilespmem:s0+$0x1A880] =	vst v16  }
0x79b: {  	v16 =	vld.idx.msk [tilespmem:v8+s22+$0x0], $0xffff;
	[tilespmem:s5+$0x1A880] =	vst v15  }
0x79c: {  	s23 =	simm.s32 $0x41E0;
	v15 =	vld.idx.msk [tilespmem:v7+s22+$0x0], $0xffff;
	[tilespmem:s2+$0x1A880] =	vst v17  }
0x79d: {  	v17 =	vld.idx.msk [tilespmem:v12+s23+$0x0], $0xffff;
	_ =	sdelay $0x1  }
0x79e: {  	[tilespmem:s31+$0x1A900] =	vst v14;
	s24 =	simm.s32 $0x42F0  }
0x79f: {  	v14 =	vld.idx.msk [tilespmem:v9+s24+$0x0], $0xffff;
	[tilespmem:s0+$0x1A900] =	vst v16  }
0x7a0: {  	v16 =	vld.idx.msk [tilespmem:v8+s24+$0x0], $0xffff;
	[tilespmem:s5+$0x1A900] =	vst v15  }
0x7a1: {  	s25 =	simm.s32 $0x42F0;
	v15 =	vld.idx.msk [tilespmem:v7+s24+$0x0], $0xffff;
	[tilespmem:s2+$0x1A900] =	vst v17  }
0x7a2: {  	v17 =	vld.idx.msk [tilespmem:v12+s25+$0x0], $0xffff;
	_ =	sdelay $0x1  }
0x7a3: {  	s26 =	simm.s32 $0x4400;
	[tilespmem:s31+$0x1A980] =	vst v14  }
0x7a4: {  	v14 =	vld.idx.msk [tilespmem:v9+s26+$0x0], $0xffff;
	[tilespmem:s0+$0x1A980] =	vst v16  }
0x7a5: {  	v16 =	vld.idx.msk [tilespmem:v8+s26+$0x0], $0xffff;
	[tilespmem:s5+$0x1A980] =	vst v15  }
0x7a6: {  	s3 =	simm.s32 $0x4400;
	v15 =	vld.idx.msk [tilespmem:v7+s26+$0x0], $0xffff;
	[tilespmem:s2+$0x1A980] =	vst v17  }
0x7a7: {  	v17 =	vld.idx.msk [tilespmem:v12+s3+$0x0], $0xffff;
	_ =	sdelay $0x1  }
0x7a8: {  	s4 =	simm.s32 $0x4510;
	[tilespmem:s31+$0x1B600] =	vst v14  }
0x7a9: {  	v14 =	vld.idx.msk [tilespmem:v9+s4+$0x0], $0xffff;
	[tilespmem:s0+$0x1B600] =	vst v16  }
0x7aa: {  	v16 =	vld.idx.msk [tilespmem:v8+s4+$0x0], $0xffff;
	[tilespmem:s5+$0x1B600] =	vst v15  }
0x7ab: {  	s6 =	simm.s32 $0x4510;
	v15 =	vld.idx.msk [tilespmem:v7+s4+$0x0], $0xffff;
	[tilespmem:s2+$0x1B600] =	vst v17  }
0x7ac: {  	v17 =	vld.idx.msk [tilespmem:v12+s6+$0x0], $0xffff;
	_ =	sdelay $0x1  }
0x7ad: {  	s7 =	simm.s32 $0x4620;
	[tilespmem:s31+$0x1B680] =	vst v14  }
0x7ae: {  	v14 =	vld.idx.msk [tilespmem:v9+s7+$0x0], $0xffff;
	[tilespmem:s0+$0x1B680] =	vst v16  }
0x7af: {  	v16 =	vld.idx.msk [tilespmem:v8+s7+$0x0], $0xffff;
	[tilespmem:s5+$0x1B680] =	vst v15  }
0x7b0: {  	s8 =	simm.s32 $0x4620;
	v15 =	vld.idx.msk [tilespmem:v7+s7+$0x0], $0xffff;
	[tilespmem:s2+$0x1B680] =	vst v17  }
0x7b1: {  	v17 =	vld.idx.msk [tilespmem:v12+s8+$0x0], $0xffff;
	_ =	sdelay $0x1  }
0x7b2: {  	s9 =	simm.s32 $0x4730;
	[tilespmem:s31+$0x1B700] =	vst v14  }
0x7b3: {  	v14 =	vld.idx.msk [tilespmem:v4+s9+$0x0], $0xffff;
	[tilespmem:s0+$0x1B700] =	vst v16  }
0x7b4: {  	v16 =	vld.idx.msk [tilespmem:v5+s9+$0x0], $0xffff;
	[tilespmem:s5+$0x1B700] =	vst v15  }
0x7b5: {  	s10 =	simm.s32 $0x4730;
	v15 =	vld.idx.msk [tilespmem:v11+s9+$0x0], $0xffff;
	[tilespmem:s2+$0x1B700] =	vst v17  }
0x7b6: {  	v17 =	vld.idx.msk [tilespmem:v12+s10+$0x0], $0xffff;
	_ =	sdelay $0x1  }
0x7b7: {  	s11 =	simm.s32 $0x4840;
	[tilespmem:s31+$0x1B780] =	vst v14  }
0x7b8: {  	v14 =	vld.idx.msk [tilespmem:v9+s11+$0x0], $0xffff;
	[tilespmem:s0+$0x1B780] =	vst v16  }
0x7b9: {  	v16 =	vld.idx.msk [tilespmem:v8+s11+$0x0], $0xffff;
	[tilespmem:s5+$0x1B780] =	vst v15  }
0x7ba: {  	s12 =	simm.s32 $0x4840;
	v15 =	vld.idx.msk [tilespmem:v7+s11+$0x0], $0xffff;
	[tilespmem:s2+$0x1B780] =	vst v17  }
0x7bb: {  	v17 =	vld.idx.msk [tilespmem:v12+s12+$0x0], $0xffff;
	_ =	sdelay $0x1  }
0x7bc: {  	s13 =	simm.s32 $0x4950;
	[tilespmem:s31+$0x1B800] =	vst v14  }
0x7bd: {  	v14 =	vld.idx.msk [tilespmem:v9+s13+$0x0], $0xffff;
	[tilespmem:s0+$0x1B800] =	vst v16  }
0x7be: {  	v16 =	vld.idx.msk [tilespmem:v8+s13+$0x0], $0xffff;
	[tilespmem:s5+$0x1B800] =	vst v15  }
0x7bf: {  	s14 =	simm.s32 $0x4950;
	v15 =	vld.idx.msk [tilespmem:v7+s13+$0x0], $0xffff;
	[tilespmem:s2+$0x1B800] =	vst v17  }
0x7c0: {  	v17 =	vld.idx.msk [tilespmem:v12+s14+$0x0], $0xffff;
	_ =	sdelay $0x1  }
0x7c1: {  	s15 =	simm.s32 $0x4A60;
	[tilespmem:s31+$0x1B880] =	vst v14  }
0x7c2: {  	v14 =	vld.idx.msk [tilespmem:v9+s15+$0x0], $0xffff;
	[tilespmem:s0+$0x1B880] =	vst v16  }
0x7c3: {  	v16 =	vld.idx.msk [tilespmem:v8+s15+$0x0], $0xffff;
	[tilespmem:s5+$0x1B880] =	vst v15  }
0x7c4: {  	s16 =	simm.s32 $0x4A60;
	v15 =	vld.idx.msk [tilespmem:v7+s15+$0x0], $0xffff;
	[tilespmem:s2+$0x1B880] =	vst v17  }
0x7c5: {  	v17 =	vld.idx.msk [tilespmem:v12+s16+$0x0], $0xffff;
	_ =	sdelay $0x1  }
0x7c6: {  	s17 =	simm.s32 $0x4B70;
	[tilespmem:s31+$0x1B900] =	vst v14  }
0x7c7: {  	v14 =	vld.idx.msk [tilespmem:v9+s17+$0x0], $0xffff;
	[tilespmem:s0+$0x1B900] =	vst v16  }
0x7c8: {  	v16 =	vld.idx.msk [tilespmem:v8+s17+$0x0], $0xffff;
	[tilespmem:s5+$0x1B900] =	vst v15  }
0x7c9: {  	s18 =	simm.s32 $0x4B70;
	v15 =	vld.idx.msk [tilespmem:v7+s17+$0x0], $0xffff;
	[tilespmem:s2+$0x1B900] =	vst v17  }
0x7ca: {  	v17 =	vld.idx.msk [tilespmem:v12+s18+$0x0], $0xffff;
	_ =	sdelay $0x1  }
0x7cb: {  	s19 =	simm.s32 $0x4C80;
	[tilespmem:s31+$0x1B980] =	vst v14  }
0x7cc: {  	v14 =	vld.idx.msk [tilespmem:v9+s19+$0x0], $0xffff;
	[tilespmem:s0+$0x1B980] =	vst v16  }
0x7cd: {  	v16 =	vld.idx.msk [tilespmem:v8+s19+$0x0], $0xffff;
	[tilespmem:s5+$0x1B980] =	vst v15  }
0x7ce: {  	s21 =	simm.s32 $0x4C80;
	v15 =	vld.idx.msk [tilespmem:v7+s19+$0x0], $0xffff;
	[tilespmem:s2+$0x1B980] =	vst v17  }
0x7cf: {  	v17 =	vld.idx.msk [tilespmem:v12+s21+$0x0], $0xffff;
	_ =	sdelay $0x1  }
0x7d0: {  	s22 =	simm.s32 $0x4D90;
	[tilespmem:s31+$0x1C600] =	vst v14  }
0x7d1: {  	v14 =	vld.idx.msk [tilespmem:v9+s22+$0x0], $0xffff;
	[tilespmem:s0+$0x1C600] =	vst v16  }
0x7d2: {  	v16 =	vld.idx.msk [tilespmem:v8+s22+$0x0], $0xffff;
	[tilespmem:s5+$0x1C600] =	vst v15  }
0x7d3: {  	s23 =	simm.s32 $0x4D90;
	v15 =	vld.idx.msk [tilespmem:v7+s22+$0x0], $0xffff;
	[tilespmem:s2+$0x1C600] =	vst v17  }
0x7d4: {  	v17 =	vld.idx.msk [tilespmem:v12+s23+$0x0], $0xffff;
	_ =	sdelay $0x1  }
0x7d5: {  	s24 =	simm.s32 $0x4EA0;
	[tilespmem:s31+$0x1C680] =	vst v14  }
0x7d6: {  	v14 =	vld.idx.msk [tilespmem:v9+s24+$0x0], $0xffff;
	[tilespmem:s0+$0x1C680] =	vst v16  }
0x7d7: {  	v16 =	vld.idx.msk [tilespmem:v8+s24+$0x0], $0xffff;
	[tilespmem:s5+$0x1C680] =	vst v15  }
0x7d8: {  	s25 =	simm.s32 $0x4EA0;
	v15 =	vld.idx.msk [tilespmem:v7+s24+$0x0], $0xffff;
	[tilespmem:s2+$0x1C680] =	vst v17  }
0x7d9: {  	v17 =	vld.idx.msk [tilespmem:v12+s25+$0x0], $0xffff;
	_ =	sdelay $0x1  }
0x7da: {  	s26 =	simm.s32 $0x4FB0;
	[tilespmem:s31+$0x1C700] =	vst v14  }
0x7db: {  	v14 =	vld.idx.msk [tilespmem:v9+s26+$0x0], $0xffff;
	[tilespmem:s0+$0x1C700] =	vst v16  }
0x7dc: {  	v16 =	vld.idx.msk [tilespmem:v8+s26+$0x0], $0xffff;
	[tilespmem:s5+$0x1C700] =	vst v15  }
0x7dd: {  	s3 =	simm.s32 $0x4FB0;
	v15 =	vld.idx.msk [tilespmem:v7+s26+$0x0], $0xffff;
	[tilespmem:s2+$0x1C700] =	vst v17  }
0x7de: {  	v17 =	vld.idx.msk [tilespmem:v12+s3+$0x0], $0xffff  }
0x7df: {  	[tilespmem:s30+$0x1C780] =	vst v52;
	s4 =	simm.s32 $0x50C0  }
0x7e0: {  	v13 =	vld.idx.msk [tilespmem:v10+s4+$0x0], $0xffff;
	[tilespmem:s31+$0x1C780] =	vst v14  }
0x7e1: {  	v14 =	vld.idx.msk [tilespmem:v9+s4+$0x0], $0xffff;
	[tilespmem:s0+$0x1C780] =	vst v16  }
0x7e2: {  	v16 =	vld.idx.msk [tilespmem:v8+s4+$0x0], $0xffff;
	[tilespmem:s5+$0x1C780] =	vst v15  }
0x7e3: {  	s6 =	simm.s32 $0x50C0;
	v15 =	vld.idx.msk [tilespmem:v7+s4+$0x0], $0xffff;
	[tilespmem:s2+$0x1C780] =	vst v17  }
0x7e4: {  	v17 =	vld.idx.msk [tilespmem:v12+s6+$0x0], $0xffff  }
0x7e5: {  	[tilespmem:s30+$0x1C800] =	vst v13;
	s7 =	simm.s32 $0x51D0  }
0x7e6: {  	v13 =	vld.idx.msk [tilespmem:v10+s7+$0x0], $0xffff;
	[tilespmem:s31+$0x1C800] =	vst v14  }
0x7e7: {  	v14 =	vld.idx.msk [tilespmem:v9+s7+$0x0], $0xffff;
	[tilespmem:s0+$0x1C800] =	vst v16  }
0x7e8: {  	v16 =	vld.idx.msk [tilespmem:v8+s7+$0x0], $0xffff;
	[tilespmem:s5+$0x1C800] =	vst v15  }
0x7e9: {  	s8 =	simm.s32 $0x51D0;
	v15 =	vld.idx.msk [tilespmem:v7+s7+$0x0], $0xffff;
	[tilespmem:s2+$0x1C800] =	vst v17  }
0x7ea: {  	v17 =	vld.idx.msk [tilespmem:v12+s8+$0x0], $0xffff  }
0x7eb: {  	[tilespmem:s30+$0x1C880] =	vst v13;
	s9 =	simm.s32 $0x52E0  }
0x7ec: {  	v13 =	vld.idx.msk [tilespmem:v10+s9+$0x0], $0xffff;
	[tilespmem:s31+$0x1C880] =	vst v14  }
0x7ed: {  	v14 =	vld.idx.msk [tilespmem:v9+s9+$0x0], $0xffff;
	[tilespmem:s0+$0x1C880] =	vst v16  }
0x7ee: {  	v16 =	vld.idx.msk [tilespmem:v8+s9+$0x0], $0xffff;
	[tilespmem:s5+$0x1C880] =	vst v15  }
0x7ef: {  	s10 =	simm.s32 $0x52E0;
	v15 =	vld.idx.msk [tilespmem:v7+s9+$0x0], $0xffff;
	[tilespmem:s2+$0x1C880] =	vst v17  }
0x7f0: {  	v17 =	vld.idx.msk [tilespmem:v12+s10+$0x0], $0xffff  }
0x7f1: {  	[tilespmem:s30+$0x1C900] =	vst v13;
	s11 =	simm.s32 $0x53F0  }
0x7f2: {  	v13 =	vld.idx.msk [tilespmem:v10+s11+$0x0], $0xffff;
	[tilespmem:s31+$0x1C900] =	vst v14  }
0x7f3: {  	v14 =	vld.idx.msk [tilespmem:v9+s11+$0x0], $0xffff;
	[tilespmem:s0+$0x1C900] =	vst v16  }
0x7f4: {  	v16 =	vld.idx.msk [tilespmem:v8+s11+$0x0], $0xffff;
	[tilespmem:s5+$0x1C900] =	vst v15  }
0x7f5: {  	s12 =	simm.s32 $0x53F0;
	v15 =	vld.idx.msk [tilespmem:v7+s11+$0x0], $0xffff;
	[tilespmem:s2+$0x1C900] =	vst v17  }
0x7f6: {  	v17 =	vld.idx.msk [tilespmem:v12+s12+$0x0], $0xffff  }
0x7f7: {  	[tilespmem:s30+$0x1C980] =	vst v13;
	s13 =	simm.s32 $0x5500  }
0x7f8: {  	v13 =	vld.idx.msk [tilespmem:v10+s13+$0x0], $0xffff;
	[tilespmem:s31+$0x1C980] =	vst v14  }
0x7f9: {  	v14 =	vld.idx.msk [tilespmem:v9+s13+$0x0], $0xffff;
	[tilespmem:s0+$0x1C980] =	vst v16  }
0x7fa: {  	v16 =	vld.idx.msk [tilespmem:v8+s13+$0x0], $0xffff;
	[tilespmem:s5+$0x1C980] =	vst v15  }
0x7fb: {  	s14 =	simm.s32 $0x5500;
	v15 =	vld.idx.msk [tilespmem:v7+s13+$0x0], $0xffff;
	[tilespmem:s2+$0x1C980] =	vst v17  }
0x7fc: {  	v17 =	vld.idx.msk [tilespmem:v12+s14+$0x0], $0xffff  }
0x7fd: {  	[tilespmem:s30+$0x1D600] =	vst v13;
	s15 =	simm.s32 $0x5610  }
0x7fe: {  	v3 =	vld.idx.msk [tilespmem:v3+s15+$0x0], $0xffff;
	[tilespmem:s31+$0x1D600] =	vst v14  }
0x7ff: {  	v57 =	vld.idx.msk [tilespmem:v4+s15+$0x0], $0xffff;
	[tilespmem:s0+$0x1D600] =	vst v16  }
0x800: {  	v58 =	vld.idx.msk [tilespmem:v5+s15+$0x0], $0xffff;
	[tilespmem:s5+$0x1D600] =	vst v15  }
0x801: {  	s16 =	simm.s32 $0x5610;
	v59 =	vld.idx.msk [tilespmem:v11+s15+$0x0], $0xffff;
	[tilespmem:s2+$0x1D600] =	vst v17  }
0x802: {  	v60 =	vld.idx.msk [tilespmem:v12+s16+$0x0], $0xffff  }
0x803: {  	[tilespmem:s30+$0x1D680] =	vst v3;
	s17 =	simm.s32 $0x5720  }
0x804: {  	v3 =	vld.idx.msk [tilespmem:v10+s17+$0x0], $0xffff;
	[tilespmem:s31+$0x1D680] =	vst v57  }
0x805: {  	v4 =	vld.idx.msk [tilespmem:v9+s17+$0x0], $0xffff;
	[tilespmem:s0+$0x1D680] =	vst v58  }
0x806: {  	v5 =	vld.idx.msk [tilespmem:v8+s17+$0x0], $0xffff;
	[tilespmem:s5+$0x1D680] =	vst v59  }
0x807: {  	s18 =	simm.s32 $0x5720;
	v11 =	vld.idx.msk [tilespmem:v7+s17+$0x0], $0xffff;
	[tilespmem:s2+$0x1D680] =	vst v60  }
0x808: {  	v13 =	vld.idx.msk [tilespmem:v12+s18+$0x0], $0xffff  }
0x809: {  	[tilespmem:s30+$0x1D700] =	vst v3;
	s19 =	simm.s32 $0x5830  }
0x80a: {  	v3 =	vld.idx.msk [tilespmem:v10+s19+$0x0], $0xffff;
	[tilespmem:s31+$0x1D700] =	vst v4  }
0x80b: {  	v4 =	vld.idx.msk [tilespmem:v9+s19+$0x0], $0xffff;
	[tilespmem:s0+$0x1D700] =	vst v5  }
0x80c: {  	v5 =	vld.idx.msk [tilespmem:v8+s19+$0x0], $0xffff;
	[tilespmem:s5+$0x1D700] =	vst v11  }
0x80d: {  	s21 =	simm.s32 $0x5830;
	v11 =	vld.idx.msk [tilespmem:v7+s19+$0x0], $0xffff;
	[tilespmem:s2+$0x1D700] =	vst v13  }
0x80e: {  	v13 =	vld.idx.msk [tilespmem:v12+s21+$0x0], $0xffff  }
0x80f: {  	[tilespmem:s30+$0x1D780] =	vst v3;
	s22 =	simm.s32 $0x5940  }
0x810: {  	v3 =	vld.idx.msk [tilespmem:v10+s22+$0x0], $0xffff;
	[tilespmem:s31+$0x1D780] =	vst v4  }
0x811: {  	v4 =	vld.idx.msk [tilespmem:v9+s22+$0x0], $0xffff;
	[tilespmem:s0+$0x1D780] =	vst v5  }
0x812: {  	v5 =	vld.idx.msk [tilespmem:v8+s22+$0x0], $0xffff;
	[tilespmem:s5+$0x1D780] =	vst v11  }
0x813: {  	s23 =	simm.s32 $0x5940;
	v11 =	vld.idx.msk [tilespmem:v7+s22+$0x0], $0xffff;
	[tilespmem:s2+$0x1D780] =	vst v13  }
0x814: {  	v13 =	vld.idx.msk [tilespmem:v12+s23+$0x0], $0xffff  }
0x815: {  	[tilespmem:s30+$0x1D800] =	vst v3;
	s24 =	simm.s32 $0x5A50  }
0x816: {  	v3 =	vld.idx.msk [tilespmem:v10+s24+$0x0], $0xffff;
	[tilespmem:s31+$0x1D800] =	vst v4  }
0x817: {  	v4 =	vld.idx.msk [tilespmem:v9+s24+$0x0], $0xffff;
	[tilespmem:s0+$0x1D800] =	vst v5  }
0x818: {  	v5 =	vld.idx.msk [tilespmem:v8+s24+$0x0], $0xffff;
	[tilespmem:s5+$0x1D800] =	vst v11  }
0x819: {  	s25 =	simm.s32 $0x5A50;
	v11 =	vld.idx.msk [tilespmem:v7+s24+$0x0], $0xffff;
	[tilespmem:s2+$0x1D800] =	vst v13  }
0x81a: {  	v13 =	vld.idx.msk [tilespmem:v12+s25+$0x0], $0xffff  }
0x81b: {  	[tilespmem:s30+$0x1D880] =	vst v3;
	s26 =	simm.s32 $0x5B60  }
0x81c: {  	v3 =	vld.idx.msk [tilespmem:v10+s26+$0x0], $0xffff;
	[tilespmem:s31+$0x1D880] =	vst v4  }
0x81d: {  	v4 =	vld.idx.msk [tilespmem:v9+s26+$0x0], $0xffff;
	[tilespmem:s0+$0x1D880] =	vst v5  }
0x81e: {  	v5 =	vld.idx.msk [tilespmem:v8+s26+$0x0], $0xffff;
	[tilespmem:s5+$0x1D880] =	vst v11  }
0x81f: {  	s3 =	simm.s32 $0x5B60;
	v11 =	vld.idx.msk [tilespmem:v7+s26+$0x0], $0xffff;
	[tilespmem:s2+$0x1D880] =	vst v13  }
0x820: {  	v13 =	vld.idx.msk [tilespmem:v12+s3+$0x0], $0xffff  }
0x821: {  	[tilespmem:s30+$0x1D900] =	vst v3;
	s4 =	simm.s32 $0x5C70  }
0x822: {  	v3 =	vld.idx.msk [tilespmem:v10+s4+$0x0], $0xffff;
	[tilespmem:s31+$0x1D900] =	vst v4  }
0x823: {  	v4 =	vld.idx.msk [tilespmem:v9+s4+$0x0], $0xffff;
	[tilespmem:s0+$0x1D900] =	vst v5  }
0x824: {  	v5 =	vld.idx.msk [tilespmem:v8+s4+$0x0], $0xffff;
	[tilespmem:s5+$0x1D900] =	vst v11  }
0x825: {  	s6 =	simm.s32 $0x5C70;
	v11 =	vld.idx.msk [tilespmem:v7+s4+$0x0], $0xffff;
	[tilespmem:s2+$0x1D900] =	vst v13  }
0x826: {  	v13 =	vld.idx.msk [tilespmem:v12+s6+$0x0], $0xffff  }
0x827: {  	[tilespmem:s30+$0x1D980] =	vst v3;
	s7 =	simm.s32 $0x5D80  }
0x828: {  	v3 =	vld.idx.msk [tilespmem:v10+s7+$0x0], $0xffff;
	[tilespmem:s31+$0x1D980] =	vst v4  }
0x829: {  	v4 =	vld.idx.msk [tilespmem:v9+s7+$0x0], $0xffff;
	[tilespmem:s0+$0x1D980] =	vst v5  }
0x82a: {  	v5 =	vld.idx.msk [tilespmem:v8+s7+$0x0], $0xffff;
	[tilespmem:s5+$0x1D980] =	vst v11  }
0x82b: {  	s8 =	simm.s32 $0x5D80;
	v11 =	vld.idx.msk [tilespmem:v7+s7+$0x0], $0xffff;
	[tilespmem:s2+$0x1D980] =	vst v13  }
0x82c: {  	v13 =	vld.idx.msk [tilespmem:v12+s8+$0x0], $0xffff  }
0x82d: {  	[tilespmem:s30+$0x1E600] =	vst v3;
	s9 =	simm.s32 $0x5E90  }
0x82e: {  	v3 =	vld.idx.msk [tilespmem:v10+s9+$0x0], $0xffff;
	[tilespmem:s31+$0x1E600] =	vst v4  }
0x82f: {  	v4 =	vld.idx.msk [tilespmem:v9+s9+$0x0], $0xffff;
	[tilespmem:s0+$0x1E600] =	vst v5  }
0x830: {  	v5 =	vld.idx.msk [tilespmem:v8+s9+$0x0], $0xffff;
	[tilespmem:s5+$0x1E600] =	vst v11  }
0x831: {  	s10 =	simm.s32 $0x5E90;
	v11 =	vld.idx.msk [tilespmem:v7+s9+$0x0], $0xffff;
	[tilespmem:s2+$0x1E600] =	vst v13  }
0x832: {  	v13 =	vld.idx.msk [tilespmem:v12+s10+$0x0], $0xffff  }
0x833: {  	[tilespmem:s30+$0x1E680] =	vst v3;
	s11 =	simm.s32 $0x5FA0  }
0x834: {  	v3 =	vld.idx.msk [tilespmem:v10+s11+$0x0], $0xffff;
	[tilespmem:s31+$0x1E680] =	vst v4  }
0x835: {  	v4 =	vld.idx.msk [tilespmem:v9+s11+$0x0], $0xffff;
	[tilespmem:s0+$0x1E680] =	vst v5  }
0x836: {  	v5 =	vld.idx.msk [tilespmem:v8+s11+$0x0], $0xffff;
	[tilespmem:s5+$0x1E680] =	vst v11  }
0x837: {  	s12 =	simm.s32 $0x5FA0;
	v11 =	vld.idx.msk [tilespmem:v7+s11+$0x0], $0xffff;
	[tilespmem:s2+$0x1E680] =	vst v13  }
0x838: {  	[tilespmem:s29+$0x1E700] =	vst v54;
	s13 =	simm.s32 $0x60B0;
	v61 =	vld.idx.msk [tilespmem:v12+s12+$0x0], $0xffff  }
0x839: {  	[tilespmem:s30+$0x1E700] =	vst v3;
	v62 =	vld.idx.msk [tilespmem:v2+s13+$0x0], $0xffff  }
0x83a: {  	v3 =	vld.idx.msk [tilespmem:v10+s13+$0x0], $0xffff;
	[tilespmem:s31+$0x1E700] =	vst v4  }
0x83b: {  	v4 =	vld.idx.msk [tilespmem:v9+s13+$0x0], $0xffff;
	[tilespmem:s0+$0x1E700] =	vst v5  }
0x83c: {  	v5 =	vld.idx.msk [tilespmem:v8+s13+$0x0], $0xffff;
	[tilespmem:s5+$0x1E700] =	vst v11  }
0x83d: {  	s14 =	simm.s32 $0x60B0;
	v11 =	vld.idx.msk [tilespmem:v7+s13+$0x0], $0xffff;
	[tilespmem:s2+$0x1E700] =	vst v61  }
0x83e: {  	[tilespmem:s29+$0x1E780] =	vst v62;
	s15 =	simm.s32 $0x61C0;
	v6 =	vld.idx.msk [tilespmem:v12+s14+$0x0], $0xffff  }
0x83f: {  	[tilespmem:s30+$0x1E780] =	vst v3;
	v13 =	vld.idx.msk [tilespmem:v2+s15+$0x0], $0xffff  }
0x840: {  	v3 =	vld.idx.msk [tilespmem:v10+s15+$0x0], $0xffff;
	[tilespmem:s31+$0x1E780] =	vst v4  }
0x841: {  	v4 =	vld.idx.msk [tilespmem:v9+s15+$0x0], $0xffff;
	[tilespmem:s0+$0x1E780] =	vst v5  }
0x842: {  	v5 =	vld.idx.msk [tilespmem:v8+s15+$0x0], $0xffff;
	[tilespmem:s5+$0x1E780] =	vst v11  }
0x843: {  	s16 =	simm.s32 $0x61C0;
	v11 =	vld.idx.msk [tilespmem:v7+s15+$0x0], $0xffff;
	[tilespmem:s2+$0x1E780] =	vst v6  }
0x844: {  	s17 =	simm.s32 $0x62D0;
	[tilespmem:s29+$0x1E800] =	vst v13;
	v6 =	vld.idx.msk [tilespmem:v12+s16+$0x0], $0xffff  }
0x845: {  	[tilespmem:s30+$0x1E800] =	vst v3;
	v13 =	vld.idx.msk [tilespmem:v2+s17+$0x0], $0xffff  }
0x846: {  	v3 =	vld.idx.msk [tilespmem:v10+s17+$0x0], $0xffff;
	[tilespmem:s31+$0x1E800] =	vst v4  }
0x847: {  	v4 =	vld.idx.msk [tilespmem:v9+s17+$0x0], $0xffff;
	[tilespmem:s0+$0x1E800] =	vst v5  }
0x848: {  	v5 =	vld.idx.msk [tilespmem:v8+s17+$0x0], $0xffff;
	[tilespmem:s5+$0x1E800] =	vst v11  }
0x849: {  	s18 =	simm.s32 $0x62D0;
	v11 =	vld.idx.msk [tilespmem:v7+s17+$0x0], $0xffff;
	[tilespmem:s2+$0x1E800] =	vst v6  }
0x84a: {  	s19 =	simm.s32 $0x63E0;
	[tilespmem:s29+$0x1E880] =	vst v13;
	v6 =	vld.idx.msk [tilespmem:v12+s18+$0x0], $0xffff  }
0x84b: {  	[tilespmem:s30+$0x1E880] =	vst v3;
	v13 =	vld.idx.msk [tilespmem:v2+s19+$0x0], $0xffff  }
0x84c: {  	v3 =	vld.idx.msk [tilespmem:v10+s19+$0x0], $0xffff;
	[tilespmem:s31+$0x1E880] =	vst v4  }
0x84d: {  	v4 =	vld.idx.msk [tilespmem:v9+s19+$0x0], $0xffff;
	[tilespmem:s0+$0x1E880] =	vst v5  }
0x84e: {  	v5 =	vld.idx.msk [tilespmem:v8+s19+$0x0], $0xffff;
	[tilespmem:s5+$0x1E880] =	vst v11  }
0x84f: {  	s21 =	simm.s32 $0x63E0;
	v11 =	vld.idx.msk [tilespmem:v7+s19+$0x0], $0xffff;
	[tilespmem:s2+$0x1E880] =	vst v6  }
0x850: {  	s22 =	simm.s32 $0x64F0;
	[tilespmem:s29+$0x1E900] =	vst v13;
	v6 =	vld.idx.msk [tilespmem:v12+s21+$0x0], $0xffff  }
0x851: {  	[tilespmem:s30+$0x1E900] =	vst v3;
	v2 =	vld.idx.msk [tilespmem:v2+s22+$0x0], $0xffff  }
0x852: {  	v3 =	vld.idx.msk [tilespmem:v10+s22+$0x0], $0xffff;
	[tilespmem:s31+$0x1E900] =	vst v4  }
0x853: {  	v4 =	vld.idx.msk [tilespmem:v9+s22+$0x0], $0xffff;
	[tilespmem:s0+$0x1E900] =	vst v5  }
0x854: {  	v5 =	vld.idx.msk [tilespmem:v8+s22+$0x0], $0xffff;
	[tilespmem:s5+$0x1E900] =	vst v11  }
0x855: {  	s23 =	simm.s32 $0x64F0;
	v63 =	vld.idx.msk [tilespmem:v7+s22+$0x0], $0xffff;
	[tilespmem:s2+$0x1E900] =	vst v6  }
0x856: {  	[tilespmem:s29+$0x1E980] =	vst v2;
	v2 =	vld.idx.msk [tilespmem:v12+s23+$0x0], $0xffff  }
0x857: {  	[tilespmem:s30+$0x1E980] =	vst v3  }
0x858: {  	[tilespmem:s31+$0x1E980] =	vst v4  }
0x859: {  	[tilespmem:s0+$0x1E980] =	vst v5  }
0x85a: {  	s28 =	simm.s32 $0x880;
	s1 =	simm.s32 $0x990;
	s24 =	rddreg [dreg:$0x5];
	[tilespmem:s5+$0x1E980] =	vst v63  }
0x85b: {  	s30 =	simm.s32 $0x13600;
	s26 =	simm.s32 $0x1000;
	s4 =	simm.s32 $0xCC0;
	[tilespmem:s2+$0x1E980] =	vst v2  }
0x85c: {  	s7 =	simm.s32 $0xDD0;
	s9 =	simm.s32 $0x660;
	s31 =	rddreg [dreg:$0xf]  }
0x85d: {  	s11 =	simm.s32 $0x550;
	s3 =	simm.s32 $0xBB0;
	s10 =	sadd.s32 $0x1, s31  }
0x85e: {  	s13 =	simm.s32 $0x1100;
	s8 =	simm.s32 $0x770;
	p0 =	sne.s32 s10, $0x19  }
.Ltmp2:
0x85f: {  	s15 =	simm.s32 $0xEE0;
	s12 =	simm.s32 $0xFF0;
	(pc) =	sbr.rel @p0 .LBB2_2-.Ltmp2, $4  }
0x860: {  	s14 =	simm.s32 $0x1CB0;
	s16 =	simm.s32 $0x440;
	s22 =	simm.s32 $0x220  }
0x861: {  	s29 =	simm.s32 $0x61A800;
	s21 =	simm.s32 $0x110;
	s25 =	rddreg [dreg:$0x10]  }
0x862: {  	s23 =	simm.s32 $0x330;
	s2 =	simm.s32 $0xAA0;
	s0 =	sadd.s32 s24, s25  }
0x863: {  	[hbm4b:s0+s26] =	stream.strided.scatter [tilespmem:s30], [sflag:$0x4], $0xC000, s29, s26, $0x38;
	[tilespmem:$0x1F600] =	vst v63  }
0x864: {  	s0 =	simm.s32 $0x3  }
0x865: {  	_ =	swait.ge [sflag:s0], $0xC000  }
0x866: {  	[sflag:s0] =	ssyncset.done $0x0  }
0x867: {  	s30 =	simm.s32 $0x4;
	[sflag:s0] =	ssyncadd.s32 $0xFFFF4000  }
0x868: {  	_ =	swait.ge [sflag:s30], $0xC000  }
0x869: {  	[sflag:s30] =	ssyncset.done $0x0  }
0x86a: {  	s5 =	simm.s32 $0x1;
	[sflag:s30] =	ssyncadd.s32 $0xFFFF4000  }
0x86b: {  	_ =	swait.ge [sflag:s5], $0x200  }
0x86c: {  	[sflag:s5] =	ssyncset.done $0x0  }
0x86d: {  	[sflag:s5] =	ssyncadd.s32 $0xFFFFFE00  }
0x86e: {  	_ =	swait.ge [sflag:s5], $0x200  }
0x86f: {  	[sflag:s5] =	ssyncset.done $0x0  }
0x870: {  	[sflag:s5] =	ssyncadd.s32 $0xFFFFFE00  }
0x871: {  	_ =	swait.ge [sflag:s5], $0x200  }
0x872: {  	[sflag:s5] =	ssyncset.done $0x0  }
0x873: {  	[sflag:s5] =	ssyncadd.s32 $0xFFFFFE00  }
0x874: {  	_ =	swait.ge [sflag:s5], $0x200  }
0x875: {  	s6 =	rddreg [dreg:$0xe]  }
0x876: {  	s31 =	rddreg [dreg:$0xd];
	s6 =	sadd.s32 $0x1, s6  }
0x877: {  	p0 =	sne.s32 s6, s31  }
.Ltmp3:
0x878: {  	_ = 	snop;
	(pc) =	sbr.rel @p0 .LBB2_1-.Ltmp3, $3  }
0x879: {  	_ =	sdelay $0x1  }
0x87a: {  	[sflag:s5] =	ssyncset.done $0x0  }
0x87b: {  	[sflag:s5] =	ssyncadd.s32 $0xFFFFFE00  }
0x87c: {  	_ =	sfence.sel $0x180000  }
0x87d: {  	[bflag:$0x0] =	sbarrier.arrive $0xFFFF  }
0x87e: {  	_ =	strace $0x90000047  }
0x87f: {  	s0 =	stileid.u32;
	[bflag:$0x2] =	sbarrier.arrive $0xFFFF  }
0x880: {  	p0 =	sne.s32 s0, $0x0;
	s0 =	rddreg [dreg:$0x6]  }
0x881: {  	s0 =	sadd.s32 @!p0 $0x100000, s0  }
0x882: {  	[sflag:s0] =	ssyncadd.tile.s32 @!p0 $0x1;
	_ =	shalt  }
.Lfunc_end2:
_tile_overlayer_lowered:
.L_overlay_start_2:
0x883: {  	(tag) =	ssettag $0x2  }
0x884: {  	s0 =	rddreg [dreg:$0x0];
	s2 =	stileid.u32  }
0x885: {  	s1 =	rddreg [dreg:$0x1];
	p0 =	sne.s32 s2, $0x0  }
0x886: {  	s3 =	rddreg [dreg:$0x2];
	[bflag:$0x3] =	sbarrier.arrive $0xFFFF;
	s2 =	simm.s32 @!p0 $0x1C06  }
0x887: {  	[timem:s3], [sflag:s2] =	dma.local @!p0 [hbm:s0], s1  }
0x888: {  	s0 =	simm.s32 @!p0 $0x6  }
0x889: {  	_ =	swait.ge @!p0 [sflag:s0], s1  }
0x88a: {  	s1 =	ssub.s32 @!p0 $0x0, s1;
	[sflag:s0] =	ssyncset.done @!p0 $0x0  }
0x88b: {  	[sflag:s0] =	ssyncadd.s32 @!p0 s1  }
0x88c: {  	[bflag:$0x3] =	sbarrier.arrive $0xFFFF  }
0x88d: {  	_ =	shalt  }

</sc_bundles>
